<compile_context>
chip_gen: v7x
topology: tpu7x:2x2x1
jax: 0.10.2.dev20260603
libtpu: 0.0.44.dev20260713+nightly
codegen_flags: <defaults>
</compile_context>

<pallas_src>
import functools
import jax
import jax.numpy as jnp
from jax import lax
from jax.experimental import pallas as pl
from jax.experimental.pallas import tpu as pltpu

_ALPHA = 1000.0
_BETA = 100.0
_EMBED = 72
_K = 64
_STAGES = 2
_INTERPRET = False


def _pose_initial_body(x_ref, rgbx_ref, o_ref):
    B, C, N = o_ref.shape
    cidx = lax.broadcasted_iota(jnp.int32, (B, C, N), 1)
    q = cidx % 24
    p = (q // 2).astype(jnp.float32)
    is_sin = (q % 2) == 0
    j = cidx // 24
    coef = _BETA * jnp.exp(-(p / 12.0) * jnp.log(jnp.float32(_ALPHA)))

    def emb(t):
        t0 = t[:, 0, :][:, None, :]
        t1 = t[:, 1, :][:, None, :]
        t2 = t[:, 2, :][:, None, :]
        tf = jnp.where(j == 0, t0, jnp.where(j == 1, t1, t2))
        m = coef * tf
        return jnp.where(is_sin, jnp.sin(m), jnp.cos(m))

    o_ref[...] = 0.8 * emb(x_ref[...]) + 0.2 * emb(rgbx_ref[...])


def _pose_initial(x, rgbx):
    B, _, N = x.shape
    return pl.pallas_call(
        _pose_initial_body,
        out_shape=jax.ShapeDtypeStruct((B, _EMBED, N), jnp.float32),
        interpret=_INTERPRET,
    )(x, rgbx)


def _index_points(points, idx):
    B = points.shape[0]
    bidx = jnp.arange(B).reshape((B,) + (1,) * (idx.ndim - 1))
    return points[bidx, idx]


def _fps_body(npoint, xyzt_ref, idx_ref, dist_ref):
    B, _, N = xyzt_ref.shape
    dist_ref[...] = jnp.full((B, N), 1e10, dtype=jnp.float32)
    lane = lax.broadcasted_iota(jnp.int32, (B, N), 1)
    col = lax.broadcasted_iota(jnp.int32, (B, npoint), 1)

    idx_ref[...] = jnp.zeros((B, npoint), jnp.int32)

    def step(i, far):
        idx_ref[...] = jnp.where(col == i, far, idx_ref[...])
        oh = (lane == far).astype(jnp.float32)
        d = jnp.zeros((B, N), jnp.float32)
        for j in range(3):
            row = xyzt_ref[:, j, :]
            cj = jnp.sum(row * oh, axis=1, keepdims=True)
            d = d + (row - cj) ** 2
        nd = jnp.minimum(dist_ref[...], d)
        dist_ref[...] = nd
        m = jnp.max(nd, axis=1, keepdims=True)
        return jnp.min(jnp.where(nd == m, lane, N), axis=1, keepdims=True)

    lax.fori_loop(0, npoint, step, jnp.zeros((B, 1), jnp.int32))


def _fps(xyz, npoint):
    B, N, _ = xyz.shape
    xyzt = jnp.transpose(xyz, (0, 2, 1))
    return pl.pallas_call(
        functools.partial(_fps_body, npoint),
        out_shape=jax.ShapeDtypeStruct((B, npoint), jnp.int32),
        scratch_shapes=[pltpu.VMEM((B, N), jnp.float32)],
        interpret=_INTERPRET,
    )(xyzt)


def _knn_body(k, xyzt_ref, lct_ref, idx_ref):
    _, _, N = xyzt_ref.shape
    _, _, BG = lct_ref.shape
    qsq = jnp.zeros((BG, 1), jnp.float32)
    psq = jnp.zeros((1, N), jnp.float32)
    dot = jnp.zeros((BG, N), jnp.float32)
    for j in range(3):
        q = lct_ref[0, j, :][:, None]
        p = xyzt_ref[0, j, :][None, :]
        qsq = qsq + q * q
        psq = psq + p * p
        q16 = q.astype(jnp.bfloat16).astype(jnp.float32)
        p16 = p.astype(jnp.bfloat16).astype(jnp.float32)
        dot = dot + q16 * p16
    d = qsq + psq - 2.0 * dot
    lane = lax.broadcasted_iota(jnp.int32, (BG, N), 1)
    col = lax.broadcasted_iota(jnp.int32, (BG, k), 1)
    acc = jnp.zeros((BG, k), jnp.int32)
    for kk in range(k):
        m = jnp.min(d, axis=1, keepdims=True)
        ai = jnp.min(jnp.where(d == m, lane, N), axis=1, keepdims=True)
        acc = jnp.where(col == kk, ai, acc)
        d = jnp.where(lane == ai, jnp.float32(jnp.inf), d)
    idx_ref[0] = acc


def _knn_xla(k, xyz, new_xyz):
    sq = (jnp.sum(new_xyz ** 2, -1)[..., None]
          + jnp.sum(xyz ** 2, -1)[:, None, :]
          - 2.0 * jnp.einsum('bgd,bnd->bgn', new_xyz, xyz))
    _, idx = jax.lax.top_k(-sq, k)
    return idx


def _knn(k, xyz, lc_xyz):
    B, N, _ = xyz.shape
    G = lc_xyz.shape[1]
    BG = 256
    xyzt = jnp.transpose(xyz, (0, 2, 1))
    lct = jnp.transpose(lc_xyz, (0, 2, 1))
    return pl.pallas_call(
        functools.partial(_knn_body, k),
        grid=(B, G // BG),
        in_specs=[
            pl.BlockSpec((1, 3, N), lambda b, g: (b, 0, 0)),
            pl.BlockSpec((1, 3, BG), lambda b, g: (b, 0, g)),
        ],
        out_specs=pl.BlockSpec((1, BG, k), lambda b, g: (b, g, 0)),
        out_shape=jax.ShapeDtypeStruct((B, G, k), jnp.int32),
        interpret=_INTERPRET,
    )(xyzt, lct)


def _sel3(t, j_idx):
    t0 = t[:, 0:1]
    t1 = t[:, 1:2]
    t2 = t[:, 2:3]
    return jnp.where(j_idx == 0, t0, jnp.where(j_idx == 1, t1, t2))


def _extract(v, col, i):
    return jnp.sum(v * (col == i).astype(jnp.float32))


def _lga_stats_body(knn_x_ref, lc_x_ref, knn_xyz_ref, lc_xyz_ref, out_ref):
    b = pl.program_id(0)
    g = pl.program_id(1)
    _, GB, K, C = knn_x_ref.shape
    dx = knn_x_ref[0] - lc_x_ref[0][:, None, :]
    dz = knn_xyz_ref[0] - lc_xyz_ref[0][:, None, :]
    col = lax.broadcasted_iota(jnp.int32, (1, 4), 1)
    row = (jnp.sum(dx) * (col == 0) + jnp.sum(dx * dx) * (col == 1)
           + jnp.sum(dz) * (col == 2) + jnp.sum(dz * dz) * (col == 3))

    @pl.when(jnp.logical_and(b == 0, g == 0))
    def _():
        out_ref[...] = jnp.zeros_like(out_ref)

    out_ref[...] += row


def _lga_main_body(nx, nz, knn_x_ref, lc_x_ref, knn_xyz_ref, lc_xyz_ref,
                   knn_rgb_ref, vvt_ref, stats_ref, pooled_ref, acc_ref):
    b = pl.program_id(0)
    g = pl.program_id(1)
    _, GB, K, C = knn_x_ref.shape
    O = 2 * C
    fd = O // 6
    R = GB * K

    sv = stats_ref[...]
    scol = lax.broadcasted_iota(jnp.int32, (1, 4), 1)
    sdx = _extract(sv, scol, 0)
    sdx2 = _extract(sv, scol, 1)
    sdz = _extract(sv, scol, 2)
    sdz2 = _extract(sv, scol, 3)
    std_x = jnp.sqrt((sdx2 - sdx * sdx / nx) / (nx - 1.0))
    std_z = jnp.sqrt((sdz2 - sdz * sdz / nz) / (nz - 1.0))
    mx_inv = 1.0 / (std_x + 1e-05)
    mz_inv = 1.0 / (std_z + 1e-05)

    lc_x = lc_x_ref[0]
    knn_xn = ((knn_x_ref[0] - lc_x[:, None, :]) * mx_inv).reshape(R, C)
    knn_zn = ((knn_xyz_ref[0] - lc_xyz_ref[0][:, None, :]) * mz_inv).reshape(R, 3)
    rgb = knn_rgb_ref[0].reshape(R, 3)
    lc_b = jnp.broadcast_to(lc_x[:, None, :], (GB, K, C)).reshape(R, C)

    cidx = lax.broadcasted_iota(jnp.int32, (R, O), 1)
    j_idx = cidx // (2 * fd)
    is_sin = (cidx % (2 * fd)) < fd
    z_sel = _sel3(knn_zn, j_idx)
    r_sel = _sel3(rgb, j_idx)
    ez = jnp.where(is_sin, jnp.sin(z_sel), jnp.cos(z_sel))
    er = jnp.where(is_sin, jnp.sin(r_sel), jnp.cos(r_sel))
    cat = jnp.concatenate([knn_xn, lc_b], axis=1)
    mix = cat / 3.0 + ez / 3.0 + er / 3.0

    ocol = lax.broadcasted_iota(jnp.int32, (O, O), 1).astype(jnp.float32)
    W = jnp.cos(vvt_ref[...] * ocol * (2.0 * jnp.pi))
    y = jnp.dot(mix.astype(jnp.bfloat16), W.astype(jnp.bfloat16),
                preferred_element_type=jnp.float32)

    pooled_ref[0] = jnp.max(y.reshape(GB, K, O), axis=1)
    acol = lax.broadcasted_iota(jnp.int32, (1, 4), 1)
    row = jnp.sum(y) * (acol == 0) + jnp.sum(y * y) * (acol == 1)

    @pl.when(jnp.logical_and(b == 0, g == 0))
    def _():
        acc_ref[...] = jnp.zeros_like(acc_ref)

    acc_ref[...] += row


def _lga_final_body(n, pooled_ref, acc_ref, out_ref):
    sv = acc_ref[...]
    scol = lax.broadcasted_iota(jnp.int32, (1, 4), 1)
    sy = _extract(sv, scol, 0)
    sy2 = _extract(sv, scol, 1)
    m = sy / n
    s = jnp.sqrt((sy2 - sy * sy / n) / (n - 1.0))
    z = (pooled_ref[...] - m) / (s + 1e-06)
    out_ref[...] = jnp.where(z > 0, z, 0.1 * z)


def _lga_fused(lc_xyz, lc_x, lc_rgb, knn_xyz, knn_x, knn_rgb, out_dim, vv):
    B, G, K, C = knn_x.shape
    O = 2 * C
    GB = 128 if C <= 72 else 64
    nx = float(B * G * K * C)
    nz = float(B * G * K * 3)
    ny = float(B * G * K * O)
    vvt = jnp.reshape(vv, (vv.shape[1], 1))

    stats = pl.pallas_call(
        _lga_stats_body,
        grid=(B, G // GB),
        in_specs=[
            pl.BlockSpec((1, GB, K, C), lambda b, g: (b, g, 0, 0)),
            pl.BlockSpec((1, GB, C), lambda b, g: (b, g, 0)),
            pl.BlockSpec((1, GB, K, 3), lambda b, g: (b, g, 0, 0)),
            pl.BlockSpec((1, GB, 3), lambda b, g: (b, g, 0)),
        ],
        out_specs=pl.BlockSpec((1, 4), lambda b, g: (0, 0)),
        out_shape=jax.ShapeDtypeStruct((1, 4), jnp.float32),
        interpret=_INTERPRET,
    )(knn_x, lc_x, knn_xyz, lc_xyz)

    pooled, acc = pl.pallas_call(
        functools.partial(_lga_main_body, nx, nz),
        grid=(B, G // GB),
        in_specs=[
            pl.BlockSpec((1, GB, K, C), lambda b, g: (b, g, 0, 0)),
            pl.BlockSpec((1, GB, C), lambda b, g: (b, g, 0)),
            pl.BlockSpec((1, GB, K, 3), lambda b, g: (b, g, 0, 0)),
            pl.BlockSpec((1, GB, 3), lambda b, g: (b, g, 0)),
            pl.BlockSpec((1, GB, K, 3), lambda b, g: (b, g, 0, 0)),
            pl.BlockSpec((O, 1), lambda b, g: (0, 0)),
            pl.BlockSpec((1, 4), lambda b, g: (0, 0)),
        ],
        out_specs=[
            pl.BlockSpec((1, GB, O), lambda b, g: (b, g, 0)),
            pl.BlockSpec((1, 4), lambda b, g: (0, 0)),
        ],
        out_shape=[
            jax.ShapeDtypeStruct((B, G, O), jnp.float32),
            jax.ShapeDtypeStruct((1, 4), jnp.float32),
        ],
        interpret=_INTERPRET,
    )(knn_x, lc_x, knn_xyz, lc_xyz, knn_rgb, vvt, stats)

    x_new = pl.pallas_call(
        functools.partial(_lga_final_body, ny),
        interpret=_INTERPRET,
        out_shape=jax.ShapeDtypeStruct((B, G, O), jnp.float32),
    )(pooled, acc)
    return x_new


def _pose_geo(knn_xyz, knn_x, knn_rgb, out_dim, vv):
    B, _, G, K = knn_xyz.shape
    feat_dim = out_dim // 6

    def embed(t):
        t1 = jnp.transpose(t, (0, 2, 3, 1))[..., None]
        div = jnp.broadcast_to(t1, t1.shape[:-1] + (feat_dim,))
        e = jnp.concatenate([jnp.sin(div), jnp.cos(div)], axis=4)
        e = e.reshape(B, G, K, out_dim)
        return jnp.transpose(e, (0, 3, 1, 2))

    xyz_embed = embed(knn_xyz)
    rgb_embed = embed(knn_rgb)
    pos = vv[:, :out_dim].T @ jnp.arange(out_dim, dtype=jnp.float32)[None, :]
    W_l = jnp.cos(pos * 2.0 * jnp.pi)
    knn_x_new = knn_x / 3.0 + xyz_embed / 3.0 + rgb_embed / 3.0
    knn_x_new = jnp.transpose(knn_x_new, (0, 2, 3, 1))
    knn_x_new = knn_x_new @ W_l
    m = jnp.mean(knn_x_new)
    s = jnp.std(knn_x_new - m, ddof=1)
    knn_x_new = (knn_x_new - m) / (s + 1e-06)
    return jnp.transpose(knn_x_new, (0, 3, 1, 2))


def _lga(lc_xyz, lc_x, lc_rgb, knn_xyz, knn_x, knn_rgb, out_dim, vv):
    mean_x = lc_x[:, :, None, :]
    std_x = jnp.std(knn_x - mean_x, ddof=1)
    mean_xyz = lc_xyz[:, :, None, :]
    std_xyz = jnp.std(knn_xyz - mean_xyz, ddof=1)
    knn_x = (knn_x - mean_x) / (std_x + 1e-05)
    knn_xyz = (knn_xyz - mean_xyz) / (std_xyz + 1e-05)
    B, G, K, C = knn_x.shape
    knn_x = jnp.concatenate(
        [knn_x, jnp.broadcast_to(lc_x[:, :, None, :], (B, G, K, C))], axis=-1)
    return _pose_geo(jnp.transpose(knn_xyz, (0, 3, 1, 2)),
                     jnp.transpose(knn_x, (0, 3, 1, 2)),
                     jnp.transpose(knn_rgb, (0, 3, 1, 2)), out_dim, vv)


def kernel(xyz, x, rgb, rgbx, vv):
    x = _pose_initial(x, rgbx)
    xyz_list = [xyz]
    x_list = [x]
    out_dim = _EMBED
    group_num = xyz.shape[1]
    for i in range(_STAGES):
        out_dim = out_dim * 2
        group_num = group_num // 2
        x_t = jnp.transpose(x, (0, 2, 1))
        fps_idx = _fps(xyz, group_num)
        lc_xyz = _index_points(xyz, fps_idx)
        lc_x = _index_points(x_t, fps_idx)
        lc_rgb = _index_points(rgb, fps_idx)
        knn_idx = _knn(_K, xyz, lc_xyz)
        knn_xyz = _index_points(xyz, knn_idx)
        knn_x = _index_points(x_t, knn_idx)
        knn_rgb = _index_points(rgb, knn_idx)
        knn_x_w = _lga(lc_xyz, lc_x, lc_rgb, knn_xyz, knn_x, knn_rgb, out_dim, vv)
        pooled = jnp.max(knn_x_w, axis=-1)
        x = jnp.where(pooled > 0, pooled, 0.1 * pooled)
        xyz = lc_xyz
        rgb = lc_rgb
        xyz_list.append(xyz)
        x_list.append(x)
    return (tuple(xyz_list), tuple(x_list))

# --- scband reference (transcript-rebuilt; emitter-appended) ---
"""Pipeline reference for scband-enc-np-87084756893894 (READ-ONLY COPY).

The authoritative reference and input builder live on the scoring server;
editing this copy changes nothing except your own understanding.
"""

import jax, jax.numpy as jnp
import numpy as np

ALPHA = 1000.0
BETA = 100.0
EMBED_DIM = 72
NUM_STAGES = 2
INPUT_POINTS = 2048
K_NEIGHBORS = 64
BATCH = 4


def index_points(points, idx):
    B = points.shape[0]
    bidx = jnp.arange(B).reshape((B,) + (1,) * (idx.ndim - 1))
    return points[bidx, idx]


def furthest_point_sample(xyz, npoint):
    B, N, _ = xyz.shape
    def step(carry, _):
        dist, farthest = carry
        centroid = xyz[jnp.arange(B), farthest]
        d = jnp.sum((xyz - centroid[:, None, :]) ** 2, axis=-1)
        dist = jnp.minimum(dist, d)
        nxt = jnp.argmax(dist, axis=-1).astype(jnp.int32)
        return (dist, nxt), farthest
    init = (jnp.full((B, N), 1e10, dtype=xyz.dtype), jnp.zeros((B,), dtype=jnp.int32))
    _, idxs = jax.lax.scan(step, init, None, length=npoint)
    return jnp.transpose(idxs, (1, 0))


def knn_point(k, xyz, new_xyz):
    sq = (jnp.sum(new_xyz ** 2, -1)[..., None]
          + jnp.sum(xyz ** 2, -1)[:, None, :]
          - 2.0 * jnp.einsum('bgd,bnd->bgn', new_xyz, xyz))
    _, idx = jax.lax.top_k(-sq, k)
    return idx


def pose_initial(x, rgbx, out_dim, alpha, beta):
    B, _, N = x.shape
    feat_dim = out_dim // 6
    feat_range = jnp.arange(feat_dim, dtype=jnp.float32) / feat_dim
    dim_embed = jnp.power(alpha, feat_range)
    def embed(t):
        div = beta * t[..., None] / dim_embed
        e = jnp.stack([jnp.sin(div), jnp.cos(div)], axis=4).reshape(B, 3, N, 2 * feat_dim)
        return jnp.transpose(e, (0, 1, 3, 2)).reshape(B, out_dim, N)
    position_embed = embed(x)
    rgbx_embed = embed(rgbx)
    return position_embed * 0.8 + rgbx_embed * 0.2, rgbx_embed


def pose_geo(knn_xyz, knn_x, knn_rgb, out_dim, vv, alpha=1.0, beta=1.0):
    B, _, G, K = knn_xyz.shape
    feat_dim = out_dim // 6
    feat_range = jnp.arange(feat_dim, dtype=jnp.float32)
    dim_embed = jnp.power(alpha, feat_range / feat_dim)
    def embed(t):
        t1 = jnp.transpose(t, (0, 2, 3, 1))[..., None]
        div = beta * t1[..., None] / dim_embed
        e = jnp.concatenate([jnp.sin(div), jnp.cos(div)], axis=4)
        e = e.reshape(B, G, K, out_dim)
        return jnp.transpose(e, (0, 3, 1, 2))
    xyz_embed = embed(knn_xyz)
    rgb_embed = embed(knn_rgb)
    pos = vv[:, :out_dim].T @ jnp.arange(out_dim, dtype=jnp.float32)[None, :]
    W_l = jnp.cos(pos * 2.0 * jnp.pi)
    knn_x_new = knn_x / 3.0 + xyz_embed / 3.0 + rgb_embed / 3.0
    knn_x_new = jnp.transpose(knn_x_new, (0, 2, 3, 1))
    knn_x_new = knn_x_new @ W_l
    m = jnp.mean(knn_x_new)
    s = jnp.std(knn_x_new - m, ddof=1)
    knn_x_new = (knn_x_new - m) / (s + 1e-06)
    return jnp.transpose(knn_x_new, (0, 3, 1, 2))


def lga(lc_xyz, lc_x, lc_rgb, knn_xyz, knn_x, knn_rgb, out_dim, vv):
    mean_x = lc_x[:, :, None, :]
    std_x = jnp.std(knn_x - mean_x, ddof=1)
    mean_xyz = lc_xyz[:, :, None, :]
    std_xyz = jnp.std(knn_xyz - mean_xyz, ddof=1)
    knn_x = (knn_x - mean_x) / (std_x + 1e-05)
    knn_xyz = (knn_xyz - mean_xyz) / (std_xyz + 1e-05)
    B, G, K, C = knn_x.shape
    knn_x = jnp.concatenate([knn_x, jnp.broadcast_to(lc_x[:, :, None, :], (B, G, K, C))], axis=-1)
    return pose_geo(jnp.transpose(knn_xyz, (0, 3, 1, 2)),
                    jnp.transpose(knn_x, (0, 3, 1, 2)),
                    jnp.transpose(knn_rgb, (0, 3, 1, 2)), out_dim, vv)


def enc_np_forward(xyz, x, rgb, rgbx, vv):
    x, rgbx = pose_initial(x, rgbx, EMBED_DIM, ALPHA, BETA)
    xyz_list = [xyz]
    x_list = [x]
    out_dim = EMBED_DIM
    group_num = INPUT_POINTS
    for i in range(NUM_STAGES):
        out_dim = out_dim * 2
        group_num = group_num // 2
        x_t = jnp.transpose(x, (0, 2, 1))
        fps_idx = furthest_point_sample(xyz, group_num)
        lc_xyz = index_points(xyz, fps_idx)
        lc_x = index_points(x_t, fps_idx)
        lc_rgb = index_points(rgb, fps_idx)
        knn_idx = knn_point(K_NEIGHBORS, xyz, lc_xyz)
        knn_xyz = index_points(xyz, knn_idx)
        knn_x = index_points(x_t, knn_idx)
        knn_rgb = index_points(rgb, knn_idx)
        knn_x_w = lga(lc_xyz, lc_x, lc_rgb, knn_xyz, knn_x, knn_rgb, out_dim, vv)
        pooled = jnp.max(knn_x_w, axis=-1)
        x = jnp.where(pooled > 0, pooled, 0.1 * pooled)
        xyz = lc_xyz
        rgb = lc_rgb
        xyz_list.append(xyz)
        x_list.append(x)
    return (tuple(xyz_list), tuple(x_list))


def setup_inputs(seed: int = 0):
    key = jax.random.key(seed)
    ks = jax.random.split(key, 4)
    return {
        'xyz': jax.random.uniform(ks[0], (BATCH, INPUT_POINTS, 3), dtype=jnp.float32),
        'x': jax.random.uniform(ks[1], (BATCH, 3, INPUT_POINTS), dtype=jnp.float32),
        'rgb': jax.random.uniform(ks[2], (BATCH, INPUT_POINTS, 3), dtype=jnp.float32),
        'rgbx': jax.random.uniform(ks[3], (BATCH, 3, INPUT_POINTS), dtype=jnp.float32),
        'vv': jnp.full((1, 288), 0.5, dtype=jnp.float32),
    }


def reference(xyz, x, rgb, rgbx, vv):
    return enc_np_forward(xyz, x, rgb, rgbx, vv)

if __name__ == "__main__":
    import jax
    _d = setup_inputs()
    print(jax.jit(kernel)(*tuple(_d.values())))

</pallas_src>

<mosaic_0001>
module attributes {stable_mosaic.version = 14 : i64} {
  func.func @_fps_body(%arg0: memref<4x3x2048xf32, #tpu.memory_space<vmem>>, %arg1: memref<4x1024xi32, #tpu.memory_space<vmem>>, %arg2: memref<4x2048xf32, #tpu.memory_space<vmem>>) attributes {dimension_semantics = [], scalar_prefetch = 0 : i64, scratch_operands = 1 : i64, tpu.core_type = #tpu.core_type<tc>} {
    %broadcast_in_dim3A = arith.constant 1.000000e+10 : f32
    %broadcast_in_dim3A_0 = vector.broadcast %broadcast_in_dim3A : f32 to vector<4x2048xf32>
    %swap3A = arith.constant 0 : index
    %swap3A_1 = arith.constant 0 : index
    %swap3A_2 = vector.load %arg2[%swap3A, %swap3A_1] : memref<4x2048xf32, #tpu.memory_space<vmem>>, vector<4x2048xf32>
    tpu.vector_store %arg2[%swap3A, %swap3A_1], %broadcast_in_dim3A_0 {strides = array<i32>} : memref<4x2048xf32, #tpu.memory_space<vmem>>, vector<4x2048xf32>,
    %iota3A = tpu.iota {dimensions = array<i32: 1>} : vector<4x2048xi32>
    %iota3A_3 = tpu.iota {dimensions = array<i32: 1>} : vector<4x1024xi32>
    %broadcast_in_dim3A_4 = arith.constant 0 : i32
    %broadcast_in_dim3A_5 = vector.broadcast %broadcast_in_dim3A_4 : i32 to vector<4x1024xi32>
    %swap3A_6 = arith.constant 0 : index
    %swap3A_7 = arith.constant 0 : index
    %swap3A_8 = vector.load %arg1[%swap3A_6, %swap3A_7] : memref<4x1024xi32, #tpu.memory_space<vmem>>, vector<4x1024xi32>
    tpu.vector_store %arg1[%swap3A_6, %swap3A_7], %broadcast_in_dim3A_5 {strides = array<i32>} : memref<4x1024xi32, #tpu.memory_space<vmem>>, vector<4x1024xi32>,
    %broadcast_in_dim3A_9 = arith.constant 0 : i32
    %broadcast_in_dim3A_10 = vector.broadcast %broadcast_in_dim3A_9 : i32 to vector<4x1xi32>
    %scan3A = arith.constant 0 : i32
    %scan3A_11 = arith.constant 1024 : i32
    %scan3A_12 = arith.addi %scan3A, %scan3A_11 : i32
    %scan3A_13 = arith.constant 1 : i32
    %scan3A_14 = scf.for %scan3A_16 = %scan3A to %scan3A_12 step %scan3A_13 iter_args(%scan3A_17 = %broadcast_in_dim3A_10) -> (vector<4x1xi32>)  : i32 {
      %eq3A = vector.broadcast %scan3A_16 : i32 to vector<4x1024xi32>
      %eq3A_18 = arith.cmpi eq, %iota3A_3, %eq3A : vector<4x1024xi32>
      %get3A = arith.constant 0 : index
      %get3A_19 = arith.constant 0 : index
      %get3A_20 = vector.load %arg1[%get3A, %get3A_19] : memref<4x1024xi32, #tpu.memory_space<vmem>>, vector<4x1024xi32>
      %broadcast_in_dim3A_21 = vector.shape_cast %scan3A_17 : vector<4x1xi32> to vector<4x1xi32>
      %broadcast_in_dim3A_22 = vector.broadcast %broadcast_in_dim3A_21 : vector<4x1xi32> to vector<4x1024xi32>
      %select_n3A = arith.select %eq3A_18, %broadcast_in_dim3A_22, %get3A_20 : vector<4x1024xi1>, vector<4x1024xi32>
      %swap3A_23 = arith.constant 0 : index
      %swap3A_24 = arith.constant 0 : index
      %swap3A_25 = vector.load %arg1[%swap3A_23, %swap3A_24] : memref<4x1024xi32, #tpu.memory_space<vmem>>, vector<4x1024xi32>
      tpu.vector_store %arg1[%swap3A_23, %swap3A_24], %select_n3A {strides = array<i32>} : memref<4x1024xi32, #tpu.memory_space<vmem>>, vector<4x1024xi32>,
      %eq3A_26 = vector.broadcast %scan3A_17 : vector<4x1xi32> to vector<4x2048xi32>
      %eq3A_27 = arith.cmpi eq, %iota3A, %eq3A_26 : vector<4x2048xi32>
      %convert_element_type3A = arith.extui %eq3A_27 : vector<4x2048xi1> to vector<4x2048xi32>
      %convert_element_type3A_28 = arith.sitofp %convert_element_type3A : vector<4x2048xi32> to vector<4x2048xf32>
      %broadcast_in_dim3A_29 = arith.constant 0.000000e+00 : f32
      %broadcast_in_dim3A_30 = vector.broadcast %broadcast_in_dim3A_29 : f32 to vector<4x2048xf32>
      %get3A_31 = arith.constant 0 : index
      %get3A_32 = arith.constant 0 : index
      %get3A_33 = arith.constant 0 : index
      %get3A_34 = vector.load %arg0[%get3A_31, %get3A_32, %get3A_33] : memref<4x3x2048xf32, #tpu.memory_space<vmem>>, vector<4x1x2048xf32>
      %get3A_35 = vector.shape_cast %get3A_34 : vector<4x1x2048xf32> to vector<4x2048xf32>
      %mul3A = arith.mulf %get3A_35, %convert_element_type3A_28 : vector<4x2048xf32>
      %reduce_sum3A = arith.constant dense<0.000000e+00> : vector<4xf32>
      %reduce_sum3A_36 = vector.multi_reduction <add>, %mul3A, %reduce_sum3A [1] : vector<4x2048xf32> to vector<4xf32>
      %broadcast_in_dim3A_37 = vector.shape_cast %reduce_sum3A_36 : vector<4xf32> to vector<4x1xf32>
      %sub3A = vector.broadcast %broadcast_in_dim3A_37 : vector<4x1xf32> to vector<4x2048xf32>
      %sub3A_38 = arith.subf %get3A_35, %sub3A : vector<4x2048xf32>
      %integer_pow3A = arith.mulf %sub3A_38, %sub3A_38 : vector<4x2048xf32>
      %add3A = arith.addf %broadcast_in_dim3A_30, %integer_pow3A : vector<4x2048xf32>
      %get3A_39 = arith.constant 0 : index
      %get3A_40 = arith.constant 1 : index
      %get3A_41 = arith.constant 0 : index
      %get3A_42 = vector.load %arg0[%get3A_39, %get3A_40, %get3A_41] : memref<4x3x2048xf32, #tpu.memory_space<vmem>>, vector<4x1x2048xf32>
      %get3A_43 = vector.shape_cast %get3A_42 : vector<4x1x2048xf32> to vector<4x2048xf32>
      %mul3A_44 = arith.mulf %get3A_43, %convert_element_type3A_28 : vector<4x2048xf32>
      %reduce_sum3A_45 = arith.constant dense<0.000000e+00> : vector<4xf32>
      %reduce_sum3A_46 = vector.multi_reduction <add>, %mul3A_44, %reduce_sum3A_45 [1] : vector<4x2048xf32> to vector<4xf32>
      %broadcast_in_dim3A_47 = vector.shape_cast %reduce_sum3A_46 : vector<4xf32> to vector<4x1xf32>
      %sub3A_48 = vector.broadcast %broadcast_in_dim3A_47 : vector<4x1xf32> to vector<4x2048xf32>
      %sub3A_49 = arith.subf %get3A_43, %sub3A_48 : vector<4x2048xf32>
      %integer_pow3A_50 = arith.mulf %sub3A_49, %sub3A_49 : vector<4x2048xf32>
      %add3A_51 = arith.addf %add3A, %integer_pow3A_50 : vector<4x2048xf32>
      %get3A_52 = arith.constant 0 : index
      %get3A_53 = arith.constant 2 : index
      %get3A_54 = arith.constant 0 : index
      %get3A_55 = vector.load %arg0[%get3A_52, %get3A_53, %get3A_54] : memref<4x3x2048xf32, #tpu.memory_space<vmem>>, vector<4x1x2048xf32>
      %get3A_56 = vector.shape_cast %get3A_55 : vector<4x1x2048xf32> to vector<4x2048xf32>
      %mul3A_57 = arith.mulf %get3A_56, %convert_element_type3A_28 : vector<4x2048xf32>
      %reduce_sum3A_58 = arith.constant dense<0.000000e+00> : vector<4xf32>
      %reduce_sum3A_59 = vector.multi_reduction <add>, %mul3A_57, %reduce_sum3A_58 [1] : vector<4x2048xf32> to vector<4xf32>
      %broadcast_in_dim3A_60 = vector.shape_cast %reduce_sum3A_59 : vector<4xf32> to vector<4x1xf32>
      %sub3A_61 = vector.broadcast %broadcast_in_dim3A_60 : vector<4x1xf32> to vector<4x2048xf32>
      %sub3A_62 = arith.subf %get3A_56, %sub3A_61 : vector<4x2048xf32>
      %integer_pow3A_63 = arith.mulf %sub3A_62, %sub3A_62 : vector<4x2048xf32>
      %add3A_64 = arith.addf %add3A_51, %integer_pow3A_63 : vector<4x2048xf32>
      %get3A_65 = arith.constant 0 : index
      %get3A_66 = arith.constant 0 : index
      %get3A_67 = vector.load %arg2[%get3A_65, %get3A_66] : memref<4x2048xf32, #tpu.memory_space<vmem>>, vector<4x2048xf32>
      %min3A = arith.minimumf %get3A_67, %add3A_64 : vector<4x2048xf32>
      %swap3A_68 = arith.constant 0 : index
      %swap3A_69 = arith.constant 0 : index
      %swap3A_70 = vector.load %arg2[%swap3A_68, %swap3A_69] : memref<4x2048xf32, #tpu.memory_space<vmem>>, vector<4x2048xf32>
      tpu.vector_store %arg2[%swap3A_68, %swap3A_69], %min3A {strides = array<i32>} : memref<4x2048xf32, #tpu.memory_space<vmem>>, vector<4x2048xf32>,
      %reduce_max3A = arith.constant dense<0xFF800000> : vector<4xf32>
      %reduce_max3A_71 = vector.multi_reduction <maximumf>, %min3A, %reduce_max3A [1] : vector<4x2048xf32> to vector<4xf32>
      %broadcast_in_dim3A_72 = vector.shape_cast %reduce_max3A_71 : vector<4xf32> to vector<4x1xf32>
      %eq3A_73 = vector.broadcast %broadcast_in_dim3A_72 : vector<4x1xf32> to vector<4x2048xf32>
      %eq3A_74 = arith.cmpf oeq, %min3A, %eq3A_73 : vector<4x2048xf32>
      %jit3A = arith.constant 2048 : i32
      %broadcast_in_dim3A_75 = vector.broadcast %jit3A : i32 to vector<4x2048xi32>
      %select_n3A_76 = arith.select %eq3A_74, %iota3A, %broadcast_in_dim3A_75 : vector<4x2048xi1>, vector<4x2048xi32>
      %reduce_min3A = arith.constant dense<2147483647> : vector<4xi32>
      %reduce_min3A_77 = vector.multi_reduction <minsi>, %select_n3A_76, %reduce_min3A [1] : vector<4x2048xi32> to vector<4xi32>
      %broadcast_in_dim3A_78 = vector.shape_cast %reduce_min3A_77 : vector<4xi32> to vector<4x1xi32>
      scf.yield %broadcast_in_dim3A_78 : vector<4x1xi32>
    }
    %scan3A_15 = arith.constant 1024 : i32
    return
  }
}

module attributes {stable_mosaic.version = 14 : i64} {
  func.func @_pose_initial_body(%arg0: memref<4x3x2048xf32, #tpu.memory_space<vmem>>, %arg1: memref<4x3x2048xf32, #tpu.memory_space<vmem>>, %arg2: memref<4x72x2048xf32, #tpu.memory_space<vmem>>) attributes {dimension_semantics = [], scalar_prefetch = 0 : i64, scratch_operands = 0 : i64, tpu.core_type = #tpu.core_type<tc>} {
    %iota3A = tpu.iota {dimensions = array<i32: 1>} : vector<4x72x2048xi32>
    %jit3A = arith.constant 24 : i32
    %eq3A = arith.constant 0 : i32
    %eq3A_0 = arith.cmpi eq, %jit3A, %eq3A : i32
    %jit3A_1 = arith.constant 1 : i32
    %select_n3A = arith.select %eq3A_0, %jit3A_1, %jit3A : i32
    %rem3A = vector.broadcast %select_n3A : i32 to vector<4x72x2048xi32>
    %rem3A_2 = arith.remsi %iota3A, %rem3A : vector<4x72x2048xi32>
    %ne3A = arith.constant 0 : i32
    %ne3A_3 = vector.broadcast %ne3A : i32 to vector<4x72x2048xi32>
    %ne3A_4 = arith.cmpi ne, %rem3A_2, %ne3A_3 : vector<4x72x2048xi32>
    %lt3A = arith.constant 0 : i32
    %lt3A_5 = vector.broadcast %lt3A : i32 to vector<4x72x2048xi32>
    %lt3A_6 = arith.cmpi slt, %rem3A_2, %lt3A_5 : vector<4x72x2048xi32>
    %lt3A_7 = arith.constant 0 : i32
    %lt3A_8 = arith.cmpi slt, %select_n3A, %lt3A_7 : i32
    %ne3A_9 = vector.broadcast %lt3A_8 : i1 to vector<4x72x2048xi1>
    %ne3A_10 = vector.broadcast %ne3A_9 : vector<4x72x2048xi1> to vector<4x72x2048xi1>
    %ne3A_11 = arith.xori %lt3A_6, %ne3A_10 : vector<4x72x2048xi1>
    %and3A = arith.andi %ne3A_11, %ne3A_4 : vector<4x72x2048xi1>
    %add3A = vector.broadcast %select_n3A : i32 to vector<4x72x2048xi32>
    %add3A_12 = arith.addi %rem3A_2, %add3A : vector<4x72x2048xi32>
    %select_n3A_13 = arith.select %and3A, %add3A_12, %rem3A_2 : vector<4x72x2048xi1>, vector<4x72x2048xi32>
    %jit3A_14 = arith.constant 2 : i32
    %div3A = vector.broadcast %jit3A_14 : i32 to vector<4x72x2048xi32>
    %div3A_15 = arith.divsi %select_n3A_13, %div3A : vector<4x72x2048xi32>
    %sign3A = arith.constant 0 : i32
    %sign3A_16 = vector.broadcast %sign3A : i32 to vector<4x72x2048xi32>
    %sign3A_17 = arith.cmpi sgt, %select_n3A_13, %sign3A_16 : vector<4x72x2048xi32>
    %sign3A_18 = arith.extui %sign3A_17 : vector<4x72x2048xi1> to vector<4x72x2048xi32>
    %sign3A_19 = arith.constant 0 : i32
    %sign3A_20 = vector.broadcast %sign3A_19 : i32 to vector<4x72x2048xi32>
    %sign3A_21 = arith.cmpi slt, %select_n3A_13, %sign3A_20 : vector<4x72x2048xi32>
    %sign3A_22 = arith.extui %sign3A_21 : vector<4x72x2048xi1> to vector<4x72x2048xi32>
    %sign3A_23 = arith.subi %sign3A_18, %sign3A_22 : vector<4x72x2048xi32>
    %sign3A_24 = arith.constant 0 : i32
    %sign3A_25 = arith.cmpi sgt, %jit3A_14, %sign3A_24 : i32
    %sign3A_26 = arith.extui %sign3A_25 : i1 to i32
    %sign3A_27 = arith.constant 0 : i32
    %sign3A_28 = arith.cmpi slt, %jit3A_14, %sign3A_27 : i32
    %sign3A_29 = arith.extui %sign3A_28 : i1 to i32
    %sign3A_30 = arith.subi %sign3A_26, %sign3A_29 : i32
    %ne3A_31 = vector.broadcast %sign3A_30 : i32 to vector<4x72x2048xi32>
    %ne3A_32 = arith.cmpi ne, %sign3A_23, %ne3A_31 : vector<4x72x2048xi32>
    %rem3A_33 = vector.broadcast %jit3A_14 : i32 to vector<4x72x2048xi32>
    %rem3A_34 = arith.remsi %select_n3A_13, %rem3A_33 : vector<4x72x2048xi32>
    %ne3A_35 = arith.constant 0 : i32
    %ne3A_36 = vector.broadcast %ne3A_35 : i32 to vector<4x72x2048xi32>
    %ne3A_37 = arith.cmpi ne, %rem3A_34, %ne3A_36 : vector<4x72x2048xi32>
    %and3A_38 = arith.andi %ne3A_32, %ne3A_37 : vector<4x72x2048xi1>
    %sub3A = arith.constant 1 : i32
    %sub3A_39 = vector.broadcast %sub3A : i32 to vector<4x72x2048xi32>
    %sub3A_40 = arith.subi %div3A_15, %sub3A_39 : vector<4x72x2048xi32>
    %select_n3A_41 = arith.select %and3A_38, %sub3A_40, %div3A_15 : vector<4x72x2048xi1>, vector<4x72x2048xi32>
    %convert_element_type3A = arith.sitofp %select_n3A_41 : vector<4x72x2048xi32> to vector<4x72x2048xf32>
    %jit3A_42 = arith.constant 2 : i32
    %eq3A_43 = arith.constant 0 : i32
    %eq3A_44 = arith.cmpi eq, %jit3A_42, %eq3A_43 : i32
    %jit3A_45 = arith.constant 1 : i32
    %select_n3A_46 = arith.select %eq3A_44, %jit3A_45, %jit3A_42 : i32
    %rem3A_47 = vector.broadcast %select_n3A_46 : i32 to vector<4x72x2048xi32>
    %rem3A_48 = arith.remsi %select_n3A_13, %rem3A_47 : vector<4x72x2048xi32>
    %ne3A_49 = arith.constant 0 : i32
    %ne3A_50 = vector.broadcast %ne3A_49 : i32 to vector<4x72x2048xi32>
    %ne3A_51 = arith.cmpi ne, %rem3A_48, %ne3A_50 : vector<4x72x2048xi32>
    %lt3A_52 = arith.constant 0 : i32
    %lt3A_53 = vector.broadcast %lt3A_52 : i32 to vector<4x72x2048xi32>
    %lt3A_54 = arith.cmpi slt, %rem3A_48, %lt3A_53 : vector<4x72x2048xi32>
    %lt3A_55 = arith.constant 0 : i32
    %lt3A_56 = arith.cmpi slt, %select_n3A_46, %lt3A_55 : i32
    %ne3A_57 = vector.broadcast %lt3A_56 : i1 to vector<4x72x2048xi1>
    %ne3A_58 = vector.broadcast %ne3A_57 : vector<4x72x2048xi1> to vector<4x72x2048xi1>
    %ne3A_59 = arith.xori %lt3A_54, %ne3A_58 : vector<4x72x2048xi1>
    %and3A_60 = arith.andi %ne3A_59, %ne3A_51 : vector<4x72x2048xi1>
    %add3A_61 = vector.broadcast %select_n3A_46 : i32 to vector<4x72x2048xi32>
    %add3A_62 = arith.addi %rem3A_48, %add3A_61 : vector<4x72x2048xi32>
    %select_n3A_63 = arith.select %and3A_60, %add3A_62, %rem3A_48 : vector<4x72x2048xi1>, vector<4x72x2048xi32>
    %eq3A_64 = arith.constant 0 : i32
    %eq3A_65 = vector.broadcast %eq3A_64 : i32 to vector<4x72x2048xi32>
    %eq3A_66 = arith.cmpi eq, %select_n3A_63, %eq3A_65 : vector<4x72x2048xi32>
    %jit3A_67 = arith.constant 24 : i32
    %div3A_68 = vector.broadcast %jit3A_67 : i32 to vector<4x72x2048xi32>
    %div3A_69 = arith.divsi %iota3A, %div3A_68 : vector<4x72x2048xi32>
    %sign3A_70 = arith.constant 0 : i32
    %sign3A_71 = vector.broadcast %sign3A_70 : i32 to vector<4x72x2048xi32>
    %sign3A_72 = arith.cmpi sgt, %iota3A, %sign3A_71 : vector<4x72x2048xi32>
    %sign3A_73 = arith.extui %sign3A_72 : vector<4x72x2048xi1> to vector<4x72x2048xi32>
    %sign3A_74 = arith.constant 0 : i32
    %sign3A_75 = vector.broadcast %sign3A_74 : i32 to vector<4x72x2048xi32>
    %sign3A_76 = arith.cmpi slt, %iota3A, %sign3A_75 : vector<4x72x2048xi32>
    %sign3A_77 = arith.extui %sign3A_76 : vector<4x72x2048xi1> to vector<4x72x2048xi32>
    %sign3A_78 = arith.subi %sign3A_73, %sign3A_77 : vector<4x72x2048xi32>
    %sign3A_79 = arith.constant 0 : i32
    %sign3A_80 = arith.cmpi sgt, %jit3A_67, %sign3A_79 : i32
    %sign3A_81 = arith.extui %sign3A_80 : i1 to i32
    %sign3A_82 = arith.constant 0 : i32
    %sign3A_83 = arith.cmpi slt, %jit3A_67, %sign3A_82 : i32
    %sign3A_84 = arith.extui %sign3A_83 : i1 to i32
    %sign3A_85 = arith.subi %sign3A_81, %sign3A_84 : i32
    %ne3A_86 = vector.broadcast %sign3A_85 : i32 to vector<4x72x2048xi32>
    %ne3A_87 = arith.cmpi ne, %sign3A_78, %ne3A_86 : vector<4x72x2048xi32>
    %rem3A_88 = vector.broadcast %jit3A_67 : i32 to vector<4x72x2048xi32>
    %rem3A_89 = arith.remsi %iota3A, %rem3A_88 : vector<4x72x2048xi32>
    %ne3A_90 = arith.constant 0 : i32
    %ne3A_91 = vector.broadcast %ne3A_90 : i32 to vector<4x72x2048xi32>
    %ne3A_92 = arith.cmpi ne, %rem3A_89, %ne3A_91 : vector<4x72x2048xi32>
    %and3A_93 = arith.andi %ne3A_87, %ne3A_92 : vector<4x72x2048xi1>
    %sub3A_94 = arith.constant 1 : i32
    %sub3A_95 = vector.broadcast %sub3A_94 : i32 to vector<4x72x2048xi32>
    %sub3A_96 = arith.subi %div3A_69, %sub3A_95 : vector<4x72x2048xi32>
    %select_n3A_97 = arith.select %and3A_93, %sub3A_96, %div3A_69 : vector<4x72x2048xi1>, vector<4x72x2048xi32>
    %div3A_98 = arith.constant 1.200000e+01 : f32
    %div3A_99 = vector.broadcast %div3A_98 : f32 to vector<4x72x2048xf32>
    %div3A_100 = arith.divf %convert_element_type3A, %div3A_99 : vector<4x72x2048xf32>
    %neg3A = arith.constant 0.000000e+00 : f32
    %neg3A_101 = vector.broadcast %neg3A : f32 to vector<4x72x2048xf32>
    %neg3A_102 = arith.subf %neg3A_101, %div3A_100 : vector<4x72x2048xf32>
    %log3A = arith.constant 1.000000e+03 : f32
    %log3A_103 = math.log %log3A : f32
    %mul3A = vector.broadcast %log3A_103 : f32 to vector<4x72x2048xf32>
    %mul3A_104 = arith.mulf %neg3A_102, %mul3A : vector<4x72x2048xf32>
    %exp3A = math.exp %mul3A_104 : vector<4x72x2048xf32>
    %mul3A_105 = arith.constant 1.000000e+02 : f32
    %mul3A_106 = vector.broadcast %mul3A_105 : f32 to vector<4x72x2048xf32>
    %mul3A_107 = arith.mulf %mul3A_106, %exp3A : vector<4x72x2048xf32>
    %get3A = arith.constant 0 : index
    %get3A_108 = arith.constant 0 : index
    %get3A_109 = arith.constant 0 : index
    %get3A_110 = vector.load %arg0[%get3A, %get3A_108, %get3A_109] : memref<4x3x2048xf32, #tpu.memory_space<vmem>>, vector<4x3x2048xf32>
    %slice3A = vector.extract_strided_slice %get3A_110 {offsets = [0, 0, 0], sizes = [4, 1, 2048], strides = [1, 1, 1]} : vector<4x3x2048xf32> to vector<4x1x2048xf32>
    %squeeze3A = vector.shape_cast %slice3A : vector<4x1x2048xf32> to vector<4x2048xf32>
    %broadcast_in_dim3A = vector.shape_cast %squeeze3A : vector<4x2048xf32> to vector<4x1x2048xf32>
    %slice3A_111 = vector.extract_strided_slice %get3A_110 {offsets = [0, 1, 0], sizes = [4, 1, 2048], strides = [1, 1, 1]} : vector<4x3x2048xf32> to vector<4x1x2048xf32>
    %squeeze3A_112 = vector.shape_cast %slice3A_111 : vector<4x1x2048xf32> to vector<4x2048xf32>
    %broadcast_in_dim3A_113 = vector.shape_cast %squeeze3A_112 : vector<4x2048xf32> to vector<4x1x2048xf32>
    %slice3A_114 = vector.extract_strided_slice %get3A_110 {offsets = [0, 2, 0], sizes = [4, 1, 2048], strides = [1, 1, 1]} : vector<4x3x2048xf32> to vector<4x1x2048xf32>
    %squeeze3A_115 = vector.shape_cast %slice3A_114 : vector<4x1x2048xf32> to vector<4x2048xf32>
    %broadcast_in_dim3A_116 = vector.shape_cast %squeeze3A_115 : vector<4x2048xf32> to vector<4x1x2048xf32>
    %eq3A_117 = arith.constant 0 : i32
    %eq3A_118 = vector.broadcast %eq3A_117 : i32 to vector<4x72x2048xi32>
    %eq3A_119 = arith.cmpi eq, %select_n3A_97, %eq3A_118 : vector<4x72x2048xi32>
    %eq3A_120 = arith.constant 1 : i32
    %eq3A_121 = vector.broadcast %eq3A_120 : i32 to vector<4x72x2048xi32>
    %eq3A_122 = arith.cmpi eq, %select_n3A_97, %eq3A_121 : vector<4x72x2048xi32>
    %broadcast_in_dim3A_123 = vector.shape_cast %broadcast_in_dim3A_113 : vector<4x1x2048xf32> to vector<4x1x2048xf32>
    %broadcast_in_dim3A_124 = vector.broadcast %broadcast_in_dim3A_123 : vector<4x1x2048xf32> to vector<4x72x2048xf32>
    %broadcast_in_dim3A_125 = vector.shape_cast %broadcast_in_dim3A_116 : vector<4x1x2048xf32> to vector<4x1x2048xf32>
    %broadcast_in_dim3A_126 = vector.broadcast %broadcast_in_dim3A_125 : vector<4x1x2048xf32> to vector<4x72x2048xf32>
    %select_n3A_127 = arith.select %eq3A_122, %broadcast_in_dim3A_124, %broadcast_in_dim3A_126 : vector<4x72x2048xi1>, vector<4x72x2048xf32>
    %broadcast_in_dim3A_128 = vector.shape_cast %broadcast_in_dim3A : vector<4x1x2048xf32> to vector<4x1x2048xf32>
    %broadcast_in_dim3A_129 = vector.broadcast %broadcast_in_dim3A_128 : vector<4x1x2048xf32> to vector<4x72x2048xf32>
    %select_n3A_130 = arith.select %eq3A_119, %broadcast_in_dim3A_129, %select_n3A_127 : vector<4x72x2048xi1>, vector<4x72x2048xf32>
    %mul3A_131 = arith.mulf %mul3A_107, %select_n3A_130 : vector<4x72x2048xf32>
    %sin3A = math.sin %mul3A_131 : vector<4x72x2048xf32>
    %cos3A = math.cos %mul3A_131 : vector<4x72x2048xf32>
    %select_n3A_132 = arith.select %eq3A_66, %sin3A, %cos3A : vector<4x72x2048xi1>, vector<4x72x2048xf32>
    %mul3A_133 = arith.constant 8.000000e-01 : f32
    %mul3A_134 = vector.broadcast %mul3A_133 : f32 to vector<4x72x2048xf32>
    %mul3A_135 = arith.mulf %mul3A_134, %select_n3A_132 : vector<4x72x2048xf32>
    %get3A_136 = arith.constant 0 : index
    %get3A_137 = arith.constant 0 : index
    %get3A_138 = arith.constant 0 : index
    %get3A_139 = vector.load %arg1[%get3A_136, %get3A_137, %get3A_138] : memref<4x3x2048xf32, #tpu.memory_space<vmem>>, vector<4x3x2048xf32>
    %slice3A_140 = vector.extract_strided_slice %get3A_139 {offsets = [0, 0, 0], sizes = [4, 1, 2048], strides = [1, 1, 1]} : vector<4x3x2048xf32> to vector<4x1x2048xf32>
    %squeeze3A_141 = vector.shape_cast %slice3A_140 : vector<4x1x2048xf32> to vector<4x2048xf32>
    %broadcast_in_dim3A_142 = vector.shape_cast %squeeze3A_141 : vector<4x2048xf32> to vector<4x1x2048xf32>
    %slice3A_143 = vector.extract_strided_slice %get3A_139 {offsets = [0, 1, 0], sizes = [4, 1, 2048], strides = [1, 1, 1]} : vector<4x3x2048xf32> to vector<4x1x2048xf32>
    %squeeze3A_144 = vector.shape_cast %slice3A_143 : vector<4x1x2048xf32> to vector<4x2048xf32>
    %broadcast_in_dim3A_145 = vector.shape_cast %squeeze3A_144 : vector<4x2048xf32> to vector<4x1x2048xf32>
    %slice3A_146 = vector.extract_strided_slice %get3A_139 {offsets = [0, 2, 0], sizes = [4, 1, 2048], strides = [1, 1, 1]} : vector<4x3x2048xf32> to vector<4x1x2048xf32>
    %squeeze3A_147 = vector.shape_cast %slice3A_146 : vector<4x1x2048xf32> to vector<4x2048xf32>
    %broadcast_in_dim3A_148 = vector.shape_cast %squeeze3A_147 : vector<4x2048xf32> to vector<4x1x2048xf32>
    %eq3A_149 = arith.constant 0 : i32
    %eq3A_150 = vector.broadcast %eq3A_149 : i32 to vector<4x72x2048xi32>
    %eq3A_151 = arith.cmpi eq, %select_n3A_97, %eq3A_150 : vector<4x72x2048xi32>
    %eq3A_152 = arith.constant 1 : i32
    %eq3A_153 = vector.broadcast %eq3A_152 : i32 to vector<4x72x2048xi32>
    %eq3A_154 = arith.cmpi eq, %select_n3A_97, %eq3A_153 : vector<4x72x2048xi32>
    %broadcast_in_dim3A_155 = vector.shape_cast %broadcast_in_dim3A_145 : vector<4x1x2048xf32> to vector<4x1x2048xf32>
    %broadcast_in_dim3A_156 = vector.broadcast %broadcast_in_dim3A_155 : vector<4x1x2048xf32> to vector<4x72x2048xf32>
    %broadcast_in_dim3A_157 = vector.shape_cast %broadcast_in_dim3A_148 : vector<4x1x2048xf32> to vector<4x1x2048xf32>
    %broadcast_in_dim3A_158 = vector.broadcast %broadcast_in_dim3A_157 : vector<4x1x2048xf32> to vector<4x72x2048xf32>
    %select_n3A_159 = arith.select %eq3A_154, %broadcast_in_dim3A_156, %broadcast_in_dim3A_158 : vector<4x72x2048xi1>, vector<4x72x2048xf32>
    %broadcast_in_dim3A_160 = vector.shape_cast %broadcast_in_dim3A_142 : vector<4x1x2048xf32> to vector<4x1x2048xf32>
    %broadcast_in_dim3A_161 = vector.broadcast %broadcast_in_dim3A_160 : vector<4x1x2048xf32> to vector<4x72x2048xf32>
    %select_n3A_162 = arith.select %eq3A_151, %broadcast_in_dim3A_161, %select_n3A_159 : vector<4x72x2048xi1>, vector<4x72x2048xf32>
    %mul3A_163 = arith.mulf %mul3A_107, %select_n3A_162 : vector<4x72x2048xf32>
    %sin3A_164 = math.sin %mul3A_163 : vector<4x72x2048xf32>
    %cos3A_165 = math.cos %mul3A_163 : vector<4x72x2048xf32>
    %select_n3A_166 = arith.select %eq3A_66, %sin3A_164, %cos3A_165 : vector<4x72x2048xi1>, vector<4x72x2048xf32>
    %mul3A_167 = arith.constant 2.000000e-01 : f32
    %mul3A_168 = vector.broadcast %mul3A_167 : f32 to vector<4x72x2048xf32>
    %mul3A_169 = arith.mulf %mul3A_168, %select_n3A_166 : vector<4x72x2048xf32>
    %add3A_170 = arith.addf %mul3A_135, %mul3A_169 : vector<4x72x2048xf32>
    %swap3A = arith.constant 0 : index
    %swap3A_171 = arith.constant 0 : index
    %swap3A_172 = arith.constant 0 : index
    %swap3A_173 = vector.load %arg2[%swap3A, %swap3A_171, %swap3A_172] : memref<4x72x2048xf32, #tpu.memory_space<vmem>>, vector<4x72x2048xf32>
    tpu.vector_store %arg2[%swap3A, %swap3A_171, %swap3A_172], %add3A_170 {strides = array<i32>} : memref<4x72x2048xf32, #tpu.memory_space<vmem>>, vector<4x72x2048xf32>,
    return
  }
}

module attributes {stable_mosaic.version = 14 : i64} {
  func.func @_fps_body(%arg0: memref<4x3x1024xf32, #tpu.memory_space<vmem>>, %arg1: memref<4x512xi32, #tpu.memory_space<vmem>>, %arg2: memref<4x1024xf32, #tpu.memory_space<vmem>>) attributes {dimension_semantics = [], scalar_prefetch = 0 : i64, scratch_operands = 1 : i64, tpu.core_type = #tpu.core_type<tc>} {
    %broadcast_in_dim3A = arith.constant 1.000000e+10 : f32
    %broadcast_in_dim3A_0 = vector.broadcast %broadcast_in_dim3A : f32 to vector<4x1024xf32>
    %swap3A = arith.constant 0 : index
    %swap3A_1 = arith.constant 0 : index
    %swap3A_2 = vector.load %arg2[%swap3A, %swap3A_1] : memref<4x1024xf32, #tpu.memory_space<vmem>>, vector<4x1024xf32>
    tpu.vector_store %arg2[%swap3A, %swap3A_1], %broadcast_in_dim3A_0 {strides = array<i32>} : memref<4x1024xf32, #tpu.memory_space<vmem>>, vector<4x1024xf32>,
    %iota3A = tpu.iota {dimensions = array<i32: 1>} : vector<4x1024xi32>
    %iota3A_3 = tpu.iota {dimensions = array<i32: 1>} : vector<4x512xi32>
    %broadcast_in_dim3A_4 = arith.constant 0 : i32
    %broadcast_in_dim3A_5 = vector.broadcast %broadcast_in_dim3A_4 : i32 to vector<4x512xi32>
    %swap3A_6 = arith.constant 0 : index
    %swap3A_7 = arith.constant 0 : index
    %swap3A_8 = vector.load %arg1[%swap3A_6, %swap3A_7] : memref<4x512xi32, #tpu.memory_space<vmem>>, vector<4x512xi32>
    tpu.vector_store %arg1[%swap3A_6, %swap3A_7], %broadcast_in_dim3A_5 {strides = array<i32>} : memref<4x512xi32, #tpu.memory_space<vmem>>, vector<4x512xi32>,
    %broadcast_in_dim3A_9 = arith.constant 0 : i32
    %broadcast_in_dim3A_10 = vector.broadcast %broadcast_in_dim3A_9 : i32 to vector<4x1xi32>
    %scan3A = arith.constant 0 : i32
    %scan3A_11 = arith.constant 512 : i32
    %scan3A_12 = arith.addi %scan3A, %scan3A_11 : i32
    %scan3A_13 = arith.constant 1 : i32
    %scan3A_14 = scf.for %scan3A_16 = %scan3A to %scan3A_12 step %scan3A_13 iter_args(%scan3A_17 = %broadcast_in_dim3A_10) -> (vector<4x1xi32>)  : i32 {
      %eq3A = vector.broadcast %scan3A_16 : i32 to vector<4x512xi32>
      %eq3A_18 = arith.cmpi eq, %iota3A_3, %eq3A : vector<4x512xi32>
      %get3A = arith.constant 0 : index
      %get3A_19 = arith.constant 0 : index
      %get3A_20 = vector.load %arg1[%get3A, %get3A_19] : memref<4x512xi32, #tpu.memory_space<vmem>>, vector<4x512xi32>
      %broadcast_in_dim3A_21 = vector.shape_cast %scan3A_17 : vector<4x1xi32> to vector<4x1xi32>
      %broadcast_in_dim3A_22 = vector.broadcast %broadcast_in_dim3A_21 : vector<4x1xi32> to vector<4x512xi32>
      %select_n3A = arith.select %eq3A_18, %broadcast_in_dim3A_22, %get3A_20 : vector<4x512xi1>, vector<4x512xi32>
      %swap3A_23 = arith.constant 0 : index
      %swap3A_24 = arith.constant 0 : index
      %swap3A_25 = vector.load %arg1[%swap3A_23, %swap3A_24] : memref<4x512xi32, #tpu.memory_space<vmem>>, vector<4x512xi32>
      tpu.vector_store %arg1[%swap3A_23, %swap3A_24], %select_n3A {strides = array<i32>} : memref<4x512xi32, #tpu.memory_space<vmem>>, vector<4x512xi32>,
      %eq3A_26 = vector.broadcast %scan3A_17 : vector<4x1xi32> to vector<4x1024xi32>
      %eq3A_27 = arith.cmpi eq, %iota3A, %eq3A_26 : vector<4x1024xi32>
      %convert_element_type3A = arith.extui %eq3A_27 : vector<4x1024xi1> to vector<4x1024xi32>
      %convert_element_type3A_28 = arith.sitofp %convert_element_type3A : vector<4x1024xi32> to vector<4x1024xf32>
      %broadcast_in_dim3A_29 = arith.constant 0.000000e+00 : f32
      %broadcast_in_dim3A_30 = vector.broadcast %broadcast_in_dim3A_29 : f32 to vector<4x1024xf32>
      %get3A_31 = arith.constant 0 : index
      %get3A_32 = arith.constant 0 : index
      %get3A_33 = arith.constant 0 : index
      %get3A_34 = vector.load %arg0[%get3A_31, %get3A_32, %get3A_33] : memref<4x3x1024xf32, #tpu.memory_space<vmem>>, vector<4x1x1024xf32>
      %get3A_35 = vector.shape_cast %get3A_34 : vector<4x1x1024xf32> to vector<4x1024xf32>
      %mul3A = arith.mulf %get3A_35, %convert_element_type3A_28 : vector<4x1024xf32>
      %reduce_sum3A = arith.constant dense<0.000000e+00> : vector<4xf32>
      %reduce_sum3A_36 = vector.multi_reduction <add>, %mul3A, %reduce_sum3A [1] : vector<4x1024xf32> to vector<4xf32>
      %broadcast_in_dim3A_37 = vector.shape_cast %reduce_sum3A_36 : vector<4xf32> to vector<4x1xf32>
      %sub3A = vector.broadcast %broadcast_in_dim3A_37 : vector<4x1xf32> to vector<4x1024xf32>
      %sub3A_38 = arith.subf %get3A_35, %sub3A : vector<4x1024xf32>
      %integer_pow3A = arith.mulf %sub3A_38, %sub3A_38 : vector<4x1024xf32>
      %add3A = arith.addf %broadcast_in_dim3A_30, %integer_pow3A : vector<4x1024xf32>
      %get3A_39 = arith.constant 0 : index
      %get3A_40 = arith.constant 1 : index
      %get3A_41 = arith.constant 0 : index
      %get3A_42 = vector.load %arg0[%get3A_39, %get3A_40, %get3A_41] : memref<4x3x1024xf32, #tpu.memory_space<vmem>>, vector<4x1x1024xf32>
      %get3A_43 = vector.shape_cast %get3A_42 : vector<4x1x1024xf32> to vector<4x1024xf32>
      %mul3A_44 = arith.mulf %get3A_43, %convert_element_type3A_28 : vector<4x1024xf32>
      %reduce_sum3A_45 = arith.constant dense<0.000000e+00> : vector<4xf32>
      %reduce_sum3A_46 = vector.multi_reduction <add>, %mul3A_44, %reduce_sum3A_45 [1] : vector<4x1024xf32> to vector<4xf32>
      %broadcast_in_dim3A_47 = vector.shape_cast %reduce_sum3A_46 : vector<4xf32> to vector<4x1xf32>
      %sub3A_48 = vector.broadcast %broadcast_in_dim3A_47 : vector<4x1xf32> to vector<4x1024xf32>
      %sub3A_49 = arith.subf %get3A_43, %sub3A_48 : vector<4x1024xf32>
      %integer_pow3A_50 = arith.mulf %sub3A_49, %sub3A_49 : vector<4x1024xf32>
      %add3A_51 = arith.addf %add3A, %integer_pow3A_50 : vector<4x1024xf32>
      %get3A_52 = arith.constant 0 : index
      %get3A_53 = arith.constant 2 : index
      %get3A_54 = arith.constant 0 : index
      %get3A_55 = vector.load %arg0[%get3A_52, %get3A_53, %get3A_54] : memref<4x3x1024xf32, #tpu.memory_space<vmem>>, vector<4x1x1024xf32>
      %get3A_56 = vector.shape_cast %get3A_55 : vector<4x1x1024xf32> to vector<4x1024xf32>
      %mul3A_57 = arith.mulf %get3A_56, %convert_element_type3A_28 : vector<4x1024xf32>
      %reduce_sum3A_58 = arith.constant dense<0.000000e+00> : vector<4xf32>
      %reduce_sum3A_59 = vector.multi_reduction <add>, %mul3A_57, %reduce_sum3A_58 [1] : vector<4x1024xf32> to vector<4xf32>
      %broadcast_in_dim3A_60 = vector.shape_cast %reduce_sum3A_59 : vector<4xf32> to vector<4x1xf32>
      %sub3A_61 = vector.broadcast %broadcast_in_dim3A_60 : vector<4x1xf32> to vector<4x1024xf32>
      %sub3A_62 = arith.subf %get3A_56, %sub3A_61 : vector<4x1024xf32>
      %integer_pow3A_63 = arith.mulf %sub3A_62, %sub3A_62 : vector<4x1024xf32>
      %add3A_64 = arith.addf %add3A_51, %integer_pow3A_63 : vector<4x1024xf32>
      %get3A_65 = arith.constant 0 : index
      %get3A_66 = arith.constant 0 : index
      %get3A_67 = vector.load %arg2[%get3A_65, %get3A_66] : memref<4x1024xf32, #tpu.memory_space<vmem>>, vector<4x1024xf32>
      %min3A = arith.minimumf %get3A_67, %add3A_64 : vector<4x1024xf32>
      %swap3A_68 = arith.constant 0 : index
      %swap3A_69 = arith.constant 0 : index
      %swap3A_70 = vector.load %arg2[%swap3A_68, %swap3A_69] : memref<4x1024xf32, #tpu.memory_space<vmem>>, vector<4x1024xf32>
      tpu.vector_store %arg2[%swap3A_68, %swap3A_69], %min3A {strides = array<i32>} : memref<4x1024xf32, #tpu.memory_space<vmem>>, vector<4x1024xf32>,
      %reduce_max3A = arith.constant dense<0xFF800000> : vector<4xf32>
      %reduce_max3A_71 = vector.multi_reduction <maximumf>, %min3A, %reduce_max3A [1] : vector<4x1024xf32> to vector<4xf32>
      %broadcast_in_dim3A_72 = vector.shape_cast %reduce_max3A_71 : vector<4xf32> to vector<4x1xf32>
      %eq3A_73 = vector.broadcast %broadcast_in_dim3A_72 : vector<4x1xf32> to vector<4x1024xf32>
      %eq3A_74 = arith.cmpf oeq, %min3A, %eq3A_73 : vector<4x1024xf32>
      %jit3A = arith.constant 1024 : i32
      %broadcast_in_dim3A_75 = vector.broadcast %jit3A : i32 to vector<4x1024xi32>
      %select_n3A_76 = arith.select %eq3A_74, %iota3A, %broadcast_in_dim3A_75 : vector<4x1024xi1>, vector<4x1024xi32>
      %reduce_min3A = arith.constant dense<2147483647> : vector<4xi32>
      %reduce_min3A_77 = vector.multi_reduction <minsi>, %select_n3A_76, %reduce_min3A [1] : vector<4x1024xi32> to vector<4xi32>
      %broadcast_in_dim3A_78 = vector.shape_cast %reduce_min3A_77 : vector<4xi32> to vector<4x1xi32>
      scf.yield %broadcast_in_dim3A_78 : vector<4x1xi32>
    }
    %scan3A_15 = arith.constant 512 : i32
    return
  }
}

module attributes {stable_mosaic.version = 14 : i64} {
  func.func @_knn_body(%arg0: i32, %arg1: i32, %arg2: memref<1x3x2048xf32, #tpu.memory_space<vmem>>, %arg3: memref<1x3x256xf32, #tpu.memory_space<vmem>>, %arg4: memref<1x256x64xi32, #tpu.memory_space<vmem>>) attributes {dimension_semantics = [#tpu.dimension_semantics<arbitrary>, #tpu.dimension_semantics<arbitrary>], iteration_bounds = array<i64: 4, 4>, scalar_prefetch = 0 : i64, scratch_operands = 0 : i64, tpu.core_type = #tpu.core_type<tc>, window_params = [{transform_indices = @transform_0, window_bounds = array<i64: 1, 3, 2048>}, {transform_indices = @transform_1, window_bounds = array<i64: 1, 3, 256>}, {transform_indices = @transform_2, window_bounds = array<i64: 1, 256, 64>}]} {
    %broadcast_in_dim3A = arith.constant 0.000000e+00 : f32
    %broadcast_in_dim3A_0 = vector.broadcast %broadcast_in_dim3A : f32 to vector<256x1xf32>
    %broadcast_in_dim3A_1 = arith.constant 0.000000e+00 : f32
    %broadcast_in_dim3A_2 = vector.broadcast %broadcast_in_dim3A_1 : f32 to vector<1x2048xf32>
    %broadcast_in_dim3A_3 = arith.constant 0.000000e+00 : f32
    %broadcast_in_dim3A_4 = vector.broadcast %broadcast_in_dim3A_3 : f32 to vector<256x2048xf32>
    %get3A = arith.constant 0 : index
    %get3A_5 = arith.constant 0 : index
    %get3A_6 = arith.constant 0 : index
    %get3A_7 = vector.load %arg3[%get3A, %get3A_5, %get3A_6] : memref<1x3x256xf32, #tpu.memory_space<vmem>>, vector<1x1x256xf32>
    %get3A_8 = vector.shape_cast %get3A_7 : vector<1x1x256xf32> to vector<256xf32>
    %broadcast_in_dim3A_9 = vector.shape_cast %get3A_8 : vector<256xf32> to vector<256x1xf32>
    %get3A_10 = arith.constant 0 : index
    %get3A_11 = arith.constant 0 : index
    %get3A_12 = arith.constant 0 : index
    %get3A_13 = vector.load %arg2[%get3A_10, %get3A_11, %get3A_12] : memref<1x3x2048xf32, #tpu.memory_space<vmem>>, vector<1x1x2048xf32>
    %get3A_14 = vector.shape_cast %get3A_13 : vector<1x1x2048xf32> to vector<2048xf32>
    %broadcast_in_dim3A_15 = vector.shape_cast %get3A_14 : vector<2048xf32> to vector<1x2048xf32>
    %mul3A = arith.mulf %broadcast_in_dim3A_9, %broadcast_in_dim3A_9 : vector<256x1xf32>
    %add3A = arith.addf %broadcast_in_dim3A_0, %mul3A : vector<256x1xf32>
    %mul3A_16 = arith.mulf %broadcast_in_dim3A_15, %broadcast_in_dim3A_15 : vector<1x2048xf32>
    %add3A_17 = arith.addf %broadcast_in_dim3A_2, %mul3A_16 : vector<1x2048xf32>
    %convert_element_type3A = arith.truncf %broadcast_in_dim3A_9 : vector<256x1xf32> to vector<256x1xbf16>
    %convert_element_type3A_18 = arith.extf %convert_element_type3A : vector<256x1xbf16> to vector<256x1xf32>
    %convert_element_type3A_19 = arith.truncf %broadcast_in_dim3A_15 : vector<1x2048xf32> to vector<1x2048xbf16>
    %convert_element_type3A_20 = arith.extf %convert_element_type3A_19 : vector<1x2048xbf16> to vector<1x2048xf32>
    %mul3A_21 = vector.broadcast %convert_element_type3A_18 : vector<256x1xf32> to vector<256x2048xf32>
    %mul3A_22 = vector.broadcast %convert_element_type3A_20 : vector<1x2048xf32> to vector<256x2048xf32>
    %mul3A_23 = arith.mulf %mul3A_21, %mul3A_22 : vector<256x2048xf32>
    %add3A_24 = arith.addf %broadcast_in_dim3A_4, %mul3A_23 : vector<256x2048xf32>
    %get3A_25 = arith.constant 0 : index
    %get3A_26 = arith.constant 1 : index
    %get3A_27 = arith.constant 0 : index
    %get3A_28 = vector.load %arg3[%get3A_25, %get3A_26, %get3A_27] : memref<1x3x256xf32, #tpu.memory_space<vmem>>, vector<1x1x256xf32>
    %get3A_29 = vector.shape_cast %get3A_28 : vector<1x1x256xf32> to vector<256xf32>
    %broadcast_in_dim3A_30 = vector.shape_cast %get3A_29 : vector<256xf32> to vector<256x1xf32>
    %get3A_31 = arith.constant 0 : index
    %get3A_32 = arith.constant 1 : index
    %get3A_33 = arith.constant 0 : index
    %get3A_34 = vector.load %arg2[%get3A_31, %get3A_32, %get3A_33] : memref<1x3x2048xf32, #tpu.memory_space<vmem>>, vector<1x1x2048xf32>
    %get3A_35 = vector.shape_cast %get3A_34 : vector<1x1x2048xf32> to vector<2048xf32>
    %broadcast_in_dim3A_36 = vector.shape_cast %get3A_35 : vector<2048xf32> to vector<1x2048xf32>
    %mul3A_37 = arith.mulf %broadcast_in_dim3A_30, %broadcast_in_dim3A_30 : vector<256x1xf32>
    %add3A_38 = arith.addf %add3A, %mul3A_37 : vector<256x1xf32>
    %mul3A_39 = arith.mulf %broadcast_in_dim3A_36, %broadcast_in_dim3A_36 : vector<1x2048xf32>
    %add3A_40 = arith.addf %add3A_17, %mul3A_39 : vector<1x2048xf32>
    %convert_element_type3A_41 = arith.truncf %broadcast_in_dim3A_30 : vector<256x1xf32> to vector<256x1xbf16>
    %convert_element_type3A_42 = arith.extf %convert_element_type3A_41 : vector<256x1xbf16> to vector<256x1xf32>
    %convert_element_type3A_43 = arith.truncf %broadcast_in_dim3A_36 : vector<1x2048xf32> to vector<1x2048xbf16>
    %convert_element_type3A_44 = arith.extf %convert_element_type3A_43 : vector<1x2048xbf16> to vector<1x2048xf32>
    %mul3A_45 = vector.broadcast %convert_element_type3A_42 : vector<256x1xf32> to vector<256x2048xf32>
    %mul3A_46 = vector.broadcast %convert_element_type3A_44 : vector<1x2048xf32> to vector<256x2048xf32>
    %mul3A_47 = arith.mulf %mul3A_45, %mul3A_46 : vector<256x2048xf32>
    %add3A_48 = arith.addf %add3A_24, %mul3A_47 : vector<256x2048xf32>
    %get3A_49 = arith.constant 0 : index
    %get3A_50 = arith.constant 2 : index
    %get3A_51 = arith.constant 0 : index
    %get3A_52 = vector.load %arg3[%get3A_49, %get3A_50, %get3A_51] : memref<1x3x256xf32, #tpu.memory_space<vmem>>, vector<1x1x256xf32>
    %get3A_53 = vector.shape_cast %get3A_52 : vector<1x1x256xf32> to vector<256xf32>
    %broadcast_in_dim3A_54 = vector.shape_cast %get3A_53 : vector<256xf32> to vector<256x1xf32>
    %get3A_55 = arith.constant 0 : index
    %get3A_56 = arith.constant 2 : index
    %get3A_57 = arith.constant 0 : index
    %get3A_58 = vector.load %arg2[%get3A_55, %get3A_56, %get3A_57] : memref<1x3x2048xf32, #tpu.memory_space<vmem>>, vector<1x1x2048xf32>
    %get3A_59 = vector.shape_cast %get3A_58 : vector<1x1x2048xf32> to vector<2048xf32>
    %broadcast_in_dim3A_60 = vector.shape_cast %get3A_59 : vector<2048xf32> to vector<1x2048xf32>
    %mul3A_61 = arith.mulf %broadcast_in_dim3A_54, %broadcast_in_dim3A_54 : vector<256x1xf32>
    %add3A_62 = arith.addf %add3A_38, %mul3A_61 : vector<256x1xf32>
    %mul3A_63 = arith.mulf %broadcast_in_dim3A_60, %broadcast_in_dim3A_60 : vector<1x2048xf32>
    %add3A_64 = arith.addf %add3A_40, %mul3A_63 : vector<1x2048xf32>
    %convert_element_type3A_65 = arith.truncf %broadcast_in_dim3A_54 : vector<256x1xf32> to vector<256x1xbf16>
    %convert_element_type3A_66 = arith.extf %convert_element_type3A_65 : vector<256x1xbf16> to vector<256x1xf32>
    %convert_element_type3A_67 = arith.truncf %broadcast_in_dim3A_60 : vector<1x2048xf32> to vector<1x2048xbf16>
    %convert_element_type3A_68 = arith.extf %convert_element_type3A_67 : vector<1x2048xbf16> to vector<1x2048xf32>
    %mul3A_69 = vector.broadcast %convert_element_type3A_66 : vector<256x1xf32> to vector<256x2048xf32>
    %mul3A_70 = vector.broadcast %convert_element_type3A_68 : vector<1x2048xf32> to vector<256x2048xf32>
    %mul3A_71 = arith.mulf %mul3A_69, %mul3A_70 : vector<256x2048xf32>
    %add3A_72 = arith.addf %add3A_48, %mul3A_71 : vector<256x2048xf32>
    %add3A_73 = vector.broadcast %add3A_62 : vector<256x1xf32> to vector<256x2048xf32>
    %add3A_74 = vector.broadcast %add3A_64 : vector<1x2048xf32> to vector<256x2048xf32>
    %add3A_75 = arith.addf %add3A_73, %add3A_74 : vector<256x2048xf32>
    %mul3A_76 = arith.constant 2.000000e+00 : f32
    %mul3A_77 = vector.broadcast %mul3A_76 : f32 to vector<256x2048xf32>
    %mul3A_78 = arith.mulf %mul3A_77, %add3A_72 : vector<256x2048xf32>
    %sub3A = arith.subf %add3A_75, %mul3A_78 : vector<256x2048xf32>
    %iota3A = tpu.iota {dimensions = array<i32: 1>} : vector<256x2048xi32>
    %iota3A_79 = tpu.iota {dimensions = array<i32: 1>} : vector<256x64xi32>
    %broadcast_in_dim3A_80 = arith.constant 0 : i32
    %broadcast_in_dim3A_81 = vector.broadcast %broadcast_in_dim3A_80 : i32 to vector<256x64xi32>
    %reduce_min3A = arith.constant dense<0x7F800000> : vector<256xf32>
    %reduce_min3A_82 = vector.multi_reduction <minimumf>, %sub3A, %reduce_min3A [1] : vector<256x2048xf32> to vector<256xf32>
    %broadcast_in_dim3A_83 = vector.shape_cast %reduce_min3A_82 : vector<256xf32> to vector<256x1xf32>
    %eq3A = vector.broadcast %broadcast_in_dim3A_83 : vector<256x1xf32> to vector<256x2048xf32>
    %eq3A_84 = arith.cmpf oeq, %sub3A, %eq3A : vector<256x2048xf32>
    %jit3A = arith.constant 2048 : i32
    %broadcast_in_dim3A_85 = vector.broadcast %jit3A : i32 to vector<256x2048xi32>
    %select_n3A = arith.select %eq3A_84, %iota3A, %broadcast_in_dim3A_85 : vector<256x2048xi1>, vector<256x2048xi32>
    %reduce_min3A_86 = arith.constant dense<2147483647> : vector<256xi32>
    %reduce_min3A_87 = vector.multi_reduction <minsi>, %select_n3A, %reduce_min3A_86 [1] : vector<256x2048xi32> to vector<256xi32>
    %broadcast_in_dim3A_88 = vector.shape_cast %reduce_min3A_87 : vector<256xi32> to vector<256x1xi32>
    %eq3A_89 = arith.constant 0 : i32
    %eq3A_90 = vector.broadcast %eq3A_89 : i32 to vector<256x64xi32>
    %eq3A_91 = arith.cmpi eq, %iota3A_79, %eq3A_90 : vector<256x64xi32>
    %broadcast_in_dim3A_92 = vector.shape_cast %broadcast_in_dim3A_88 : vector<256x1xi32> to vector<256x1xi32>
    %broadcast_in_dim3A_93 = vector.broadcast %broadcast_in_dim3A_92 : vector<256x1xi32> to vector<256x64xi32>
    %select_n3A_94 = arith.select %eq3A_91, %broadcast_in_dim3A_93, %broadcast_in_dim3A_81 : vector<256x64xi1>, vector<256x64xi32>
    %eq3A_95 = vector.broadcast %broadcast_in_dim3A_88 : vector<256x1xi32> to vector<256x2048xi32>
    %eq3A_96 = arith.cmpi eq, %iota3A, %eq3A_95 : vector<256x2048xi32>
    %jit3A_97 = arith.constant 0x7F800000 : f32
    %broadcast_in_dim3A_98 = vector.broadcast %jit3A_97 : f32 to vector<256x2048xf32>
    %select_n3A_99 = arith.select %eq3A_96, %broadcast_in_dim3A_98, %sub3A : vector<256x2048xi1>, vector<256x2048xf32>
    %reduce_min3A_100 = arith.constant dense<0x7F800000> : vector<256xf32>
    %reduce_min3A_101 = vector.multi_reduction <minimumf>, %select_n3A_99, %reduce_min3A_100 [1] : vector<256x2048xf32> to vector<256xf32>
    %broadcast_in_dim3A_102 = vector.shape_cast %reduce_min3A_101 : vector<256xf32> to vector<256x1xf32>
    %eq3A_103 = vector.broadcast %broadcast_in_dim3A_102 : vector<256x1xf32> to vector<256x2048xf32>
    %eq3A_104 = arith.cmpf oeq, %select_n3A_99, %eq3A_103 : vector<256x2048xf32>
    %jit3A_105 = arith.constant 2048 : i32
    %broadcast_in_dim3A_106 = vector.broadcast %jit3A_105 : i32 to vector<256x2048xi32>
    %select_n3A_107 = arith.select %eq3A_104, %iota3A, %broadcast_in_dim3A_106 : vector<256x2048xi1>, vector<256x2048xi32>
    %reduce_min3A_108 = arith.constant dense<2147483647> : vector<256xi32>
    %reduce_min3A_109 = vector.multi_reduction <minsi>, %select_n3A_107, %reduce_min3A_108 [1] : vector<256x2048xi32> to vector<256xi32>
    %broadcast_in_dim3A_110 = vector.shape_cast %reduce_min3A_109 : vector<256xi32> to vector<256x1xi32>
    %eq3A_111 = arith.constant 1 : i32
    %eq3A_112 = vector.broadcast %eq3A_111 : i32 to vector<256x64xi32>
    %eq3A_113 = arith.cmpi eq, %iota3A_79, %eq3A_112 : vector<256x64xi32>
    %broadcast_in_dim3A_114 = vector.shape_cast %broadcast_in_dim3A_110 : vector<256x1xi32> to vector<256x1xi32>
    %broadcast_in_dim3A_115 = vector.broadcast %broadcast_in_dim3A_114 : vector<256x1xi32> to vector<256x64xi32>
    %select_n3A_116 = arith.select %eq3A_113, %broadcast_in_dim3A_115, %select_n3A_94 : vector<256x64xi1>, vector<256x64xi32>
    %eq3A_117 = vector.broadcast %broadcast_in_dim3A_110 : vector<256x1xi32> to vector<256x2048xi32>
    %eq3A_118 = arith.cmpi eq, %iota3A, %eq3A_117 : vector<256x2048xi32>
    %jit3A_119 = arith.constant 0x7F800000 : f32
    %broadcast_in_dim3A_120 = vector.broadcast %jit3A_119 : f32 to vector<256x2048xf32>
    %select_n3A_121 = arith.select %eq3A_118, %broadcast_in_dim3A_120, %select_n3A_99 : vector<256x2048xi1>, vector<256x2048xf32>
    %reduce_min3A_122 = arith.constant dense<0x7F800000> : vector<256xf32>
    %reduce_min3A_123 = vector.multi_reduction <minimumf>, %select_n3A_121, %reduce_min3A_122 [1] : vector<256x2048xf32> to vector<256xf32>
    %broadcast_in_dim3A_124 = vector.shape_cast %reduce_min3A_123 : vector<256xf32> to vector<256x1xf32>
    %eq3A_125 = vector.broadcast %broadcast_in_dim3A_124 : vector<256x1xf32> to vector<256x2048xf32>
    %eq3A_126 = arith.cmpf oeq, %select_n3A_121, %eq3A_125 : vector<256x2048xf32>
    %jit3A_127 = arith.constant 2048 : i32
    %broadcast_in_dim3A_128 = vector.broadcast %jit3A_127 : i32 to vector<256x2048xi32>
    %select_n3A_129 = arith.select %eq3A_126, %iota3A, %broadcast_in_dim3A_128 : vector<256x2048xi1>, vector<256x2048xi32>
    %reduce_min3A_130 = arith.constant dense<2147483647> : vector<256xi32>
    %reduce_min3A_131 = vector.multi_reduction <minsi>, %select_n3A_129, %reduce_min3A_130 [1] : vector<256x2048xi32> to vector<256xi32>
    %broadcast_in_dim3A_132 = vector.shape_cast %reduce_min3A_131 : vector<256xi32> to vector<256x1xi32>
    %eq3A_133 = arith.constant 2 : i32
    %eq3A_134 = vector.broadcast %eq3A_133 : i32 to vector<256x64xi32>
    %eq3A_135 = arith.cmpi eq, %iota3A_79, %eq3A_134 : vector<256x64xi32>
    %broadcast_in_dim3A_136 = vector.shape_cast %broadcast_in_dim3A_132 : vector<256x1xi32> to vector<256x1xi32>
    %broadcast_in_dim3A_137 = vector.broadcast %broadcast_in_dim3A_136 : vector<256x1xi32> to vector<256x64xi32>
    %select_n3A_138 = arith.select %eq3A_135, %broadcast_in_dim3A_137, %select_n3A_116 : vector<256x64xi1>, vector<256x64xi32>
    %eq3A_139 = vector.broadcast %broadcast_in_dim3A_132 : vector<256x1xi32> to vector<256x2048xi32>
    %eq3A_140 = arith.cmpi eq, %iota3A, %eq3A_139 : vector<256x2048xi32>
    %jit3A_141 = arith.constant 0x7F800000 : f32
    %broadcast_in_dim3A_142 = vector.broadcast %jit3A_141 : f32 to vector<256x2048xf32>
    %select_n3A_143 = arith.select %eq3A_140, %broadcast_in_dim3A_142, %select_n3A_121 : vector<256x2048xi1>, vector<256x2048xf32>
    %reduce_min3A_144 = arith.constant dense<0x7F800000> : vector<256xf32>
    %reduce_min3A_145 = vector.multi_reduction <minimumf>, %select_n3A_143, %reduce_min3A_144 [1] : vector<256x2048xf32> to vector<256xf32>
    %broadcast_in_dim3A_146 = vector.shape_cast %reduce_min3A_145 : vector<256xf32> to vector<256x1xf32>
    %eq3A_147 = vector.broadcast %broadcast_in_dim3A_146 : vector<256x1xf32> to vector<256x2048xf32>
    %eq3A_148 = arith.cmpf oeq, %select_n3A_143, %eq3A_147 : vector<256x2048xf32>
    %jit3A_149 = arith.constant 2048 : i32
    %broadcast_in_dim3A_150 = vector.broadcast %jit3A_149 : i32 to vector<256x2048xi32>
    %select_n3A_151 = arith.select %eq3A_148, %iota3A, %broadcast_in_dim3A_150 : vector<256x2048xi1>, vector<256x2048xi32>
    %reduce_min3A_152 = arith.constant dense<2147483647> : vector<256xi32>
    %reduce_min3A_153 = vector.multi_reduction <minsi>, %select_n3A_151, %reduce_min3A_152 [1] : vector<256x2048xi32> to vector<256xi32>
    %broadcast_in_dim3A_154 = vector.shape_cast %reduce_min3A_153 : vector<256xi32> to vector<256x1xi32>
    %eq3A_155 = arith.constant 3 : i32
    %eq3A_156 = vector.broadcast %eq3A_155 : i32 to vector<256x64xi32>
    %eq3A_157 = arith.cmpi eq, %iota3A_79, %eq3A_156 : vector<256x64xi32>
    %broadcast_in_dim3A_158 = vector.shape_cast %broadcast_in_dim3A_154 : vector<256x1xi32> to vector<256x1xi32>
    %broadcast_in_dim3A_159 = vector.broadcast %broadcast_in_dim3A_158 : vector<256x1xi32> to vector<256x64xi32>
    %select_n3A_160 = arith.select %eq3A_157, %broadcast_in_dim3A_159, %select_n3A_138 : vector<256x64xi1>, vector<256x64xi32>
    %eq3A_161 = vector.broadcast %broadcast_in_dim3A_154 : vector<256x1xi32> to vector<256x2048xi32>
    %eq3A_162 = arith.cmpi eq, %iota3A, %eq3A_161 : vector<256x2048xi32>
    %jit3A_163 = arith.constant 0x7F800000 : f32
    %broadcast_in_dim3A_164 = vector.broadcast %jit3A_163 : f32 to vector<256x2048xf32>
    %select_n3A_165 = arith.select %eq3A_162, %broadcast_in_dim3A_164, %select_n3A_143 : vector<256x2048xi1>, vector<256x2048xf32>
    %reduce_min3A_166 = arith.constant dense<0x7F800000> : vector<256xf32>
    %reduce_min3A_167 = vector.multi_reduction <minimumf>, %select_n3A_165, %reduce_min3A_166 [1] : vector<256x2048xf32> to vector<256xf32>
    %broadcast_in_dim3A_168 = vector.shape_cast %reduce_min3A_167 : vector<256xf32> to vector<256x1xf32>
    %eq3A_169 = vector.broadcast %broadcast_in_dim3A_168 : vector<256x1xf32> to vector<256x2048xf32>
    %eq3A_170 = arith.cmpf oeq, %select_n3A_165, %eq3A_169 : vector<256x2048xf32>
    %jit3A_171 = arith.constant 2048 : i32
    %broadcast_in_dim3A_172 = vector.broadcast %jit3A_171 : i32 to vector<256x2048xi32>
    %select_n3A_173 = arith.select %eq3A_170, %iota3A, %broadcast_in_dim3A_172 : vector<256x2048xi1>, vector<256x2048xi32>
    %reduce_min3A_174 = arith.constant dense<2147483647> : vector<256xi32>
    %reduce_min3A_175 = vector.multi_reduction <minsi>, %select_n3A_173, %reduce_min3A_174 [1] : vector<256x2048xi32> to vector<256xi32>
    %broadcast_in_dim3A_176 = vector.shape_cast %reduce_min3A_175 : vector<256xi32> to vector<256x1xi32>
    %eq3A_177 = arith.constant 4 : i32
    %eq3A_178 = vector.broadcast %eq3A_177 : i32 to vector<256x64xi32>
    %eq3A_179 = arith.cmpi eq, %iota3A_79, %eq3A_178 : vector<256x64xi32>
    %broadcast_in_dim3A_180 = vector.shape_cast %broadcast_in_dim3A_176 : vector<256x1xi32> to vector<256x1xi32>
    %broadcast_in_dim3A_181 = vector.broadcast %broadcast_in_dim3A_180 : vector<256x1xi32> to vector<256x64xi32>
    %select_n3A_182 = arith.select %eq3A_179, %broadcast_in_dim3A_181, %select_n3A_160 : vector<256x64xi1>, vector<256x64xi32>
    %eq3A_183 = vector.broadcast %broadcast_in_dim3A_176 : vector<256x1xi32> to vector<256x2048xi32>
    %eq3A_184 = arith.cmpi eq, %iota3A, %eq3A_183 : vector<256x2048xi32>
    %jit3A_185 = arith.constant 0x7F800000 : f32
    %broadcast_in_dim3A_186 = vector.broadcast %jit3A_185 : f32 to vector<256x2048xf32>
    %select_n3A_187 = arith.select %eq3A_184, %broadcast_in_dim3A_186, %select_n3A_165 : vector<256x2048xi1>, vector<256x2048xf32>
    %reduce_min3A_188 = arith.constant dense<0x7F800000> : vector<256xf32>
    %reduce_min3A_189 = vector.multi_reduction <minimumf>, %select_n3A_187, %reduce_min3A_188 [1] : vector<256x2048xf32> to vector<256xf32>
    %broadcast_in_dim3A_190 = vector.shape_cast %reduce_min3A_189 : vector<256xf32> to vector<256x1xf32>
    %eq3A_191 = vector.broadcast %broadcast_in_dim3A_190 : vector<256x1xf32> to vector<256x2048xf32>
    %eq3A_192 = arith.cmpf oeq, %select_n3A_187, %eq3A_191 : vector<256x2048xf32>
    %jit3A_193 = arith.constant 2048 : i32
    %broadcast_in_dim3A_194 = vector.broadcast %jit3A_193 : i32 to vector<256x2048xi32>
    %select_n3A_195 = arith.select %eq3A_192, %iota3A, %broadcast_in_dim3A_194 : vector<256x2048xi1>, vector<256x2048xi32>
    %reduce_min3A_196 = arith.constant dense<2147483647> : vector<256xi32>
    %reduce_min3A_197 = vector.multi_reduction <minsi>, %select_n3A_195, %reduce_min3A_196 [1] : vector<256x2048xi32> to vector<256xi32>
    %broadcast_in_dim3A_198 = vector.shape_cast %reduce_min3A_197 : vector<256xi32> to vector<256x1xi32>
    %eq3A_199 = arith.constant 5 : i32
    %eq3A_200 = vector.broadcast %eq3A_199 : i32 to vector<256x64xi32>
    %eq3A_201 = arith.cmpi eq, %iota3A_79, %eq3A_200 : vector<256x64xi32>
    %broadcast_in_dim3A_202 = vector.shape_cast %broadcast_in_dim3A_198 : vector<256x1xi32> to vector<256x1xi32>
    %broadcast_in_dim3A_203 = vector.broadcast %broadcast_in_dim3A_202 : vector<256x1xi32> to vector<256x64xi32>
    %select_n3A_204 = arith.select %eq3A_201, %broadcast_in_dim3A_203, %select_n3A_182 : vector<256x64xi1>, vector<256x64xi32>
    %eq3A_205 = vector.broadcast %broadcast_in_dim3A_198 : vector<256x1xi32> to vector<256x2048xi32>
    %eq3A_206 = arith.cmpi eq, %iota3A, %eq3A_205 : vector<256x2048xi32>
    %jit3A_207 = arith.constant 0x7F800000 : f32
    %broadcast_in_dim3A_208 = vector.broadcast %jit3A_207 : f32 to vector<256x2048xf32>
    %select_n3A_209 = arith.select %eq3A_206, %broadcast_in_dim3A_208, %select_n3A_187 : vector<256x2048xi1>, vector<256x2048xf32>
    %reduce_min3A_210 = arith.constant dense<0x7F800000> : vector<256xf32>
    %reduce_min3A_211 = vector.multi_reduction <minimumf>, %select_n3A_209, %reduce_min3A_210 [1] : vector<256x2048xf32> to vector<256xf32>
    %broadcast_in_dim3A_212 = vector.shape_cast %reduce_min3A_211 : vector<256xf32> to vector<256x1xf32>
    %eq3A_213 = vector.broadcast %broadcast_in_dim3A_212 : vector<256x1xf32> to vector<256x2048xf32>
    %eq3A_214 = arith.cmpf oeq, %select_n3A_209, %eq3A_213 : vector<256x2048xf32>
    %jit3A_215 = arith.constant 2048 : i32
    %broadcast_in_dim3A_216 = vector.broadcast %jit3A_215 : i32 to vector<256x2048xi32>
    %select_n3A_217 = arith.select %eq3A_214, %iota3A, %broadcast_in_dim3A_216 : vector<256x2048xi1>, vector<256x2048xi32>
    %reduce_min3A_218 = arith.constant dense<2147483647> : vector<256xi32>
    %reduce_min3A_219 = vector.multi_reduction <minsi>, %select_n3A_217, %reduce_min3A_218 [1] : vector<256x2048xi32> to vector<256xi32>
    %broadcast_in_dim3A_220 = vector.shape_cast %reduce_min3A_219 : vector<256xi32> to vector<256x1xi32>
    %eq3A_221 = arith.constant 6 : i32
    %eq3A_222 = vector.broadcast %eq3A_221 : i32 to vector<256x64xi32>
    %eq3A_223 = arith.cmpi eq, %iota3A_79, %eq3A_222 : vector<256x64xi32>
    %broadcast_in_dim3A_224 = vector.shape_cast %broadcast_in_dim3A_220 : vector<256x1xi32> to vector<256x1xi32>
    %broadcast_in_dim3A_225 = vector.broadcast %broadcast_in_dim3A_224 : vector<256x1xi32> to vector<256x64xi32>
    %select_n3A_226 = arith.select %eq3A_223, %broadcast_in_dim3A_225, %select_n3A_204 : vector<256x64xi1>, vector<256x64xi32>
    %eq3A_227 = vector.broadcast %broadcast_in_dim3A_220 : vector<256x1xi32> to vector<256x2048xi32>
    %eq3A_228 = arith.cmpi eq, %iota3A, %eq3A_227 : vector<256x2048xi32>
    %jit3A_229 = arith.constant 0x7F800000 : f32
    %broadcast_in_dim3A_230 = vector.broadcast %jit3A_229 : f32 to vector<256x2048xf32>
    %select_n3A_231 = arith.select %eq3A_228, %broadcast_in_dim3A_230, %select_n3A_209 : vector<256x2048xi1>, vector<256x2048xf32>
    %reduce_min3A_232 = arith.constant dense<0x7F800000> : vector<256xf32>
    %reduce_min3A_233 = vector.multi_reduction <minimumf>, %select_n3A_231, %reduce_min3A_232 [1] : vector<256x2048xf32> to vector<256xf32>
    %broadcast_in_dim3A_234 = vector.shape_cast %reduce_min3A_233 : vector<256xf32> to vector<256x1xf32>
    %eq3A_235 = vector.broadcast %broadcast_in_dim3A_234 : vector<256x1xf32> to vector<256x2048xf32>
    %eq3A_236 = arith.cmpf oeq, %select_n3A_231, %eq3A_235 : vector<256x2048xf32>
    %jit3A_237 = arith.constant 2048 : i32
    %broadcast_in_dim3A_238 = vector.broadcast %jit3A_237 : i32 to vector<256x2048xi32>
    %select_n3A_239 = arith.select %eq3A_236, %iota3A, %broadcast_in_dim3A_238 : vector<256x2048xi1>, vector<256x2048xi32>
    %reduce_min3A_240 = arith.constant dense<2147483647> : vector<256xi32>
    %reduce_min3A_241 = vector.multi_reduction <minsi>, %select_n3A_239, %reduce_min3A_240 [1] : vector<256x2048xi32> to vector<256xi32>
    %broadcast_in_dim3A_242 = vector.shape_cast %reduce_min3A_241 : vector<256xi32> to vector<256x1xi32>
    %eq3A_243 = arith.constant 7 : i32
    %eq3A_244 = vector.broadcast %eq3A_243 : i32 to vector<256x64xi32>
    %eq3A_245 = arith.cmpi eq, %iota3A_79, %eq3A_244 : vector<256x64xi32>
    %broadcast_in_dim3A_246 = vector.shape_cast %broadcast_in_dim3A_242 : vector<256x1xi32> to vector<256x1xi32>
    %broadcast_in_dim3A_247 = vector.broadcast %broadcast_in_dim3A_246 : vector<256x1xi32> to vector<256x64xi32>
    %select_n3A_248 = arith.select %eq3A_245, %broadcast_in_dim3A_247, %select_n3A_226 : vector<256x64xi1>, vector<256x64xi32>
    %eq3A_249 = vector.broadcast %broadcast_in_dim3A_242 : vector<256x1xi32> to vector<256x2048xi32>
    %eq3A_250 = arith.cmpi eq, %iota3A, %eq3A_249 : vector<256x2048xi32>
    %jit3A_251 = arith.constant 0x7F800000 : f32
    %broadcast_in_dim3A_252 = vector.broadcast %jit3A_251 : f32 to vector<256x2048xf32>
    %select_n3A_253 = arith.select %eq3A_250, %broadcast_in_dim3A_252, %select_n3A_231 : vector<256x2048xi1>, vector<256x2048xf32>
    %reduce_min3A_254 = arith.constant dense<0x7F800000> : vector<256xf32>
    %reduce_min3A_255 = vector.multi_reduction <minimumf>, %select_n3A_253, %reduce_min3A_254 [1] : vector<256x2048xf32> to vector<256xf32>
    %broadcast_in_dim3A_256 = vector.shape_cast %reduce_min3A_255 : vector<256xf32> to vector<256x1xf32>
    %eq3A_257 = vector.broadcast %broadcast_in_dim3A_256 : vector<256x1xf32> to vector<256x2048xf32>
    %eq3A_258 = arith.cmpf oeq, %select_n3A_253, %eq3A_257 : vector<256x2048xf32>
    %jit3A_259 = arith.constant 2048 : i32
    %broadcast_in_dim3A_260 = vector.broadcast %jit3A_259 : i32 to vector<256x2048xi32>
    %select_n3A_261 = arith.select %eq3A_258, %iota3A, %broadcast_in_dim3A_260 : vector<256x2048xi1>, vector<256x2048xi32>
    %reduce_min3A_262 = arith.constant dense<2147483647> : vector<256xi32>
    %reduce_min3A_263 = vector.multi_reduction <minsi>, %select_n3A_261, %reduce_min3A_262 [1] : vector<256x2048xi32> to vector<256xi32>
    %broadcast_in_dim3A_264 = vector.shape_cast %reduce_min3A_263 : vector<256xi32> to vector<256x1xi32>
    %eq3A_265 = arith.constant 8 : i32
    %eq3A_266 = vector.broadcast %eq3A_265 : i32 to vector<256x64xi32>
    %eq3A_267 = arith.cmpi eq, %iota3A_79, %eq3A_266 : vector<256x64xi32>
    %broadcast_in_dim3A_268 = vector.shape_cast %broadcast_in_dim3A_264 : vector<256x1xi32> to vector<256x1xi32>
    %broadcast_in_dim3A_269 = vector.broadcast %broadcast_in_dim3A_268 : vector<256x1xi32> to vector<256x64xi32>
    %select_n3A_270 = arith.select %eq3A_267, %broadcast_in_dim3A_269, %select_n3A_248 : vector<256x64xi1>, vector<256x64xi32>
    %eq3A_271 = vector.broadcast %broadcast_in_dim3A_264 : vector<256x1xi32> to vector<256x2048xi32>
    %eq3A_272 = arith.cmpi eq, %iota3A, %eq3A_271 : vector<256x2048xi32>
    %jit3A_273 = arith.constant 0x7F800000 : f32
    %broadcast_in_dim3A_274 = vector.broadcast %jit3A_273 : f32 to vector<256x2048xf32>
    %select_n3A_275 = arith.select %eq3A_272, %broadcast_in_dim3A_274, %select_n3A_253 : vector<256x2048xi1>, vector<256x2048xf32>
    %reduce_min3A_276 = arith.constant dense<0x7F800000> : vector<256xf32>
    %reduce_min3A_277 = vector.multi_reduction <minimumf>, %select_n3A_275, %reduce_min3A_276 [1] : vector<256x2048xf32> to vector<256xf32>
    %broadcast_in_dim3A_278 = vector.shape_cast %reduce_min3A_277 : vector<256xf32> to vector<256x1xf32>
    %eq3A_279 = vector.broadcast %broadcast_in_dim3A_278 : vector<256x1xf32> to vector<256x2048xf32>
    %eq3A_280 = arith.cmpf oeq, %select_n3A_275, %eq3A_279 : vector<256x2048xf32>
    %jit3A_281 = arith.constant 2048 : i32
    %broadcast_in_dim3A_282 = vector.broadcast %jit3A_281 : i32 to vector<256x2048xi32>
    %select_n3A_283 = arith.select %eq3A_280, %iota3A, %broadcast_in_dim3A_282 : vector<256x2048xi1>, vector<256x2048xi32>
    %reduce_min3A_284 = arith.constant dense<2147483647> : vector<256xi32>
    %reduce_min3A_285 = vector.multi_reduction <minsi>, %select_n3A_283, %reduce_min3A_284 [1] : vector<256x2048xi32> to vector<256xi32>
    %broadcast_in_dim3A_286 = vector.shape_cast %reduce_min3A_285 : vector<256xi32> to vector<256x1xi32>
    %eq3A_287 = arith.constant 9 : i32
    %eq3A_288 = vector.broadcast %eq3A_287 : i32 to vector<256x64xi32>
    %eq3A_289 = arith.cmpi eq, %iota3A_79, %eq3A_288 : vector<256x64xi32>
    %broadcast_in_dim3A_290 = vector.shape_cast %broadcast_in_dim3A_286 : vector<256x1xi32> to vector<256x1xi32>
    %broadcast_in_dim3A_291 = vector.broadcast %broadcast_in_dim3A_290 : vector<256x1xi32> to vector<256x64xi32>
    %select_n3A_292 = arith.select %eq3A_289, %broadcast_in_dim3A_291, %select_n3A_270 : vector<256x64xi1>, vector<256x64xi32>
    %eq3A_293 = vector.broadcast %broadcast_in_dim3A_286 : vector<256x1xi32> to vector<256x2048xi32>
    %eq3A_294 = arith.cmpi eq, %iota3A, %eq3A_293 : vector<256x2048xi32>
    %jit3A_295 = arith.constant 0x7F800000 : f32
    %broadcast_in_dim3A_296 = vector.broadcast %jit3A_295 : f32 to vector<256x2048xf32>
    %select_n3A_297 = arith.select %eq3A_294, %broadcast_in_dim3A_296, %select_n3A_275 : vector<256x2048xi1>, vector<256x2048xf32>
    %reduce_min3A_298 = arith.constant dense<0x7F800000> : vector<256xf32>
    %reduce_min3A_299 = vector.multi_reduction <minimumf>, %select_n3A_297, %reduce_min3A_298 [1] : vector<256x2048xf32> to vector<256xf32>
    %broadcast_in_dim3A_300 = vector.shape_cast %reduce_min3A_299 : vector<256xf32> to vector<256x1xf32>
    %eq3A_301 = vector.broadcast %broadcast_in_dim3A_300 : vector<256x1xf32> to vector<256x2048xf32>
    %eq3A_302 = arith.cmpf oeq, %select_n3A_297, %eq3A_301 : vector<256x2048xf32>
    %jit3A_303 = arith.constant 2048 : i32
    %broadcast_in_dim3A_304 = vector.broadcast %jit3A_303 : i32 to vector<256x2048xi32>
    %select_n3A_305 = arith.select %eq3A_302, %iota3A, %broadcast_in_dim3A_304 : vector<256x2048xi1>, vector<256x2048xi32>
    %reduce_min3A_306 = arith.constant dense<2147483647> : vector<256xi32>
    %reduce_min3A_307 = vector.multi_reduction <minsi>, %select_n3A_305, %reduce_min3A_306 [1] : vector<256x2048xi32> to vector<256xi32>
    %broadcast_in_dim3A_308 = vector.shape_cast %reduce_min3A_307 : vector<256xi32> to vector<256x1xi32>
    %eq3A_309 = arith.constant 10 : i32
    %eq3A_310 = vector.broadcast %eq3A_309 : i32 to vector<256x64xi32>
    %eq3A_311 = arith.cmpi eq, %iota3A_79, %eq3A_310 : vector<256x64xi32>
    %broadcast_in_dim3A_312 = vector.shape_cast %broadcast_in_dim3A_308 : vector<256x1xi32> to vector<256x1xi32>
    %broadcast_in_dim3A_313 = vector.broadcast %broadcast_in_dim3A_312 : vector<256x1xi32> to vector<256x64xi32>
    %select_n3A_314 = arith.select %eq3A_311, %broadcast_in_dim3A_313, %select_n3A_292 : vector<256x64xi1>, vector<256x64xi32>
    %eq3A_315 = vector.broadcast %broadcast_in_dim3A_308 : vector<256x1xi32> to vector<256x2048xi32>
    %eq3A_316 = arith.cmpi eq, %iota3A, %eq3A_315 : vector<256x2048xi32>
    %jit3A_317 = arith.constant 0x7F800000 : f32
    %broadcast_in_dim3A_318 = vector.broadcast %jit3A_317 : f32 to vector<256x2048xf32>
    %select_n3A_319 = arith.select %eq3A_316, %broadcast_in_dim3A_318, %select_n3A_297 : vector<256x2048xi1>, vector<256x2048xf32>
    %reduce_min3A_320 = arith.constant dense<0x7F800000> : vector<256xf32>
    %reduce_min3A_321 = vector.multi_reduction <minimumf>, %select_n3A_319, %reduce_min3A_320 [1] : vector<256x2048xf32> to vector<256xf32>
    %broadcast_in_dim3A_322 = vector.shape_cast %reduce_min3A_321 : vector<256xf32> to vector<256x1xf32>
    %eq3A_323 = vector.broadcast %broadcast_in_dim3A_322 : vector<256x1xf32> to vector<256x2048xf32>
    %eq3A_324 = arith.cmpf oeq, %select_n3A_319, %eq3A_323 : vector<256x2048xf32>
    %jit3A_325 = arith.constant 2048 : i32
    %broadcast_in_dim3A_326 = vector.broadcast %jit3A_325 : i32 to vector<256x2048xi32>
    %select_n3A_327 = arith.select %eq3A_324, %iota3A, %broadcast_in_dim3A_326 : vector<256x2048xi1>, vector<256x2048xi32>
    %reduce_min3A_328 = arith.constant dense<2147483647> : vector<256xi32>
    %reduce_min3A_329 = vector.multi_reduction <minsi>, %select_n3A_327, %reduce_min3A_328 [1] : vector<256x2048xi32> to vector<256xi32>
    %broadcast_in_dim3A_330 = vector.shape_cast %reduce_min3A_329 : vector<256xi32> to vector<256x1xi32>
    %eq3A_331 = arith.constant 11 : i32
    %eq3A_332 = vector.broadcast %eq3A_331 : i32 to vector<256x64xi32>
    %eq3A_333 = arith.cmpi eq, %iota3A_79, %eq3A_332 : vector<256x64xi32>
    %broadcast_in_dim3A_334 = vector.shape_cast %broadcast_in_dim3A_330 : vector<256x1xi32> to vector<256x1xi32>
    %broadcast_in_dim3A_335 = vector.broadcast %broadcast_in_dim3A_334 : vector<256x1xi32> to vector<256x64xi32>
    %select_n3A_336 = arith.select %eq3A_333, %broadcast_in_dim3A_335, %select_n3A_314 : vector<256x64xi1>, vector<256x64xi32>
    %eq3A_337 = vector.broadcast %broadcast_in_dim3A_330 : vector<256x1xi32> to vector<256x2048xi32>
    %eq3A_338 = arith.cmpi eq, %iota3A, %eq3A_337 : vector<256x2048xi32>
    %jit3A_339 = arith.constant 0x7F800000 : f32
    %broadcast_in_dim3A_340 = vector.broadcast %jit3A_339 : f32 to vector<256x2048xf32>
    %select_n3A_341 = arith.select %eq3A_338, %broadcast_in_dim3A_340, %select_n3A_319 : vector<256x2048xi1>, vector<256x2048xf32>
    %reduce_min3A_342 = arith.constant dense<0x7F800000> : vector<256xf32>
    %reduce_min3A_343 = vector.multi_reduction <minimumf>, %select_n3A_341, %reduce_min3A_342 [1] : vector<256x2048xf32> to vector<256xf32>
    %broadcast_in_dim3A_344 = vector.shape_cast %reduce_min3A_343 : vector<256xf32> to vector<256x1xf32>
    %eq3A_345 = vector.broadcast %broadcast_in_dim3A_344 : vector<256x1xf32> to vector<256x2048xf32>
    %eq3A_346 = arith.cmpf oeq, %select_n3A_341, %eq3A_345 : vector<256x2048xf32>
    %jit3A_347 = arith.constant 2048 : i32
    %broadcast_in_dim3A_348 = vector.broadcast %jit3A_347 : i32 to vector<256x2048xi32>
    %select_n3A_349 = arith.select %eq3A_346, %iota3A, %broadcast_in_dim3A_348 : vector<256x2048xi1>, vector<256x2048xi32>
    %reduce_min3A_350 = arith.constant dense<2147483647> : vector<256xi32>
    %reduce_min3A_351 = vector.multi_reduction <minsi>, %select_n3A_349, %reduce_min3A_350 [1] : vector<256x2048xi32> to vector<256xi32>
    %broadcast_in_dim3A_352 = vector.shape_cast %reduce_min3A_351 : vector<256xi32> to vector<256x1xi32>
    %eq3A_353 = arith.constant 12 : i32
    %eq3A_354 = vector.broadcast %eq3A_353 : i32 to vector<256x64xi32>
    %eq3A_355 = arith.cmpi eq, %iota3A_79, %eq3A_354 : vector<256x64xi32>
    %broadcast_in_dim3A_356 = vector.shape_cast %broadcast_in_dim3A_352 : vector<256x1xi32> to vector<256x1xi32>
    %broadcast_in_dim3A_357 = vector.broadcast %broadcast_in_dim3A_356 : vector<256x1xi32> to vector<256x64xi32>
    %select_n3A_358 = arith.select %eq3A_355, %broadcast_in_dim3A_357, %select_n3A_336 : vector<256x64xi1>, vector<256x64xi32>
    %eq3A_359 = vector.broadcast %broadcast_in_dim3A_352 : vector<256x1xi32> to vector<256x2048xi32>
    %eq3A_360 = arith.cmpi eq, %iota3A, %eq3A_359 : vector<256x2048xi32>
    %jit3A_361 = arith.constant 0x7F800000 : f32
    %broadcast_in_dim3A_362 = vector.broadcast %jit3A_361 : f32 to vector<256x2048xf32>
    %select_n3A_363 = arith.select %eq3A_360, %broadcast_in_dim3A_362, %select_n3A_341 : vector<256x2048xi1>, vector<256x2048xf32>
    %reduce_min3A_364 = arith.constant dense<0x7F800000> : vector<256xf32>
    %reduce_min3A_365 = vector.multi_reduction <minimumf>, %select_n3A_363, %reduce_min3A_364 [1] : vector<256x2048xf32> to vector<256xf32>
    %broadcast_in_dim3A_366 = vector.shape_cast %reduce_min3A_365 : vector<256xf32> to vector<256x1xf32>
    %eq3A_367 = vector.broadcast %broadcast_in_dim3A_366 : vector<256x1xf32> to vector<256x2048xf32>
    %eq3A_368 = arith.cmpf oeq, %select_n3A_363, %eq3A_367 : vector<256x2048xf32>
    %jit3A_369 = arith.constant 2048 : i32
    %broadcast_in_dim3A_370 = vector.broadcast %jit3A_369 : i32 to vector<256x2048xi32>
    %select_n3A_371 = arith.select %eq3A_368, %iota3A, %broadcast_in_dim3A_370 : vector<256x2048xi1>, vector<256x2048xi32>
    %reduce_min3A_372 = arith.constant dense<2147483647> : vector<256xi32>
    %reduce_min3A_373 = vector.multi_reduction <minsi>, %select_n3A_371, %reduce_min3A_372 [1] : vector<256x2048xi32> to vector<256xi32>
    %broadcast_in_dim3A_374 = vector.shape_cast %reduce_min3A_373 : vector<256xi32> to vector<256x1xi32>
    %eq3A_375 = arith.constant 13 : i32
    %eq3A_376 = vector.broadcast %eq3A_375 : i32 to vector<256x64xi32>
    %eq3A_377 = arith.cmpi eq, %iota3A_79, %eq3A_376 : vector<256x64xi32>
    %broadcast_in_dim3A_378 = vector.shape_cast %broadcast_in_dim3A_374 : vector<256x1xi32> to vector<256x1xi32>
    %broadcast_in_dim3A_379 = vector.broadcast %broadcast_in_dim3A_378 : vector<256x1xi32> to vector<256x64xi32>
    %select_n3A_380 = arith.select %eq3A_377, %broadcast_in_dim3A_379, %select_n3A_358 : vector<256x64xi1>, vector<256x64xi32>
    %eq3A_381 = vector.broadcast %broadcast_in_dim3A_374 : vector<256x1xi32> to vector<256x2048xi32>
    %eq3A_382 = arith.cmpi eq, %iota3A, %eq3A_381 : vector<256x2048xi32>
    %jit3A_383 = arith.constant 0x7F800000 : f32
    %broadcast_in_dim3A_384 = vector.broadcast %jit3A_383 : f32 to vector<256x2048xf32>
    %select_n3A_385 = arith.select %eq3A_382, %broadcast_in_dim3A_384, %select_n3A_363 : vector<256x2048xi1>, vector<256x2048xf32>
    %reduce_min3A_386 = arith.constant dense<0x7F800000> : vector<256xf32>
    %reduce_min3A_387 = vector.multi_reduction <minimumf>, %select_n3A_385, %reduce_min3A_386 [1] : vector<256x2048xf32> to vector<256xf32>
    %broadcast_in_dim3A_388 = vector.shape_cast %reduce_min3A_387 : vector<256xf32> to vector<256x1xf32>
    %eq3A_389 = vector.broadcast %broadcast_in_dim3A_388 : vector<256x1xf32> to vector<256x2048xf32>
    %eq3A_390 = arith.cmpf oeq, %select_n3A_385, %eq3A_389 : vector<256x2048xf32>
    %jit3A_391 = arith.constant 2048 : i32
    %broadcast_in_dim3A_392 = vector.broadcast %jit3A_391 : i32 to vector<256x2048xi32>
    %select_n3A_393 = arith.select %eq3A_390, %iota3A, %broadcast_in_dim3A_392 : vector<256x2048xi1>, vector<256x2048xi32>
    %reduce_min3A_394 = arith.constant dense<2147483647> : vector<256xi32>
    %reduce_min3A_395 = vector.multi_reduction <minsi>, %select_n3A_393, %reduce_min3A_394 [1] : vector<256x2048xi32> to vector<256xi32>
    %broadcast_in_dim3A_396 = vector.shape_cast %reduce_min3A_395 : vector<256xi32> to vector<256x1xi32>
    %eq3A_397 = arith.constant 14 : i32
    %eq3A_398 = vector.broadcast %eq3A_397 : i32 to vector<256x64xi32>
    %eq3A_399 = arith.cmpi eq, %iota3A_79, %eq3A_398 : vector<256x64xi32>
    %broadcast_in_dim3A_400 = vector.shape_cast %broadcast_in_dim3A_396 : vector<256x1xi32> to vector<256x1xi32>
    %broadcast_in_dim3A_401 = vector.broadcast %broadcast_in_dim3A_400 : vector<256x1xi32> to vector<256x64xi32>
    %select_n3A_402 = arith.select %eq3A_399, %broadcast_in_dim3A_401, %select_n3A_380 : vector<256x64xi1>, vector<256x64xi32>
    %eq3A_403 = vector.broadcast %broadcast_in_dim3A_396 : vector<256x1xi32> to vector<256x2048xi32>
    %eq3A_404 = arith.cmpi eq, %iota3A, %eq3A_403 : vector<256x2048xi32>
    %jit3A_405 = arith.constant 0x7F800000 : f32
    %broadcast_in_dim3A_406 = vector.broadcast %jit3A_405 : f32 to vector<256x2048xf32>
    %select_n3A_407 = arith.select %eq3A_404, %broadcast_in_dim3A_406, %select_n3A_385 : vector<256x2048xi1>, vector<256x2048xf32>
    %reduce_min3A_408 = arith.constant dense<0x7F800000> : vector<256xf32>
    %reduce_min3A_409 = vector.multi_reduction <minimumf>, %select_n3A_407, %reduce_min3A_408 [1] : vector<256x2048xf32> to vector<256xf32>
    %broadcast_in_dim3A_410 = vector.shape_cast %reduce_min3A_409 : vector<256xf32> to vector<256x1xf32>
    %eq3A_411 = vector.broadcast %broadcast_in_dim3A_410 : vector<256x1xf32> to vector<256x2048xf32>
    %eq3A_412 = arith.cmpf oeq, %select_n3A_407, %eq3A_411 : vector<256x2048xf32>
    %jit3A_413 = arith.constant 2048 : i32
    %broadcast_in_dim3A_414 = vector.broadcast %jit3A_413 : i32 to vector<256x2048xi32>
    %select_n3A_415 = arith.select %eq3A_412, %iota3A, %broadcast_in_dim3A_414 : vector<256x2048xi1>, vector<256x2048xi32>
    %reduce_min3A_416 = arith.constant dense<2147483647> : vector<256xi32>
    %reduce_min3A_417 = vector.multi_reduction <minsi>, %select_n3A_415, %reduce_min3A_416 [1] : vector<256x2048xi32> to vector<256xi32>
    %broadcast_in_dim3A_418 = vector.shape_cast %reduce_min3A_417 : vector<256xi32> to vector<256x1xi32>
    %eq3A_419 = arith.constant 15 : i32
    %eq3A_420 = vector.broadcast %eq3A_419 : i32 to vector<256x64xi32>
    %eq3A_421 = arith.cmpi eq, %iota3A_79, %eq3A_420 : vector<256x64xi32>
    %broadcast_in_dim3A_422 = vector.shape_cast %broadcast_in_dim3A_418 : vector<256x1xi32> to vector<256x1xi32>
    %broadcast_in_dim3A_423 = vector.broadcast %broadcast_in_dim3A_422 : vector<256x1xi32> to vector<256x64xi32>
    %select_n3A_424 = arith.select %eq3A_421, %broadcast_in_dim3A_423, %select_n3A_402 : vector<256x64xi1>, vector<256x64xi32>
    %eq3A_425 = vector.broadcast %broadcast_in_dim3A_418 : vector<256x1xi32> to vector<256x2048xi32>
    %eq3A_426 = arith.cmpi eq, %iota3A, %eq3A_425 : vector<256x2048xi32>
    %jit3A_427 = arith.constant 0x7F800000 : f32
    %broadcast_in_dim3A_428 = vector.broadcast %jit3A_427 : f32 to vector<256x2048xf32>
    %select_n3A_429 = arith.select %eq3A_426, %broadcast_in_dim3A_428, %select_n3A_407 : vector<256x2048xi1>, vector<256x2048xf32>
    %reduce_min3A_430 = arith.constant dense<0x7F800000> : vector<256xf32>
    %reduce_min3A_431 = vector.multi_reduction <minimumf>, %select_n3A_429, %reduce_min3A_430 [1] : vector<256x2048xf32> to vector<256xf32>
    %broadcast_in_dim3A_432 = vector.shape_cast %reduce_min3A_431 : vector<256xf32> to vector<256x1xf32>
    %eq3A_433 = vector.broadcast %broadcast_in_dim3A_432 : vector<256x1xf32> to vector<256x2048xf32>
    %eq3A_434 = arith.cmpf oeq, %select_n3A_429, %eq3A_433 : vector<256x2048xf32>
    %jit3A_435 = arith.constant 2048 : i32
    %broadcast_in_dim3A_436 = vector.broadcast %jit3A_435 : i32 to vector<256x2048xi32>
    %select_n3A_437 = arith.select %eq3A_434, %iota3A, %broadcast_in_dim3A_436 : vector<256x2048xi1>, vector<256x2048xi32>
    %reduce_min3A_438 = arith.constant dense<2147483647> : vector<256xi32>
    %reduce_min3A_439 = vector.multi_reduction <minsi>, %select_n3A_437, %reduce_min3A_438 [1] : vector<256x2048xi32> to vector<256xi32>
    %broadcast_in_dim3A_440 = vector.shape_cast %reduce_min3A_439 : vector<256xi32> to vector<256x1xi32>
    %eq3A_441 = arith.constant 16 : i32
    %eq3A_442 = vector.broadcast %eq3A_441 : i32 to vector<256x64xi32>
    %eq3A_443 = arith.cmpi eq, %iota3A_79, %eq3A_442 : vector<256x64xi32>
    %broadcast_in_dim3A_444 = vector.shape_cast %broadcast_in_dim3A_440 : vector<256x1xi32> to vector<256x1xi32>
    %broadcast_in_dim3A_445 = vector.broadcast %broadcast_in_dim3A_444 : vector<256x1xi32> to vector<256x64xi32>
    %select_n3A_446 = arith.select %eq3A_443, %broadcast_in_dim3A_445, %select_n3A_424 : vector<256x64xi1>, vector<256x64xi32>
    %eq3A_447 = vector.broadcast %broadcast_in_dim3A_440 : vector<256x1xi32> to vector<256x2048xi32>
    %eq3A_448 = arith.cmpi eq, %iota3A, %eq3A_447 : vector<256x2048xi32>
    %jit3A_449 = arith.constant 0x7F800000 : f32
    %broadcast_in_dim3A_450 = vector.broadcast %jit3A_449 : f32 to vector<256x2048xf32>
    %select_n3A_451 = arith.select %eq3A_448, %broadcast_in_dim3A_450, %select_n3A_429 : vector<256x2048xi1>, vector<256x2048xf32>
    %reduce_min3A_452 = arith.constant dense<0x7F800000> : vector<256xf32>
    %reduce_min3A_453 = vector.multi_reduction <minimumf>, %select_n3A_451, %reduce_min3A_452 [1] : vector<256x2048xf32> to vector<256xf32>
    %broadcast_in_dim3A_454 = vector.shape_cast %reduce_min3A_453 : vector<256xf32> to vector<256x1xf32>
    %eq3A_455 = vector.broadcast %broadcast_in_dim3A_454 : vector<256x1xf32> to vector<256x2048xf32>
    %eq3A_456 = arith.cmpf oeq, %select_n3A_451, %eq3A_455 : vector<256x2048xf32>
    %jit3A_457 = arith.constant 2048 : i32
    %broadcast_in_dim3A_458 = vector.broadcast %jit3A_457 : i32 to vector<256x2048xi32>
    %select_n3A_459 = arith.select %eq3A_456, %iota3A, %broadcast_in_dim3A_458 : vector<256x2048xi1>, vector<256x2048xi32>
    %reduce_min3A_460 = arith.constant dense<2147483647> : vector<256xi32>
    %reduce_min3A_461 = vector.multi_reduction <minsi>, %select_n3A_459, %reduce_min3A_460 [1] : vector<256x2048xi32> to vector<256xi32>
    %broadcast_in_dim3A_462 = vector.shape_cast %reduce_min3A_461 : vector<256xi32> to vector<256x1xi32>
    %eq3A_463 = arith.constant 17 : i32
    %eq3A_464 = vector.broadcast %eq3A_463 : i32 to vector<256x64xi32>
    %eq3A_465 = arith.cmpi eq, %iota3A_79, %eq3A_464 : vector<256x64xi32>
    %broadcast_in_dim3A_466 = vector.shape_cast %broadcast_in_dim3A_462 : vector<256x1xi32> to vector<256x1xi32>
    %broadcast_in_dim3A_467 = vector.broadcast %broadcast_in_dim3A_466 : vector<256x1xi32> to vector<256x64xi32>
    %select_n3A_468 = arith.select %eq3A_465, %broadcast_in_dim3A_467, %select_n3A_446 : vector<256x64xi1>, vector<256x64xi32>
    %eq3A_469 = vector.broadcast %broadcast_in_dim3A_462 : vector<256x1xi32> to vector<256x2048xi32>
    %eq3A_470 = arith.cmpi eq, %iota3A, %eq3A_469 : vector<256x2048xi32>
    %jit3A_471 = arith.constant 0x7F800000 : f32
    %broadcast_in_dim3A_472 = vector.broadcast %jit3A_471 : f32 to vector<256x2048xf32>
    %select_n3A_473 = arith.select %eq3A_470, %broadcast_in_dim3A_472, %select_n3A_451 : vector<256x2048xi1>, vector<256x2048xf32>
    %reduce_min3A_474 = arith.constant dense<0x7F800000> : vector<256xf32>
    %reduce_min3A_475 = vector.multi_reduction <minimumf>, %select_n3A_473, %reduce_min3A_474 [1] : vector<256x2048xf32> to vector<256xf32>
    %broadcast_in_dim3A_476 = vector.shape_cast %reduce_min3A_475 : vector<256xf32> to vector<256x1xf32>
    %eq3A_477 = vector.broadcast %broadcast_in_dim3A_476 : vector<256x1xf32> to vector<256x2048xf32>
    %eq3A_478 = arith.cmpf oeq, %select_n3A_473, %eq3A_477 : vector<256x2048xf32>
    %jit3A_479 = arith.constant 2048 : i32
    %broadcast_in_dim3A_480 = vector.broadcast %jit3A_479 : i32 to vector<256x2048xi32>
    %select_n3A_481 = arith.select %eq3A_478, %iota3A, %broadcast_in_dim3A_480 : vector<256x2048xi1>, vector<256x2048xi32>
    %reduce_min3A_482 = arith.constant dense<2147483647> : vector<256xi32>
    %reduce_min3A_483 = vector.multi_reduction <minsi>, %select_n3A_481, %reduce_min3A_482 [1] : vector<256x2048xi32> to vector<256xi32>
    %broadcast_in_dim3A_484 = vector.shape_cast %reduce_min3A_483 : vector<256xi32> to vector<256x1xi32>
    %eq3A_485 = arith.constant 18 : i32
    %eq3A_486 = vector.broadcast %eq3A_485 : i32 to vector<256x64xi32>
    %eq3A_487 = arith.cmpi eq, %iota3A_79, %eq3A_486 : vector<256x64xi32>
    %broadcast_in_dim3A_488 = vector.shape_cast %broadcast_in_dim3A_484 : vector<256x1xi32> to vector<256x1xi32>
    %broadcast_in_dim3A_489 = vector.broadcast %broadcast_in_dim3A_488 : vector<256x1xi32> to vector<256x64xi32>
    %select_n3A_490 = arith.select %eq3A_487, %broadcast_in_dim3A_489, %select_n3A_468 : vector<256x64xi1>, vector<256x64xi32>
    %eq3A_491 = vector.broadcast %broadcast_in_dim3A_484 : vector<256x1xi32> to vector<256x2048xi32>
    %eq3A_492 = arith.cmpi eq, %iota3A, %eq3A_491 : vector<256x2048xi32>
    %jit3A_493 = arith.constant 0x7F800000 : f32
    %broadcast_in_dim3A_494 = vector.broadcast %jit3A_493 : f32 to vector<256x2048xf32>
    %select_n3A_495 = arith.select %eq3A_492, %broadcast_in_dim3A_494, %select_n3A_473 : vector<256x2048xi1>, vector<256x2048xf32>
    %reduce_min3A_496 = arith.constant dense<0x7F800000> : vector<256xf32>
    %reduce_min3A_497 = vector.multi_reduction <minimumf>, %select_n3A_495, %reduce_min3A_496 [1] : vector<256x2048xf32> to vector<256xf32>
    %broadcast_in_dim3A_498 = vector.shape_cast %reduce_min3A_497 : vector<256xf32> to vector<256x1xf32>
    %eq3A_499 = vector.broadcast %broadcast_in_dim3A_498 : vector<256x1xf32> to vector<256x2048xf32>
    %eq3A_500 = arith.cmpf oeq, %select_n3A_495, %eq3A_499 : vector<256x2048xf32>
    %jit3A_501 = arith.constant 2048 : i32
    %broadcast_in_dim3A_502 = vector.broadcast %jit3A_501 : i32 to vector<256x2048xi32>
    %select_n3A_503 = arith.select %eq3A_500, %iota3A, %broadcast_in_dim3A_502 : vector<256x2048xi1>, vector<256x2048xi32>
    %reduce_min3A_504 = arith.constant dense<2147483647> : vector<256xi32>
    %reduce_min3A_505 = vector.multi_reduction <minsi>, %select_n3A_503, %reduce_min3A_504 [1] : vector<256x2048xi32> to vector<256xi32>
    %broadcast_in_dim3A_506 = vector.shape_cast %reduce_min3A_505 : vector<256xi32> to vector<256x1xi32>
    %eq3A_507 = arith.constant 19 : i32
    %eq3A_508 = vector.broadcast %eq3A_507 : i32 to vector<256x64xi32>
    %eq3A_509 = arith.cmpi eq, %iota3A_79, %eq3A_508 : vector<256x64xi32>
    %broadcast_in_dim3A_510 = vector.shape_cast %broadcast_in_dim3A_506 : vector<256x1xi32> to vector<256x1xi32>
    %broadcast_in_dim3A_511 = vector.broadcast %broadcast_in_dim3A_510 : vector<256x1xi32> to vector<256x64xi32>
    %select_n3A_512 = arith.select %eq3A_509, %broadcast_in_dim3A_511, %select_n3A_490 : vector<256x64xi1>, vector<256x64xi32>
    %eq3A_513 = vector.broadcast %broadcast_in_dim3A_506 : vector<256x1xi32> to vector<256x2048xi32>
    %eq3A_514 = arith.cmpi eq, %iota3A, %eq3A_513 : vector<256x2048xi32>
    %jit3A_515 = arith.constant 0x7F800000 : f32
    %broadcast_in_dim3A_516 = vector.broadcast %jit3A_515 : f32 to vector<256x2048xf32>
    %select_n3A_517 = arith.select %eq3A_514, %broadcast_in_dim3A_516, %select_n3A_495 : vector<256x2048xi1>, vector<256x2048xf32>
    %reduce_min3A_518 = arith.constant dense<0x7F800000> : vector<256xf32>
    %reduce_min3A_519 = vector.multi_reduction <minimumf>, %select_n3A_517, %reduce_min3A_518 [1] : vector<256x2048xf32> to vector<256xf32>
    %broadcast_in_dim3A_520 = vector.shape_cast %reduce_min3A_519 : vector<256xf32> to vector<256x1xf32>
    %eq3A_521 = vector.broadcast %broadcast_in_dim3A_520 : vector<256x1xf32> to vector<256x2048xf32>
    %eq3A_522 = arith.cmpf oeq, %select_n3A_517, %eq3A_521 : vector<256x2048xf32>
    %jit3A_523 = arith.constant 2048 : i32
    %broadcast_in_dim3A_524 = vector.broadcast %jit3A_523 : i32 to vector<256x2048xi32>
    %select_n3A_525 = arith.select %eq3A_522, %iota3A, %broadcast_in_dim3A_524 : vector<256x2048xi1>, vector<256x2048xi32>
    %reduce_min3A_526 = arith.constant dense<2147483647> : vector<256xi32>
    %reduce_min3A_527 = vector.multi_reduction <minsi>, %select_n3A_525, %reduce_min3A_526 [1] : vector<256x2048xi32> to vector<256xi32>
    %broadcast_in_dim3A_528 = vector.shape_cast %reduce_min3A_527 : vector<256xi32> to vector<256x1xi32>
    %eq3A_529 = arith.constant 20 : i32
    %eq3A_530 = vector.broadcast %eq3A_529 : i32 to vector<256x64xi32>
    %eq3A_531 = arith.cmpi eq, %iota3A_79, %eq3A_530 : vector<256x64xi32>
    %broadcast_in_dim3A_532 = vector.shape_cast %broadcast_in_dim3A_528 : vector<256x1xi32> to vector<256x1xi32>
    %broadcast_in_dim3A_533 = vector.broadcast %broadcast_in_dim3A_532 : vector<256x1xi32> to vector<256x64xi32>
    %select_n3A_534 = arith.select %eq3A_531, %broadcast_in_dim3A_533, %select_n3A_512 : vector<256x64xi1>, vector<256x64xi32>
    %eq3A_535 = vector.broadcast %broadcast_in_dim3A_528 : vector<256x1xi32> to vector<256x2048xi32>
    %eq3A_536 = arith.cmpi eq, %iota3A, %eq3A_535 : vector<256x2048xi32>
    %jit3A_537 = arith.constant 0x7F800000 : f32
    %broadcast_in_dim3A_538 = vector.broadcast %jit3A_537 : f32 to vector<256x2048xf32>
    %select_n3A_539 = arith.select %eq3A_536, %broadcast_in_dim3A_538, %select_n3A_517 : vector<256x2048xi1>, vector<256x2048xf32>
    %reduce_min3A_540 = arith.constant dense<0x7F800000> : vector<256xf32>
    %reduce_min3A_541 = vector.multi_reduction <minimumf>, %select_n3A_539, %reduce_min3A_540 [1] : vector<256x2048xf32> to vector<256xf32>
    %broadcast_in_dim3A_542 = vector.shape_cast %reduce_min3A_541 : vector<256xf32> to vector<256x1xf32>
    %eq3A_543 = vector.broadcast %broadcast_in_dim3A_542 : vector<256x1xf32> to vector<256x2048xf32>
    %eq3A_544 = arith.cmpf oeq, %select_n3A_539, %eq3A_543 : vector<256x2048xf32>
    %jit3A_545 = arith.constant 2048 : i32
    %broadcast_in_dim3A_546 = vector.broadcast %jit3A_545 : i32 to vector<256x2048xi32>
    %select_n3A_547 = arith.select %eq3A_544, %iota3A, %broadcast_in_dim3A_546 : vector<256x2048xi1>, vector<256x2048xi32>
    %reduce_min3A_548 = arith.constant dense<2147483647> : vector<256xi32>
    %reduce_min3A_549 = vector.multi_reduction <minsi>, %select_n3A_547, %reduce_min3A_548 [1] : vector<256x2048xi32> to vector<256xi32>
    %broadcast_in_dim3A_550 = vector.shape_cast %reduce_min3A_549 : vector<256xi32> to vector<256x1xi32>
    %eq3A_551 = arith.constant 21 : i32
    %eq3A_552 = vector.broadcast %eq3A_551 : i32 to vector<256x64xi32>
    %eq3A_553 = arith.cmpi eq, %iota3A_79, %eq3A_552 : vector<256x64xi32>
    %broadcast_in_dim3A_554 = vector.shape_cast %broadcast_in_dim3A_550 : vector<256x1xi32> to vector<256x1xi32>
    %broadcast_in_dim3A_555 = vector.broadcast %broadcast_in_dim3A_554 : vector<256x1xi32> to vector<256x64xi32>
    %select_n3A_556 = arith.select %eq3A_553, %broadcast_in_dim3A_555, %select_n3A_534 : vector<256x64xi1>, vector<256x64xi32>
    %eq3A_557 = vector.broadcast %broadcast_in_dim3A_550 : vector<256x1xi32> to vector<256x2048xi32>
    %eq3A_558 = arith.cmpi eq, %iota3A, %eq3A_557 : vector<256x2048xi32>
    %jit3A_559 = arith.constant 0x7F800000 : f32
    %broadcast_in_dim3A_560 = vector.broadcast %jit3A_559 : f32 to vector<256x2048xf32>
    %select_n3A_561 = arith.select %eq3A_558, %broadcast_in_dim3A_560, %select_n3A_539 : vector<256x2048xi1>, vector<256x2048xf32>
    %reduce_min3A_562 = arith.constant dense<0x7F800000> : vector<256xf32>
    %reduce_min3A_563 = vector.multi_reduction <minimumf>, %select_n3A_561, %reduce_min3A_562 [1] : vector<256x2048xf32> to vector<256xf32>
    %broadcast_in_dim3A_564 = vector.shape_cast %reduce_min3A_563 : vector<256xf32> to vector<256x1xf32>
    %eq3A_565 = vector.broadcast %broadcast_in_dim3A_564 : vector<256x1xf32> to vector<256x2048xf32>
    %eq3A_566 = arith.cmpf oeq, %select_n3A_561, %eq3A_565 : vector<256x2048xf32>
    %jit3A_567 = arith.constant 2048 : i32
    %broadcast_in_dim3A_568 = vector.broadcast %jit3A_567 : i32 to vector<256x2048xi32>
    %select_n3A_569 = arith.select %eq3A_566, %iota3A, %broadcast_in_dim3A_568 : vector<256x2048xi1>, vector<256x2048xi32>
    %reduce_min3A_570 = arith.constant dense<2147483647> : vector<256xi32>
    %reduce_min3A_571 = vector.multi_reduction <minsi>, %select_n3A_569, %reduce_min3A_570 [1] : vector<256x2048xi32> to vector<256xi32>
    %broadcast_in_dim3A_572 = vector.shape_cast %reduce_min3A_571 : vector<256xi32> to vector<256x1xi32>
    %eq3A_573 = arith.constant 22 : i32
    %eq3A_574 = vector.broadcast %eq3A_573 : i32 to vector<256x64xi32>
    %eq3A_575 = arith.cmpi eq, %iota3A_79, %eq3A_574 : vector<256x64xi32>
    %broadcast_in_dim3A_576 = vector.shape_cast %broadcast_in_dim3A_572 : vector<256x1xi32> to vector<256x1xi32>
    %broadcast_in_dim3A_577 = vector.broadcast %broadcast_in_dim3A_576 : vector<256x1xi32> to vector<256x64xi32>
    %select_n3A_578 = arith.select %eq3A_575, %broadcast_in_dim3A_577, %select_n3A_556 : vector<256x64xi1>, vector<256x64xi32>
    %eq3A_579 = vector.broadcast %broadcast_in_dim3A_572 : vector<256x1xi32> to vector<256x2048xi32>
    %eq3A_580 = arith.cmpi eq, %iota3A, %eq3A_579 : vector<256x2048xi32>
    %jit3A_581 = arith.constant 0x7F800000 : f32
    %broadcast_in_dim3A_582 = vector.broadcast %jit3A_581 : f32 to vector<256x2048xf32>
    %select_n3A_583 = arith.select %eq3A_580, %broadcast_in_dim3A_582, %select_n3A_561 : vector<256x2048xi1>, vector<256x2048xf32>
    %reduce_min3A_584 = arith.constant dense<0x7F800000> : vector<256xf32>
    %reduce_min3A_585 = vector.multi_reduction <minimumf>, %select_n3A_583, %reduce_min3A_584 [1] : vector<256x2048xf32> to vector<256xf32>
    %broadcast_in_dim3A_586 = vector.shape_cast %reduce_min3A_585 : vector<256xf32> to vector<256x1xf32>
    %eq3A_587 = vector.broadcast %broadcast_in_dim3A_586 : vector<256x1xf32> to vector<256x2048xf32>
    %eq3A_588 = arith.cmpf oeq, %select_n3A_583, %eq3A_587 : vector<256x2048xf32>
    %jit3A_589 = arith.constant 2048 : i32
    %broadcast_in_dim3A_590 = vector.broadcast %jit3A_589 : i32 to vector<256x2048xi32>
    %select_n3A_591 = arith.select %eq3A_588, %iota3A, %broadcast_in_dim3A_590 : vector<256x2048xi1>, vector<256x2048xi32>
    %reduce_min3A_592 = arith.constant dense<2147483647> : vector<256xi32>
    %reduce_min3A_593 = vector.multi_reduction <minsi>, %select_n3A_591, %reduce_min3A_592 [1] : vector<256x2048xi32> to vector<256xi32>
    %broadcast_in_dim3A_594 = vector.shape_cast %reduce_min3A_593 : vector<256xi32> to vector<256x1xi32>
    %eq3A_595 = arith.constant 23 : i32
    %eq3A_596 = vector.broadcast %eq3A_595 : i32 to vector<256x64xi32>
    %eq3A_597 = arith.cmpi eq, %iota3A_79, %eq3A_596 : vector<256x64xi32>
    %broadcast_in_dim3A_598 = vector.shape_cast %broadcast_in_dim3A_594 : vector<256x1xi32> to vector<256x1xi32>
    %broadcast_in_dim3A_599 = vector.broadcast %broadcast_in_dim3A_598 : vector<256x1xi32> to vector<256x64xi32>
    %select_n3A_600 = arith.select %eq3A_597, %broadcast_in_dim3A_599, %select_n3A_578 : vector<256x64xi1>, vector<256x64xi32>
    %eq3A_601 = vector.broadcast %broadcast_in_dim3A_594 : vector<256x1xi32> to vector<256x2048xi32>
    %eq3A_602 = arith.cmpi eq, %iota3A, %eq3A_601 : vector<256x2048xi32>
    %jit3A_603 = arith.constant 0x7F800000 : f32
    %broadcast_in_dim3A_604 = vector.broadcast %jit3A_603 : f32 to vector<256x2048xf32>
    %select_n3A_605 = arith.select %eq3A_602, %broadcast_in_dim3A_604, %select_n3A_583 : vector<256x2048xi1>, vector<256x2048xf32>
    %reduce_min3A_606 = arith.constant dense<0x7F800000> : vector<256xf32>
    %reduce_min3A_607 = vector.multi_reduction <minimumf>, %select_n3A_605, %reduce_min3A_606 [1] : vector<256x2048xf32> to vector<256xf32>
    %broadcast_in_dim3A_608 = vector.shape_cast %reduce_min3A_607 : vector<256xf32> to vector<256x1xf32>
    %eq3A_609 = vector.broadcast %broadcast_in_dim3A_608 : vector<256x1xf32> to vector<256x2048xf32>
    %eq3A_610 = arith.cmpf oeq, %select_n3A_605, %eq3A_609 : vector<256x2048xf32>
    %jit3A_611 = arith.constant 2048 : i32
    %broadcast_in_dim3A_612 = vector.broadcast %jit3A_611 : i32 to vector<256x2048xi32>
    %select_n3A_613 = arith.select %eq3A_610, %iota3A, %broadcast_in_dim3A_612 : vector<256x2048xi1>, vector<256x2048xi32>
    %reduce_min3A_614 = arith.constant dense<2147483647> : vector<256xi32>
    %reduce_min3A_615 = vector.multi_reduction <minsi>, %select_n3A_613, %reduce_min3A_614 [1] : vector<256x2048xi32> to vector<256xi32>
    %broadcast_in_dim3A_616 = vector.shape_cast %reduce_min3A_615 : vector<256xi32> to vector<256x1xi32>
    %eq3A_617 = arith.constant 24 : i32
    %eq3A_618 = vector.broadcast %eq3A_617 : i32 to vector<256x64xi32>
    %eq3A_619 = arith.cmpi eq, %iota3A_79, %eq3A_618 : vector<256x64xi32>
    %broadcast_in_dim3A_620 = vector.shape_cast %broadcast_in_dim3A_616 : vector<256x1xi32> to vector<256x1xi32>
    %broadcast_in_dim3A_621 = vector.broadcast %broadcast_in_dim3A_620 : vector<256x1xi32> to vector<256x64xi32>
    %select_n3A_622 = arith.select %eq3A_619, %broadcast_in_dim3A_621, %select_n3A_600 : vector<256x64xi1>, vector<256x64xi32>
    %eq3A_623 = vector.broadcast %broadcast_in_dim3A_616 : vector<256x1xi32> to vector<256x2048xi32>
    %eq3A_624 = arith.cmpi eq, %iota3A, %eq3A_623 : vector<256x2048xi32>
    %jit3A_625 = arith.constant 0x7F800000 : f32
    %broadcast_in_dim3A_626 = vector.broadcast %jit3A_625 : f32 to vector<256x2048xf32>
    %select_n3A_627 = arith.select %eq3A_624, %broadcast_in_dim3A_626, %select_n3A_605 : vector<256x2048xi1>, vector<256x2048xf32>
    %reduce_min3A_628 = arith.constant dense<0x7F800000> : vector<256xf32>
    %reduce_min3A_629 = vector.multi_reduction <minimumf>, %select_n3A_627, %reduce_min3A_628 [1] : vector<256x2048xf32> to vector<256xf32>
    %broadcast_in_dim3A_630 = vector.shape_cast %reduce_min3A_629 : vector<256xf32> to vector<256x1xf32>
    %eq3A_631 = vector.broadcast %broadcast_in_dim3A_630 : vector<256x1xf32> to vector<256x2048xf32>
    %eq3A_632 = arith.cmpf oeq, %select_n3A_627, %eq3A_631 : vector<256x2048xf32>
    %jit3A_633 = arith.constant 2048 : i32
    %broadcast_in_dim3A_634 = vector.broadcast %jit3A_633 : i32 to vector<256x2048xi32>
    %select_n3A_635 = arith.select %eq3A_632, %iota3A, %broadcast_in_dim3A_634 : vector<256x2048xi1>, vector<256x2048xi32>
    %reduce_min3A_636 = arith.constant dense<2147483647> : vector<256xi32>
    %reduce_min3A_637 = vector.multi_reduction <minsi>, %select_n3A_635, %reduce_min3A_636 [1] : vector<256x2048xi32> to vector<256xi32>
    %broadcast_in_dim3A_638 = vector.shape_cast %reduce_min3A_637 : vector<256xi32> to vector<256x1xi32>
    %eq3A_639 = arith.constant 25 : i32
    %eq3A_640 = vector.broadcast %eq3A_639 : i32 to vector<256x64xi32>
    %eq3A_641 = arith.cmpi eq, %iota3A_79, %eq3A_640 : vector<256x64xi32>
    %broadcast_in_dim3A_642 = vector.shape_cast %broadcast_in_dim3A_638 : vector<256x1xi32> to vector<256x1xi32>
    %broadcast_in_dim3A_643 = vector.broadcast %broadcast_in_dim3A_642 : vector<256x1xi32> to vector<256x64xi32>
    %select_n3A_644 = arith.select %eq3A_641, %broadcast_in_dim3A_643, %select_n3A_622 : vector<256x64xi1>, vector<256x64xi32>
    %eq3A_645 = vector.broadcast %broadcast_in_dim3A_638 : vector<256x1xi32> to vector<256x2048xi32>
    %eq3A_646 = arith.cmpi eq, %iota3A, %eq3A_645 : vector<256x2048xi32>
    %jit3A_647 = arith.constant 0x7F800000 : f32
    %broadcast_in_dim3A_648 = vector.broadcast %jit3A_647 : f32 to vector<256x2048xf32>
    %select_n3A_649 = arith.select %eq3A_646, %broadcast_in_dim3A_648, %select_n3A_627 : vector<256x2048xi1>, vector<256x2048xf32>
    %reduce_min3A_650 = arith.constant dense<0x7F800000> : vector<256xf32>
    %reduce_min3A_651 = vector.multi_reduction <minimumf>, %select_n3A_649, %reduce_min3A_650 [1] : vector<256x2048xf32> to vector<256xf32>
    %broadcast_in_dim3A_652 = vector.shape_cast %reduce_min3A_651 : vector<256xf32> to vector<256x1xf32>
    %eq3A_653 = vector.broadcast %broadcast_in_dim3A_652 : vector<256x1xf32> to vector<256x2048xf32>
    %eq3A_654 = arith.cmpf oeq, %select_n3A_649, %eq3A_653 : vector<256x2048xf32>
    %jit3A_655 = arith.constant 2048 : i32
    %broadcast_in_dim3A_656 = vector.broadcast %jit3A_655 : i32 to vector<256x2048xi32>
    %select_n3A_657 = arith.select %eq3A_654, %iota3A, %broadcast_in_dim3A_656 : vector<256x2048xi1>, vector<256x2048xi32>
    %reduce_min3A_658 = arith.constant dense<2147483647> : vector<256xi32>
    %reduce_min3A_659 = vector.multi_reduction <minsi>, %select_n3A_657, %reduce_min3A_658 [1] : vector<256x2048xi32> to vector<256xi32>
    %broadcast_in_dim3A_660 = vector.shape_cast %reduce_min3A_659 : vector<256xi32> to vector<256x1xi32>
    %eq3A_661 = arith.constant 26 : i32
    %eq3A_662 = vector.broadcast %eq3A_661 : i32 to vector<256x64xi32>
    %eq3A_663 = arith.cmpi eq, %iota3A_79, %eq3A_662 : vector<256x64xi32>
    %broadcast_in_dim3A_664 = vector.shape_cast %broadcast_in_dim3A_660 : vector<256x1xi32> to vector<256x1xi32>
    %broadcast_in_dim3A_665 = vector.broadcast %broadcast_in_dim3A_664 : vector<256x1xi32> to vector<256x64xi32>
    %select_n3A_666 = arith.select %eq3A_663, %broadcast_in_dim3A_665, %select_n3A_644 : vector<256x64xi1>, vector<256x64xi32>
    %eq3A_667 = vector.broadcast %broadcast_in_dim3A_660 : vector<256x1xi32> to vector<256x2048xi32>
    %eq3A_668 = arith.cmpi eq, %iota3A, %eq3A_667 : vector<256x2048xi32>
    %jit3A_669 = arith.constant 0x7F800000 : f32
    %broadcast_in_dim3A_670 = vector.broadcast %jit3A_669 : f32 to vector<256x2048xf32>
    %select_n3A_671 = arith.select %eq3A_668, %broadcast_in_dim3A_670, %select_n3A_649 : vector<256x2048xi1>, vector<256x2048xf32>
    %reduce_min3A_672 = arith.constant dense<0x7F800000> : vector<256xf32>
    %reduce_min3A_673 = vector.multi_reduction <minimumf>, %select_n3A_671, %reduce_min3A_672 [1] : vector<256x2048xf32> to vector<256xf32>
    %broadcast_in_dim3A_674 = vector.shape_cast %reduce_min3A_673 : vector<256xf32> to vector<256x1xf32>
    %eq3A_675 = vector.broadcast %broadcast_in_dim3A_674 : vector<256x1xf32> to vector<256x2048xf32>
    %eq3A_676 = arith.cmpf oeq, %select_n3A_671, %eq3A_675 : vector<256x2048xf32>
    %jit3A_677 = arith.constant 2048 : i32
    %broadcast_in_dim3A_678 = vector.broadcast %jit3A_677 : i32 to vector<256x2048xi32>
    %select_n3A_679 = arith.select %eq3A_676, %iota3A, %broadcast_in_dim3A_678 : vector<256x2048xi1>, vector<256x2048xi32>
    %reduce_min3A_680 = arith.constant dense<2147483647> : vector<256xi32>
    %reduce_min3A_681 = vector.multi_reduction <minsi>, %select_n3A_679, %reduce_min3A_680 [1] : vector<256x2048xi32> to vector<256xi32>
    %broadcast_in_dim3A_682 = vector.shape_cast %reduce_min3A_681 : vector<256xi32> to vector<256x1xi32>
    %eq3A_683 = arith.constant 27 : i32
    %eq3A_684 = vector.broadcast %eq3A_683 : i32 to vector<256x64xi32>
    %eq3A_685 = arith.cmpi eq, %iota3A_79, %eq3A_684 : vector<256x64xi32>
    %broadcast_in_dim3A_686 = vector.shape_cast %broadcast_in_dim3A_682 : vector<256x1xi32> to vector<256x1xi32>
    %broadcast_in_dim3A_687 = vector.broadcast %broadcast_in_dim3A_686 : vector<256x1xi32> to vector<256x64xi32>
    %select_n3A_688 = arith.select %eq3A_685, %broadcast_in_dim3A_687, %select_n3A_666 : vector<256x64xi1>, vector<256x64xi32>
    %eq3A_689 = vector.broadcast %broadcast_in_dim3A_682 : vector<256x1xi32> to vector<256x2048xi32>
    %eq3A_690 = arith.cmpi eq, %iota3A, %eq3A_689 : vector<256x2048xi32>
    %jit3A_691 = arith.constant 0x7F800000 : f32
    %broadcast_in_dim3A_692 = vector.broadcast %jit3A_691 : f32 to vector<256x2048xf32>
    %select_n3A_693 = arith.select %eq3A_690, %broadcast_in_dim3A_692, %select_n3A_671 : vector<256x2048xi1>, vector<256x2048xf32>
    %reduce_min3A_694 = arith.constant dense<0x7F800000> : vector<256xf32>
    %reduce_min3A_695 = vector.multi_reduction <minimumf>, %select_n3A_693, %reduce_min3A_694 [1] : vector<256x2048xf32> to vector<256xf32>
    %broadcast_in_dim3A_696 = vector.shape_cast %reduce_min3A_695 : vector<256xf32> to vector<256x1xf32>
    %eq3A_697 = vector.broadcast %broadcast_in_dim3A_696 : vector<256x1xf32> to vector<256x2048xf32>
    %eq3A_698 = arith.cmpf oeq, %select_n3A_693, %eq3A_697 : vector<256x2048xf32>
    %jit3A_699 = arith.constant 2048 : i32
    %broadcast_in_dim3A_700 = vector.broadcast %jit3A_699 : i32 to vector<256x2048xi32>
    %select_n3A_701 = arith.select %eq3A_698, %iota3A, %broadcast_in_dim3A_700 : vector<256x2048xi1>, vector<256x2048xi32>
    %reduce_min3A_702 = arith.constant dense<2147483647> : vector<256xi32>
    %reduce_min3A_703 = vector.multi_reduction <minsi>, %select_n3A_701, %reduce_min3A_702 [1] : vector<256x2048xi32> to vector<256xi32>
    %broadcast_in_dim3A_704 = vector.shape_cast %reduce_min3A_703 : vector<256xi32> to vector<256x1xi32>
    %eq3A_705 = arith.constant 28 : i32
    %eq3A_706 = vector.broadcast %eq3A_705 : i32 to vector<256x64xi32>
    %eq3A_707 = arith.cmpi eq, %iota3A_79, %eq3A_706 : vector<256x64xi32>
    %broadcast_in_dim3A_708 = vector.shape_cast %broadcast_in_dim3A_704 : vector<256x1xi32> to vector<256x1xi32>
    %broadcast_in_dim3A_709 = vector.broadcast %broadcast_in_dim3A_708 : vector<256x1xi32> to vector<256x64xi32>
    %select_n3A_710 = arith.select %eq3A_707, %broadcast_in_dim3A_709, %select_n3A_688 : vector<256x64xi1>, vector<256x64xi32>
    %eq3A_711 = vector.broadcast %broadcast_in_dim3A_704 : vector<256x1xi32> to vector<256x2048xi32>
    %eq3A_712 = arith.cmpi eq, %iota3A, %eq3A_711 : vector<256x2048xi32>
    %jit3A_713 = arith.constant 0x7F800000 : f32
    %broadcast_in_dim3A_714 = vector.broadcast %jit3A_713 : f32 to vector<256x2048xf32>
    %select_n3A_715 = arith.select %eq3A_712, %broadcast_in_dim3A_714, %select_n3A_693 : vector<256x2048xi1>, vector<256x2048xf32>
    %reduce_min3A_716 = arith.constant dense<0x7F800000> : vector<256xf32>
    %reduce_min3A_717 = vector.multi_reduction <minimumf>, %select_n3A_715, %reduce_min3A_716 [1] : vector<256x2048xf32> to vector<256xf32>
    %broadcast_in_dim3A_718 = vector.shape_cast %reduce_min3A_717 : vector<256xf32> to vector<256x1xf32>
    %eq3A_719 = vector.broadcast %broadcast_in_dim3A_718 : vector<256x1xf32> to vector<256x2048xf32>
    %eq3A_720 = arith.cmpf oeq, %select_n3A_715, %eq3A_719 : vector<256x2048xf32>
    %jit3A_721 = arith.constant 2048 : i32
    %broadcast_in_dim3A_722 = vector.broadcast %jit3A_721 : i32 to vector<256x2048xi32>
    %select_n3A_723 = arith.select %eq3A_720, %iota3A, %broadcast_in_dim3A_722 : vector<256x2048xi1>, vector<256x2048xi32>
    %reduce_min3A_724 = arith.constant dense<2147483647> : vector<256xi32>
    %reduce_min3A_725 = vector.multi_reduction <minsi>, %select_n3A_723, %reduce_min3A_724 [1] : vector<256x2048xi32> to vector<256xi32>
    %broadcast_in_dim3A_726 = vector.shape_cast %reduce_min3A_725 : vector<256xi32> to vector<256x1xi32>
    %eq3A_727 = arith.constant 29 : i32
    %eq3A_728 = vector.broadcast %eq3A_727 : i32 to vector<256x64xi32>
    %eq3A_729 = arith.cmpi eq, %iota3A_79, %eq3A_728 : vector<256x64xi32>
    %broadcast_in_dim3A_730 = vector.shape_cast %broadcast_in_dim3A_726 : vector<256x1xi32> to vector<256x1xi32>
    %broadcast_in_dim3A_731 = vector.broadcast %broadcast_in_dim3A_730 : vector<256x1xi32> to vector<256x64xi32>
    %select_n3A_732 = arith.select %eq3A_729, %broadcast_in_dim3A_731, %select_n3A_710 : vector<256x64xi1>, vector<256x64xi32>
    %eq3A_733 = vector.broadcast %broadcast_in_dim3A_726 : vector<256x1xi32> to vector<256x2048xi32>
    %eq3A_734 = arith.cmpi eq, %iota3A, %eq3A_733 : vector<256x2048xi32>
    %jit3A_735 = arith.constant 0x7F800000 : f32
    %broadcast_in_dim3A_736 = vector.broadcast %jit3A_735 : f32 to vector<256x2048xf32>
    %select_n3A_737 = arith.select %eq3A_734, %broadcast_in_dim3A_736, %select_n3A_715 : vector<256x2048xi1>, vector<256x2048xf32>
    %reduce_min3A_738 = arith.constant dense<0x7F800000> : vector<256xf32>
    %reduce_min3A_739 = vector.multi_reduction <minimumf>, %select_n3A_737, %reduce_min3A_738 [1] : vector<256x2048xf32> to vector<256xf32>
    %broadcast_in_dim3A_740 = vector.shape_cast %reduce_min3A_739 : vector<256xf32> to vector<256x1xf32>
    %eq3A_741 = vector.broadcast %broadcast_in_dim3A_740 : vector<256x1xf32> to vector<256x2048xf32>
    %eq3A_742 = arith.cmpf oeq, %select_n3A_737, %eq3A_741 : vector<256x2048xf32>
    %jit3A_743 = arith.constant 2048 : i32
    %broadcast_in_dim3A_744 = vector.broadcast %jit3A_743 : i32 to vector<256x2048xi32>
    %select_n3A_745 = arith.select %eq3A_742, %iota3A, %broadcast_in_dim3A_744 : vector<256x2048xi1>, vector<256x2048xi32>
    %reduce_min3A_746 = arith.constant dense<2147483647> : vector<256xi32>
    %reduce_min3A_747 = vector.multi_reduction <minsi>, %select_n3A_745, %reduce_min3A_746 [1] : vector<256x2048xi32> to vector<256xi32>
    %broadcast_in_dim3A_748 = vector.shape_cast %reduce_min3A_747 : vector<256xi32> to vector<256x1xi32>
    %eq3A_749 = arith.constant 30 : i32
    %eq3A_750 = vector.broadcast %eq3A_749 : i32 to vector<256x64xi32>
    %eq3A_751 = arith.cmpi eq, %iota3A_79, %eq3A_750 : vector<256x64xi32>
    %broadcast_in_dim3A_752 = vector.shape_cast %broadcast_in_dim3A_748 : vector<256x1xi32> to vector<256x1xi32>
    %broadcast_in_dim3A_753 = vector.broadcast %broadcast_in_dim3A_752 : vector<256x1xi32> to vector<256x64xi32>
    %select_n3A_754 = arith.select %eq3A_751, %broadcast_in_dim3A_753, %select_n3A_732 : vector<256x64xi1>, vector<256x64xi32>
    %eq3A_755 = vector.broadcast %broadcast_in_dim3A_748 : vector<256x1xi32> to vector<256x2048xi32>
    %eq3A_756 = arith.cmpi eq, %iota3A, %eq3A_755 : vector<256x2048xi32>
    %jit3A_757 = arith.constant 0x7F800000 : f32
    %broadcast_in_dim3A_758 = vector.broadcast %jit3A_757 : f32 to vector<256x2048xf32>
    %select_n3A_759 = arith.select %eq3A_756, %broadcast_in_dim3A_758, %select_n3A_737 : vector<256x2048xi1>, vector<256x2048xf32>
    %reduce_min3A_760 = arith.constant dense<0x7F800000> : vector<256xf32>
    %reduce_min3A_761 = vector.multi_reduction <minimumf>, %select_n3A_759, %reduce_min3A_760 [1] : vector<256x2048xf32> to vector<256xf32>
    %broadcast_in_dim3A_762 = vector.shape_cast %reduce_min3A_761 : vector<256xf32> to vector<256x1xf32>
    %eq3A_763 = vector.broadcast %broadcast_in_dim3A_762 : vector<256x1xf32> to vector<256x2048xf32>
    %eq3A_764 = arith.cmpf oeq, %select_n3A_759, %eq3A_763 : vector<256x2048xf32>
    %jit3A_765 = arith.constant 2048 : i32
    %broadcast_in_dim3A_766 = vector.broadcast %jit3A_765 : i32 to vector<256x2048xi32>
    %select_n3A_767 = arith.select %eq3A_764, %iota3A, %broadcast_in_dim3A_766 : vector<256x2048xi1>, vector<256x2048xi32>
    %reduce_min3A_768 = arith.constant dense<2147483647> : vector<256xi32>
    %reduce_min3A_769 = vector.multi_reduction <minsi>, %select_n3A_767, %reduce_min3A_768 [1] : vector<256x2048xi32> to vector<256xi32>
    %broadcast_in_dim3A_770 = vector.shape_cast %reduce_min3A_769 : vector<256xi32> to vector<256x1xi32>
    %eq3A_771 = arith.constant 31 : i32
    %eq3A_772 = vector.broadcast %eq3A_771 : i32 to vector<256x64xi32>
    %eq3A_773 = arith.cmpi eq, %iota3A_79, %eq3A_772 : vector<256x64xi32>
    %broadcast_in_dim3A_774 = vector.shape_cast %broadcast_in_dim3A_770 : vector<256x1xi32> to vector<256x1xi32>
    %broadcast_in_dim3A_775 = vector.broadcast %broadcast_in_dim3A_774 : vector<256x1xi32> to vector<256x64xi32>
    %select_n3A_776 = arith.select %eq3A_773, %broadcast_in_dim3A_775, %select_n3A_754 : vector<256x64xi1>, vector<256x64xi32>
    %eq3A_777 = vector.broadcast %broadcast_in_dim3A_770 : vector<256x1xi32> to vector<256x2048xi32>
    %eq3A_778 = arith.cmpi eq, %iota3A, %eq3A_777 : vector<256x2048xi32>
    %jit3A_779 = arith.constant 0x7F800000 : f32
    %broadcast_in_dim3A_780 = vector.broadcast %jit3A_779 : f32 to vector<256x2048xf32>
    %select_n3A_781 = arith.select %eq3A_778, %broadcast_in_dim3A_780, %select_n3A_759 : vector<256x2048xi1>, vector<256x2048xf32>
    %reduce_min3A_782 = arith.constant dense<0x7F800000> : vector<256xf32>
    %reduce_min3A_783 = vector.multi_reduction <minimumf>, %select_n3A_781, %reduce_min3A_782 [1] : vector<256x2048xf32> to vector<256xf32>
    %broadcast_in_dim3A_784 = vector.shape_cast %reduce_min3A_783 : vector<256xf32> to vector<256x1xf32>
    %eq3A_785 = vector.broadcast %broadcast_in_dim3A_784 : vector<256x1xf32> to vector<256x2048xf32>
    %eq3A_786 = arith.cmpf oeq, %select_n3A_781, %eq3A_785 : vector<256x2048xf32>
    %jit3A_787 = arith.constant 2048 : i32
    %broadcast_in_dim3A_788 = vector.broadcast %jit3A_787 : i32 to vector<256x2048xi32>
    %select_n3A_789 = arith.select %eq3A_786, %iota3A, %broadcast_in_dim3A_788 : vector<256x2048xi1>, vector<256x2048xi32>
    %reduce_min3A_790 = arith.constant dense<2147483647> : vector<256xi32>
    %reduce_min3A_791 = vector.multi_reduction <minsi>, %select_n3A_789, %reduce_min3A_790 [1] : vector<256x2048xi32> to vector<256xi32>
    %broadcast_in_dim3A_792 = vector.shape_cast %reduce_min3A_791 : vector<256xi32> to vector<256x1xi32>
    %eq3A_793 = arith.constant 32 : i32
    %eq3A_794 = vector.broadcast %eq3A_793 : i32 to vector<256x64xi32>
    %eq3A_795 = arith.cmpi eq, %iota3A_79, %eq3A_794 : vector<256x64xi32>
    %broadcast_in_dim3A_796 = vector.shape_cast %broadcast_in_dim3A_792 : vector<256x1xi32> to vector<256x1xi32>
    %broadcast_in_dim3A_797 = vector.broadcast %broadcast_in_dim3A_796 : vector<256x1xi32> to vector<256x64xi32>
    %select_n3A_798 = arith.select %eq3A_795, %broadcast_in_dim3A_797, %select_n3A_776 : vector<256x64xi1>, vector<256x64xi32>
    %eq3A_799 = vector.broadcast %broadcast_in_dim3A_792 : vector<256x1xi32> to vector<256x2048xi32>
    %eq3A_800 = arith.cmpi eq, %iota3A, %eq3A_799 : vector<256x2048xi32>
    %jit3A_801 = arith.constant 0x7F800000 : f32
    %broadcast_in_dim3A_802 = vector.broadcast %jit3A_801 : f32 to vector<256x2048xf32>
    %select_n3A_803 = arith.select %eq3A_800, %broadcast_in_dim3A_802, %select_n3A_781 : vector<256x2048xi1>, vector<256x2048xf32>
    %reduce_min3A_804 = arith.constant dense<0x7F800000> : vector<256xf32>
    %reduce_min3A_805 = vector.multi_reduction <minimumf>, %select_n3A_803, %reduce_min3A_804 [1] : vector<256x2048xf32> to vector<256xf32>
    %broadcast_in_dim3A_806 = vector.shape_cast %reduce_min3A_805 : vector<256xf32> to vector<256x1xf32>
    %eq3A_807 = vector.broadcast %broadcast_in_dim3A_806 : vector<256x1xf32> to vector<256x2048xf32>
    %eq3A_808 = arith.cmpf oeq, %select_n3A_803, %eq3A_807 : vector<256x2048xf32>
    %jit3A_809 = arith.constant 2048 : i32
    %broadcast_in_dim3A_810 = vector.broadcast %jit3A_809 : i32 to vector<256x2048xi32>
    %select_n3A_811 = arith.select %eq3A_808, %iota3A, %broadcast_in_dim3A_810 : vector<256x2048xi1>, vector<256x2048xi32>
    %reduce_min3A_812 = arith.constant dense<2147483647> : vector<256xi32>
    %reduce_min3A_813 = vector.multi_reduction <minsi>, %select_n3A_811, %reduce_min3A_812 [1] : vector<256x2048xi32> to vector<256xi32>
    %broadcast_in_dim3A_814 = vector.shape_cast %reduce_min3A_813 : vector<256xi32> to vector<256x1xi32>
    %eq3A_815 = arith.constant 33 : i32
    %eq3A_816 = vector.broadcast %eq3A_815 : i32 to vector<256x64xi32>
    %eq3A_817 = arith.cmpi eq, %iota3A_79, %eq3A_816 : vector<256x64xi32>
    %broadcast_in_dim3A_818 = vector.shape_cast %broadcast_in_dim3A_814 : vector<256x1xi32> to vector<256x1xi32>
    %broadcast_in_dim3A_819 = vector.broadcast %broadcast_in_dim3A_818 : vector<256x1xi32> to vector<256x64xi32>
    %select_n3A_820 = arith.select %eq3A_817, %broadcast_in_dim3A_819, %select_n3A_798 : vector<256x64xi1>, vector<256x64xi32>
    %eq3A_821 = vector.broadcast %broadcast_in_dim3A_814 : vector<256x1xi32> to vector<256x2048xi32>
    %eq3A_822 = arith.cmpi eq, %iota3A, %eq3A_821 : vector<256x2048xi32>
    %jit3A_823 = arith.constant 0x7F800000 : f32
    %broadcast_in_dim3A_824 = vector.broadcast %jit3A_823 : f32 to vector<256x2048xf32>
    %select_n3A_825 = arith.select %eq3A_822, %broadcast_in_dim3A_824, %select_n3A_803 : vector<256x2048xi1>, vector<256x2048xf32>
    %reduce_min3A_826 = arith.constant dense<0x7F800000> : vector<256xf32>
    %reduce_min3A_827 = vector.multi_reduction <minimumf>, %select_n3A_825, %reduce_min3A_826 [1] : vector<256x2048xf32> to vector<256xf32>
    %broadcast_in_dim3A_828 = vector.shape_cast %reduce_min3A_827 : vector<256xf32> to vector<256x1xf32>
    %eq3A_829 = vector.broadcast %broadcast_in_dim3A_828 : vector<256x1xf32> to vector<256x2048xf32>
    %eq3A_830 = arith.cmpf oeq, %select_n3A_825, %eq3A_829 : vector<256x2048xf32>
    %jit3A_831 = arith.constant 2048 : i32
    %broadcast_in_dim3A_832 = vector.broadcast %jit3A_831 : i32 to vector<256x2048xi32>
    %select_n3A_833 = arith.select %eq3A_830, %iota3A, %broadcast_in_dim3A_832 : vector<256x2048xi1>, vector<256x2048xi32>
    %reduce_min3A_834 = arith.constant dense<2147483647> : vector<256xi32>
    %reduce_min3A_835 = vector.multi_reduction <minsi>, %select_n3A_833, %reduce_min3A_834 [1] : vector<256x2048xi32> to vector<256xi32>
    %broadcast_in_dim3A_836 = vector.shape_cast %reduce_min3A_835 : vector<256xi32> to vector<256x1xi32>
    %eq3A_837 = arith.constant 34 : i32
    %eq3A_838 = vector.broadcast %eq3A_837 : i32 to vector<256x64xi32>
    %eq3A_839 = arith.cmpi eq, %iota3A_79, %eq3A_838 : vector<256x64xi32>
    %broadcast_in_dim3A_840 = vector.shape_cast %broadcast_in_dim3A_836 : vector<256x1xi32> to vector<256x1xi32>
    %broadcast_in_dim3A_841 = vector.broadcast %broadcast_in_dim3A_840 : vector<256x1xi32> to vector<256x64xi32>
    %select_n3A_842 = arith.select %eq3A_839, %broadcast_in_dim3A_841, %select_n3A_820 : vector<256x64xi1>, vector<256x64xi32>
    %eq3A_843 = vector.broadcast %broadcast_in_dim3A_836 : vector<256x1xi32> to vector<256x2048xi32>
    %eq3A_844 = arith.cmpi eq, %iota3A, %eq3A_843 : vector<256x2048xi32>
    %jit3A_845 = arith.constant 0x7F800000 : f32
    %broadcast_in_dim3A_846 = vector.broadcast %jit3A_845 : f32 to vector<256x2048xf32>
    %select_n3A_847 = arith.select %eq3A_844, %broadcast_in_dim3A_846, %select_n3A_825 : vector<256x2048xi1>, vector<256x2048xf32>
    %reduce_min3A_848 = arith.constant dense<0x7F800000> : vector<256xf32>
    %reduce_min3A_849 = vector.multi_reduction <minimumf>, %select_n3A_847, %reduce_min3A_848 [1] : vector<256x2048xf32> to vector<256xf32>
    %broadcast_in_dim3A_850 = vector.shape_cast %reduce_min3A_849 : vector<256xf32> to vector<256x1xf32>
    %eq3A_851 = vector.broadcast %broadcast_in_dim3A_850 : vector<256x1xf32> to vector<256x2048xf32>
    %eq3A_852 = arith.cmpf oeq, %select_n3A_847, %eq3A_851 : vector<256x2048xf32>
    %jit3A_853 = arith.constant 2048 : i32
    %broadcast_in_dim3A_854 = vector.broadcast %jit3A_853 : i32 to vector<256x2048xi32>
    %select_n3A_855 = arith.select %eq3A_852, %iota3A, %broadcast_in_dim3A_854 : vector<256x2048xi1>, vector<256x2048xi32>
    %reduce_min3A_856 = arith.constant dense<2147483647> : vector<256xi32>
    %reduce_min3A_857 = vector.multi_reduction <minsi>, %select_n3A_855, %reduce_min3A_856 [1] : vector<256x2048xi32> to vector<256xi32>
    %broadcast_in_dim3A_858 = vector.shape_cast %reduce_min3A_857 : vector<256xi32> to vector<256x1xi32>
    %eq3A_859 = arith.constant 35 : i32
    %eq3A_860 = vector.broadcast %eq3A_859 : i32 to vector<256x64xi32>
    %eq3A_861 = arith.cmpi eq, %iota3A_79, %eq3A_860 : vector<256x64xi32>
    %broadcast_in_dim3A_862 = vector.shape_cast %broadcast_in_dim3A_858 : vector<256x1xi32> to vector<256x1xi32>
    %broadcast_in_dim3A_863 = vector.broadcast %broadcast_in_dim3A_862 : vector<256x1xi32> to vector<256x64xi32>
    %select_n3A_864 = arith.select %eq3A_861, %broadcast_in_dim3A_863, %select_n3A_842 : vector<256x64xi1>, vector<256x64xi32>
    %eq3A_865 = vector.broadcast %broadcast_in_dim3A_858 : vector<256x1xi32> to vector<256x2048xi32>
    %eq3A_866 = arith.cmpi eq, %iota3A, %eq3A_865 : vector<256x2048xi32>
    %jit3A_867 = arith.constant 0x7F800000 : f32
    %broadcast_in_dim3A_868 = vector.broadcast %jit3A_867 : f32 to vector<256x2048xf32>
    %select_n3A_869 = arith.select %eq3A_866, %broadcast_in_dim3A_868, %select_n3A_847 : vector<256x2048xi1>, vector<256x2048xf32>
    %reduce_min3A_870 = arith.constant dense<0x7F800000> : vector<256xf32>
    %reduce_min3A_871 = vector.multi_reduction <minimumf>, %select_n3A_869, %reduce_min3A_870 [1] : vector<256x2048xf32> to vector<256xf32>
    %broadcast_in_dim3A_872 = vector.shape_cast %reduce_min3A_871 : vector<256xf32> to vector<256x1xf32>
    %eq3A_873 = vector.broadcast %broadcast_in_dim3A_872 : vector<256x1xf32> to vector<256x2048xf32>
    %eq3A_874 = arith.cmpf oeq, %select_n3A_869, %eq3A_873 : vector<256x2048xf32>
    %jit3A_875 = arith.constant 2048 : i32
    %broadcast_in_dim3A_876 = vector.broadcast %jit3A_875 : i32 to vector<256x2048xi32>
    %select_n3A_877 = arith.select %eq3A_874, %iota3A, %broadcast_in_dim3A_876 : vector<256x2048xi1>, vector<256x2048xi32>
    %reduce_min3A_878 = arith.constant dense<2147483647> : vector<256xi32>
    %reduce_min3A_879 = vector.multi_reduction <minsi>, %select_n3A_877, %reduce_min3A_878 [1] : vector<256x2048xi32> to vector<256xi32>
    %broadcast_in_dim3A_880 = vector.shape_cast %reduce_min3A_879 : vector<256xi32> to vector<256x1xi32>
    %eq3A_881 = arith.constant 36 : i32
    %eq3A_882 = vector.broadcast %eq3A_881 : i32 to vector<256x64xi32>
    %eq3A_883 = arith.cmpi eq, %iota3A_79, %eq3A_882 : vector<256x64xi32>
    %broadcast_in_dim3A_884 = vector.shape_cast %broadcast_in_dim3A_880 : vector<256x1xi32> to vector<256x1xi32>
    %broadcast_in_dim3A_885 = vector.broadcast %broadcast_in_dim3A_884 : vector<256x1xi32> to vector<256x64xi32>
    %select_n3A_886 = arith.select %eq3A_883, %broadcast_in_dim3A_885, %select_n3A_864 : vector<256x64xi1>, vector<256x64xi32>
    %eq3A_887 = vector.broadcast %broadcast_in_dim3A_880 : vector<256x1xi32> to vector<256x2048xi32>
    %eq3A_888 = arith.cmpi eq, %iota3A, %eq3A_887 : vector<256x2048xi32>
    %jit3A_889 = arith.constant 0x7F800000 : f32
    %broadcast_in_dim3A_890 = vector.broadcast %jit3A_889 : f32 to vector<256x2048xf32>
    %select_n3A_891 = arith.select %eq3A_888, %broadcast_in_dim3A_890, %select_n3A_869 : vector<256x2048xi1>, vector<256x2048xf32>
    %reduce_min3A_892 = arith.constant dense<0x7F800000> : vector<256xf32>
    %reduce_min3A_893 = vector.multi_reduction <minimumf>, %select_n3A_891, %reduce_min3A_892 [1] : vector<256x2048xf32> to vector<256xf32>
    %broadcast_in_dim3A_894 = vector.shape_cast %reduce_min3A_893 : vector<256xf32> to vector<256x1xf32>
    %eq3A_895 = vector.broadcast %broadcast_in_dim3A_894 : vector<256x1xf32> to vector<256x2048xf32>
    %eq3A_896 = arith.cmpf oeq, %select_n3A_891, %eq3A_895 : vector<256x2048xf32>
    %jit3A_897 = arith.constant 2048 : i32
    %broadcast_in_dim3A_898 = vector.broadcast %jit3A_897 : i32 to vector<256x2048xi32>
    %select_n3A_899 = arith.select %eq3A_896, %iota3A, %broadcast_in_dim3A_898 : vector<256x2048xi1>, vector<256x2048xi32>
    %reduce_min3A_900 = arith.constant dense<2147483647> : vector<256xi32>
    %reduce_min3A_901 = vector.multi_reduction <minsi>, %select_n3A_899, %reduce_min3A_900 [1] : vector<256x2048xi32> to vector<256xi32>
    %broadcast_in_dim3A_902 = vector.shape_cast %reduce_min3A_901 : vector<256xi32> to vector<256x1xi32>
    %eq3A_903 = arith.constant 37 : i32
    %eq3A_904 = vector.broadcast %eq3A_903 : i32 to vector<256x64xi32>
    %eq3A_905 = arith.cmpi eq, %iota3A_79, %eq3A_904 : vector<256x64xi32>
    %broadcast_in_dim3A_906 = vector.shape_cast %broadcast_in_dim3A_902 : vector<256x1xi32> to vector<256x1xi32>
    %broadcast_in_dim3A_907 = vector.broadcast %broadcast_in_dim3A_906 : vector<256x1xi32> to vector<256x64xi32>
    %select_n3A_908 = arith.select %eq3A_905, %broadcast_in_dim3A_907, %select_n3A_886 : vector<256x64xi1>, vector<256x64xi32>
    %eq3A_909 = vector.broadcast %broadcast_in_dim3A_902 : vector<256x1xi32> to vector<256x2048xi32>
    %eq3A_910 = arith.cmpi eq, %iota3A, %eq3A_909 : vector<256x2048xi32>
    %jit3A_911 = arith.constant 0x7F800000 : f32
    %broadcast_in_dim3A_912 = vector.broadcast %jit3A_911 : f32 to vector<256x2048xf32>
    %select_n3A_913 = arith.select %eq3A_910, %broadcast_in_dim3A_912, %select_n3A_891 : vector<256x2048xi1>, vector<256x2048xf32>
    %reduce_min3A_914 = arith.constant dense<0x7F800000> : vector<256xf32>
    %reduce_min3A_915 = vector.multi_reduction <minimumf>, %select_n3A_913, %reduce_min3A_914 [1] : vector<256x2048xf32> to vector<256xf32>
    %broadcast_in_dim3A_916 = vector.shape_cast %reduce_min3A_915 : vector<256xf32> to vector<256x1xf32>
    %eq3A_917 = vector.broadcast %broadcast_in_dim3A_916 : vector<256x1xf32> to vector<256x2048xf32>
    %eq3A_918 = arith.cmpf oeq, %select_n3A_913, %eq3A_917 : vector<256x2048xf32>
    %jit3A_919 = arith.constant 2048 : i32
    %broadcast_in_dim3A_920 = vector.broadcast %jit3A_919 : i32 to vector<256x2048xi32>
    %select_n3A_921 = arith.select %eq3A_918, %iota3A, %broadcast_in_dim3A_920 : vector<256x2048xi1>, vector<256x2048xi32>
    %reduce_min3A_922 = arith.constant dense<2147483647> : vector<256xi32>
    %reduce_min3A_923 = vector.multi_reduction <minsi>, %select_n3A_921, %reduce_min3A_922 [1] : vector<256x2048xi32> to vector<256xi32>
    %broadcast_in_dim3A_924 = vector.shape_cast %reduce_min3A_923 : vector<256xi32> to vector<256x1xi32>
    %eq3A_925 = arith.constant 38 : i32
    %eq3A_926 = vector.broadcast %eq3A_925 : i32 to vector<256x64xi32>
    %eq3A_927 = arith.cmpi eq, %iota3A_79, %eq3A_926 : vector<256x64xi32>
    %broadcast_in_dim3A_928 = vector.shape_cast %broadcast_in_dim3A_924 : vector<256x1xi32> to vector<256x1xi32>
    %broadcast_in_dim3A_929 = vector.broadcast %broadcast_in_dim3A_928 : vector<256x1xi32> to vector<256x64xi32>
    %select_n3A_930 = arith.select %eq3A_927, %broadcast_in_dim3A_929, %select_n3A_908 : vector<256x64xi1>, vector<256x64xi32>
    %eq3A_931 = vector.broadcast %broadcast_in_dim3A_924 : vector<256x1xi32> to vector<256x2048xi32>
    %eq3A_932 = arith.cmpi eq, %iota3A, %eq3A_931 : vector<256x2048xi32>
    %jit3A_933 = arith.constant 0x7F800000 : f32
    %broadcast_in_dim3A_934 = vector.broadcast %jit3A_933 : f32 to vector<256x2048xf32>
    %select_n3A_935 = arith.select %eq3A_932, %broadcast_in_dim3A_934, %select_n3A_913 : vector<256x2048xi1>, vector<256x2048xf32>
    %reduce_min3A_936 = arith.constant dense<0x7F800000> : vector<256xf32>
    %reduce_min3A_937 = vector.multi_reduction <minimumf>, %select_n3A_935, %reduce_min3A_936 [1] : vector<256x2048xf32> to vector<256xf32>
    %broadcast_in_dim3A_938 = vector.shape_cast %reduce_min3A_937 : vector<256xf32> to vector<256x1xf32>
    %eq3A_939 = vector.broadcast %broadcast_in_dim3A_938 : vector<256x1xf32> to vector<256x2048xf32>
    %eq3A_940 = arith.cmpf oeq, %select_n3A_935, %eq3A_939 : vector<256x2048xf32>
    %jit3A_941 = arith.constant 2048 : i32
    %broadcast_in_dim3A_942 = vector.broadcast %jit3A_941 : i32 to vector<256x2048xi32>
    %select_n3A_943 = arith.select %eq3A_940, %iota3A, %broadcast_in_dim3A_942 : vector<256x2048xi1>, vector<256x2048xi32>
    %reduce_min3A_944 = arith.constant dense<2147483647> : vector<256xi32>
    %reduce_min3A_945 = vector.multi_reduction <minsi>, %select_n3A_943, %reduce_min3A_944 [1] : vector<256x2048xi32> to vector<256xi32>
    %broadcast_in_dim3A_946 = vector.shape_cast %reduce_min3A_945 : vector<256xi32> to vector<256x1xi32>
    %eq3A_947 = arith.constant 39 : i32
    %eq3A_948 = vector.broadcast %eq3A_947 : i32 to vector<256x64xi32>
    %eq3A_949 = arith.cmpi eq, %iota3A_79, %eq3A_948 : vector<256x64xi32>
    %broadcast_in_dim3A_950 = vector.shape_cast %broadcast_in_dim3A_946 : vector<256x1xi32> to vector<256x1xi32>
    %broadcast_in_dim3A_951 = vector.broadcast %broadcast_in_dim3A_950 : vector<256x1xi32> to vector<256x64xi32>
    %select_n3A_952 = arith.select %eq3A_949, %broadcast_in_dim3A_951, %select_n3A_930 : vector<256x64xi1>, vector<256x64xi32>
    %eq3A_953 = vector.broadcast %broadcast_in_dim3A_946 : vector<256x1xi32> to vector<256x2048xi32>
    %eq3A_954 = arith.cmpi eq, %iota3A, %eq3A_953 : vector<256x2048xi32>
    %jit3A_955 = arith.constant 0x7F800000 : f32
    %broadcast_in_dim3A_956 = vector.broadcast %jit3A_955 : f32 to vector<256x2048xf32>
    %select_n3A_957 = arith.select %eq3A_954, %broadcast_in_dim3A_956, %select_n3A_935 : vector<256x2048xi1>, vector<256x2048xf32>
    %reduce_min3A_958 = arith.constant dense<0x7F800000> : vector<256xf32>
    %reduce_min3A_959 = vector.multi_reduction <minimumf>, %select_n3A_957, %reduce_min3A_958 [1] : vector<256x2048xf32> to vector<256xf32>
    %broadcast_in_dim3A_960 = vector.shape_cast %reduce_min3A_959 : vector<256xf32> to vector<256x1xf32>
    %eq3A_961 = vector.broadcast %broadcast_in_dim3A_960 : vector<256x1xf32> to vector<256x2048xf32>
    %eq3A_962 = arith.cmpf oeq, %select_n3A_957, %eq3A_961 : vector<256x2048xf32>
    %jit3A_963 = arith.constant 2048 : i32
    %broadcast_in_dim3A_964 = vector.broadcast %jit3A_963 : i32 to vector<256x2048xi32>
    %select_n3A_965 = arith.select %eq3A_962, %iota3A, %broadcast_in_dim3A_964 : vector<256x2048xi1>, vector<256x2048xi32>
    %reduce_min3A_966 = arith.constant dense<2147483647> : vector<256xi32>
    %reduce_min3A_967 = vector.multi_reduction <minsi>, %select_n3A_965, %reduce_min3A_966 [1] : vector<256x2048xi32> to vector<256xi32>
    %broadcast_in_dim3A_968 = vector.shape_cast %reduce_min3A_967 : vector<256xi32> to vector<256x1xi32>
    %eq3A_969 = arith.constant 40 : i32
    %eq3A_970 = vector.broadcast %eq3A_969 : i32 to vector<256x64xi32>
    %eq3A_971 = arith.cmpi eq, %iota3A_79, %eq3A_970 : vector<256x64xi32>
    %broadcast_in_dim3A_972 = vector.shape_cast %broadcast_in_dim3A_968 : vector<256x1xi32> to vector<256x1xi32>
    %broadcast_in_dim3A_973 = vector.broadcast %broadcast_in_dim3A_972 : vector<256x1xi32> to vector<256x64xi32>
    %select_n3A_974 = arith.select %eq3A_971, %broadcast_in_dim3A_973, %select_n3A_952 : vector<256x64xi1>, vector<256x64xi32>
    %eq3A_975 = vector.broadcast %broadcast_in_dim3A_968 : vector<256x1xi32> to vector<256x2048xi32>
    %eq3A_976 = arith.cmpi eq, %iota3A, %eq3A_975 : vector<256x2048xi32>
    %jit3A_977 = arith.constant 0x7F800000 : f32
    %broadcast_in_dim3A_978 = vector.broadcast %jit3A_977 : f32 to vector<256x2048xf32>
    %select_n3A_979 = arith.select %eq3A_976, %broadcast_in_dim3A_978, %select_n3A_957 : vector<256x2048xi1>, vector<256x2048xf32>
    %reduce_min3A_980 = arith.constant dense<0x7F800000> : vector<256xf32>
    %reduce_min3A_981 = vector.multi_reduction <minimumf>, %select_n3A_979, %reduce_min3A_980 [1] : vector<256x2048xf32> to vector<256xf32>
    %broadcast_in_dim3A_982 = vector.shape_cast %reduce_min3A_981 : vector<256xf32> to vector<256x1xf32>
    %eq3A_983 = vector.broadcast %broadcast_in_dim3A_982 : vector<256x1xf32> to vector<256x2048xf32>
    %eq3A_984 = arith.cmpf oeq, %select_n3A_979, %eq3A_983 : vector<256x2048xf32>
    %jit3A_985 = arith.constant 2048 : i32
    %broadcast_in_dim3A_986 = vector.broadcast %jit3A_985 : i32 to vector<256x2048xi32>
    %select_n3A_987 = arith.select %eq3A_984, %iota3A, %broadcast_in_dim3A_986 : vector<256x2048xi1>, vector<256x2048xi32>
    %reduce_min3A_988 = arith.constant dense<2147483647> : vector<256xi32>
    %reduce_min3A_989 = vector.multi_reduction <minsi>, %select_n3A_987, %reduce_min3A_988 [1] : vector<256x2048xi32> to vector<256xi32>
    %broadcast_in_dim3A_990 = vector.shape_cast %reduce_min3A_989 : vector<256xi32> to vector<256x1xi32>
    %eq3A_991 = arith.constant 41 : i32
    %eq3A_992 = vector.broadcast %eq3A_991 : i32 to vector<256x64xi32>
    %eq3A_993 = arith.cmpi eq, %iota3A_79, %eq3A_992 : vector<256x64xi32>
    %broadcast_in_dim3A_994 = vector.shape_cast %broadcast_in_dim3A_990 : vector<256x1xi32> to vector<256x1xi32>
    %broadcast_in_dim3A_995 = vector.broadcast %broadcast_in_dim3A_994 : vector<256x1xi32> to vector<256x64xi32>
    %select_n3A_996 = arith.select %eq3A_993, %broadcast_in_dim3A_995, %select_n3A_974 : vector<256x64xi1>, vector<256x64xi32>
    %eq3A_997 = vector.broadcast %broadcast_in_dim3A_990 : vector<256x1xi32> to vector<256x2048xi32>
    %eq3A_998 = arith.cmpi eq, %iota3A, %eq3A_997 : vector<256x2048xi32>
    %jit3A_999 = arith.constant 0x7F800000 : f32
    %broadcast_in_dim3A_1000 = vector.broadcast %jit3A_999 : f32 to vector<256x2048xf32>
    %select_n3A_1001 = arith.select %eq3A_998, %broadcast_in_dim3A_1000, %select_n3A_979 : vector<256x2048xi1>, vector<256x2048xf32>
    %reduce_min3A_1002 = arith.constant dense<0x7F800000> : vector<256xf32>
    %reduce_min3A_1003 = vector.multi_reduction <minimumf>, %select_n3A_1001, %reduce_min3A_1002 [1] : vector<256x2048xf32> to vector<256xf32>
    %broadcast_in_dim3A_1004 = vector.shape_cast %reduce_min3A_1003 : vector<256xf32> to vector<256x1xf32>
    %eq3A_1005 = vector.broadcast %broadcast_in_dim3A_1004 : vector<256x1xf32> to vector<256x2048xf32>
    %eq3A_1006 = arith.cmpf oeq, %select_n3A_1001, %eq3A_1005 : vector<256x2048xf32>
    %jit3A_1007 = arith.constant 2048 : i32
    %broadcast_in_dim3A_1008 = vector.broadcast %jit3A_1007 : i32 to vector<256x2048xi32>
    %select_n3A_1009 = arith.select %eq3A_1006, %iota3A, %broadcast_in_dim3A_1008 : vector<256x2048xi1>, vector<256x2048xi32>
    %reduce_min3A_1010 = arith.constant dense<2147483647> : vector<256xi32>
    %reduce_min3A_1011 = vector.multi_reduction <minsi>, %select_n3A_1009, %reduce_min3A_1010 [1] : vector<256x2048xi32> to vector<256xi32>
    %broadcast_in_dim3A_1012 = vector.shape_cast %reduce_min3A_1011 : vector<256xi32> to vector<256x1xi32>
    %eq3A_1013 = arith.constant 42 : i32
    %eq3A_1014 = vector.broadcast %eq3A_1013 : i32 to vector<256x64xi32>
    %eq3A_1015 = arith.cmpi eq, %iota3A_79, %eq3A_1014 : vector<256x64xi32>
    %broadcast_in_dim3A_1016 = vector.shape_cast %broadcast_in_dim3A_1012 : vector<256x1xi32> to vector<256x1xi32>
    %broadcast_in_dim3A_1017 = vector.broadcast %broadcast_in_dim3A_1016 : vector<256x1xi32> to vector<256x64xi32>
    %select_n3A_1018 = arith.select %eq3A_1015, %broadcast_in_dim3A_1017, %select_n3A_996 : vector<256x64xi1>, vector<256x64xi32>
    %eq3A_1019 = vector.broadcast %broadcast_in_dim3A_1012 : vector<256x1xi32> to vector<256x2048xi32>
    %eq3A_1020 = arith.cmpi eq, %iota3A, %eq3A_1019 : vector<256x2048xi32>
    %jit3A_1021 = arith.constant 0x7F800000 : f32
    %broadcast_in_dim3A_1022 = vector.broadcast %jit3A_1021 : f32 to vector<256x2048xf32>
    %select_n3A_1023 = arith.select %eq3A_1020, %broadcast_in_dim3A_1022, %select_n3A_1001 : vector<256x2048xi1>, vector<256x2048xf32>
    %reduce_min3A_1024 = arith.constant dense<0x7F800000> : vector<256xf32>
    %reduce_min3A_1025 = vector.multi_reduction <minimumf>, %select_n3A_1023, %reduce_min3A_1024 [1] : vector<256x2048xf32> to vector<256xf32>
    %broadcast_in_dim3A_1026 = vector.shape_cast %reduce_min3A_1025 : vector<256xf32> to vector<256x1xf32>
    %eq3A_1027 = vector.broadcast %broadcast_in_dim3A_1026 : vector<256x1xf32> to vector<256x2048xf32>
    %eq3A_1028 = arith.cmpf oeq, %select_n3A_1023, %eq3A_1027 : vector<256x2048xf32>
    %jit3A_1029 = arith.constant 2048 : i32
    %broadcast_in_dim3A_1030 = vector.broadcast %jit3A_1029 : i32 to vector<256x2048xi32>
    %select_n3A_1031 = arith.select %eq3A_1028, %iota3A, %broadcast_in_dim3A_1030 : vector<256x2048xi1>, vector<256x2048xi32>
    %reduce_min3A_1032 = arith.constant dense<2147483647> : vector<256xi32>
    %reduce_min3A_1033 = vector.multi_reduction <minsi>, %select_n3A_1031, %reduce_min3A_1032 [1] : vector<256x2048xi32> to vector<256xi32>
    %broadcast_in_dim3A_1034 = vector.shape_cast %reduce_min3A_1033 : vector<256xi32> to vector<256x1xi32>
    %eq3A_1035 = arith.constant 43 : i32
    %eq3A_1036 = vector.broadcast %eq3A_1035 : i32 to vector<256x64xi32>
    %eq3A_1037 = arith.cmpi eq, %iota3A_79, %eq3A_1036 : vector<256x64xi32>
    %broadcast_in_dim3A_1038 = vector.shape_cast %broadcast_in_dim3A_1034 : vector<256x1xi32> to vector<256x1xi32>
    %broadcast_in_dim3A_1039 = vector.broadcast %broadcast_in_dim3A_1038 : vector<256x1xi32> to vector<256x64xi32>
    %select_n3A_1040 = arith.select %eq3A_1037, %broadcast_in_dim3A_1039, %select_n3A_1018 : vector<256x64xi1>, vector<256x64xi32>
    %eq3A_1041 = vector.broadcast %broadcast_in_dim3A_1034 : vector<256x1xi32> to vector<256x2048xi32>
    %eq3A_1042 = arith.cmpi eq, %iota3A, %eq3A_1041 : vector<256x2048xi32>
    %jit3A_1043 = arith.constant 0x7F800000 : f32
    %broadcast_in_dim3A_1044 = vector.broadcast %jit3A_1043 : f32 to vector<256x2048xf32>
    %select_n3A_1045 = arith.select %eq3A_1042, %broadcast_in_dim3A_1044, %select_n3A_1023 : vector<256x2048xi1>, vector<256x2048xf32>
    %reduce_min3A_1046 = arith.constant dense<0x7F800000> : vector<256xf32>
    %reduce_min3A_1047 = vector.multi_reduction <minimumf>, %select_n3A_1045, %reduce_min3A_1046 [1] : vector<256x2048xf32> to vector<256xf32>
    %broadcast_in_dim3A_1048 = vector.shape_cast %reduce_min3A_1047 : vector<256xf32> to vector<256x1xf32>
    %eq3A_1049 = vector.broadcast %broadcast_in_dim3A_1048 : vector<256x1xf32> to vector<256x2048xf32>
    %eq3A_1050 = arith.cmpf oeq, %select_n3A_1045, %eq3A_1049 : vector<256x2048xf32>
    %jit3A_1051 = arith.constant 2048 : i32
    %broadcast_in_dim3A_1052 = vector.broadcast %jit3A_1051 : i32 to vector<256x2048xi32>
    %select_n3A_1053 = arith.select %eq3A_1050, %iota3A, %broadcast_in_dim3A_1052 : vector<256x2048xi1>, vector<256x2048xi32>
    %reduce_min3A_1054 = arith.constant dense<2147483647> : vector<256xi32>
    %reduce_min3A_1055 = vector.multi_reduction <minsi>, %select_n3A_1053, %reduce_min3A_1054 [1] : vector<256x2048xi32> to vector<256xi32>
    %broadcast_in_dim3A_1056 = vector.shape_cast %reduce_min3A_1055 : vector<256xi32> to vector<256x1xi32>
    %eq3A_1057 = arith.constant 44 : i32
    %eq3A_1058 = vector.broadcast %eq3A_1057 : i32 to vector<256x64xi32>
    %eq3A_1059 = arith.cmpi eq, %iota3A_79, %eq3A_1058 : vector<256x64xi32>
    %broadcast_in_dim3A_1060 = vector.shape_cast %broadcast_in_dim3A_1056 : vector<256x1xi32> to vector<256x1xi32>
    %broadcast_in_dim3A_1061 = vector.broadcast %broadcast_in_dim3A_1060 : vector<256x1xi32> to vector<256x64xi32>
    %select_n3A_1062 = arith.select %eq3A_1059, %broadcast_in_dim3A_1061, %select_n3A_1040 : vector<256x64xi1>, vector<256x64xi32>
    %eq3A_1063 = vector.broadcast %broadcast_in_dim3A_1056 : vector<256x1xi32> to vector<256x2048xi32>
    %eq3A_1064 = arith.cmpi eq, %iota3A, %eq3A_1063 : vector<256x2048xi32>
    %jit3A_1065 = arith.constant 0x7F800000 : f32
    %broadcast_in_dim3A_1066 = vector.broadcast %jit3A_1065 : f32 to vector<256x2048xf32>
    %select_n3A_1067 = arith.select %eq3A_1064, %broadcast_in_dim3A_1066, %select_n3A_1045 : vector<256x2048xi1>, vector<256x2048xf32>
    %reduce_min3A_1068 = arith.constant dense<0x7F800000> : vector<256xf32>
    %reduce_min3A_1069 = vector.multi_reduction <minimumf>, %select_n3A_1067, %reduce_min3A_1068 [1] : vector<256x2048xf32> to vector<256xf32>
    %broadcast_in_dim3A_1070 = vector.shape_cast %reduce_min3A_1069 : vector<256xf32> to vector<256x1xf32>
    %eq3A_1071 = vector.broadcast %broadcast_in_dim3A_1070 : vector<256x1xf32> to vector<256x2048xf32>
    %eq3A_1072 = arith.cmpf oeq, %select_n3A_1067, %eq3A_1071 : vector<256x2048xf32>
    %jit3A_1073 = arith.constant 2048 : i32
    %broadcast_in_dim3A_1074 = vector.broadcast %jit3A_1073 : i32 to vector<256x2048xi32>
    %select_n3A_1075 = arith.select %eq3A_1072, %iota3A, %broadcast_in_dim3A_1074 : vector<256x2048xi1>, vector<256x2048xi32>
    %reduce_min3A_1076 = arith.constant dense<2147483647> : vector<256xi32>
    %reduce_min3A_1077 = vector.multi_reduction <minsi>, %select_n3A_1075, %reduce_min3A_1076 [1] : vector<256x2048xi32> to vector<256xi32>
    %broadcast_in_dim3A_1078 = vector.shape_cast %reduce_min3A_1077 : vector<256xi32> to vector<256x1xi32>
    %eq3A_1079 = arith.constant 45 : i32
    %eq3A_1080 = vector.broadcast %eq3A_1079 : i32 to vector<256x64xi32>
    %eq3A_1081 = arith.cmpi eq, %iota3A_79, %eq3A_1080 : vector<256x64xi32>
    %broadcast_in_dim3A_1082 = vector.shape_cast %broadcast_in_dim3A_1078 : vector<256x1xi32> to vector<256x1xi32>
    %broadcast_in_dim3A_1083 = vector.broadcast %broadcast_in_dim3A_1082 : vector<256x1xi32> to vector<256x64xi32>
    %select_n3A_1084 = arith.select %eq3A_1081, %broadcast_in_dim3A_1083, %select_n3A_1062 : vector<256x64xi1>, vector<256x64xi32>
    %eq3A_1085 = vector.broadcast %broadcast_in_dim3A_1078 : vector<256x1xi32> to vector<256x2048xi32>
    %eq3A_1086 = arith.cmpi eq, %iota3A, %eq3A_1085 : vector<256x2048xi32>
    %jit3A_1087 = arith.constant 0x7F800000 : f32
    %broadcast_in_dim3A_1088 = vector.broadcast %jit3A_1087 : f32 to vector<256x2048xf32>
    %select_n3A_1089 = arith.select %eq3A_1086, %broadcast_in_dim3A_1088, %select_n3A_1067 : vector<256x2048xi1>, vector<256x2048xf32>
    %reduce_min3A_1090 = arith.constant dense<0x7F800000> : vector<256xf32>
    %reduce_min3A_1091 = vector.multi_reduction <minimumf>, %select_n3A_1089, %reduce_min3A_1090 [1] : vector<256x2048xf32> to vector<256xf32>
    %broadcast_in_dim3A_1092 = vector.shape_cast %reduce_min3A_1091 : vector<256xf32> to vector<256x1xf32>
    %eq3A_1093 = vector.broadcast %broadcast_in_dim3A_1092 : vector<256x1xf32> to vector<256x2048xf32>
    %eq3A_1094 = arith.cmpf oeq, %select_n3A_1089, %eq3A_1093 : vector<256x2048xf32>
    %jit3A_1095 = arith.constant 2048 : i32
    %broadcast_in_dim3A_1096 = vector.broadcast %jit3A_1095 : i32 to vector<256x2048xi32>
    %select_n3A_1097 = arith.select %eq3A_1094, %iota3A, %broadcast_in_dim3A_1096 : vector<256x2048xi1>, vector<256x2048xi32>
    %reduce_min3A_1098 = arith.constant dense<2147483647> : vector<256xi32>
    %reduce_min3A_1099 = vector.multi_reduction <minsi>, %select_n3A_1097, %reduce_min3A_1098 [1] : vector<256x2048xi32> to vector<256xi32>
    %broadcast_in_dim3A_1100 = vector.shape_cast %reduce_min3A_1099 : vector<256xi32> to vector<256x1xi32>
    %eq3A_1101 = arith.constant 46 : i32
    %eq3A_1102 = vector.broadcast %eq3A_1101 : i32 to vector<256x64xi32>
    %eq3A_1103 = arith.cmpi eq, %iota3A_79, %eq3A_1102 : vector<256x64xi32>
    %broadcast_in_dim3A_1104 = vector.shape_cast %broadcast_in_dim3A_1100 : vector<256x1xi32> to vector<256x1xi32>
    %broadcast_in_dim3A_1105 = vector.broadcast %broadcast_in_dim3A_1104 : vector<256x1xi32> to vector<256x64xi32>
    %select_n3A_1106 = arith.select %eq3A_1103, %broadcast_in_dim3A_1105, %select_n3A_1084 : vector<256x64xi1>, vector<256x64xi32>
    %eq3A_1107 = vector.broadcast %broadcast_in_dim3A_1100 : vector<256x1xi32> to vector<256x2048xi32>
    %eq3A_1108 = arith.cmpi eq, %iota3A, %eq3A_1107 : vector<256x2048xi32>
    %jit3A_1109 = arith.constant 0x7F800000 : f32
    %broadcast_in_dim3A_1110 = vector.broadcast %jit3A_1109 : f32 to vector<256x2048xf32>
    %select_n3A_1111 = arith.select %eq3A_1108, %broadcast_in_dim3A_1110, %select_n3A_1089 : vector<256x2048xi1>, vector<256x2048xf32>
    %reduce_min3A_1112 = arith.constant dense<0x7F800000> : vector<256xf32>
    %reduce_min3A_1113 = vector.multi_reduction <minimumf>, %select_n3A_1111, %reduce_min3A_1112 [1] : vector<256x2048xf32> to vector<256xf32>
    %broadcast_in_dim3A_1114 = vector.shape_cast %reduce_min3A_1113 : vector<256xf32> to vector<256x1xf32>
    %eq3A_1115 = vector.broadcast %broadcast_in_dim3A_1114 : vector<256x1xf32> to vector<256x2048xf32>
    %eq3A_1116 = arith.cmpf oeq, %select_n3A_1111, %eq3A_1115 : vector<256x2048xf32>
    %jit3A_1117 = arith.constant 2048 : i32
    %broadcast_in_dim3A_1118 = vector.broadcast %jit3A_1117 : i32 to vector<256x2048xi32>
    %select_n3A_1119 = arith.select %eq3A_1116, %iota3A, %broadcast_in_dim3A_1118 : vector<256x2048xi1>, vector<256x2048xi32>
    %reduce_min3A_1120 = arith.constant dense<2147483647> : vector<256xi32>
    %reduce_min3A_1121 = vector.multi_reduction <minsi>, %select_n3A_1119, %reduce_min3A_1120 [1] : vector<256x2048xi32> to vector<256xi32>
    %broadcast_in_dim3A_1122 = vector.shape_cast %reduce_min3A_1121 : vector<256xi32> to vector<256x1xi32>
    %eq3A_1123 = arith.constant 47 : i32
    %eq3A_1124 = vector.broadcast %eq3A_1123 : i32 to vector<256x64xi32>
    %eq3A_1125 = arith.cmpi eq, %iota3A_79, %eq3A_1124 : vector<256x64xi32>
    %broadcast_in_dim3A_1126 = vector.shape_cast %broadcast_in_dim3A_1122 : vector<256x1xi32> to vector<256x1xi32>
    %broadcast_in_dim3A_1127 = vector.broadcast %broadcast_in_dim3A_1126 : vector<256x1xi32> to vector<256x64xi32>
    %select_n3A_1128 = arith.select %eq3A_1125, %broadcast_in_dim3A_1127, %select_n3A_1106 : vector<256x64xi1>, vector<256x64xi32>
    %eq3A_1129 = vector.broadcast %broadcast_in_dim3A_1122 : vector<256x1xi32> to vector<256x2048xi32>
    %eq3A_1130 = arith.cmpi eq, %iota3A, %eq3A_1129 : vector<256x2048xi32>
    %jit3A_1131 = arith.constant 0x7F800000 : f32
    %broadcast_in_dim3A_1132 = vector.broadcast %jit3A_1131 : f32 to vector<256x2048xf32>
    %select_n3A_1133 = arith.select %eq3A_1130, %broadcast_in_dim3A_1132, %select_n3A_1111 : vector<256x2048xi1>, vector<256x2048xf32>
    %reduce_min3A_1134 = arith.constant dense<0x7F800000> : vector<256xf32>
    %reduce_min3A_1135 = vector.multi_reduction <minimumf>, %select_n3A_1133, %reduce_min3A_1134 [1] : vector<256x2048xf32> to vector<256xf32>
    %broadcast_in_dim3A_1136 = vector.shape_cast %reduce_min3A_1135 : vector<256xf32> to vector<256x1xf32>
    %eq3A_1137 = vector.broadcast %broadcast_in_dim3A_1136 : vector<256x1xf32> to vector<256x2048xf32>
    %eq3A_1138 = arith.cmpf oeq, %select_n3A_1133, %eq3A_1137 : vector<256x2048xf32>
    %jit3A_1139 = arith.constant 2048 : i32
    %broadcast_in_dim3A_1140 = vector.broadcast %jit3A_1139 : i32 to vector<256x2048xi32>
    %select_n3A_1141 = arith.select %eq3A_1138, %iota3A, %broadcast_in_dim3A_1140 : vector<256x2048xi1>, vector<256x2048xi32>
    %reduce_min3A_1142 = arith.constant dense<2147483647> : vector<256xi32>
    %reduce_min3A_1143 = vector.multi_reduction <minsi>, %select_n3A_1141, %reduce_min3A_1142 [1] : vector<256x2048xi32> to vector<256xi32>
    %broadcast_in_dim3A_1144 = vector.shape_cast %reduce_min3A_1143 : vector<256xi32> to vector<256x1xi32>
    %eq3A_1145 = arith.constant 48 : i32
    %eq3A_1146 = vector.broadcast %eq3A_1145 : i32 to vector<256x64xi32>
    %eq3A_1147 = arith.cmpi eq, %iota3A_79, %eq3A_1146 : vector<256x64xi32>
    %broadcast_in_dim3A_1148 = vector.shape_cast %broadcast_in_dim3A_1144 : vector<256x1xi32> to vector<256x1xi32>
    %broadcast_in_dim3A_1149 = vector.broadcast %broadcast_in_dim3A_1148 : vector<256x1xi32> to vector<256x64xi32>
    %select_n3A_1150 = arith.select %eq3A_1147, %broadcast_in_dim3A_1149, %select_n3A_1128 : vector<256x64xi1>, vector<256x64xi32>
    %eq3A_1151 = vector.broadcast %broadcast_in_dim3A_1144 : vector<256x1xi32> to vector<256x2048xi32>
    %eq3A_1152 = arith.cmpi eq, %iota3A, %eq3A_1151 : vector<256x2048xi32>
    %jit3A_1153 = arith.constant 0x7F800000 : f32
    %broadcast_in_dim3A_1154 = vector.broadcast %jit3A_1153 : f32 to vector<256x2048xf32>
    %select_n3A_1155 = arith.select %eq3A_1152, %broadcast_in_dim3A_1154, %select_n3A_1133 : vector<256x2048xi1>, vector<256x2048xf32>
    %reduce_min3A_1156 = arith.constant dense<0x7F800000> : vector<256xf32>
    %reduce_min3A_1157 = vector.multi_reduction <minimumf>, %select_n3A_1155, %reduce_min3A_1156 [1] : vector<256x2048xf32> to vector<256xf32>
    %broadcast_in_dim3A_1158 = vector.shape_cast %reduce_min3A_1157 : vector<256xf32> to vector<256x1xf32>
    %eq3A_1159 = vector.broadcast %broadcast_in_dim3A_1158 : vector<256x1xf32> to vector<256x2048xf32>
    %eq3A_1160 = arith.cmpf oeq, %select_n3A_1155, %eq3A_1159 : vector<256x2048xf32>
    %jit3A_1161 = arith.constant 2048 : i32
    %broadcast_in_dim3A_1162 = vector.broadcast %jit3A_1161 : i32 to vector<256x2048xi32>
    %select_n3A_1163 = arith.select %eq3A_1160, %iota3A, %broadcast_in_dim3A_1162 : vector<256x2048xi1>, vector<256x2048xi32>
    %reduce_min3A_1164 = arith.constant dense<2147483647> : vector<256xi32>
    %reduce_min3A_1165 = vector.multi_reduction <minsi>, %select_n3A_1163, %reduce_min3A_1164 [1] : vector<256x2048xi32> to vector<256xi32>
    %broadcast_in_dim3A_1166 = vector.shape_cast %reduce_min3A_1165 : vector<256xi32> to vector<256x1xi32>
    %eq3A_1167 = arith.constant 49 : i32
    %eq3A_1168 = vector.broadcast %eq3A_1167 : i32 to vector<256x64xi32>
    %eq3A_1169 = arith.cmpi eq, %iota3A_79, %eq3A_1168 : vector<256x64xi32>
    %broadcast_in_dim3A_1170 = vector.shape_cast %broadcast_in_dim3A_1166 : vector<256x1xi32> to vector<256x1xi32>
    %broadcast_in_dim3A_1171 = vector.broadcast %broadcast_in_dim3A_1170 : vector<256x1xi32> to vector<256x64xi32>
    %select_n3A_1172 = arith.select %eq3A_1169, %broadcast_in_dim3A_1171, %select_n3A_1150 : vector<256x64xi1>, vector<256x64xi32>
    %eq3A_1173 = vector.broadcast %broadcast_in_dim3A_1166 : vector<256x1xi32> to vector<256x2048xi32>
    %eq3A_1174 = arith.cmpi eq, %iota3A, %eq3A_1173 : vector<256x2048xi32>
    %jit3A_1175 = arith.constant 0x7F800000 : f32
    %broadcast_in_dim3A_1176 = vector.broadcast %jit3A_1175 : f32 to vector<256x2048xf32>
    %select_n3A_1177 = arith.select %eq3A_1174, %broadcast_in_dim3A_1176, %select_n3A_1155 : vector<256x2048xi1>, vector<256x2048xf32>
    %reduce_min3A_1178 = arith.constant dense<0x7F800000> : vector<256xf32>
    %reduce_min3A_1179 = vector.multi_reduction <minimumf>, %select_n3A_1177, %reduce_min3A_1178 [1] : vector<256x2048xf32> to vector<256xf32>
    %broadcast_in_dim3A_1180 = vector.shape_cast %reduce_min3A_1179 : vector<256xf32> to vector<256x1xf32>
    %eq3A_1181 = vector.broadcast %broadcast_in_dim3A_1180 : vector<256x1xf32> to vector<256x2048xf32>
    %eq3A_1182 = arith.cmpf oeq, %select_n3A_1177, %eq3A_1181 : vector<256x2048xf32>
    %jit3A_1183 = arith.constant 2048 : i32
    %broadcast_in_dim3A_1184 = vector.broadcast %jit3A_1183 : i32 to vector<256x2048xi32>
    %select_n3A_1185 = arith.select %eq3A_1182, %iota3A, %broadcast_in_dim3A_1184 : vector<256x2048xi1>, vector<256x2048xi32>
    %reduce_min3A_1186 = arith.constant dense<2147483647> : vector<256xi32>
    %reduce_min3A_1187 = vector.multi_reduction <minsi>, %select_n3A_1185, %reduce_min3A_1186 [1] : vector<256x2048xi32> to vector<256xi32>
    %broadcast_in_dim3A_1188 = vector.shape_cast %reduce_min3A_1187 : vector<256xi32> to vector<256x1xi32>
    %eq3A_1189 = arith.constant 50 : i32
    %eq3A_1190 = vector.broadcast %eq3A_1189 : i32 to vector<256x64xi32>
    %eq3A_1191 = arith.cmpi eq, %iota3A_79, %eq3A_1190 : vector<256x64xi32>
    %broadcast_in_dim3A_1192 = vector.shape_cast %broadcast_in_dim3A_1188 : vector<256x1xi32> to vector<256x1xi32>
    %broadcast_in_dim3A_1193 = vector.broadcast %broadcast_in_dim3A_1192 : vector<256x1xi32> to vector<256x64xi32>
    %select_n3A_1194 = arith.select %eq3A_1191, %broadcast_in_dim3A_1193, %select_n3A_1172 : vector<256x64xi1>, vector<256x64xi32>
    %eq3A_1195 = vector.broadcast %broadcast_in_dim3A_1188 : vector<256x1xi32> to vector<256x2048xi32>
    %eq3A_1196 = arith.cmpi eq, %iota3A, %eq3A_1195 : vector<256x2048xi32>
    %jit3A_1197 = arith.constant 0x7F800000 : f32
    %broadcast_in_dim3A_1198 = vector.broadcast %jit3A_1197 : f32 to vector<256x2048xf32>
    %select_n3A_1199 = arith.select %eq3A_1196, %broadcast_in_dim3A_1198, %select_n3A_1177 : vector<256x2048xi1>, vector<256x2048xf32>
    %reduce_min3A_1200 = arith.constant dense<0x7F800000> : vector<256xf32>
    %reduce_min3A_1201 = vector.multi_reduction <minimumf>, %select_n3A_1199, %reduce_min3A_1200 [1] : vector<256x2048xf32> to vector<256xf32>
    %broadcast_in_dim3A_1202 = vector.shape_cast %reduce_min3A_1201 : vector<256xf32> to vector<256x1xf32>
    %eq3A_1203 = vector.broadcast %broadcast_in_dim3A_1202 : vector<256x1xf32> to vector<256x2048xf32>
    %eq3A_1204 = arith.cmpf oeq, %select_n3A_1199, %eq3A_1203 : vector<256x2048xf32>
    %jit3A_1205 = arith.constant 2048 : i32
    %broadcast_in_dim3A_1206 = vector.broadcast %jit3A_1205 : i32 to vector<256x2048xi32>
    %select_n3A_1207 = arith.select %eq3A_1204, %iota3A, %broadcast_in_dim3A_1206 : vector<256x2048xi1>, vector<256x2048xi32>
    %reduce_min3A_1208 = arith.constant dense<2147483647> : vector<256xi32>
    %reduce_min3A_1209 = vector.multi_reduction <minsi>, %select_n3A_1207, %reduce_min3A_1208 [1] : vector<256x2048xi32> to vector<256xi32>
    %broadcast_in_dim3A_1210 = vector.shape_cast %reduce_min3A_1209 : vector<256xi32> to vector<256x1xi32>
    %eq3A_1211 = arith.constant 51 : i32
    %eq3A_1212 = vector.broadcast %eq3A_1211 : i32 to vector<256x64xi32>
    %eq3A_1213 = arith.cmpi eq, %iota3A_79, %eq3A_1212 : vector<256x64xi32>
    %broadcast_in_dim3A_1214 = vector.shape_cast %broadcast_in_dim3A_1210 : vector<256x1xi32> to vector<256x1xi32>
    %broadcast_in_dim3A_1215 = vector.broadcast %broadcast_in_dim3A_1214 : vector<256x1xi32> to vector<256x64xi32>
    %select_n3A_1216 = arith.select %eq3A_1213, %broadcast_in_dim3A_1215, %select_n3A_1194 : vector<256x64xi1>, vector<256x64xi32>
    %eq3A_1217 = vector.broadcast %broadcast_in_dim3A_1210 : vector<256x1xi32> to vector<256x2048xi32>
    %eq3A_1218 = arith.cmpi eq, %iota3A, %eq3A_1217 : vector<256x2048xi32>
    %jit3A_1219 = arith.constant 0x7F800000 : f32
    %broadcast_in_dim3A_1220 = vector.broadcast %jit3A_1219 : f32 to vector<256x2048xf32>
    %select_n3A_1221 = arith.select %eq3A_1218, %broadcast_in_dim3A_1220, %select_n3A_1199 : vector<256x2048xi1>, vector<256x2048xf32>
    %reduce_min3A_1222 = arith.constant dense<0x7F800000> : vector<256xf32>
    %reduce_min3A_1223 = vector.multi_reduction <minimumf>, %select_n3A_1221, %reduce_min3A_1222 [1] : vector<256x2048xf32> to vector<256xf32>
    %broadcast_in_dim3A_1224 = vector.shape_cast %reduce_min3A_1223 : vector<256xf32> to vector<256x1xf32>
    %eq3A_1225 = vector.broadcast %broadcast_in_dim3A_1224 : vector<256x1xf32> to vector<256x2048xf32>
    %eq3A_1226 = arith.cmpf oeq, %select_n3A_1221, %eq3A_1225 : vector<256x2048xf32>
    %jit3A_1227 = arith.constant 2048 : i32
    %broadcast_in_dim3A_1228 = vector.broadcast %jit3A_1227 : i32 to vector<256x2048xi32>
    %select_n3A_1229 = arith.select %eq3A_1226, %iota3A, %broadcast_in_dim3A_1228 : vector<256x2048xi1>, vector<256x2048xi32>
    %reduce_min3A_1230 = arith.constant dense<2147483647> : vector<256xi32>
    %reduce_min3A_1231 = vector.multi_reduction <minsi>, %select_n3A_1229, %reduce_min3A_1230 [1] : vector<256x2048xi32> to vector<256xi32>
    %broadcast_in_dim3A_1232 = vector.shape_cast %reduce_min3A_1231 : vector<256xi32> to vector<256x1xi32>
    %eq3A_1233 = arith.constant 52 : i32
    %eq3A_1234 = vector.broadcast %eq3A_1233 : i32 to vector<256x64xi32>
    %eq3A_1235 = arith.cmpi eq, %iota3A_79, %eq3A_1234 : vector<256x64xi32>
    %broadcast_in_dim3A_1236 = vector.shape_cast %broadcast_in_dim3A_1232 : vector<256x1xi32> to vector<256x1xi32>
    %broadcast_in_dim3A_1237 = vector.broadcast %broadcast_in_dim3A_1236 : vector<256x1xi32> to vector<256x64xi32>
    %select_n3A_1238 = arith.select %eq3A_1235, %broadcast_in_dim3A_1237, %select_n3A_1216 : vector<256x64xi1>, vector<256x64xi32>
    %eq3A_1239 = vector.broadcast %broadcast_in_dim3A_1232 : vector<256x1xi32> to vector<256x2048xi32>
    %eq3A_1240 = arith.cmpi eq, %iota3A, %eq3A_1239 : vector<256x2048xi32>
    %jit3A_1241 = arith.constant 0x7F800000 : f32
    %broadcast_in_dim3A_1242 = vector.broadcast %jit3A_1241 : f32 to vector<256x2048xf32>
    %select_n3A_1243 = arith.select %eq3A_1240, %broadcast_in_dim3A_1242, %select_n3A_1221 : vector<256x2048xi1>, vector<256x2048xf32>
    %reduce_min3A_1244 = arith.constant dense<0x7F800000> : vector<256xf32>
    %reduce_min3A_1245 = vector.multi_reduction <minimumf>, %select_n3A_1243, %reduce_min3A_1244 [1] : vector<256x2048xf32> to vector<256xf32>
    %broadcast_in_dim3A_1246 = vector.shape_cast %reduce_min3A_1245 : vector<256xf32> to vector<256x1xf32>
    %eq3A_1247 = vector.broadcast %broadcast_in_dim3A_1246 : vector<256x1xf32> to vector<256x2048xf32>
    %eq3A_1248 = arith.cmpf oeq, %select_n3A_1243, %eq3A_1247 : vector<256x2048xf32>
    %jit3A_1249 = arith.constant 2048 : i32
    %broadcast_in_dim3A_1250 = vector.broadcast %jit3A_1249 : i32 to vector<256x2048xi32>
    %select_n3A_1251 = arith.select %eq3A_1248, %iota3A, %broadcast_in_dim3A_1250 : vector<256x2048xi1>, vector<256x2048xi32>
    %reduce_min3A_1252 = arith.constant dense<2147483647> : vector<256xi32>
    %reduce_min3A_1253 = vector.multi_reduction <minsi>, %select_n3A_1251, %reduce_min3A_1252 [1] : vector<256x2048xi32> to vector<256xi32>
    %broadcast_in_dim3A_1254 = vector.shape_cast %reduce_min3A_1253 : vector<256xi32> to vector<256x1xi32>
    %eq3A_1255 = arith.constant 53 : i32
    %eq3A_1256 = vector.broadcast %eq3A_1255 : i32 to vector<256x64xi32>
    %eq3A_1257 = arith.cmpi eq, %iota3A_79, %eq3A_1256 : vector<256x64xi32>
    %broadcast_in_dim3A_1258 = vector.shape_cast %broadcast_in_dim3A_1254 : vector<256x1xi32> to vector<256x1xi32>
    %broadcast_in_dim3A_1259 = vector.broadcast %broadcast_in_dim3A_1258 : vector<256x1xi32> to vector<256x64xi32>
    %select_n3A_1260 = arith.select %eq3A_1257, %broadcast_in_dim3A_1259, %select_n3A_1238 : vector<256x64xi1>, vector<256x64xi32>
    %eq3A_1261 = vector.broadcast %broadcast_in_dim3A_1254 : vector<256x1xi32> to vector<256x2048xi32>
    %eq3A_1262 = arith.cmpi eq, %iota3A, %eq3A_1261 : vector<256x2048xi32>
    %jit3A_1263 = arith.constant 0x7F800000 : f32
    %broadcast_in_dim3A_1264 = vector.broadcast %jit3A_1263 : f32 to vector<256x2048xf32>
    %select_n3A_1265 = arith.select %eq3A_1262, %broadcast_in_dim3A_1264, %select_n3A_1243 : vector<256x2048xi1>, vector<256x2048xf32>
    %reduce_min3A_1266 = arith.constant dense<0x7F800000> : vector<256xf32>
    %reduce_min3A_1267 = vector.multi_reduction <minimumf>, %select_n3A_1265, %reduce_min3A_1266 [1] : vector<256x2048xf32> to vector<256xf32>
    %broadcast_in_dim3A_1268 = vector.shape_cast %reduce_min3A_1267 : vector<256xf32> to vector<256x1xf32>
    %eq3A_1269 = vector.broadcast %broadcast_in_dim3A_1268 : vector<256x1xf32> to vector<256x2048xf32>
    %eq3A_1270 = arith.cmpf oeq, %select_n3A_1265, %eq3A_1269 : vector<256x2048xf32>
    %jit3A_1271 = arith.constant 2048 : i32
    %broadcast_in_dim3A_1272 = vector.broadcast %jit3A_1271 : i32 to vector<256x2048xi32>
    %select_n3A_1273 = arith.select %eq3A_1270, %iota3A, %broadcast_in_dim3A_1272 : vector<256x2048xi1>, vector<256x2048xi32>
    %reduce_min3A_1274 = arith.constant dense<2147483647> : vector<256xi32>
    %reduce_min3A_1275 = vector.multi_reduction <minsi>, %select_n3A_1273, %reduce_min3A_1274 [1] : vector<256x2048xi32> to vector<256xi32>
    %broadcast_in_dim3A_1276 = vector.shape_cast %reduce_min3A_1275 : vector<256xi32> to vector<256x1xi32>
    %eq3A_1277 = arith.constant 54 : i32
    %eq3A_1278 = vector.broadcast %eq3A_1277 : i32 to vector<256x64xi32>
    %eq3A_1279 = arith.cmpi eq, %iota3A_79, %eq3A_1278 : vector<256x64xi32>
    %broadcast_in_dim3A_1280 = vector.shape_cast %broadcast_in_dim3A_1276 : vector<256x1xi32> to vector<256x1xi32>
    %broadcast_in_dim3A_1281 = vector.broadcast %broadcast_in_dim3A_1280 : vector<256x1xi32> to vector<256x64xi32>
    %select_n3A_1282 = arith.select %eq3A_1279, %broadcast_in_dim3A_1281, %select_n3A_1260 : vector<256x64xi1>, vector<256x64xi32>
    %eq3A_1283 = vector.broadcast %broadcast_in_dim3A_1276 : vector<256x1xi32> to vector<256x2048xi32>
    %eq3A_1284 = arith.cmpi eq, %iota3A, %eq3A_1283 : vector<256x2048xi32>
    %jit3A_1285 = arith.constant 0x7F800000 : f32
    %broadcast_in_dim3A_1286 = vector.broadcast %jit3A_1285 : f32 to vector<256x2048xf32>
    %select_n3A_1287 = arith.select %eq3A_1284, %broadcast_in_dim3A_1286, %select_n3A_1265 : vector<256x2048xi1>, vector<256x2048xf32>
    %reduce_min3A_1288 = arith.constant dense<0x7F800000> : vector<256xf32>
    %reduce_min3A_1289 = vector.multi_reduction <minimumf>, %select_n3A_1287, %reduce_min3A_1288 [1] : vector<256x2048xf32> to vector<256xf32>
    %broadcast_in_dim3A_1290 = vector.shape_cast %reduce_min3A_1289 : vector<256xf32> to vector<256x1xf32>
    %eq3A_1291 = vector.broadcast %broadcast_in_dim3A_1290 : vector<256x1xf32> to vector<256x2048xf32>
    %eq3A_1292 = arith.cmpf oeq, %select_n3A_1287, %eq3A_1291 : vector<256x2048xf32>
    %jit3A_1293 = arith.constant 2048 : i32
    %broadcast_in_dim3A_1294 = vector.broadcast %jit3A_1293 : i32 to vector<256x2048xi32>
    %select_n3A_1295 = arith.select %eq3A_1292, %iota3A, %broadcast_in_dim3A_1294 : vector<256x2048xi1>, vector<256x2048xi32>
    %reduce_min3A_1296 = arith.constant dense<2147483647> : vector<256xi32>
    %reduce_min3A_1297 = vector.multi_reduction <minsi>, %select_n3A_1295, %reduce_min3A_1296 [1] : vector<256x2048xi32> to vector<256xi32>
    %broadcast_in_dim3A_1298 = vector.shape_cast %reduce_min3A_1297 : vector<256xi32> to vector<256x1xi32>
    %eq3A_1299 = arith.constant 55 : i32
    %eq3A_1300 = vector.broadcast %eq3A_1299 : i32 to vector<256x64xi32>
    %eq3A_1301 = arith.cmpi eq, %iota3A_79, %eq3A_1300 : vector<256x64xi32>
    %broadcast_in_dim3A_1302 = vector.shape_cast %broadcast_in_dim3A_1298 : vector<256x1xi32> to vector<256x1xi32>
    %broadcast_in_dim3A_1303 = vector.broadcast %broadcast_in_dim3A_1302 : vector<256x1xi32> to vector<256x64xi32>
    %select_n3A_1304 = arith.select %eq3A_1301, %broadcast_in_dim3A_1303, %select_n3A_1282 : vector<256x64xi1>, vector<256x64xi32>
    %eq3A_1305 = vector.broadcast %broadcast_in_dim3A_1298 : vector<256x1xi32> to vector<256x2048xi32>
    %eq3A_1306 = arith.cmpi eq, %iota3A, %eq3A_1305 : vector<256x2048xi32>
    %jit3A_1307 = arith.constant 0x7F800000 : f32
    %broadcast_in_dim3A_1308 = vector.broadcast %jit3A_1307 : f32 to vector<256x2048xf32>
    %select_n3A_1309 = arith.select %eq3A_1306, %broadcast_in_dim3A_1308, %select_n3A_1287 : vector<256x2048xi1>, vector<256x2048xf32>
    %reduce_min3A_1310 = arith.constant dense<0x7F800000> : vector<256xf32>
    %reduce_min3A_1311 = vector.multi_reduction <minimumf>, %select_n3A_1309, %reduce_min3A_1310 [1] : vector<256x2048xf32> to vector<256xf32>
    %broadcast_in_dim3A_1312 = vector.shape_cast %reduce_min3A_1311 : vector<256xf32> to vector<256x1xf32>
    %eq3A_1313 = vector.broadcast %broadcast_in_dim3A_1312 : vector<256x1xf32> to vector<256x2048xf32>
    %eq3A_1314 = arith.cmpf oeq, %select_n3A_1309, %eq3A_1313 : vector<256x2048xf32>
    %jit3A_1315 = arith.constant 2048 : i32
    %broadcast_in_dim3A_1316 = vector.broadcast %jit3A_1315 : i32 to vector<256x2048xi32>
    %select_n3A_1317 = arith.select %eq3A_1314, %iota3A, %broadcast_in_dim3A_1316 : vector<256x2048xi1>, vector<256x2048xi32>
    %reduce_min3A_1318 = arith.constant dense<2147483647> : vector<256xi32>
    %reduce_min3A_1319 = vector.multi_reduction <minsi>, %select_n3A_1317, %reduce_min3A_1318 [1] : vector<256x2048xi32> to vector<256xi32>
    %broadcast_in_dim3A_1320 = vector.shape_cast %reduce_min3A_1319 : vector<256xi32> to vector<256x1xi32>
    %eq3A_1321 = arith.constant 56 : i32
    %eq3A_1322 = vector.broadcast %eq3A_1321 : i32 to vector<256x64xi32>
    %eq3A_1323 = arith.cmpi eq, %iota3A_79, %eq3A_1322 : vector<256x64xi32>
    %broadcast_in_dim3A_1324 = vector.shape_cast %broadcast_in_dim3A_1320 : vector<256x1xi32> to vector<256x1xi32>
    %broadcast_in_dim3A_1325 = vector.broadcast %broadcast_in_dim3A_1324 : vector<256x1xi32> to vector<256x64xi32>
    %select_n3A_1326 = arith.select %eq3A_1323, %broadcast_in_dim3A_1325, %select_n3A_1304 : vector<256x64xi1>, vector<256x64xi32>
    %eq3A_1327 = vector.broadcast %broadcast_in_dim3A_1320 : vector<256x1xi32> to vector<256x2048xi32>
    %eq3A_1328 = arith.cmpi eq, %iota3A, %eq3A_1327 : vector<256x2048xi32>
    %jit3A_1329 = arith.constant 0x7F800000 : f32
    %broadcast_in_dim3A_1330 = vector.broadcast %jit3A_1329 : f32 to vector<256x2048xf32>
    %select_n3A_1331 = arith.select %eq3A_1328, %broadcast_in_dim3A_1330, %select_n3A_1309 : vector<256x2048xi1>, vector<256x2048xf32>
    %reduce_min3A_1332 = arith.constant dense<0x7F800000> : vector<256xf32>
    %reduce_min3A_1333 = vector.multi_reduction <minimumf>, %select_n3A_1331, %reduce_min3A_1332 [1] : vector<256x2048xf32> to vector<256xf32>
    %broadcast_in_dim3A_1334 = vector.shape_cast %reduce_min3A_1333 : vector<256xf32> to vector<256x1xf32>
    %eq3A_1335 = vector.broadcast %broadcast_in_dim3A_1334 : vector<256x1xf32> to vector<256x2048xf32>
    %eq3A_1336 = arith.cmpf oeq, %select_n3A_1331, %eq3A_1335 : vector<256x2048xf32>
    %jit3A_1337 = arith.constant 2048 : i32
    %broadcast_in_dim3A_1338 = vector.broadcast %jit3A_1337 : i32 to vector<256x2048xi32>
    %select_n3A_1339 = arith.select %eq3A_1336, %iota3A, %broadcast_in_dim3A_1338 : vector<256x2048xi1>, vector<256x2048xi32>
    %reduce_min3A_1340 = arith.constant dense<2147483647> : vector<256xi32>
    %reduce_min3A_1341 = vector.multi_reduction <minsi>, %select_n3A_1339, %reduce_min3A_1340 [1] : vector<256x2048xi32> to vector<256xi32>
    %broadcast_in_dim3A_1342 = vector.shape_cast %reduce_min3A_1341 : vector<256xi32> to vector<256x1xi32>
    %eq3A_1343 = arith.constant 57 : i32
    %eq3A_1344 = vector.broadcast %eq3A_1343 : i32 to vector<256x64xi32>
    %eq3A_1345 = arith.cmpi eq, %iota3A_79, %eq3A_1344 : vector<256x64xi32>
    %broadcast_in_dim3A_1346 = vector.shape_cast %broadcast_in_dim3A_1342 : vector<256x1xi32> to vector<256x1xi32>
    %broadcast_in_dim3A_1347 = vector.broadcast %broadcast_in_dim3A_1346 : vector<256x1xi32> to vector<256x64xi32>
    %select_n3A_1348 = arith.select %eq3A_1345, %broadcast_in_dim3A_1347, %select_n3A_1326 : vector<256x64xi1>, vector<256x64xi32>
    %eq3A_1349 = vector.broadcast %broadcast_in_dim3A_1342 : vector<256x1xi32> to vector<256x2048xi32>
    %eq3A_1350 = arith.cmpi eq, %iota3A, %eq3A_1349 : vector<256x2048xi32>
    %jit3A_1351 = arith.constant 0x7F800000 : f32
    %broadcast_in_dim3A_1352 = vector.broadcast %jit3A_1351 : f32 to vector<256x2048xf32>
    %select_n3A_1353 = arith.select %eq3A_1350, %broadcast_in_dim3A_1352, %select_n3A_1331 : vector<256x2048xi1>, vector<256x2048xf32>
    %reduce_min3A_1354 = arith.constant dense<0x7F800000> : vector<256xf32>
    %reduce_min3A_1355 = vector.multi_reduction <minimumf>, %select_n3A_1353, %reduce_min3A_1354 [1] : vector<256x2048xf32> to vector<256xf32>
    %broadcast_in_dim3A_1356 = vector.shape_cast %reduce_min3A_1355 : vector<256xf32> to vector<256x1xf32>
    %eq3A_1357 = vector.broadcast %broadcast_in_dim3A_1356 : vector<256x1xf32> to vector<256x2048xf32>
    %eq3A_1358 = arith.cmpf oeq, %select_n3A_1353, %eq3A_1357 : vector<256x2048xf32>
    %jit3A_1359 = arith.constant 2048 : i32
    %broadcast_in_dim3A_1360 = vector.broadcast %jit3A_1359 : i32 to vector<256x2048xi32>
    %select_n3A_1361 = arith.select %eq3A_1358, %iota3A, %broadcast_in_dim3A_1360 : vector<256x2048xi1>, vector<256x2048xi32>
    %reduce_min3A_1362 = arith.constant dense<2147483647> : vector<256xi32>
    %reduce_min3A_1363 = vector.multi_reduction <minsi>, %select_n3A_1361, %reduce_min3A_1362 [1] : vector<256x2048xi32> to vector<256xi32>
    %broadcast_in_dim3A_1364 = vector.shape_cast %reduce_min3A_1363 : vector<256xi32> to vector<256x1xi32>
    %eq3A_1365 = arith.constant 58 : i32
    %eq3A_1366 = vector.broadcast %eq3A_1365 : i32 to vector<256x64xi32>
    %eq3A_1367 = arith.cmpi eq, %iota3A_79, %eq3A_1366 : vector<256x64xi32>
    %broadcast_in_dim3A_1368 = vector.shape_cast %broadcast_in_dim3A_1364 : vector<256x1xi32> to vector<256x1xi32>
    %broadcast_in_dim3A_1369 = vector.broadcast %broadcast_in_dim3A_1368 : vector<256x1xi32> to vector<256x64xi32>
    %select_n3A_1370 = arith.select %eq3A_1367, %broadcast_in_dim3A_1369, %select_n3A_1348 : vector<256x64xi1>, vector<256x64xi32>
    %eq3A_1371 = vector.broadcast %broadcast_in_dim3A_1364 : vector<256x1xi32> to vector<256x2048xi32>
    %eq3A_1372 = arith.cmpi eq, %iota3A, %eq3A_1371 : vector<256x2048xi32>
    %jit3A_1373 = arith.constant 0x7F800000 : f32
    %broadcast_in_dim3A_1374 = vector.broadcast %jit3A_1373 : f32 to vector<256x2048xf32>
    %select_n3A_1375 = arith.select %eq3A_1372, %broadcast_in_dim3A_1374, %select_n3A_1353 : vector<256x2048xi1>, vector<256x2048xf32>
    %reduce_min3A_1376 = arith.constant dense<0x7F800000> : vector<256xf32>
    %reduce_min3A_1377 = vector.multi_reduction <minimumf>, %select_n3A_1375, %reduce_min3A_1376 [1] : vector<256x2048xf32> to vector<256xf32>
    %broadcast_in_dim3A_1378 = vector.shape_cast %reduce_min3A_1377 : vector<256xf32> to vector<256x1xf32>
    %eq3A_1379 = vector.broadcast %broadcast_in_dim3A_1378 : vector<256x1xf32> to vector<256x2048xf32>
    %eq3A_1380 = arith.cmpf oeq, %select_n3A_1375, %eq3A_1379 : vector<256x2048xf32>
    %jit3A_1381 = arith.constant 2048 : i32
    %broadcast_in_dim3A_1382 = vector.broadcast %jit3A_1381 : i32 to vector<256x2048xi32>
    %select_n3A_1383 = arith.select %eq3A_1380, %iota3A, %broadcast_in_dim3A_1382 : vector<256x2048xi1>, vector<256x2048xi32>
    %reduce_min3A_1384 = arith.constant dense<2147483647> : vector<256xi32>
    %reduce_min3A_1385 = vector.multi_reduction <minsi>, %select_n3A_1383, %reduce_min3A_1384 [1] : vector<256x2048xi32> to vector<256xi32>
    %broadcast_in_dim3A_1386 = vector.shape_cast %reduce_min3A_1385 : vector<256xi32> to vector<256x1xi32>
    %eq3A_1387 = arith.constant 59 : i32
    %eq3A_1388 = vector.broadcast %eq3A_1387 : i32 to vector<256x64xi32>
    %eq3A_1389 = arith.cmpi eq, %iota3A_79, %eq3A_1388 : vector<256x64xi32>
    %broadcast_in_dim3A_1390 = vector.shape_cast %broadcast_in_dim3A_1386 : vector<256x1xi32> to vector<256x1xi32>
    %broadcast_in_dim3A_1391 = vector.broadcast %broadcast_in_dim3A_1390 : vector<256x1xi32> to vector<256x64xi32>
    %select_n3A_1392 = arith.select %eq3A_1389, %broadcast_in_dim3A_1391, %select_n3A_1370 : vector<256x64xi1>, vector<256x64xi32>
    %eq3A_1393 = vector.broadcast %broadcast_in_dim3A_1386 : vector<256x1xi32> to vector<256x2048xi32>
    %eq3A_1394 = arith.cmpi eq, %iota3A, %eq3A_1393 : vector<256x2048xi32>
    %jit3A_1395 = arith.constant 0x7F800000 : f32
    %broadcast_in_dim3A_1396 = vector.broadcast %jit3A_1395 : f32 to vector<256x2048xf32>
    %select_n3A_1397 = arith.select %eq3A_1394, %broadcast_in_dim3A_1396, %select_n3A_1375 : vector<256x2048xi1>, vector<256x2048xf32>
    %reduce_min3A_1398 = arith.constant dense<0x7F800000> : vector<256xf32>
    %reduce_min3A_1399 = vector.multi_reduction <minimumf>, %select_n3A_1397, %reduce_min3A_1398 [1] : vector<256x2048xf32> to vector<256xf32>
    %broadcast_in_dim3A_1400 = vector.shape_cast %reduce_min3A_1399 : vector<256xf32> to vector<256x1xf32>
    %eq3A_1401 = vector.broadcast %broadcast_in_dim3A_1400 : vector<256x1xf32> to vector<256x2048xf32>
    %eq3A_1402 = arith.cmpf oeq, %select_n3A_1397, %eq3A_1401 : vector<256x2048xf32>
    %jit3A_1403 = arith.constant 2048 : i32
    %broadcast_in_dim3A_1404 = vector.broadcast %jit3A_1403 : i32 to vector<256x2048xi32>
    %select_n3A_1405 = arith.select %eq3A_1402, %iota3A, %broadcast_in_dim3A_1404 : vector<256x2048xi1>, vector<256x2048xi32>
    %reduce_min3A_1406 = arith.constant dense<2147483647> : vector<256xi32>
    %reduce_min3A_1407 = vector.multi_reduction <minsi>, %select_n3A_1405, %reduce_min3A_1406 [1] : vector<256x2048xi32> to vector<256xi32>
    %broadcast_in_dim3A_1408 = vector.shape_cast %reduce_min3A_1407 : vector<256xi32> to vector<256x1xi32>
    %eq3A_1409 = arith.constant 60 : i32
    %eq3A_1410 = vector.broadcast %eq3A_1409 : i32 to vector<256x64xi32>
    %eq3A_1411 = arith.cmpi eq, %iota3A_79, %eq3A_1410 : vector<256x64xi32>
    %broadcast_in_dim3A_1412 = vector.shape_cast %broadcast_in_dim3A_1408 : vector<256x1xi32> to vector<256x1xi32>
    %broadcast_in_dim3A_1413 = vector.broadcast %broadcast_in_dim3A_1412 : vector<256x1xi32> to vector<256x64xi32>
    %select_n3A_1414 = arith.select %eq3A_1411, %broadcast_in_dim3A_1413, %select_n3A_1392 : vector<256x64xi1>, vector<256x64xi32>
    %eq3A_1415 = vector.broadcast %broadcast_in_dim3A_1408 : vector<256x1xi32> to vector<256x2048xi32>
    %eq3A_1416 = arith.cmpi eq, %iota3A, %eq3A_1415 : vector<256x2048xi32>
    %jit3A_1417 = arith.constant 0x7F800000 : f32
    %broadcast_in_dim3A_1418 = vector.broadcast %jit3A_1417 : f32 to vector<256x2048xf32>
    %select_n3A_1419 = arith.select %eq3A_1416, %broadcast_in_dim3A_1418, %select_n3A_1397 : vector<256x2048xi1>, vector<256x2048xf32>
    %reduce_min3A_1420 = arith.constant dense<0x7F800000> : vector<256xf32>
    %reduce_min3A_1421 = vector.multi_reduction <minimumf>, %select_n3A_1419, %reduce_min3A_1420 [1] : vector<256x2048xf32> to vector<256xf32>
    %broadcast_in_dim3A_1422 = vector.shape_cast %reduce_min3A_1421 : vector<256xf32> to vector<256x1xf32>
    %eq3A_1423 = vector.broadcast %broadcast_in_dim3A_1422 : vector<256x1xf32> to vector<256x2048xf32>
    %eq3A_1424 = arith.cmpf oeq, %select_n3A_1419, %eq3A_1423 : vector<256x2048xf32>
    %jit3A_1425 = arith.constant 2048 : i32
    %broadcast_in_dim3A_1426 = vector.broadcast %jit3A_1425 : i32 to vector<256x2048xi32>
    %select_n3A_1427 = arith.select %eq3A_1424, %iota3A, %broadcast_in_dim3A_1426 : vector<256x2048xi1>, vector<256x2048xi32>
    %reduce_min3A_1428 = arith.constant dense<2147483647> : vector<256xi32>
    %reduce_min3A_1429 = vector.multi_reduction <minsi>, %select_n3A_1427, %reduce_min3A_1428 [1] : vector<256x2048xi32> to vector<256xi32>
    %broadcast_in_dim3A_1430 = vector.shape_cast %reduce_min3A_1429 : vector<256xi32> to vector<256x1xi32>
    %eq3A_1431 = arith.constant 61 : i32
    %eq3A_1432 = vector.broadcast %eq3A_1431 : i32 to vector<256x64xi32>
    %eq3A_1433 = arith.cmpi eq, %iota3A_79, %eq3A_1432 : vector<256x64xi32>
    %broadcast_in_dim3A_1434 = vector.shape_cast %broadcast_in_dim3A_1430 : vector<256x1xi32> to vector<256x1xi32>
    %broadcast_in_dim3A_1435 = vector.broadcast %broadcast_in_dim3A_1434 : vector<256x1xi32> to vector<256x64xi32>
    %select_n3A_1436 = arith.select %eq3A_1433, %broadcast_in_dim3A_1435, %select_n3A_1414 : vector<256x64xi1>, vector<256x64xi32>
    %eq3A_1437 = vector.broadcast %broadcast_in_dim3A_1430 : vector<256x1xi32> to vector<256x2048xi32>
    %eq3A_1438 = arith.cmpi eq, %iota3A, %eq3A_1437 : vector<256x2048xi32>
    %jit3A_1439 = arith.constant 0x7F800000 : f32
    %broadcast_in_dim3A_1440 = vector.broadcast %jit3A_1439 : f32 to vector<256x2048xf32>
    %select_n3A_1441 = arith.select %eq3A_1438, %broadcast_in_dim3A_1440, %select_n3A_1419 : vector<256x2048xi1>, vector<256x2048xf32>
    %reduce_min3A_1442 = arith.constant dense<0x7F800000> : vector<256xf32>
    %reduce_min3A_1443 = vector.multi_reduction <minimumf>, %select_n3A_1441, %reduce_min3A_1442 [1] : vector<256x2048xf32> to vector<256xf32>
    %broadcast_in_dim3A_1444 = vector.shape_cast %reduce_min3A_1443 : vector<256xf32> to vector<256x1xf32>
    %eq3A_1445 = vector.broadcast %broadcast_in_dim3A_1444 : vector<256x1xf32> to vector<256x2048xf32>
    %eq3A_1446 = arith.cmpf oeq, %select_n3A_1441, %eq3A_1445 : vector<256x2048xf32>
    %jit3A_1447 = arith.constant 2048 : i32
    %broadcast_in_dim3A_1448 = vector.broadcast %jit3A_1447 : i32 to vector<256x2048xi32>
    %select_n3A_1449 = arith.select %eq3A_1446, %iota3A, %broadcast_in_dim3A_1448 : vector<256x2048xi1>, vector<256x2048xi32>
    %reduce_min3A_1450 = arith.constant dense<2147483647> : vector<256xi32>
    %reduce_min3A_1451 = vector.multi_reduction <minsi>, %select_n3A_1449, %reduce_min3A_1450 [1] : vector<256x2048xi32> to vector<256xi32>
    %broadcast_in_dim3A_1452 = vector.shape_cast %reduce_min3A_1451 : vector<256xi32> to vector<256x1xi32>
    %eq3A_1453 = arith.constant 62 : i32
    %eq3A_1454 = vector.broadcast %eq3A_1453 : i32 to vector<256x64xi32>
    %eq3A_1455 = arith.cmpi eq, %iota3A_79, %eq3A_1454 : vector<256x64xi32>
    %broadcast_in_dim3A_1456 = vector.shape_cast %broadcast_in_dim3A_1452 : vector<256x1xi32> to vector<256x1xi32>
    %broadcast_in_dim3A_1457 = vector.broadcast %broadcast_in_dim3A_1456 : vector<256x1xi32> to vector<256x64xi32>
    %select_n3A_1458 = arith.select %eq3A_1455, %broadcast_in_dim3A_1457, %select_n3A_1436 : vector<256x64xi1>, vector<256x64xi32>
    %eq3A_1459 = vector.broadcast %broadcast_in_dim3A_1452 : vector<256x1xi32> to vector<256x2048xi32>
    %eq3A_1460 = arith.cmpi eq, %iota3A, %eq3A_1459 : vector<256x2048xi32>
    %jit3A_1461 = arith.constant 0x7F800000 : f32
    %broadcast_in_dim3A_1462 = vector.broadcast %jit3A_1461 : f32 to vector<256x2048xf32>
    %select_n3A_1463 = arith.select %eq3A_1460, %broadcast_in_dim3A_1462, %select_n3A_1441 : vector<256x2048xi1>, vector<256x2048xf32>
    %reduce_min3A_1464 = arith.constant dense<0x7F800000> : vector<256xf32>
    %reduce_min3A_1465 = vector.multi_reduction <minimumf>, %select_n3A_1463, %reduce_min3A_1464 [1] : vector<256x2048xf32> to vector<256xf32>
    %broadcast_in_dim3A_1466 = vector.shape_cast %reduce_min3A_1465 : vector<256xf32> to vector<256x1xf32>
    %eq3A_1467 = vector.broadcast %broadcast_in_dim3A_1466 : vector<256x1xf32> to vector<256x2048xf32>
    %eq3A_1468 = arith.cmpf oeq, %select_n3A_1463, %eq3A_1467 : vector<256x2048xf32>
    %jit3A_1469 = arith.constant 2048 : i32
    %broadcast_in_dim3A_1470 = vector.broadcast %jit3A_1469 : i32 to vector<256x2048xi32>
    %select_n3A_1471 = arith.select %eq3A_1468, %iota3A, %broadcast_in_dim3A_1470 : vector<256x2048xi1>, vector<256x2048xi32>
    %reduce_min3A_1472 = arith.constant dense<2147483647> : vector<256xi32>
    %reduce_min3A_1473 = vector.multi_reduction <minsi>, %select_n3A_1471, %reduce_min3A_1472 [1] : vector<256x2048xi32> to vector<256xi32>
    %broadcast_in_dim3A_1474 = vector.shape_cast %reduce_min3A_1473 : vector<256xi32> to vector<256x1xi32>
    %eq3A_1475 = arith.constant 63 : i32
    %eq3A_1476 = vector.broadcast %eq3A_1475 : i32 to vector<256x64xi32>
    %eq3A_1477 = arith.cmpi eq, %iota3A_79, %eq3A_1476 : vector<256x64xi32>
    %broadcast_in_dim3A_1478 = vector.shape_cast %broadcast_in_dim3A_1474 : vector<256x1xi32> to vector<256x1xi32>
    %broadcast_in_dim3A_1479 = vector.broadcast %broadcast_in_dim3A_1478 : vector<256x1xi32> to vector<256x64xi32>
    %select_n3A_1480 = arith.select %eq3A_1477, %broadcast_in_dim3A_1479, %select_n3A_1458 : vector<256x64xi1>, vector<256x64xi32>
    %swap3A = arith.constant 0 : index
    %swap3A_1481 = arith.constant 0 : index
    %swap3A_1482 = arith.constant 0 : index
    %swap3A_1483 = vector.load %arg4[%swap3A, %swap3A_1481, %swap3A_1482] : memref<1x256x64xi32, #tpu.memory_space<vmem>>, vector<1x256x64xi32>
    %swap3A_1484 = vector.shape_cast %swap3A_1483 : vector<1x256x64xi32> to vector<256x64xi32>
    %swap3A_1485 = vector.shape_cast %select_n3A_1480 : vector<256x64xi32> to vector<1x256x64xi32>
    tpu.vector_store %arg4[%swap3A, %swap3A_1481, %swap3A_1482], %swap3A_1485 {strides = array<i32>} : memref<1x256x64xi32, #tpu.memory_space<vmem>>, vector<1x256x64xi32>,
    return
  }
  func.func @transform_0(%arg0: i32, %arg1: i32) -> (i32, i32, i32) {
    %c0_i32 = arith.constant 0 : i32
    %c0_i32_0 = arith.constant 0 : i32
    %c0_i32_1 = arith.constant 0 : i32
    return %arg0, %c0_i32, %c0_i32_0 : i32, i32, i32
  }
  func.func @transform_1(%arg0: i32, %arg1: i32) -> (i32, i32, i32) {
    %c0_i32 = arith.constant 0 : i32
    %c0_i32_0 = arith.constant 0 : i32
    return %arg0, %c0_i32, %arg1 : i32, i32, i32
  }
  func.func @transform_2(%arg0: i32, %arg1: i32) -> (i32, i32, i32) {
    %c0_i32 = arith.constant 0 : i32
    %c0_i32_0 = arith.constant 0 : i32
    return %arg0, %arg1, %c0_i32 : i32, i32, i32
  }
}

module attributes {stable_mosaic.version = 14 : i64} {
  func.func @_knn_body(%arg0: i32, %arg1: i32, %arg2: memref<1x3x1024xf32, #tpu.memory_space<vmem>>, %arg3: memref<1x3x256xf32, #tpu.memory_space<vmem>>, %arg4: memref<1x256x64xi32, #tpu.memory_space<vmem>>) attributes {dimension_semantics = [#tpu.dimension_semantics<arbitrary>, #tpu.dimension_semantics<arbitrary>], iteration_bounds = array<i64: 4, 2>, scalar_prefetch = 0 : i64, scratch_operands = 0 : i64, tpu.core_type = #tpu.core_type<tc>, window_params = [{transform_indices = @transform_0, window_bounds = array<i64: 1, 3, 1024>}, {transform_indices = @transform_1, window_bounds = array<i64: 1, 3, 256>}, {transform_indices = @transform_2, window_bounds = array<i64: 1, 256, 64>}]} {
    %broadcast_in_dim3A = arith.constant 0.000000e+00 : f32
    %broadcast_in_dim3A_0 = vector.broadcast %broadcast_in_dim3A : f32 to vector<256x1xf32>
    %broadcast_in_dim3A_1 = arith.constant 0.000000e+00 : f32
    %broadcast_in_dim3A_2 = vector.broadcast %broadcast_in_dim3A_1 : f32 to vector<1x1024xf32>
    %broadcast_in_dim3A_3 = arith.constant 0.000000e+00 : f32
    %broadcast_in_dim3A_4 = vector.broadcast %broadcast_in_dim3A_3 : f32 to vector<256x1024xf32>
    %get3A = arith.constant 0 : index
    %get3A_5 = arith.constant 0 : index
    %get3A_6 = arith.constant 0 : index
    %get3A_7 = vector.load %arg3[%get3A, %get3A_5, %get3A_6] : memref<1x3x256xf32, #tpu.memory_space<vmem>>, vector<1x1x256xf32>
    %get3A_8 = vector.shape_cast %get3A_7 : vector<1x1x256xf32> to vector<256xf32>
    %broadcast_in_dim3A_9 = vector.shape_cast %get3A_8 : vector<256xf32> to vector<256x1xf32>
    %get3A_10 = arith.constant 0 : index
    %get3A_11 = arith.constant 0 : index
    %get3A_12 = arith.constant 0 : index
    %get3A_13 = vector.load %arg2[%get3A_10, %get3A_11, %get3A_12] : memref<1x3x1024xf32, #tpu.memory_space<vmem>>, vector<1x1x1024xf32>
    %get3A_14 = vector.shape_cast %get3A_13 : vector<1x1x1024xf32> to vector<1024xf32>
    %broadcast_in_dim3A_15 = vector.shape_cast %get3A_14 : vector<1024xf32> to vector<1x1024xf32>
    %mul3A = arith.mulf %broadcast_in_dim3A_9, %broadcast_in_dim3A_9 : vector<256x1xf32>
    %add3A = arith.addf %broadcast_in_dim3A_0, %mul3A : vector<256x1xf32>
    %mul3A_16 = arith.mulf %broadcast_in_dim3A_15, %broadcast_in_dim3A_15 : vector<1x1024xf32>
    %add3A_17 = arith.addf %broadcast_in_dim3A_2, %mul3A_16 : vector<1x1024xf32>
    %convert_element_type3A = arith.truncf %broadcast_in_dim3A_9 : vector<256x1xf32> to vector<256x1xbf16>
    %convert_element_type3A_18 = arith.extf %convert_element_type3A : vector<256x1xbf16> to vector<256x1xf32>
    %convert_element_type3A_19 = arith.truncf %broadcast_in_dim3A_15 : vector<1x1024xf32> to vector<1x1024xbf16>
    %convert_element_type3A_20 = arith.extf %convert_element_type3A_19 : vector<1x1024xbf16> to vector<1x1024xf32>
    %mul3A_21 = vector.broadcast %convert_element_type3A_18 : vector<256x1xf32> to vector<256x1024xf32>
    %mul3A_22 = vector.broadcast %convert_element_type3A_20 : vector<1x1024xf32> to vector<256x1024xf32>
    %mul3A_23 = arith.mulf %mul3A_21, %mul3A_22 : vector<256x1024xf32>
    %add3A_24 = arith.addf %broadcast_in_dim3A_4, %mul3A_23 : vector<256x1024xf32>
    %get3A_25 = arith.constant 0 : index
    %get3A_26 = arith.constant 1 : index
    %get3A_27 = arith.constant 0 : index
    %get3A_28 = vector.load %arg3[%get3A_25, %get3A_26, %get3A_27] : memref<1x3x256xf32, #tpu.memory_space<vmem>>, vector<1x1x256xf32>
    %get3A_29 = vector.shape_cast %get3A_28 : vector<1x1x256xf32> to vector<256xf32>
    %broadcast_in_dim3A_30 = vector.shape_cast %get3A_29 : vector<256xf32> to vector<256x1xf32>
    %get3A_31 = arith.constant 0 : index
    %get3A_32 = arith.constant 1 : index
    %get3A_33 = arith.constant 0 : index
    %get3A_34 = vector.load %arg2[%get3A_31, %get3A_32, %get3A_33] : memref<1x3x1024xf32, #tpu.memory_space<vmem>>, vector<1x1x1024xf32>
    %get3A_35 = vector.shape_cast %get3A_34 : vector<1x1x1024xf32> to vector<1024xf32>
    %broadcast_in_dim3A_36 = vector.shape_cast %get3A_35 : vector<1024xf32> to vector<1x1024xf32>
    %mul3A_37 = arith.mulf %broadcast_in_dim3A_30, %broadcast_in_dim3A_30 : vector<256x1xf32>
    %add3A_38 = arith.addf %add3A, %mul3A_37 : vector<256x1xf32>
    %mul3A_39 = arith.mulf %broadcast_in_dim3A_36, %broadcast_in_dim3A_36 : vector<1x1024xf32>
    %add3A_40 = arith.addf %add3A_17, %mul3A_39 : vector<1x1024xf32>
    %convert_element_type3A_41 = arith.truncf %broadcast_in_dim3A_30 : vector<256x1xf32> to vector<256x1xbf16>
    %convert_element_type3A_42 = arith.extf %convert_element_type3A_41 : vector<256x1xbf16> to vector<256x1xf32>
    %convert_element_type3A_43 = arith.truncf %broadcast_in_dim3A_36 : vector<1x1024xf32> to vector<1x1024xbf16>
    %convert_element_type3A_44 = arith.extf %convert_element_type3A_43 : vector<1x1024xbf16> to vector<1x1024xf32>
    %mul3A_45 = vector.broadcast %convert_element_type3A_42 : vector<256x1xf32> to vector<256x1024xf32>
    %mul3A_46 = vector.broadcast %convert_element_type3A_44 : vector<1x1024xf32> to vector<256x1024xf32>
    %mul3A_47 = arith.mulf %mul3A_45, %mul3A_46 : vector<256x1024xf32>
    %add3A_48 = arith.addf %add3A_24, %mul3A_47 : vector<256x1024xf32>
    %get3A_49 = arith.constant 0 : index
    %get3A_50 = arith.constant 2 : index
    %get3A_51 = arith.constant 0 : index
    %get3A_52 = vector.load %arg3[%get3A_49, %get3A_50, %get3A_51] : memref<1x3x256xf32, #tpu.memory_space<vmem>>, vector<1x1x256xf32>
    %get3A_53 = vector.shape_cast %get3A_52 : vector<1x1x256xf32> to vector<256xf32>
    %broadcast_in_dim3A_54 = vector.shape_cast %get3A_53 : vector<256xf32> to vector<256x1xf32>
    %get3A_55 = arith.constant 0 : index
    %get3A_56 = arith.constant 2 : index
    %get3A_57 = arith.constant 0 : index
    %get3A_58 = vector.load %arg2[%get3A_55, %get3A_56, %get3A_57] : memref<1x3x1024xf32, #tpu.memory_space<vmem>>, vector<1x1x1024xf32>
    %get3A_59 = vector.shape_cast %get3A_58 : vector<1x1x1024xf32> to vector<1024xf32>
    %broadcast_in_dim3A_60 = vector.shape_cast %get3A_59 : vector<1024xf32> to vector<1x1024xf32>
    %mul3A_61 = arith.mulf %broadcast_in_dim3A_54, %broadcast_in_dim3A_54 : vector<256x1xf32>
    %add3A_62 = arith.addf %add3A_38, %mul3A_61 : vector<256x1xf32>
    %mul3A_63 = arith.mulf %broadcast_in_dim3A_60, %broadcast_in_dim3A_60 : vector<1x1024xf32>
    %add3A_64 = arith.addf %add3A_40, %mul3A_63 : vector<1x1024xf32>
    %convert_element_type3A_65 = arith.truncf %broadcast_in_dim3A_54 : vector<256x1xf32> to vector<256x1xbf16>
    %convert_element_type3A_66 = arith.extf %convert_element_type3A_65 : vector<256x1xbf16> to vector<256x1xf32>
    %convert_element_type3A_67 = arith.truncf %broadcast_in_dim3A_60 : vector<1x1024xf32> to vector<1x1024xbf16>
    %convert_element_type3A_68 = arith.extf %convert_element_type3A_67 : vector<1x1024xbf16> to vector<1x1024xf32>
    %mul3A_69 = vector.broadcast %convert_element_type3A_66 : vector<256x1xf32> to vector<256x1024xf32>
    %mul3A_70 = vector.broadcast %convert_element_type3A_68 : vector<1x1024xf32> to vector<256x1024xf32>
    %mul3A_71 = arith.mulf %mul3A_69, %mul3A_70 : vector<256x1024xf32>
    %add3A_72 = arith.addf %add3A_48, %mul3A_71 : vector<256x1024xf32>
    %add3A_73 = vector.broadcast %add3A_62 : vector<256x1xf32> to vector<256x1024xf32>
    %add3A_74 = vector.broadcast %add3A_64 : vector<1x1024xf32> to vector<256x1024xf32>
    %add3A_75 = arith.addf %add3A_73, %add3A_74 : vector<256x1024xf32>
    %mul3A_76 = arith.constant 2.000000e+00 : f32
    %mul3A_77 = vector.broadcast %mul3A_76 : f32 to vector<256x1024xf32>
    %mul3A_78 = arith.mulf %mul3A_77, %add3A_72 : vector<256x1024xf32>
    %sub3A = arith.subf %add3A_75, %mul3A_78 : vector<256x1024xf32>
    %iota3A = tpu.iota {dimensions = array<i32: 1>} : vector<256x1024xi32>
    %iota3A_79 = tpu.iota {dimensions = array<i32: 1>} : vector<256x64xi32>
    %broadcast_in_dim3A_80 = arith.constant 0 : i32
    %broadcast_in_dim3A_81 = vector.broadcast %broadcast_in_dim3A_80 : i32 to vector<256x64xi32>
    %reduce_min3A = arith.constant dense<0x7F800000> : vector<256xf32>
    %reduce_min3A_82 = vector.multi_reduction <minimumf>, %sub3A, %reduce_min3A [1] : vector<256x1024xf32> to vector<256xf32>
    %broadcast_in_dim3A_83 = vector.shape_cast %reduce_min3A_82 : vector<256xf32> to vector<256x1xf32>
    %eq3A = vector.broadcast %broadcast_in_dim3A_83 : vector<256x1xf32> to vector<256x1024xf32>
    %eq3A_84 = arith.cmpf oeq, %sub3A, %eq3A : vector<256x1024xf32>
    %jit3A = arith.constant 1024 : i32
    %broadcast_in_dim3A_85 = vector.broadcast %jit3A : i32 to vector<256x1024xi32>
    %select_n3A = arith.select %eq3A_84, %iota3A, %broadcast_in_dim3A_85 : vector<256x1024xi1>, vector<256x1024xi32>
    %reduce_min3A_86 = arith.constant dense<2147483647> : vector<256xi32>
    %reduce_min3A_87 = vector.multi_reduction <minsi>, %select_n3A, %reduce_min3A_86 [1] : vector<256x1024xi32> to vector<256xi32>
    %broadcast_in_dim3A_88 = vector.shape_cast %reduce_min3A_87 : vector<256xi32> to vector<256x1xi32>
    %eq3A_89 = arith.constant 0 : i32
    %eq3A_90 = vector.broadcast %eq3A_89 : i32 to vector<256x64xi32>
    %eq3A_91 = arith.cmpi eq, %iota3A_79, %eq3A_90 : vector<256x64xi32>
    %broadcast_in_dim3A_92 = vector.shape_cast %broadcast_in_dim3A_88 : vector<256x1xi32> to vector<256x1xi32>
    %broadcast_in_dim3A_93 = vector.broadcast %broadcast_in_dim3A_92 : vector<256x1xi32> to vector<256x64xi32>
    %select_n3A_94 = arith.select %eq3A_91, %broadcast_in_dim3A_93, %broadcast_in_dim3A_81 : vector<256x64xi1>, vector<256x64xi32>
    %eq3A_95 = vector.broadcast %broadcast_in_dim3A_88 : vector<256x1xi32> to vector<256x1024xi32>
    %eq3A_96 = arith.cmpi eq, %iota3A, %eq3A_95 : vector<256x1024xi32>
    %jit3A_97 = arith.constant 0x7F800000 : f32
    %broadcast_in_dim3A_98 = vector.broadcast %jit3A_97 : f32 to vector<256x1024xf32>
    %select_n3A_99 = arith.select %eq3A_96, %broadcast_in_dim3A_98, %sub3A : vector<256x1024xi1>, vector<256x1024xf32>
    %reduce_min3A_100 = arith.constant dense<0x7F800000> : vector<256xf32>
    %reduce_min3A_101 = vector.multi_reduction <minimumf>, %select_n3A_99, %reduce_min3A_100 [1] : vector<256x1024xf32> to vector<256xf32>
    %broadcast_in_dim3A_102 = vector.shape_cast %reduce_min3A_101 : vector<256xf32> to vector<256x1xf32>
    %eq3A_103 = vector.broadcast %broadcast_in_dim3A_102 : vector<256x1xf32> to vector<256x1024xf32>
    %eq3A_104 = arith.cmpf oeq, %select_n3A_99, %eq3A_103 : vector<256x1024xf32>
    %jit3A_105 = arith.constant 1024 : i32
    %broadcast_in_dim3A_106 = vector.broadcast %jit3A_105 : i32 to vector<256x1024xi32>
    %select_n3A_107 = arith.select %eq3A_104, %iota3A, %broadcast_in_dim3A_106 : vector<256x1024xi1>, vector<256x1024xi32>
    %reduce_min3A_108 = arith.constant dense<2147483647> : vector<256xi32>
    %reduce_min3A_109 = vector.multi_reduction <minsi>, %select_n3A_107, %reduce_min3A_108 [1] : vector<256x1024xi32> to vector<256xi32>
    %broadcast_in_dim3A_110 = vector.shape_cast %reduce_min3A_109 : vector<256xi32> to vector<256x1xi32>
    %eq3A_111 = arith.constant 1 : i32
    %eq3A_112 = vector.broadcast %eq3A_111 : i32 to vector<256x64xi32>
    %eq3A_113 = arith.cmpi eq, %iota3A_79, %eq3A_112 : vector<256x64xi32>
    %broadcast_in_dim3A_114 = vector.shape_cast %broadcast_in_dim3A_110 : vector<256x1xi32> to vector<256x1xi32>
    %broadcast_in_dim3A_115 = vector.broadcast %broadcast_in_dim3A_114 : vector<256x1xi32> to vector<256x64xi32>
    %select_n3A_116 = arith.select %eq3A_113, %broadcast_in_dim3A_115, %select_n3A_94 : vector<256x64xi1>, vector<256x64xi32>
    %eq3A_117 = vector.broadcast %broadcast_in_dim3A_110 : vector<256x1xi32> to vector<256x1024xi32>
    %eq3A_118 = arith.cmpi eq, %iota3A, %eq3A_117 : vector<256x1024xi32>
    %jit3A_119 = arith.constant 0x7F800000 : f32
    %broadcast_in_dim3A_120 = vector.broadcast %jit3A_119 : f32 to vector<256x1024xf32>
    %select_n3A_121 = arith.select %eq3A_118, %broadcast_in_dim3A_120, %select_n3A_99 : vector<256x1024xi1>, vector<256x1024xf32>
    %reduce_min3A_122 = arith.constant dense<0x7F800000> : vector<256xf32>
    %reduce_min3A_123 = vector.multi_reduction <minimumf>, %select_n3A_121, %reduce_min3A_122 [1] : vector<256x1024xf32> to vector<256xf32>
    %broadcast_in_dim3A_124 = vector.shape_cast %reduce_min3A_123 : vector<256xf32> to vector<256x1xf32>
    %eq3A_125 = vector.broadcast %broadcast_in_dim3A_124 : vector<256x1xf32> to vector<256x1024xf32>
    %eq3A_126 = arith.cmpf oeq, %select_n3A_121, %eq3A_125 : vector<256x1024xf32>
    %jit3A_127 = arith.constant 1024 : i32
    %broadcast_in_dim3A_128 = vector.broadcast %jit3A_127 : i32 to vector<256x1024xi32>
    %select_n3A_129 = arith.select %eq3A_126, %iota3A, %broadcast_in_dim3A_128 : vector<256x1024xi1>, vector<256x1024xi32>
    %reduce_min3A_130 = arith.constant dense<2147483647> : vector<256xi32>
    %reduce_min3A_131 = vector.multi_reduction <minsi>, %select_n3A_129, %reduce_min3A_130 [1] : vector<256x1024xi32> to vector<256xi32>
    %broadcast_in_dim3A_132 = vector.shape_cast %reduce_min3A_131 : vector<256xi32> to vector<256x1xi32>
    %eq3A_133 = arith.constant 2 : i32
    %eq3A_134 = vector.broadcast %eq3A_133 : i32 to vector<256x64xi32>
    %eq3A_135 = arith.cmpi eq, %iota3A_79, %eq3A_134 : vector<256x64xi32>
    %broadcast_in_dim3A_136 = vector.shape_cast %broadcast_in_dim3A_132 : vector<256x1xi32> to vector<256x1xi32>
    %broadcast_in_dim3A_137 = vector.broadcast %broadcast_in_dim3A_136 : vector<256x1xi32> to vector<256x64xi32>
    %select_n3A_138 = arith.select %eq3A_135, %broadcast_in_dim3A_137, %select_n3A_116 : vector<256x64xi1>, vector<256x64xi32>
    %eq3A_139 = vector.broadcast %broadcast_in_dim3A_132 : vector<256x1xi32> to vector<256x1024xi32>
    %eq3A_140 = arith.cmpi eq, %iota3A, %eq3A_139 : vector<256x1024xi32>
    %jit3A_141 = arith.constant 0x7F800000 : f32
    %broadcast_in_dim3A_142 = vector.broadcast %jit3A_141 : f32 to vector<256x1024xf32>
    %select_n3A_143 = arith.select %eq3A_140, %broadcast_in_dim3A_142, %select_n3A_121 : vector<256x1024xi1>, vector<256x1024xf32>
    %reduce_min3A_144 = arith.constant dense<0x7F800000> : vector<256xf32>
    %reduce_min3A_145 = vector.multi_reduction <minimumf>, %select_n3A_143, %reduce_min3A_144 [1] : vector<256x1024xf32> to vector<256xf32>
    %broadcast_in_dim3A_146 = vector.shape_cast %reduce_min3A_145 : vector<256xf32> to vector<256x1xf32>
    %eq3A_147 = vector.broadcast %broadcast_in_dim3A_146 : vector<256x1xf32> to vector<256x1024xf32>
    %eq3A_148 = arith.cmpf oeq, %select_n3A_143, %eq3A_147 : vector<256x1024xf32>
    %jit3A_149 = arith.constant 1024 : i32
    %broadcast_in_dim3A_150 = vector.broadcast %jit3A_149 : i32 to vector<256x1024xi32>
    %select_n3A_151 = arith.select %eq3A_148, %iota3A, %broadcast_in_dim3A_150 : vector<256x1024xi1>, vector<256x1024xi32>
    %reduce_min3A_152 = arith.constant dense<2147483647> : vector<256xi32>
    %reduce_min3A_153 = vector.multi_reduction <minsi>, %select_n3A_151, %reduce_min3A_152 [1] : vector<256x1024xi32> to vector<256xi32>
    %broadcast_in_dim3A_154 = vector.shape_cast %reduce_min3A_153 : vector<256xi32> to vector<256x1xi32>
    %eq3A_155 = arith.constant 3 : i32
    %eq3A_156 = vector.broadcast %eq3A_155 : i32 to vector<256x64xi32>
    %eq3A_157 = arith.cmpi eq, %iota3A_79, %eq3A_156 : vector<256x64xi32>
    %broadcast_in_dim3A_158 = vector.shape_cast %broadcast_in_dim3A_154 : vector<256x1xi32> to vector<256x1xi32>
    %broadcast_in_dim3A_159 = vector.broadcast %broadcast_in_dim3A_158 : vector<256x1xi32> to vector<256x64xi32>
    %select_n3A_160 = arith.select %eq3A_157, %broadcast_in_dim3A_159, %select_n3A_138 : vector<256x64xi1>, vector<256x64xi32>
    %eq3A_161 = vector.broadcast %broadcast_in_dim3A_154 : vector<256x1xi32> to vector<256x1024xi32>
    %eq3A_162 = arith.cmpi eq, %iota3A, %eq3A_161 : vector<256x1024xi32>
    %jit3A_163 = arith.constant 0x7F800000 : f32
    %broadcast_in_dim3A_164 = vector.broadcast %jit3A_163 : f32 to vector<256x1024xf32>
    %select_n3A_165 = arith.select %eq3A_162, %broadcast_in_dim3A_164, %select_n3A_143 : vector<256x1024xi1>, vector<256x1024xf32>
    %reduce_min3A_166 = arith.constant dense<0x7F800000> : vector<256xf32>
    %reduce_min3A_167 = vector.multi_reduction <minimumf>, %select_n3A_165, %reduce_min3A_166 [1] : vector<256x1024xf32> to vector<256xf32>
    %broadcast_in_dim3A_168 = vector.shape_cast %reduce_min3A_167 : vector<256xf32> to vector<256x1xf32>
    %eq3A_169 = vector.broadcast %broadcast_in_dim3A_168 : vector<256x1xf32> to vector<256x1024xf32>
    %eq3A_170 = arith.cmpf oeq, %select_n3A_165, %eq3A_169 : vector<256x1024xf32>
    %jit3A_171 = arith.constant 1024 : i32
    %broadcast_in_dim3A_172 = vector.broadcast %jit3A_171 : i32 to vector<256x1024xi32>
    %select_n3A_173 = arith.select %eq3A_170, %iota3A, %broadcast_in_dim3A_172 : vector<256x1024xi1>, vector<256x1024xi32>
    %reduce_min3A_174 = arith.constant dense<2147483647> : vector<256xi32>
    %reduce_min3A_175 = vector.multi_reduction <minsi>, %select_n3A_173, %reduce_min3A_174 [1] : vector<256x1024xi32> to vector<256xi32>
    %broadcast_in_dim3A_176 = vector.shape_cast %reduce_min3A_175 : vector<256xi32> to vector<256x1xi32>
    %eq3A_177 = arith.constant 4 : i32
    %eq3A_178 = vector.broadcast %eq3A_177 : i32 to vector<256x64xi32>
    %eq3A_179 = arith.cmpi eq, %iota3A_79, %eq3A_178 : vector<256x64xi32>
    %broadcast_in_dim3A_180 = vector.shape_cast %broadcast_in_dim3A_176 : vector<256x1xi32> to vector<256x1xi32>
    %broadcast_in_dim3A_181 = vector.broadcast %broadcast_in_dim3A_180 : vector<256x1xi32> to vector<256x64xi32>
    %select_n3A_182 = arith.select %eq3A_179, %broadcast_in_dim3A_181, %select_n3A_160 : vector<256x64xi1>, vector<256x64xi32>
    %eq3A_183 = vector.broadcast %broadcast_in_dim3A_176 : vector<256x1xi32> to vector<256x1024xi32>
    %eq3A_184 = arith.cmpi eq, %iota3A, %eq3A_183 : vector<256x1024xi32>
    %jit3A_185 = arith.constant 0x7F800000 : f32
    %broadcast_in_dim3A_186 = vector.broadcast %jit3A_185 : f32 to vector<256x1024xf32>
    %select_n3A_187 = arith.select %eq3A_184, %broadcast_in_dim3A_186, %select_n3A_165 : vector<256x1024xi1>, vector<256x1024xf32>
    %reduce_min3A_188 = arith.constant dense<0x7F800000> : vector<256xf32>
    %reduce_min3A_189 = vector.multi_reduction <minimumf>, %select_n3A_187, %reduce_min3A_188 [1] : vector<256x1024xf32> to vector<256xf32>
    %broadcast_in_dim3A_190 = vector.shape_cast %reduce_min3A_189 : vector<256xf32> to vector<256x1xf32>
    %eq3A_191 = vector.broadcast %broadcast_in_dim3A_190 : vector<256x1xf32> to vector<256x1024xf32>
    %eq3A_192 = arith.cmpf oeq, %select_n3A_187, %eq3A_191 : vector<256x1024xf32>
    %jit3A_193 = arith.constant 1024 : i32
    %broadcast_in_dim3A_194 = vector.broadcast %jit3A_193 : i32 to vector<256x1024xi32>
    %select_n3A_195 = arith.select %eq3A_192, %iota3A, %broadcast_in_dim3A_194 : vector<256x1024xi1>, vector<256x1024xi32>
    %reduce_min3A_196 = arith.constant dense<2147483647> : vector<256xi32>
    %reduce_min3A_197 = vector.multi_reduction <minsi>, %select_n3A_195, %reduce_min3A_196 [1] : vector<256x1024xi32> to vector<256xi32>
    %broadcast_in_dim3A_198 = vector.shape_cast %reduce_min3A_197 : vector<256xi32> to vector<256x1xi32>
    %eq3A_199 = arith.constant 5 : i32
    %eq3A_200 = vector.broadcast %eq3A_199 : i32 to vector<256x64xi32>
    %eq3A_201 = arith.cmpi eq, %iota3A_79, %eq3A_200 : vector<256x64xi32>
    %broadcast_in_dim3A_202 = vector.shape_cast %broadcast_in_dim3A_198 : vector<256x1xi32> to vector<256x1xi32>
    %broadcast_in_dim3A_203 = vector.broadcast %broadcast_in_dim3A_202 : vector<256x1xi32> to vector<256x64xi32>
    %select_n3A_204 = arith.select %eq3A_201, %broadcast_in_dim3A_203, %select_n3A_182 : vector<256x64xi1>, vector<256x64xi32>
    %eq3A_205 = vector.broadcast %broadcast_in_dim3A_198 : vector<256x1xi32> to vector<256x1024xi32>
    %eq3A_206 = arith.cmpi eq, %iota3A, %eq3A_205 : vector<256x1024xi32>
    %jit3A_207 = arith.constant 0x7F800000 : f32
    %broadcast_in_dim3A_208 = vector.broadcast %jit3A_207 : f32 to vector<256x1024xf32>
    %select_n3A_209 = arith.select %eq3A_206, %broadcast_in_dim3A_208, %select_n3A_187 : vector<256x1024xi1>, vector<256x1024xf32>
    %reduce_min3A_210 = arith.constant dense<0x7F800000> : vector<256xf32>
    %reduce_min3A_211 = vector.multi_reduction <minimumf>, %select_n3A_209, %reduce_min3A_210 [1] : vector<256x1024xf32> to vector<256xf32>
    %broadcast_in_dim3A_212 = vector.shape_cast %reduce_min3A_211 : vector<256xf32> to vector<256x1xf32>
    %eq3A_213 = vector.broadcast %broadcast_in_dim3A_212 : vector<256x1xf32> to vector<256x1024xf32>
    %eq3A_214 = arith.cmpf oeq, %select_n3A_209, %eq3A_213 : vector<256x1024xf32>
    %jit3A_215 = arith.constant 1024 : i32
    %broadcast_in_dim3A_216 = vector.broadcast %jit3A_215 : i32 to vector<256x1024xi32>
    %select_n3A_217 = arith.select %eq3A_214, %iota3A, %broadcast_in_dim3A_216 : vector<256x1024xi1>, vector<256x1024xi32>
    %reduce_min3A_218 = arith.constant dense<2147483647> : vector<256xi32>
    %reduce_min3A_219 = vector.multi_reduction <minsi>, %select_n3A_217, %reduce_min3A_218 [1] : vector<256x1024xi32> to vector<256xi32>
    %broadcast_in_dim3A_220 = vector.shape_cast %reduce_min3A_219 : vector<256xi32> to vector<256x1xi32>
    %eq3A_221 = arith.constant 6 : i32
    %eq3A_222 = vector.broadcast %eq3A_221 : i32 to vector<256x64xi32>
    %eq3A_223 = arith.cmpi eq, %iota3A_79, %eq3A_222 : vector<256x64xi32>
    %broadcast_in_dim3A_224 = vector.shape_cast %broadcast_in_dim3A_220 : vector<256x1xi32> to vector<256x1xi32>
    %broadcast_in_dim3A_225 = vector.broadcast %broadcast_in_dim3A_224 : vector<256x1xi32> to vector<256x64xi32>
    %select_n3A_226 = arith.select %eq3A_223, %broadcast_in_dim3A_225, %select_n3A_204 : vector<256x64xi1>, vector<256x64xi32>
    %eq3A_227 = vector.broadcast %broadcast_in_dim3A_220 : vector<256x1xi32> to vector<256x1024xi32>
    %eq3A_228 = arith.cmpi eq, %iota3A, %eq3A_227 : vector<256x1024xi32>
    %jit3A_229 = arith.constant 0x7F800000 : f32
    %broadcast_in_dim3A_230 = vector.broadcast %jit3A_229 : f32 to vector<256x1024xf32>
    %select_n3A_231 = arith.select %eq3A_228, %broadcast_in_dim3A_230, %select_n3A_209 : vector<256x1024xi1>, vector<256x1024xf32>
    %reduce_min3A_232 = arith.constant dense<0x7F800000> : vector<256xf32>
    %reduce_min3A_233 = vector.multi_reduction <minimumf>, %select_n3A_231, %reduce_min3A_232 [1] : vector<256x1024xf32> to vector<256xf32>
    %broadcast_in_dim3A_234 = vector.shape_cast %reduce_min3A_233 : vector<256xf32> to vector<256x1xf32>
    %eq3A_235 = vector.broadcast %broadcast_in_dim3A_234 : vector<256x1xf32> to vector<256x1024xf32>
    %eq3A_236 = arith.cmpf oeq, %select_n3A_231, %eq3A_235 : vector<256x1024xf32>
    %jit3A_237 = arith.constant 1024 : i32
    %broadcast_in_dim3A_238 = vector.broadcast %jit3A_237 : i32 to vector<256x1024xi32>
    %select_n3A_239 = arith.select %eq3A_236, %iota3A, %broadcast_in_dim3A_238 : vector<256x1024xi1>, vector<256x1024xi32>
    %reduce_min3A_240 = arith.constant dense<2147483647> : vector<256xi32>
    %reduce_min3A_241 = vector.multi_reduction <minsi>, %select_n3A_239, %reduce_min3A_240 [1] : vector<256x1024xi32> to vector<256xi32>
    %broadcast_in_dim3A_242 = vector.shape_cast %reduce_min3A_241 : vector<256xi32> to vector<256x1xi32>
    %eq3A_243 = arith.constant 7 : i32
    %eq3A_244 = vector.broadcast %eq3A_243 : i32 to vector<256x64xi32>
    %eq3A_245 = arith.cmpi eq, %iota3A_79, %eq3A_244 : vector<256x64xi32>
    %broadcast_in_dim3A_246 = vector.shape_cast %broadcast_in_dim3A_242 : vector<256x1xi32> to vector<256x1xi32>
    %broadcast_in_dim3A_247 = vector.broadcast %broadcast_in_dim3A_246 : vector<256x1xi32> to vector<256x64xi32>
    %select_n3A_248 = arith.select %eq3A_245, %broadcast_in_dim3A_247, %select_n3A_226 : vector<256x64xi1>, vector<256x64xi32>
    %eq3A_249 = vector.broadcast %broadcast_in_dim3A_242 : vector<256x1xi32> to vector<256x1024xi32>
    %eq3A_250 = arith.cmpi eq, %iota3A, %eq3A_249 : vector<256x1024xi32>
    %jit3A_251 = arith.constant 0x7F800000 : f32
    %broadcast_in_dim3A_252 = vector.broadcast %jit3A_251 : f32 to vector<256x1024xf32>
    %select_n3A_253 = arith.select %eq3A_250, %broadcast_in_dim3A_252, %select_n3A_231 : vector<256x1024xi1>, vector<256x1024xf32>
    %reduce_min3A_254 = arith.constant dense<0x7F800000> : vector<256xf32>
    %reduce_min3A_255 = vector.multi_reduction <minimumf>, %select_n3A_253, %reduce_min3A_254 [1] : vector<256x1024xf32> to vector<256xf32>
    %broadcast_in_dim3A_256 = vector.shape_cast %reduce_min3A_255 : vector<256xf32> to vector<256x1xf32>
    %eq3A_257 = vector.broadcast %broadcast_in_dim3A_256 : vector<256x1xf32> to vector<256x1024xf32>
    %eq3A_258 = arith.cmpf oeq, %select_n3A_253, %eq3A_257 : vector<256x1024xf32>
    %jit3A_259 = arith.constant 1024 : i32
    %broadcast_in_dim3A_260 = vector.broadcast %jit3A_259 : i32 to vector<256x1024xi32>
    %select_n3A_261 = arith.select %eq3A_258, %iota3A, %broadcast_in_dim3A_260 : vector<256x1024xi1>, vector<256x1024xi32>
    %reduce_min3A_262 = arith.constant dense<2147483647> : vector<256xi32>
    %reduce_min3A_263 = vector.multi_reduction <minsi>, %select_n3A_261, %reduce_min3A_262 [1] : vector<256x1024xi32> to vector<256xi32>
    %broadcast_in_dim3A_264 = vector.shape_cast %reduce_min3A_263 : vector<256xi32> to vector<256x1xi32>
    %eq3A_265 = arith.constant 8 : i32
    %eq3A_266 = vector.broadcast %eq3A_265 : i32 to vector<256x64xi32>
    %eq3A_267 = arith.cmpi eq, %iota3A_79, %eq3A_266 : vector<256x64xi32>
    %broadcast_in_dim3A_268 = vector.shape_cast %broadcast_in_dim3A_264 : vector<256x1xi32> to vector<256x1xi32>
    %broadcast_in_dim3A_269 = vector.broadcast %broadcast_in_dim3A_268 : vector<256x1xi32> to vector<256x64xi32>
    %select_n3A_270 = arith.select %eq3A_267, %broadcast_in_dim3A_269, %select_n3A_248 : vector<256x64xi1>, vector<256x64xi32>
    %eq3A_271 = vector.broadcast %broadcast_in_dim3A_264 : vector<256x1xi32> to vector<256x1024xi32>
    %eq3A_272 = arith.cmpi eq, %iota3A, %eq3A_271 : vector<256x1024xi32>
    %jit3A_273 = arith.constant 0x7F800000 : f32
    %broadcast_in_dim3A_274 = vector.broadcast %jit3A_273 : f32 to vector<256x1024xf32>
    %select_n3A_275 = arith.select %eq3A_272, %broadcast_in_dim3A_274, %select_n3A_253 : vector<256x1024xi1>, vector<256x1024xf32>
    %reduce_min3A_276 = arith.constant dense<0x7F800000> : vector<256xf32>
    %reduce_min3A_277 = vector.multi_reduction <minimumf>, %select_n3A_275, %reduce_min3A_276 [1] : vector<256x1024xf32> to vector<256xf32>
    %broadcast_in_dim3A_278 = vector.shape_cast %reduce_min3A_277 : vector<256xf32> to vector<256x1xf32>
    %eq3A_279 = vector.broadcast %broadcast_in_dim3A_278 : vector<256x1xf32> to vector<256x1024xf32>
    %eq3A_280 = arith.cmpf oeq, %select_n3A_275, %eq3A_279 : vector<256x1024xf32>
    %jit3A_281 = arith.constant 1024 : i32
    %broadcast_in_dim3A_282 = vector.broadcast %jit3A_281 : i32 to vector<256x1024xi32>
    %select_n3A_283 = arith.select %eq3A_280, %iota3A, %broadcast_in_dim3A_282 : vector<256x1024xi1>, vector<256x1024xi32>
    %reduce_min3A_284 = arith.constant dense<2147483647> : vector<256xi32>
    %reduce_min3A_285 = vector.multi_reduction <minsi>, %select_n3A_283, %reduce_min3A_284 [1] : vector<256x1024xi32> to vector<256xi32>
    %broadcast_in_dim3A_286 = vector.shape_cast %reduce_min3A_285 : vector<256xi32> to vector<256x1xi32>
    %eq3A_287 = arith.constant 9 : i32
    %eq3A_288 = vector.broadcast %eq3A_287 : i32 to vector<256x64xi32>
    %eq3A_289 = arith.cmpi eq, %iota3A_79, %eq3A_288 : vector<256x64xi32>
    %broadcast_in_dim3A_290 = vector.shape_cast %broadcast_in_dim3A_286 : vector<256x1xi32> to vector<256x1xi32>
    %broadcast_in_dim3A_291 = vector.broadcast %broadcast_in_dim3A_290 : vector<256x1xi32> to vector<256x64xi32>
    %select_n3A_292 = arith.select %eq3A_289, %broadcast_in_dim3A_291, %select_n3A_270 : vector<256x64xi1>, vector<256x64xi32>
    %eq3A_293 = vector.broadcast %broadcast_in_dim3A_286 : vector<256x1xi32> to vector<256x1024xi32>
    %eq3A_294 = arith.cmpi eq, %iota3A, %eq3A_293 : vector<256x1024xi32>
    %jit3A_295 = arith.constant 0x7F800000 : f32
    %broadcast_in_dim3A_296 = vector.broadcast %jit3A_295 : f32 to vector<256x1024xf32>
    %select_n3A_297 = arith.select %eq3A_294, %broadcast_in_dim3A_296, %select_n3A_275 : vector<256x1024xi1>, vector<256x1024xf32>
    %reduce_min3A_298 = arith.constant dense<0x7F800000> : vector<256xf32>
    %reduce_min3A_299 = vector.multi_reduction <minimumf>, %select_n3A_297, %reduce_min3A_298 [1] : vector<256x1024xf32> to vector<256xf32>
    %broadcast_in_dim3A_300 = vector.shape_cast %reduce_min3A_299 : vector<256xf32> to vector<256x1xf32>
    %eq3A_301 = vector.broadcast %broadcast_in_dim3A_300 : vector<256x1xf32> to vector<256x1024xf32>
    %eq3A_302 = arith.cmpf oeq, %select_n3A_297, %eq3A_301 : vector<256x1024xf32>
    %jit3A_303 = arith.constant 1024 : i32
    %broadcast_in_dim3A_304 = vector.broadcast %jit3A_303 : i32 to vector<256x1024xi32>
    %select_n3A_305 = arith.select %eq3A_302, %iota3A, %broadcast_in_dim3A_304 : vector<256x1024xi1>, vector<256x1024xi32>
    %reduce_min3A_306 = arith.constant dense<2147483647> : vector<256xi32>
    %reduce_min3A_307 = vector.multi_reduction <minsi>, %select_n3A_305, %reduce_min3A_306 [1] : vector<256x1024xi32> to vector<256xi32>
    %broadcast_in_dim3A_308 = vector.shape_cast %reduce_min3A_307 : vector<256xi32> to vector<256x1xi32>
    %eq3A_309 = arith.constant 10 : i32
    %eq3A_310 = vector.broadcast %eq3A_309 : i32 to vector<256x64xi32>
    %eq3A_311 = arith.cmpi eq, %iota3A_79, %eq3A_310 : vector<256x64xi32>
    %broadcast_in_dim3A_312 = vector.shape_cast %broadcast_in_dim3A_308 : vector<256x1xi32> to vector<256x1xi32>
    %broadcast_in_dim3A_313 = vector.broadcast %broadcast_in_dim3A_312 : vector<256x1xi32> to vector<256x64xi32>
    %select_n3A_314 = arith.select %eq3A_311, %broadcast_in_dim3A_313, %select_n3A_292 : vector<256x64xi1>, vector<256x64xi32>
    %eq3A_315 = vector.broadcast %broadcast_in_dim3A_308 : vector<256x1xi32> to vector<256x1024xi32>
    %eq3A_316 = arith.cmpi eq, %iota3A, %eq3A_315 : vector<256x1024xi32>
    %jit3A_317 = arith.constant 0x7F800000 : f32
    %broadcast_in_dim3A_318 = vector.broadcast %jit3A_317 : f32 to vector<256x1024xf32>
    %select_n3A_319 = arith.select %eq3A_316, %broadcast_in_dim3A_318, %select_n3A_297 : vector<256x1024xi1>, vector<256x1024xf32>
    %reduce_min3A_320 = arith.constant dense<0x7F800000> : vector<256xf32>
    %reduce_min3A_321 = vector.multi_reduction <minimumf>, %select_n3A_319, %reduce_min3A_320 [1] : vector<256x1024xf32> to vector<256xf32>
    %broadcast_in_dim3A_322 = vector.shape_cast %reduce_min3A_321 : vector<256xf32> to vector<256x1xf32>
    %eq3A_323 = vector.broadcast %broadcast_in_dim3A_322 : vector<256x1xf32> to vector<256x1024xf32>
    %eq3A_324 = arith.cmpf oeq, %select_n3A_319, %eq3A_323 : vector<256x1024xf32>
    %jit3A_325 = arith.constant 1024 : i32
    %broadcast_in_dim3A_326 = vector.broadcast %jit3A_325 : i32 to vector<256x1024xi32>
    %select_n3A_327 = arith.select %eq3A_324, %iota3A, %broadcast_in_dim3A_326 : vector<256x1024xi1>, vector<256x1024xi32>
    %reduce_min3A_328 = arith.constant dense<2147483647> : vector<256xi32>
    %reduce_min3A_329 = vector.multi_reduction <minsi>, %select_n3A_327, %reduce_min3A_328 [1] : vector<256x1024xi32> to vector<256xi32>
    %broadcast_in_dim3A_330 = vector.shape_cast %reduce_min3A_329 : vector<256xi32> to vector<256x1xi32>
    %eq3A_331 = arith.constant 11 : i32
    %eq3A_332 = vector.broadcast %eq3A_331 : i32 to vector<256x64xi32>
    %eq3A_333 = arith.cmpi eq, %iota3A_79, %eq3A_332 : vector<256x64xi32>
    %broadcast_in_dim3A_334 = vector.shape_cast %broadcast_in_dim3A_330 : vector<256x1xi32> to vector<256x1xi32>
    %broadcast_in_dim3A_335 = vector.broadcast %broadcast_in_dim3A_334 : vector<256x1xi32> to vector<256x64xi32>
    %select_n3A_336 = arith.select %eq3A_333, %broadcast_in_dim3A_335, %select_n3A_314 : vector<256x64xi1>, vector<256x64xi32>
    %eq3A_337 = vector.broadcast %broadcast_in_dim3A_330 : vector<256x1xi32> to vector<256x1024xi32>
    %eq3A_338 = arith.cmpi eq, %iota3A, %eq3A_337 : vector<256x1024xi32>
    %jit3A_339 = arith.constant 0x7F800000 : f32
    %broadcast_in_dim3A_340 = vector.broadcast %jit3A_339 : f32 to vector<256x1024xf32>
    %select_n3A_341 = arith.select %eq3A_338, %broadcast_in_dim3A_340, %select_n3A_319 : vector<256x1024xi1>, vector<256x1024xf32>
    %reduce_min3A_342 = arith.constant dense<0x7F800000> : vector<256xf32>
    %reduce_min3A_343 = vector.multi_reduction <minimumf>, %select_n3A_341, %reduce_min3A_342 [1] : vector<256x1024xf32> to vector<256xf32>
    %broadcast_in_dim3A_344 = vector.shape_cast %reduce_min3A_343 : vector<256xf32> to vector<256x1xf32>
    %eq3A_345 = vector.broadcast %broadcast_in_dim3A_344 : vector<256x1xf32> to vector<256x1024xf32>
    %eq3A_346 = arith.cmpf oeq, %select_n3A_341, %eq3A_345 : vector<256x1024xf32>
    %jit3A_347 = arith.constant 1024 : i32
    %broadcast_in_dim3A_348 = vector.broadcast %jit3A_347 : i32 to vector<256x1024xi32>
    %select_n3A_349 = arith.select %eq3A_346, %iota3A, %broadcast_in_dim3A_348 : vector<256x1024xi1>, vector<256x1024xi32>
    %reduce_min3A_350 = arith.constant dense<2147483647> : vector<256xi32>
    %reduce_min3A_351 = vector.multi_reduction <minsi>, %select_n3A_349, %reduce_min3A_350 [1] : vector<256x1024xi32> to vector<256xi32>
    %broadcast_in_dim3A_352 = vector.shape_cast %reduce_min3A_351 : vector<256xi32> to vector<256x1xi32>
    %eq3A_353 = arith.constant 12 : i32
    %eq3A_354 = vector.broadcast %eq3A_353 : i32 to vector<256x64xi32>
    %eq3A_355 = arith.cmpi eq, %iota3A_79, %eq3A_354 : vector<256x64xi32>
    %broadcast_in_dim3A_356 = vector.shape_cast %broadcast_in_dim3A_352 : vector<256x1xi32> to vector<256x1xi32>
    %broadcast_in_dim3A_357 = vector.broadcast %broadcast_in_dim3A_356 : vector<256x1xi32> to vector<256x64xi32>
    %select_n3A_358 = arith.select %eq3A_355, %broadcast_in_dim3A_357, %select_n3A_336 : vector<256x64xi1>, vector<256x64xi32>
    %eq3A_359 = vector.broadcast %broadcast_in_dim3A_352 : vector<256x1xi32> to vector<256x1024xi32>
    %eq3A_360 = arith.cmpi eq, %iota3A, %eq3A_359 : vector<256x1024xi32>
    %jit3A_361 = arith.constant 0x7F800000 : f32
    %broadcast_in_dim3A_362 = vector.broadcast %jit3A_361 : f32 to vector<256x1024xf32>
    %select_n3A_363 = arith.select %eq3A_360, %broadcast_in_dim3A_362, %select_n3A_341 : vector<256x1024xi1>, vector<256x1024xf32>
    %reduce_min3A_364 = arith.constant dense<0x7F800000> : vector<256xf32>
    %reduce_min3A_365 = vector.multi_reduction <minimumf>, %select_n3A_363, %reduce_min3A_364 [1] : vector<256x1024xf32> to vector<256xf32>
    %broadcast_in_dim3A_366 = vector.shape_cast %reduce_min3A_365 : vector<256xf32> to vector<256x1xf32>
    %eq3A_367 = vector.broadcast %broadcast_in_dim3A_366 : vector<256x1xf32> to vector<256x1024xf32>
    %eq3A_368 = arith.cmpf oeq, %select_n3A_363, %eq3A_367 : vector<256x1024xf32>
    %jit3A_369 = arith.constant 1024 : i32
    %broadcast_in_dim3A_370 = vector.broadcast %jit3A_369 : i32 to vector<256x1024xi32>
    %select_n3A_371 = arith.select %eq3A_368, %iota3A, %broadcast_in_dim3A_370 : vector<256x1024xi1>, vector<256x1024xi32>
    %reduce_min3A_372 = arith.constant dense<2147483647> : vector<256xi32>
    %reduce_min3A_373 = vector.multi_reduction <minsi>, %select_n3A_371, %reduce_min3A_372 [1] : vector<256x1024xi32> to vector<256xi32>
    %broadcast_in_dim3A_374 = vector.shape_cast %reduce_min3A_373 : vector<256xi32> to vector<256x1xi32>
    %eq3A_375 = arith.constant 13 : i32
    %eq3A_376 = vector.broadcast %eq3A_375 : i32 to vector<256x64xi32>
    %eq3A_377 = arith.cmpi eq, %iota3A_79, %eq3A_376 : vector<256x64xi32>
    %broadcast_in_dim3A_378 = vector.shape_cast %broadcast_in_dim3A_374 : vector<256x1xi32> to vector<256x1xi32>
    %broadcast_in_dim3A_379 = vector.broadcast %broadcast_in_dim3A_378 : vector<256x1xi32> to vector<256x64xi32>
    %select_n3A_380 = arith.select %eq3A_377, %broadcast_in_dim3A_379, %select_n3A_358 : vector<256x64xi1>, vector<256x64xi32>
    %eq3A_381 = vector.broadcast %broadcast_in_dim3A_374 : vector<256x1xi32> to vector<256x1024xi32>
    %eq3A_382 = arith.cmpi eq, %iota3A, %eq3A_381 : vector<256x1024xi32>
    %jit3A_383 = arith.constant 0x7F800000 : f32
    %broadcast_in_dim3A_384 = vector.broadcast %jit3A_383 : f32 to vector<256x1024xf32>
    %select_n3A_385 = arith.select %eq3A_382, %broadcast_in_dim3A_384, %select_n3A_363 : vector<256x1024xi1>, vector<256x1024xf32>
    %reduce_min3A_386 = arith.constant dense<0x7F800000> : vector<256xf32>
    %reduce_min3A_387 = vector.multi_reduction <minimumf>, %select_n3A_385, %reduce_min3A_386 [1] : vector<256x1024xf32> to vector<256xf32>
    %broadcast_in_dim3A_388 = vector.shape_cast %reduce_min3A_387 : vector<256xf32> to vector<256x1xf32>
    %eq3A_389 = vector.broadcast %broadcast_in_dim3A_388 : vector<256x1xf32> to vector<256x1024xf32>
    %eq3A_390 = arith.cmpf oeq, %select_n3A_385, %eq3A_389 : vector<256x1024xf32>
    %jit3A_391 = arith.constant 1024 : i32
    %broadcast_in_dim3A_392 = vector.broadcast %jit3A_391 : i32 to vector<256x1024xi32>
    %select_n3A_393 = arith.select %eq3A_390, %iota3A, %broadcast_in_dim3A_392 : vector<256x1024xi1>, vector<256x1024xi32>
    %reduce_min3A_394 = arith.constant dense<2147483647> : vector<256xi32>
    %reduce_min3A_395 = vector.multi_reduction <minsi>, %select_n3A_393, %reduce_min3A_394 [1] : vector<256x1024xi32> to vector<256xi32>
    %broadcast_in_dim3A_396 = vector.shape_cast %reduce_min3A_395 : vector<256xi32> to vector<256x1xi32>
    %eq3A_397 = arith.constant 14 : i32
    %eq3A_398 = vector.broadcast %eq3A_397 : i32 to vector<256x64xi32>
    %eq3A_399 = arith.cmpi eq, %iota3A_79, %eq3A_398 : vector<256x64xi32>
    %broadcast_in_dim3A_400 = vector.shape_cast %broadcast_in_dim3A_396 : vector<256x1xi32> to vector<256x1xi32>
    %broadcast_in_dim3A_401 = vector.broadcast %broadcast_in_dim3A_400 : vector<256x1xi32> to vector<256x64xi32>
    %select_n3A_402 = arith.select %eq3A_399, %broadcast_in_dim3A_401, %select_n3A_380 : vector<256x64xi1>, vector<256x64xi32>
    %eq3A_403 = vector.broadcast %broadcast_in_dim3A_396 : vector<256x1xi32> to vector<256x1024xi32>
    %eq3A_404 = arith.cmpi eq, %iota3A, %eq3A_403 : vector<256x1024xi32>
    %jit3A_405 = arith.constant 0x7F800000 : f32
    %broadcast_in_dim3A_406 = vector.broadcast %jit3A_405 : f32 to vector<256x1024xf32>
    %select_n3A_407 = arith.select %eq3A_404, %broadcast_in_dim3A_406, %select_n3A_385 : vector<256x1024xi1>, vector<256x1024xf32>
    %reduce_min3A_408 = arith.constant dense<0x7F800000> : vector<256xf32>
    %reduce_min3A_409 = vector.multi_reduction <minimumf>, %select_n3A_407, %reduce_min3A_408 [1] : vector<256x1024xf32> to vector<256xf32>
    %broadcast_in_dim3A_410 = vector.shape_cast %reduce_min3A_409 : vector<256xf32> to vector<256x1xf32>
    %eq3A_411 = vector.broadcast %broadcast_in_dim3A_410 : vector<256x1xf32> to vector<256x1024xf32>
    %eq3A_412 = arith.cmpf oeq, %select_n3A_407, %eq3A_411 : vector<256x1024xf32>
    %jit3A_413 = arith.constant 1024 : i32
    %broadcast_in_dim3A_414 = vector.broadcast %jit3A_413 : i32 to vector<256x1024xi32>
    %select_n3A_415 = arith.select %eq3A_412, %iota3A, %broadcast_in_dim3A_414 : vector<256x1024xi1>, vector<256x1024xi32>
    %reduce_min3A_416 = arith.constant dense<2147483647> : vector<256xi32>
    %reduce_min3A_417 = vector.multi_reduction <minsi>, %select_n3A_415, %reduce_min3A_416 [1] : vector<256x1024xi32> to vector<256xi32>
    %broadcast_in_dim3A_418 = vector.shape_cast %reduce_min3A_417 : vector<256xi32> to vector<256x1xi32>
    %eq3A_419 = arith.constant 15 : i32
    %eq3A_420 = vector.broadcast %eq3A_419 : i32 to vector<256x64xi32>
    %eq3A_421 = arith.cmpi eq, %iota3A_79, %eq3A_420 : vector<256x64xi32>
    %broadcast_in_dim3A_422 = vector.shape_cast %broadcast_in_dim3A_418 : vector<256x1xi32> to vector<256x1xi32>
    %broadcast_in_dim3A_423 = vector.broadcast %broadcast_in_dim3A_422 : vector<256x1xi32> to vector<256x64xi32>
    %select_n3A_424 = arith.select %eq3A_421, %broadcast_in_dim3A_423, %select_n3A_402 : vector<256x64xi1>, vector<256x64xi32>
    %eq3A_425 = vector.broadcast %broadcast_in_dim3A_418 : vector<256x1xi32> to vector<256x1024xi32>
    %eq3A_426 = arith.cmpi eq, %iota3A, %eq3A_425 : vector<256x1024xi32>
    %jit3A_427 = arith.constant 0x7F800000 : f32
    %broadcast_in_dim3A_428 = vector.broadcast %jit3A_427 : f32 to vector<256x1024xf32>
    %select_n3A_429 = arith.select %eq3A_426, %broadcast_in_dim3A_428, %select_n3A_407 : vector<256x1024xi1>, vector<256x1024xf32>
    %reduce_min3A_430 = arith.constant dense<0x7F800000> : vector<256xf32>
    %reduce_min3A_431 = vector.multi_reduction <minimumf>, %select_n3A_429, %reduce_min3A_430 [1] : vector<256x1024xf32> to vector<256xf32>
    %broadcast_in_dim3A_432 = vector.shape_cast %reduce_min3A_431 : vector<256xf32> to vector<256x1xf32>
    %eq3A_433 = vector.broadcast %broadcast_in_dim3A_432 : vector<256x1xf32> to vector<256x1024xf32>
    %eq3A_434 = arith.cmpf oeq, %select_n3A_429, %eq3A_433 : vector<256x1024xf32>
    %jit3A_435 = arith.constant 1024 : i32
    %broadcast_in_dim3A_436 = vector.broadcast %jit3A_435 : i32 to vector<256x1024xi32>
    %select_n3A_437 = arith.select %eq3A_434, %iota3A, %broadcast_in_dim3A_436 : vector<256x1024xi1>, vector<256x1024xi32>
    %reduce_min3A_438 = arith.constant dense<2147483647> : vector<256xi32>
    %reduce_min3A_439 = vector.multi_reduction <minsi>, %select_n3A_437, %reduce_min3A_438 [1] : vector<256x1024xi32> to vector<256xi32>
    %broadcast_in_dim3A_440 = vector.shape_cast %reduce_min3A_439 : vector<256xi32> to vector<256x1xi32>
    %eq3A_441 = arith.constant 16 : i32
    %eq3A_442 = vector.broadcast %eq3A_441 : i32 to vector<256x64xi32>
    %eq3A_443 = arith.cmpi eq, %iota3A_79, %eq3A_442 : vector<256x64xi32>
    %broadcast_in_dim3A_444 = vector.shape_cast %broadcast_in_dim3A_440 : vector<256x1xi32> to vector<256x1xi32>
    %broadcast_in_dim3A_445 = vector.broadcast %broadcast_in_dim3A_444 : vector<256x1xi32> to vector<256x64xi32>
    %select_n3A_446 = arith.select %eq3A_443, %broadcast_in_dim3A_445, %select_n3A_424 : vector<256x64xi1>, vector<256x64xi32>
    %eq3A_447 = vector.broadcast %broadcast_in_dim3A_440 : vector<256x1xi32> to vector<256x1024xi32>
    %eq3A_448 = arith.cmpi eq, %iota3A, %eq3A_447 : vector<256x1024xi32>
    %jit3A_449 = arith.constant 0x7F800000 : f32
    %broadcast_in_dim3A_450 = vector.broadcast %jit3A_449 : f32 to vector<256x1024xf32>
    %select_n3A_451 = arith.select %eq3A_448, %broadcast_in_dim3A_450, %select_n3A_429 : vector<256x1024xi1>, vector<256x1024xf32>
    %reduce_min3A_452 = arith.constant dense<0x7F800000> : vector<256xf32>
    %reduce_min3A_453 = vector.multi_reduction <minimumf>, %select_n3A_451, %reduce_min3A_452 [1] : vector<256x1024xf32> to vector<256xf32>
    %broadcast_in_dim3A_454 = vector.shape_cast %reduce_min3A_453 : vector<256xf32> to vector<256x1xf32>
    %eq3A_455 = vector.broadcast %broadcast_in_dim3A_454 : vector<256x1xf32> to vector<256x1024xf32>
    %eq3A_456 = arith.cmpf oeq, %select_n3A_451, %eq3A_455 : vector<256x1024xf32>
    %jit3A_457 = arith.constant 1024 : i32
    %broadcast_in_dim3A_458 = vector.broadcast %jit3A_457 : i32 to vector<256x1024xi32>
    %select_n3A_459 = arith.select %eq3A_456, %iota3A, %broadcast_in_dim3A_458 : vector<256x1024xi1>, vector<256x1024xi32>
    %reduce_min3A_460 = arith.constant dense<2147483647> : vector<256xi32>
    %reduce_min3A_461 = vector.multi_reduction <minsi>, %select_n3A_459, %reduce_min3A_460 [1] : vector<256x1024xi32> to vector<256xi32>
    %broadcast_in_dim3A_462 = vector.shape_cast %reduce_min3A_461 : vector<256xi32> to vector<256x1xi32>
    %eq3A_463 = arith.constant 17 : i32
    %eq3A_464 = vector.broadcast %eq3A_463 : i32 to vector<256x64xi32>
    %eq3A_465 = arith.cmpi eq, %iota3A_79, %eq3A_464 : vector<256x64xi32>
    %broadcast_in_dim3A_466 = vector.shape_cast %broadcast_in_dim3A_462 : vector<256x1xi32> to vector<256x1xi32>
    %broadcast_in_dim3A_467 = vector.broadcast %broadcast_in_dim3A_466 : vector<256x1xi32> to vector<256x64xi32>
    %select_n3A_468 = arith.select %eq3A_465, %broadcast_in_dim3A_467, %select_n3A_446 : vector<256x64xi1>, vector<256x64xi32>
    %eq3A_469 = vector.broadcast %broadcast_in_dim3A_462 : vector<256x1xi32> to vector<256x1024xi32>
    %eq3A_470 = arith.cmpi eq, %iota3A, %eq3A_469 : vector<256x1024xi32>
    %jit3A_471 = arith.constant 0x7F800000 : f32
    %broadcast_in_dim3A_472 = vector.broadcast %jit3A_471 : f32 to vector<256x1024xf32>
    %select_n3A_473 = arith.select %eq3A_470, %broadcast_in_dim3A_472, %select_n3A_451 : vector<256x1024xi1>, vector<256x1024xf32>
    %reduce_min3A_474 = arith.constant dense<0x7F800000> : vector<256xf32>
    %reduce_min3A_475 = vector.multi_reduction <minimumf>, %select_n3A_473, %reduce_min3A_474 [1] : vector<256x1024xf32> to vector<256xf32>
    %broadcast_in_dim3A_476 = vector.shape_cast %reduce_min3A_475 : vector<256xf32> to vector<256x1xf32>
    %eq3A_477 = vector.broadcast %broadcast_in_dim3A_476 : vector<256x1xf32> to vector<256x1024xf32>
    %eq3A_478 = arith.cmpf oeq, %select_n3A_473, %eq3A_477 : vector<256x1024xf32>
    %jit3A_479 = arith.constant 1024 : i32
    %broadcast_in_dim3A_480 = vector.broadcast %jit3A_479 : i32 to vector<256x1024xi32>
    %select_n3A_481 = arith.select %eq3A_478, %iota3A, %broadcast_in_dim3A_480 : vector<256x1024xi1>, vector<256x1024xi32>
    %reduce_min3A_482 = arith.constant dense<2147483647> : vector<256xi32>
    %reduce_min3A_483 = vector.multi_reduction <minsi>, %select_n3A_481, %reduce_min3A_482 [1] : vector<256x1024xi32> to vector<256xi32>
    %broadcast_in_dim3A_484 = vector.shape_cast %reduce_min3A_483 : vector<256xi32> to vector<256x1xi32>
    %eq3A_485 = arith.constant 18 : i32
    %eq3A_486 = vector.broadcast %eq3A_485 : i32 to vector<256x64xi32>
    %eq3A_487 = arith.cmpi eq, %iota3A_79, %eq3A_486 : vector<256x64xi32>
    %broadcast_in_dim3A_488 = vector.shape_cast %broadcast_in_dim3A_484 : vector<256x1xi32> to vector<256x1xi32>
    %broadcast_in_dim3A_489 = vector.broadcast %broadcast_in_dim3A_488 : vector<256x1xi32> to vector<256x64xi32>
    %select_n3A_490 = arith.select %eq3A_487, %broadcast_in_dim3A_489, %select_n3A_468 : vector<256x64xi1>, vector<256x64xi32>
    %eq3A_491 = vector.broadcast %broadcast_in_dim3A_484 : vector<256x1xi32> to vector<256x1024xi32>
    %eq3A_492 = arith.cmpi eq, %iota3A, %eq3A_491 : vector<256x1024xi32>
    %jit3A_493 = arith.constant 0x7F800000 : f32
    %broadcast_in_dim3A_494 = vector.broadcast %jit3A_493 : f32 to vector<256x1024xf32>
    %select_n3A_495 = arith.select %eq3A_492, %broadcast_in_dim3A_494, %select_n3A_473 : vector<256x1024xi1>, vector<256x1024xf32>
    %reduce_min3A_496 = arith.constant dense<0x7F800000> : vector<256xf32>
    %reduce_min3A_497 = vector.multi_reduction <minimumf>, %select_n3A_495, %reduce_min3A_496 [1] : vector<256x1024xf32> to vector<256xf32>
    %broadcast_in_dim3A_498 = vector.shape_cast %reduce_min3A_497 : vector<256xf32> to vector<256x1xf32>
    %eq3A_499 = vector.broadcast %broadcast_in_dim3A_498 : vector<256x1xf32> to vector<256x1024xf32>
    %eq3A_500 = arith.cmpf oeq, %select_n3A_495, %eq3A_499 : vector<256x1024xf32>
    %jit3A_501 = arith.constant 1024 : i32
    %broadcast_in_dim3A_502 = vector.broadcast %jit3A_501 : i32 to vector<256x1024xi32>
    %select_n3A_503 = arith.select %eq3A_500, %iota3A, %broadcast_in_dim3A_502 : vector<256x1024xi1>, vector<256x1024xi32>
    %reduce_min3A_504 = arith.constant dense<2147483647> : vector<256xi32>
    %reduce_min3A_505 = vector.multi_reduction <minsi>, %select_n3A_503, %reduce_min3A_504 [1] : vector<256x1024xi32> to vector<256xi32>
    %broadcast_in_dim3A_506 = vector.shape_cast %reduce_min3A_505 : vector<256xi32> to vector<256x1xi32>
    %eq3A_507 = arith.constant 19 : i32
    %eq3A_508 = vector.broadcast %eq3A_507 : i32 to vector<256x64xi32>
    %eq3A_509 = arith.cmpi eq, %iota3A_79, %eq3A_508 : vector<256x64xi32>
    %broadcast_in_dim3A_510 = vector.shape_cast %broadcast_in_dim3A_506 : vector<256x1xi32> to vector<256x1xi32>
    %broadcast_in_dim3A_511 = vector.broadcast %broadcast_in_dim3A_510 : vector<256x1xi32> to vector<256x64xi32>
    %select_n3A_512 = arith.select %eq3A_509, %broadcast_in_dim3A_511, %select_n3A_490 : vector<256x64xi1>, vector<256x64xi32>
    %eq3A_513 = vector.broadcast %broadcast_in_dim3A_506 : vector<256x1xi32> to vector<256x1024xi32>
    %eq3A_514 = arith.cmpi eq, %iota3A, %eq3A_513 : vector<256x1024xi32>
    %jit3A_515 = arith.constant 0x7F800000 : f32
    %broadcast_in_dim3A_516 = vector.broadcast %jit3A_515 : f32 to vector<256x1024xf32>
    %select_n3A_517 = arith.select %eq3A_514, %broadcast_in_dim3A_516, %select_n3A_495 : vector<256x1024xi1>, vector<256x1024xf32>
    %reduce_min3A_518 = arith.constant dense<0x7F800000> : vector<256xf32>
    %reduce_min3A_519 = vector.multi_reduction <minimumf>, %select_n3A_517, %reduce_min3A_518 [1] : vector<256x1024xf32> to vector<256xf32>
    %broadcast_in_dim3A_520 = vector.shape_cast %reduce_min3A_519 : vector<256xf32> to vector<256x1xf32>
    %eq3A_521 = vector.broadcast %broadcast_in_dim3A_520 : vector<256x1xf32> to vector<256x1024xf32>
    %eq3A_522 = arith.cmpf oeq, %select_n3A_517, %eq3A_521 : vector<256x1024xf32>
    %jit3A_523 = arith.constant 1024 : i32
    %broadcast_in_dim3A_524 = vector.broadcast %jit3A_523 : i32 to vector<256x1024xi32>
    %select_n3A_525 = arith.select %eq3A_522, %iota3A, %broadcast_in_dim3A_524 : vector<256x1024xi1>, vector<256x1024xi32>
    %reduce_min3A_526 = arith.constant dense<2147483647> : vector<256xi32>
    %reduce_min3A_527 = vector.multi_reduction <minsi>, %select_n3A_525, %reduce_min3A_526 [1] : vector<256x1024xi32> to vector<256xi32>
    %broadcast_in_dim3A_528 = vector.shape_cast %reduce_min3A_527 : vector<256xi32> to vector<256x1xi32>
    %eq3A_529 = arith.constant 20 : i32
    %eq3A_530 = vector.broadcast %eq3A_529 : i32 to vector<256x64xi32>
    %eq3A_531 = arith.cmpi eq, %iota3A_79, %eq3A_530 : vector<256x64xi32>
    %broadcast_in_dim3A_532 = vector.shape_cast %broadcast_in_dim3A_528 : vector<256x1xi32> to vector<256x1xi32>
    %broadcast_in_dim3A_533 = vector.broadcast %broadcast_in_dim3A_532 : vector<256x1xi32> to vector<256x64xi32>
    %select_n3A_534 = arith.select %eq3A_531, %broadcast_in_dim3A_533, %select_n3A_512 : vector<256x64xi1>, vector<256x64xi32>
    %eq3A_535 = vector.broadcast %broadcast_in_dim3A_528 : vector<256x1xi32> to vector<256x1024xi32>
    %eq3A_536 = arith.cmpi eq, %iota3A, %eq3A_535 : vector<256x1024xi32>
    %jit3A_537 = arith.constant 0x7F800000 : f32
    %broadcast_in_dim3A_538 = vector.broadcast %jit3A_537 : f32 to vector<256x1024xf32>
    %select_n3A_539 = arith.select %eq3A_536, %broadcast_in_dim3A_538, %select_n3A_517 : vector<256x1024xi1>, vector<256x1024xf32>
    %reduce_min3A_540 = arith.constant dense<0x7F800000> : vector<256xf32>
    %reduce_min3A_541 = vector.multi_reduction <minimumf>, %select_n3A_539, %reduce_min3A_540 [1] : vector<256x1024xf32> to vector<256xf32>
    %broadcast_in_dim3A_542 = vector.shape_cast %reduce_min3A_541 : vector<256xf32> to vector<256x1xf32>
    %eq3A_543 = vector.broadcast %broadcast_in_dim3A_542 : vector<256x1xf32> to vector<256x1024xf32>
    %eq3A_544 = arith.cmpf oeq, %select_n3A_539, %eq3A_543 : vector<256x1024xf32>
    %jit3A_545 = arith.constant 1024 : i32
    %broadcast_in_dim3A_546 = vector.broadcast %jit3A_545 : i32 to vector<256x1024xi32>
    %select_n3A_547 = arith.select %eq3A_544, %iota3A, %broadcast_in_dim3A_546 : vector<256x1024xi1>, vector<256x1024xi32>
    %reduce_min3A_548 = arith.constant dense<2147483647> : vector<256xi32>
    %reduce_min3A_549 = vector.multi_reduction <minsi>, %select_n3A_547, %reduce_min3A_548 [1] : vector<256x1024xi32> to vector<256xi32>
    %broadcast_in_dim3A_550 = vector.shape_cast %reduce_min3A_549 : vector<256xi32> to vector<256x1xi32>
    %eq3A_551 = arith.constant 21 : i32
    %eq3A_552 = vector.broadcast %eq3A_551 : i32 to vector<256x64xi32>
    %eq3A_553 = arith.cmpi eq, %iota3A_79, %eq3A_552 : vector<256x64xi32>
    %broadcast_in_dim3A_554 = vector.shape_cast %broadcast_in_dim3A_550 : vector<256x1xi32> to vector<256x1xi32>
    %broadcast_in_dim3A_555 = vector.broadcast %broadcast_in_dim3A_554 : vector<256x1xi32> to vector<256x64xi32>
    %select_n3A_556 = arith.select %eq3A_553, %broadcast_in_dim3A_555, %select_n3A_534 : vector<256x64xi1>, vector<256x64xi32>
    %eq3A_557 = vector.broadcast %broadcast_in_dim3A_550 : vector<256x1xi32> to vector<256x1024xi32>
    %eq3A_558 = arith.cmpi eq, %iota3A, %eq3A_557 : vector<256x1024xi32>
    %jit3A_559 = arith.constant 0x7F800000 : f32
    %broadcast_in_dim3A_560 = vector.broadcast %jit3A_559 : f32 to vector<256x1024xf32>
    %select_n3A_561 = arith.select %eq3A_558, %broadcast_in_dim3A_560, %select_n3A_539 : vector<256x1024xi1>, vector<256x1024xf32>
    %reduce_min3A_562 = arith.constant dense<0x7F800000> : vector<256xf32>
    %reduce_min3A_563 = vector.multi_reduction <minimumf>, %select_n3A_561, %reduce_min3A_562 [1] : vector<256x1024xf32> to vector<256xf32>
    %broadcast_in_dim3A_564 = vector.shape_cast %reduce_min3A_563 : vector<256xf32> to vector<256x1xf32>
    %eq3A_565 = vector.broadcast %broadcast_in_dim3A_564 : vector<256x1xf32> to vector<256x1024xf32>
    %eq3A_566 = arith.cmpf oeq, %select_n3A_561, %eq3A_565 : vector<256x1024xf32>
    %jit3A_567 = arith.constant 1024 : i32
    %broadcast_in_dim3A_568 = vector.broadcast %jit3A_567 : i32 to vector<256x1024xi32>
    %select_n3A_569 = arith.select %eq3A_566, %iota3A, %broadcast_in_dim3A_568 : vector<256x1024xi1>, vector<256x1024xi32>
    %reduce_min3A_570 = arith.constant dense<2147483647> : vector<256xi32>
    %reduce_min3A_571 = vector.multi_reduction <minsi>, %select_n3A_569, %reduce_min3A_570 [1] : vector<256x1024xi32> to vector<256xi32>
    %broadcast_in_dim3A_572 = vector.shape_cast %reduce_min3A_571 : vector<256xi32> to vector<256x1xi32>
    %eq3A_573 = arith.constant 22 : i32
    %eq3A_574 = vector.broadcast %eq3A_573 : i32 to vector<256x64xi32>
    %eq3A_575 = arith.cmpi eq, %iota3A_79, %eq3A_574 : vector<256x64xi32>
    %broadcast_in_dim3A_576 = vector.shape_cast %broadcast_in_dim3A_572 : vector<256x1xi32> to vector<256x1xi32>
    %broadcast_in_dim3A_577 = vector.broadcast %broadcast_in_dim3A_576 : vector<256x1xi32> to vector<256x64xi32>
    %select_n3A_578 = arith.select %eq3A_575, %broadcast_in_dim3A_577, %select_n3A_556 : vector<256x64xi1>, vector<256x64xi32>
    %eq3A_579 = vector.broadcast %broadcast_in_dim3A_572 : vector<256x1xi32> to vector<256x1024xi32>
    %eq3A_580 = arith.cmpi eq, %iota3A, %eq3A_579 : vector<256x1024xi32>
    %jit3A_581 = arith.constant 0x7F800000 : f32
    %broadcast_in_dim3A_582 = vector.broadcast %jit3A_581 : f32 to vector<256x1024xf32>
    %select_n3A_583 = arith.select %eq3A_580, %broadcast_in_dim3A_582, %select_n3A_561 : vector<256x1024xi1>, vector<256x1024xf32>
    %reduce_min3A_584 = arith.constant dense<0x7F800000> : vector<256xf32>
    %reduce_min3A_585 = vector.multi_reduction <minimumf>, %select_n3A_583, %reduce_min3A_584 [1] : vector<256x1024xf32> to vector<256xf32>
    %broadcast_in_dim3A_586 = vector.shape_cast %reduce_min3A_585 : vector<256xf32> to vector<256x1xf32>
    %eq3A_587 = vector.broadcast %broadcast_in_dim3A_586 : vector<256x1xf32> to vector<256x1024xf32>
    %eq3A_588 = arith.cmpf oeq, %select_n3A_583, %eq3A_587 : vector<256x1024xf32>
    %jit3A_589 = arith.constant 1024 : i32
    %broadcast_in_dim3A_590 = vector.broadcast %jit3A_589 : i32 to vector<256x1024xi32>
    %select_n3A_591 = arith.select %eq3A_588, %iota3A, %broadcast_in_dim3A_590 : vector<256x1024xi1>, vector<256x1024xi32>
    %reduce_min3A_592 = arith.constant dense<2147483647> : vector<256xi32>
    %reduce_min3A_593 = vector.multi_reduction <minsi>, %select_n3A_591, %reduce_min3A_592 [1] : vector<256x1024xi32> to vector<256xi32>
    %broadcast_in_dim3A_594 = vector.shape_cast %reduce_min3A_593 : vector<256xi32> to vector<256x1xi32>
    %eq3A_595 = arith.constant 23 : i32
    %eq3A_596 = vector.broadcast %eq3A_595 : i32 to vector<256x64xi32>
    %eq3A_597 = arith.cmpi eq, %iota3A_79, %eq3A_596 : vector<256x64xi32>
    %broadcast_in_dim3A_598 = vector.shape_cast %broadcast_in_dim3A_594 : vector<256x1xi32> to vector<256x1xi32>
    %broadcast_in_dim3A_599 = vector.broadcast %broadcast_in_dim3A_598 : vector<256x1xi32> to vector<256x64xi32>
    %select_n3A_600 = arith.select %eq3A_597, %broadcast_in_dim3A_599, %select_n3A_578 : vector<256x64xi1>, vector<256x64xi32>
    %eq3A_601 = vector.broadcast %broadcast_in_dim3A_594 : vector<256x1xi32> to vector<256x1024xi32>
    %eq3A_602 = arith.cmpi eq, %iota3A, %eq3A_601 : vector<256x1024xi32>
    %jit3A_603 = arith.constant 0x7F800000 : f32
    %broadcast_in_dim3A_604 = vector.broadcast %jit3A_603 : f32 to vector<256x1024xf32>
    %select_n3A_605 = arith.select %eq3A_602, %broadcast_in_dim3A_604, %select_n3A_583 : vector<256x1024xi1>, vector<256x1024xf32>
    %reduce_min3A_606 = arith.constant dense<0x7F800000> : vector<256xf32>
    %reduce_min3A_607 = vector.multi_reduction <minimumf>, %select_n3A_605, %reduce_min3A_606 [1] : vector<256x1024xf32> to vector<256xf32>
    %broadcast_in_dim3A_608 = vector.shape_cast %reduce_min3A_607 : vector<256xf32> to vector<256x1xf32>
    %eq3A_609 = vector.broadcast %broadcast_in_dim3A_608 : vector<256x1xf32> to vector<256x1024xf32>
    %eq3A_610 = arith.cmpf oeq, %select_n3A_605, %eq3A_609 : vector<256x1024xf32>
    %jit3A_611 = arith.constant 1024 : i32
    %broadcast_in_dim3A_612 = vector.broadcast %jit3A_611 : i32 to vector<256x1024xi32>
    %select_n3A_613 = arith.select %eq3A_610, %iota3A, %broadcast_in_dim3A_612 : vector<256x1024xi1>, vector<256x1024xi32>
    %reduce_min3A_614 = arith.constant dense<2147483647> : vector<256xi32>
    %reduce_min3A_615 = vector.multi_reduction <minsi>, %select_n3A_613, %reduce_min3A_614 [1] : vector<256x1024xi32> to vector<256xi32>
    %broadcast_in_dim3A_616 = vector.shape_cast %reduce_min3A_615 : vector<256xi32> to vector<256x1xi32>
    %eq3A_617 = arith.constant 24 : i32
    %eq3A_618 = vector.broadcast %eq3A_617 : i32 to vector<256x64xi32>
    %eq3A_619 = arith.cmpi eq, %iota3A_79, %eq3A_618 : vector<256x64xi32>
    %broadcast_in_dim3A_620 = vector.shape_cast %broadcast_in_dim3A_616 : vector<256x1xi32> to vector<256x1xi32>
    %broadcast_in_dim3A_621 = vector.broadcast %broadcast_in_dim3A_620 : vector<256x1xi32> to vector<256x64xi32>
    %select_n3A_622 = arith.select %eq3A_619, %broadcast_in_dim3A_621, %select_n3A_600 : vector<256x64xi1>, vector<256x64xi32>
    %eq3A_623 = vector.broadcast %broadcast_in_dim3A_616 : vector<256x1xi32> to vector<256x1024xi32>
    %eq3A_624 = arith.cmpi eq, %iota3A, %eq3A_623 : vector<256x1024xi32>
    %jit3A_625 = arith.constant 0x7F800000 : f32
    %broadcast_in_dim3A_626 = vector.broadcast %jit3A_625 : f32 to vector<256x1024xf32>
    %select_n3A_627 = arith.select %eq3A_624, %broadcast_in_dim3A_626, %select_n3A_605 : vector<256x1024xi1>, vector<256x1024xf32>
    %reduce_min3A_628 = arith.constant dense<0x7F800000> : vector<256xf32>
    %reduce_min3A_629 = vector.multi_reduction <minimumf>, %select_n3A_627, %reduce_min3A_628 [1] : vector<256x1024xf32> to vector<256xf32>
    %broadcast_in_dim3A_630 = vector.shape_cast %reduce_min3A_629 : vector<256xf32> to vector<256x1xf32>
    %eq3A_631 = vector.broadcast %broadcast_in_dim3A_630 : vector<256x1xf32> to vector<256x1024xf32>
    %eq3A_632 = arith.cmpf oeq, %select_n3A_627, %eq3A_631 : vector<256x1024xf32>
    %jit3A_633 = arith.constant 1024 : i32
    %broadcast_in_dim3A_634 = vector.broadcast %jit3A_633 : i32 to vector<256x1024xi32>
    %select_n3A_635 = arith.select %eq3A_632, %iota3A, %broadcast_in_dim3A_634 : vector<256x1024xi1>, vector<256x1024xi32>
    %reduce_min3A_636 = arith.constant dense<2147483647> : vector<256xi32>
    %reduce_min3A_637 = vector.multi_reduction <minsi>, %select_n3A_635, %reduce_min3A_636 [1] : vector<256x1024xi32> to vector<256xi32>
    %broadcast_in_dim3A_638 = vector.shape_cast %reduce_min3A_637 : vector<256xi32> to vector<256x1xi32>
    %eq3A_639 = arith.constant 25 : i32
    %eq3A_640 = vector.broadcast %eq3A_639 : i32 to vector<256x64xi32>
    %eq3A_641 = arith.cmpi eq, %iota3A_79, %eq3A_640 : vector<256x64xi32>
    %broadcast_in_dim3A_642 = vector.shape_cast %broadcast_in_dim3A_638 : vector<256x1xi32> to vector<256x1xi32>
    %broadcast_in_dim3A_643 = vector.broadcast %broadcast_in_dim3A_642 : vector<256x1xi32> to vector<256x64xi32>
    %select_n3A_644 = arith.select %eq3A_641, %broadcast_in_dim3A_643, %select_n3A_622 : vector<256x64xi1>, vector<256x64xi32>
    %eq3A_645 = vector.broadcast %broadcast_in_dim3A_638 : vector<256x1xi32> to vector<256x1024xi32>
    %eq3A_646 = arith.cmpi eq, %iota3A, %eq3A_645 : vector<256x1024xi32>
    %jit3A_647 = arith.constant 0x7F800000 : f32
    %broadcast_in_dim3A_648 = vector.broadcast %jit3A_647 : f32 to vector<256x1024xf32>
    %select_n3A_649 = arith.select %eq3A_646, %broadcast_in_dim3A_648, %select_n3A_627 : vector<256x1024xi1>, vector<256x1024xf32>
    %reduce_min3A_650 = arith.constant dense<0x7F800000> : vector<256xf32>
    %reduce_min3A_651 = vector.multi_reduction <minimumf>, %select_n3A_649, %reduce_min3A_650 [1] : vector<256x1024xf32> to vector<256xf32>
    %broadcast_in_dim3A_652 = vector.shape_cast %reduce_min3A_651 : vector<256xf32> to vector<256x1xf32>
    %eq3A_653 = vector.broadcast %broadcast_in_dim3A_652 : vector<256x1xf32> to vector<256x1024xf32>
    %eq3A_654 = arith.cmpf oeq, %select_n3A_649, %eq3A_653 : vector<256x1024xf32>
    %jit3A_655 = arith.constant 1024 : i32
    %broadcast_in_dim3A_656 = vector.broadcast %jit3A_655 : i32 to vector<256x1024xi32>
    %select_n3A_657 = arith.select %eq3A_654, %iota3A, %broadcast_in_dim3A_656 : vector<256x1024xi1>, vector<256x1024xi32>
    %reduce_min3A_658 = arith.constant dense<2147483647> : vector<256xi32>
    %reduce_min3A_659 = vector.multi_reduction <minsi>, %select_n3A_657, %reduce_min3A_658 [1] : vector<256x1024xi32> to vector<256xi32>
    %broadcast_in_dim3A_660 = vector.shape_cast %reduce_min3A_659 : vector<256xi32> to vector<256x1xi32>
    %eq3A_661 = arith.constant 26 : i32
    %eq3A_662 = vector.broadcast %eq3A_661 : i32 to vector<256x64xi32>
    %eq3A_663 = arith.cmpi eq, %iota3A_79, %eq3A_662 : vector<256x64xi32>
    %broadcast_in_dim3A_664 = vector.shape_cast %broadcast_in_dim3A_660 : vector<256x1xi32> to vector<256x1xi32>
    %broadcast_in_dim3A_665 = vector.broadcast %broadcast_in_dim3A_664 : vector<256x1xi32> to vector<256x64xi32>
    %select_n3A_666 = arith.select %eq3A_663, %broadcast_in_dim3A_665, %select_n3A_644 : vector<256x64xi1>, vector<256x64xi32>
    %eq3A_667 = vector.broadcast %broadcast_in_dim3A_660 : vector<256x1xi32> to vector<256x1024xi32>
    %eq3A_668 = arith.cmpi eq, %iota3A, %eq3A_667 : vector<256x1024xi32>
    %jit3A_669 = arith.constant 0x7F800000 : f32
    %broadcast_in_dim3A_670 = vector.broadcast %jit3A_669 : f32 to vector<256x1024xf32>
    %select_n3A_671 = arith.select %eq3A_668, %broadcast_in_dim3A_670, %select_n3A_649 : vector<256x1024xi1>, vector<256x1024xf32>
    %reduce_min3A_672 = arith.constant dense<0x7F800000> : vector<256xf32>
    %reduce_min3A_673 = vector.multi_reduction <minimumf>, %select_n3A_671, %reduce_min3A_672 [1] : vector<256x1024xf32> to vector<256xf32>
    %broadcast_in_dim3A_674 = vector.shape_cast %reduce_min3A_673 : vector<256xf32> to vector<256x1xf32>
    %eq3A_675 = vector.broadcast %broadcast_in_dim3A_674 : vector<256x1xf32> to vector<256x1024xf32>
    %eq3A_676 = arith.cmpf oeq, %select_n3A_671, %eq3A_675 : vector<256x1024xf32>
    %jit3A_677 = arith.constant 1024 : i32
    %broadcast_in_dim3A_678 = vector.broadcast %jit3A_677 : i32 to vector<256x1024xi32>
    %select_n3A_679 = arith.select %eq3A_676, %iota3A, %broadcast_in_dim3A_678 : vector<256x1024xi1>, vector<256x1024xi32>
    %reduce_min3A_680 = arith.constant dense<2147483647> : vector<256xi32>
    %reduce_min3A_681 = vector.multi_reduction <minsi>, %select_n3A_679, %reduce_min3A_680 [1] : vector<256x1024xi32> to vector<256xi32>
    %broadcast_in_dim3A_682 = vector.shape_cast %reduce_min3A_681 : vector<256xi32> to vector<256x1xi32>
    %eq3A_683 = arith.constant 27 : i32
    %eq3A_684 = vector.broadcast %eq3A_683 : i32 to vector<256x64xi32>
    %eq3A_685 = arith.cmpi eq, %iota3A_79, %eq3A_684 : vector<256x64xi32>
    %broadcast_in_dim3A_686 = vector.shape_cast %broadcast_in_dim3A_682 : vector<256x1xi32> to vector<256x1xi32>
    %broadcast_in_dim3A_687 = vector.broadcast %broadcast_in_dim3A_686 : vector<256x1xi32> to vector<256x64xi32>
    %select_n3A_688 = arith.select %eq3A_685, %broadcast_in_dim3A_687, %select_n3A_666 : vector<256x64xi1>, vector<256x64xi32>
    %eq3A_689 = vector.broadcast %broadcast_in_dim3A_682 : vector<256x1xi32> to vector<256x1024xi32>
    %eq3A_690 = arith.cmpi eq, %iota3A, %eq3A_689 : vector<256x1024xi32>
    %jit3A_691 = arith.constant 0x7F800000 : f32
    %broadcast_in_dim3A_692 = vector.broadcast %jit3A_691 : f32 to vector<256x1024xf32>
    %select_n3A_693 = arith.select %eq3A_690, %broadcast_in_dim3A_692, %select_n3A_671 : vector<256x1024xi1>, vector<256x1024xf32>
    %reduce_min3A_694 = arith.constant dense<0x7F800000> : vector<256xf32>
    %reduce_min3A_695 = vector.multi_reduction <minimumf>, %select_n3A_693, %reduce_min3A_694 [1] : vector<256x1024xf32> to vector<256xf32>
    %broadcast_in_dim3A_696 = vector.shape_cast %reduce_min3A_695 : vector<256xf32> to vector<256x1xf32>
    %eq3A_697 = vector.broadcast %broadcast_in_dim3A_696 : vector<256x1xf32> to vector<256x1024xf32>
    %eq3A_698 = arith.cmpf oeq, %select_n3A_693, %eq3A_697 : vector<256x1024xf32>
    %jit3A_699 = arith.constant 1024 : i32
    %broadcast_in_dim3A_700 = vector.broadcast %jit3A_699 : i32 to vector<256x1024xi32>
    %select_n3A_701 = arith.select %eq3A_698, %iota3A, %broadcast_in_dim3A_700 : vector<256x1024xi1>, vector<256x1024xi32>
    %reduce_min3A_702 = arith.constant dense<2147483647> : vector<256xi32>
    %reduce_min3A_703 = vector.multi_reduction <minsi>, %select_n3A_701, %reduce_min3A_702 [1] : vector<256x1024xi32> to vector<256xi32>
    %broadcast_in_dim3A_704 = vector.shape_cast %reduce_min3A_703 : vector<256xi32> to vector<256x1xi32>
    %eq3A_705 = arith.constant 28 : i32
    %eq3A_706 = vector.broadcast %eq3A_705 : i32 to vector<256x64xi32>
    %eq3A_707 = arith.cmpi eq, %iota3A_79, %eq3A_706 : vector<256x64xi32>
    %broadcast_in_dim3A_708 = vector.shape_cast %broadcast_in_dim3A_704 : vector<256x1xi32> to vector<256x1xi32>
    %broadcast_in_dim3A_709 = vector.broadcast %broadcast_in_dim3A_708 : vector<256x1xi32> to vector<256x64xi32>
    %select_n3A_710 = arith.select %eq3A_707, %broadcast_in_dim3A_709, %select_n3A_688 : vector<256x64xi1>, vector<256x64xi32>
    %eq3A_711 = vector.broadcast %broadcast_in_dim3A_704 : vector<256x1xi32> to vector<256x1024xi32>
    %eq3A_712 = arith.cmpi eq, %iota3A, %eq3A_711 : vector<256x1024xi32>
    %jit3A_713 = arith.constant 0x7F800000 : f32
    %broadcast_in_dim3A_714 = vector.broadcast %jit3A_713 : f32 to vector<256x1024xf32>
    %select_n3A_715 = arith.select %eq3A_712, %broadcast_in_dim3A_714, %select_n3A_693 : vector<256x1024xi1>, vector<256x1024xf32>
    %reduce_min3A_716 = arith.constant dense<0x7F800000> : vector<256xf32>
    %reduce_min3A_717 = vector.multi_reduction <minimumf>, %select_n3A_715, %reduce_min3A_716 [1] : vector<256x1024xf32> to vector<256xf32>
    %broadcast_in_dim3A_718 = vector.shape_cast %reduce_min3A_717 : vector<256xf32> to vector<256x1xf32>
    %eq3A_719 = vector.broadcast %broadcast_in_dim3A_718 : vector<256x1xf32> to vector<256x1024xf32>
    %eq3A_720 = arith.cmpf oeq, %select_n3A_715, %eq3A_719 : vector<256x1024xf32>
    %jit3A_721 = arith.constant 1024 : i32
    %broadcast_in_dim3A_722 = vector.broadcast %jit3A_721 : i32 to vector<256x1024xi32>
    %select_n3A_723 = arith.select %eq3A_720, %iota3A, %broadcast_in_dim3A_722 : vector<256x1024xi1>, vector<256x1024xi32>
    %reduce_min3A_724 = arith.constant dense<2147483647> : vector<256xi32>
    %reduce_min3A_725 = vector.multi_reduction <minsi>, %select_n3A_723, %reduce_min3A_724 [1] : vector<256x1024xi32> to vector<256xi32>
    %broadcast_in_dim3A_726 = vector.shape_cast %reduce_min3A_725 : vector<256xi32> to vector<256x1xi32>
    %eq3A_727 = arith.constant 29 : i32
    %eq3A_728 = vector.broadcast %eq3A_727 : i32 to vector<256x64xi32>
    %eq3A_729 = arith.cmpi eq, %iota3A_79, %eq3A_728 : vector<256x64xi32>
    %broadcast_in_dim3A_730 = vector.shape_cast %broadcast_in_dim3A_726 : vector<256x1xi32> to vector<256x1xi32>
    %broadcast_in_dim3A_731 = vector.broadcast %broadcast_in_dim3A_730 : vector<256x1xi32> to vector<256x64xi32>
    %select_n3A_732 = arith.select %eq3A_729, %broadcast_in_dim3A_731, %select_n3A_710 : vector<256x64xi1>, vector<256x64xi32>
    %eq3A_733 = vector.broadcast %broadcast_in_dim3A_726 : vector<256x1xi32> to vector<256x1024xi32>
    %eq3A_734 = arith.cmpi eq, %iota3A, %eq3A_733 : vector<256x1024xi32>
    %jit3A_735 = arith.constant 0x7F800000 : f32
    %broadcast_in_dim3A_736 = vector.broadcast %jit3A_735 : f32 to vector<256x1024xf32>
    %select_n3A_737 = arith.select %eq3A_734, %broadcast_in_dim3A_736, %select_n3A_715 : vector<256x1024xi1>, vector<256x1024xf32>
    %reduce_min3A_738 = arith.constant dense<0x7F800000> : vector<256xf32>
    %reduce_min3A_739 = vector.multi_reduction <minimumf>, %select_n3A_737, %reduce_min3A_738 [1] : vector<256x1024xf32> to vector<256xf32>
    %broadcast_in_dim3A_740 = vector.shape_cast %reduce_min3A_739 : vector<256xf32> to vector<256x1xf32>
    %eq3A_741 = vector.broadcast %broadcast_in_dim3A_740 : vector<256x1xf32> to vector<256x1024xf32>
    %eq3A_742 = arith.cmpf oeq, %select_n3A_737, %eq3A_741 : vector<256x1024xf32>
    %jit3A_743 = arith.constant 1024 : i32
    %broadcast_in_dim3A_744 = vector.broadcast %jit3A_743 : i32 to vector<256x1024xi32>
    %select_n3A_745 = arith.select %eq3A_742, %iota3A, %broadcast_in_dim3A_744 : vector<256x1024xi1>, vector<256x1024xi32>
    %reduce_min3A_746 = arith.constant dense<2147483647> : vector<256xi32>
    %reduce_min3A_747 = vector.multi_reduction <minsi>, %select_n3A_745, %reduce_min3A_746 [1] : vector<256x1024xi32> to vector<256xi32>
    %broadcast_in_dim3A_748 = vector.shape_cast %reduce_min3A_747 : vector<256xi32> to vector<256x1xi32>
    %eq3A_749 = arith.constant 30 : i32
    %eq3A_750 = vector.broadcast %eq3A_749 : i32 to vector<256x64xi32>
    %eq3A_751 = arith.cmpi eq, %iota3A_79, %eq3A_750 : vector<256x64xi32>
    %broadcast_in_dim3A_752 = vector.shape_cast %broadcast_in_dim3A_748 : vector<256x1xi32> to vector<256x1xi32>
    %broadcast_in_dim3A_753 = vector.broadcast %broadcast_in_dim3A_752 : vector<256x1xi32> to vector<256x64xi32>
    %select_n3A_754 = arith.select %eq3A_751, %broadcast_in_dim3A_753, %select_n3A_732 : vector<256x64xi1>, vector<256x64xi32>
    %eq3A_755 = vector.broadcast %broadcast_in_dim3A_748 : vector<256x1xi32> to vector<256x1024xi32>
    %eq3A_756 = arith.cmpi eq, %iota3A, %eq3A_755 : vector<256x1024xi32>
    %jit3A_757 = arith.constant 0x7F800000 : f32
    %broadcast_in_dim3A_758 = vector.broadcast %jit3A_757 : f32 to vector<256x1024xf32>
    %select_n3A_759 = arith.select %eq3A_756, %broadcast_in_dim3A_758, %select_n3A_737 : vector<256x1024xi1>, vector<256x1024xf32>
    %reduce_min3A_760 = arith.constant dense<0x7F800000> : vector<256xf32>
    %reduce_min3A_761 = vector.multi_reduction <minimumf>, %select_n3A_759, %reduce_min3A_760 [1] : vector<256x1024xf32> to vector<256xf32>
    %broadcast_in_dim3A_762 = vector.shape_cast %reduce_min3A_761 : vector<256xf32> to vector<256x1xf32>
    %eq3A_763 = vector.broadcast %broadcast_in_dim3A_762 : vector<256x1xf32> to vector<256x1024xf32>
    %eq3A_764 = arith.cmpf oeq, %select_n3A_759, %eq3A_763 : vector<256x1024xf32>
    %jit3A_765 = arith.constant 1024 : i32
    %broadcast_in_dim3A_766 = vector.broadcast %jit3A_765 : i32 to vector<256x1024xi32>
    %select_n3A_767 = arith.select %eq3A_764, %iota3A, %broadcast_in_dim3A_766 : vector<256x1024xi1>, vector<256x1024xi32>
    %reduce_min3A_768 = arith.constant dense<2147483647> : vector<256xi32>
    %reduce_min3A_769 = vector.multi_reduction <minsi>, %select_n3A_767, %reduce_min3A_768 [1] : vector<256x1024xi32> to vector<256xi32>
    %broadcast_in_dim3A_770 = vector.shape_cast %reduce_min3A_769 : vector<256xi32> to vector<256x1xi32>
    %eq3A_771 = arith.constant 31 : i32
    %eq3A_772 = vector.broadcast %eq3A_771 : i32 to vector<256x64xi32>
    %eq3A_773 = arith.cmpi eq, %iota3A_79, %eq3A_772 : vector<256x64xi32>
    %broadcast_in_dim3A_774 = vector.shape_cast %broadcast_in_dim3A_770 : vector<256x1xi32> to vector<256x1xi32>
    %broadcast_in_dim3A_775 = vector.broadcast %broadcast_in_dim3A_774 : vector<256x1xi32> to vector<256x64xi32>
    %select_n3A_776 = arith.select %eq3A_773, %broadcast_in_dim3A_775, %select_n3A_754 : vector<256x64xi1>, vector<256x64xi32>
    %eq3A_777 = vector.broadcast %broadcast_in_dim3A_770 : vector<256x1xi32> to vector<256x1024xi32>
    %eq3A_778 = arith.cmpi eq, %iota3A, %eq3A_777 : vector<256x1024xi32>
    %jit3A_779 = arith.constant 0x7F800000 : f32
    %broadcast_in_dim3A_780 = vector.broadcast %jit3A_779 : f32 to vector<256x1024xf32>
    %select_n3A_781 = arith.select %eq3A_778, %broadcast_in_dim3A_780, %select_n3A_759 : vector<256x1024xi1>, vector<256x1024xf32>
    %reduce_min3A_782 = arith.constant dense<0x7F800000> : vector<256xf32>
    %reduce_min3A_783 = vector.multi_reduction <minimumf>, %select_n3A_781, %reduce_min3A_782 [1] : vector<256x1024xf32> to vector<256xf32>
    %broadcast_in_dim3A_784 = vector.shape_cast %reduce_min3A_783 : vector<256xf32> to vector<256x1xf32>
    %eq3A_785 = vector.broadcast %broadcast_in_dim3A_784 : vector<256x1xf32> to vector<256x1024xf32>
    %eq3A_786 = arith.cmpf oeq, %select_n3A_781, %eq3A_785 : vector<256x1024xf32>
    %jit3A_787 = arith.constant 1024 : i32
    %broadcast_in_dim3A_788 = vector.broadcast %jit3A_787 : i32 to vector<256x1024xi32>
    %select_n3A_789 = arith.select %eq3A_786, %iota3A, %broadcast_in_dim3A_788 : vector<256x1024xi1>, vector<256x1024xi32>
    %reduce_min3A_790 = arith.constant dense<2147483647> : vector<256xi32>
    %reduce_min3A_791 = vector.multi_reduction <minsi>, %select_n3A_789, %reduce_min3A_790 [1] : vector<256x1024xi32> to vector<256xi32>
    %broadcast_in_dim3A_792 = vector.shape_cast %reduce_min3A_791 : vector<256xi32> to vector<256x1xi32>
    %eq3A_793 = arith.constant 32 : i32
    %eq3A_794 = vector.broadcast %eq3A_793 : i32 to vector<256x64xi32>
    %eq3A_795 = arith.cmpi eq, %iota3A_79, %eq3A_794 : vector<256x64xi32>
    %broadcast_in_dim3A_796 = vector.shape_cast %broadcast_in_dim3A_792 : vector<256x1xi32> to vector<256x1xi32>
    %broadcast_in_dim3A_797 = vector.broadcast %broadcast_in_dim3A_796 : vector<256x1xi32> to vector<256x64xi32>
    %select_n3A_798 = arith.select %eq3A_795, %broadcast_in_dim3A_797, %select_n3A_776 : vector<256x64xi1>, vector<256x64xi32>
    %eq3A_799 = vector.broadcast %broadcast_in_dim3A_792 : vector<256x1xi32> to vector<256x1024xi32>
    %eq3A_800 = arith.cmpi eq, %iota3A, %eq3A_799 : vector<256x1024xi32>
    %jit3A_801 = arith.constant 0x7F800000 : f32
    %broadcast_in_dim3A_802 = vector.broadcast %jit3A_801 : f32 to vector<256x1024xf32>
    %select_n3A_803 = arith.select %eq3A_800, %broadcast_in_dim3A_802, %select_n3A_781 : vector<256x1024xi1>, vector<256x1024xf32>
    %reduce_min3A_804 = arith.constant dense<0x7F800000> : vector<256xf32>
    %reduce_min3A_805 = vector.multi_reduction <minimumf>, %select_n3A_803, %reduce_min3A_804 [1] : vector<256x1024xf32> to vector<256xf32>
    %broadcast_in_dim3A_806 = vector.shape_cast %reduce_min3A_805 : vector<256xf32> to vector<256x1xf32>
    %eq3A_807 = vector.broadcast %broadcast_in_dim3A_806 : vector<256x1xf32> to vector<256x1024xf32>
    %eq3A_808 = arith.cmpf oeq, %select_n3A_803, %eq3A_807 : vector<256x1024xf32>
    %jit3A_809 = arith.constant 1024 : i32
    %broadcast_in_dim3A_810 = vector.broadcast %jit3A_809 : i32 to vector<256x1024xi32>
    %select_n3A_811 = arith.select %eq3A_808, %iota3A, %broadcast_in_dim3A_810 : vector<256x1024xi1>, vector<256x1024xi32>
    %reduce_min3A_812 = arith.constant dense<2147483647> : vector<256xi32>
    %reduce_min3A_813 = vector.multi_reduction <minsi>, %select_n3A_811, %reduce_min3A_812 [1] : vector<256x1024xi32> to vector<256xi32>
    %broadcast_in_dim3A_814 = vector.shape_cast %reduce_min3A_813 : vector<256xi32> to vector<256x1xi32>
    %eq3A_815 = arith.constant 33 : i32
    %eq3A_816 = vector.broadcast %eq3A_815 : i32 to vector<256x64xi32>
    %eq3A_817 = arith.cmpi eq, %iota3A_79, %eq3A_816 : vector<256x64xi32>
    %broadcast_in_dim3A_818 = vector.shape_cast %broadcast_in_dim3A_814 : vector<256x1xi32> to vector<256x1xi32>
    %broadcast_in_dim3A_819 = vector.broadcast %broadcast_in_dim3A_818 : vector<256x1xi32> to vector<256x64xi32>
    %select_n3A_820 = arith.select %eq3A_817, %broadcast_in_dim3A_819, %select_n3A_798 : vector<256x64xi1>, vector<256x64xi32>
    %eq3A_821 = vector.broadcast %broadcast_in_dim3A_814 : vector<256x1xi32> to vector<256x1024xi32>
    %eq3A_822 = arith.cmpi eq, %iota3A, %eq3A_821 : vector<256x1024xi32>
    %jit3A_823 = arith.constant 0x7F800000 : f32
    %broadcast_in_dim3A_824 = vector.broadcast %jit3A_823 : f32 to vector<256x1024xf32>
    %select_n3A_825 = arith.select %eq3A_822, %broadcast_in_dim3A_824, %select_n3A_803 : vector<256x1024xi1>, vector<256x1024xf32>
    %reduce_min3A_826 = arith.constant dense<0x7F800000> : vector<256xf32>
    %reduce_min3A_827 = vector.multi_reduction <minimumf>, %select_n3A_825, %reduce_min3A_826 [1] : vector<256x1024xf32> to vector<256xf32>
    %broadcast_in_dim3A_828 = vector.shape_cast %reduce_min3A_827 : vector<256xf32> to vector<256x1xf32>
    %eq3A_829 = vector.broadcast %broadcast_in_dim3A_828 : vector<256x1xf32> to vector<256x1024xf32>
    %eq3A_830 = arith.cmpf oeq, %select_n3A_825, %eq3A_829 : vector<256x1024xf32>
    %jit3A_831 = arith.constant 1024 : i32
    %broadcast_in_dim3A_832 = vector.broadcast %jit3A_831 : i32 to vector<256x1024xi32>
    %select_n3A_833 = arith.select %eq3A_830, %iota3A, %broadcast_in_dim3A_832 : vector<256x1024xi1>, vector<256x1024xi32>
    %reduce_min3A_834 = arith.constant dense<2147483647> : vector<256xi32>
    %reduce_min3A_835 = vector.multi_reduction <minsi>, %select_n3A_833, %reduce_min3A_834 [1] : vector<256x1024xi32> to vector<256xi32>
    %broadcast_in_dim3A_836 = vector.shape_cast %reduce_min3A_835 : vector<256xi32> to vector<256x1xi32>
    %eq3A_837 = arith.constant 34 : i32
    %eq3A_838 = vector.broadcast %eq3A_837 : i32 to vector<256x64xi32>
    %eq3A_839 = arith.cmpi eq, %iota3A_79, %eq3A_838 : vector<256x64xi32>
    %broadcast_in_dim3A_840 = vector.shape_cast %broadcast_in_dim3A_836 : vector<256x1xi32> to vector<256x1xi32>
    %broadcast_in_dim3A_841 = vector.broadcast %broadcast_in_dim3A_840 : vector<256x1xi32> to vector<256x64xi32>
    %select_n3A_842 = arith.select %eq3A_839, %broadcast_in_dim3A_841, %select_n3A_820 : vector<256x64xi1>, vector<256x64xi32>
    %eq3A_843 = vector.broadcast %broadcast_in_dim3A_836 : vector<256x1xi32> to vector<256x1024xi32>
    %eq3A_844 = arith.cmpi eq, %iota3A, %eq3A_843 : vector<256x1024xi32>
    %jit3A_845 = arith.constant 0x7F800000 : f32
    %broadcast_in_dim3A_846 = vector.broadcast %jit3A_845 : f32 to vector<256x1024xf32>
    %select_n3A_847 = arith.select %eq3A_844, %broadcast_in_dim3A_846, %select_n3A_825 : vector<256x1024xi1>, vector<256x1024xf32>
    %reduce_min3A_848 = arith.constant dense<0x7F800000> : vector<256xf32>
    %reduce_min3A_849 = vector.multi_reduction <minimumf>, %select_n3A_847, %reduce_min3A_848 [1] : vector<256x1024xf32> to vector<256xf32>
    %broadcast_in_dim3A_850 = vector.shape_cast %reduce_min3A_849 : vector<256xf32> to vector<256x1xf32>
    %eq3A_851 = vector.broadcast %broadcast_in_dim3A_850 : vector<256x1xf32> to vector<256x1024xf32>
    %eq3A_852 = arith.cmpf oeq, %select_n3A_847, %eq3A_851 : vector<256x1024xf32>
    %jit3A_853 = arith.constant 1024 : i32
    %broadcast_in_dim3A_854 = vector.broadcast %jit3A_853 : i32 to vector<256x1024xi32>
    %select_n3A_855 = arith.select %eq3A_852, %iota3A, %broadcast_in_dim3A_854 : vector<256x1024xi1>, vector<256x1024xi32>
    %reduce_min3A_856 = arith.constant dense<2147483647> : vector<256xi32>
    %reduce_min3A_857 = vector.multi_reduction <minsi>, %select_n3A_855, %reduce_min3A_856 [1] : vector<256x1024xi32> to vector<256xi32>
    %broadcast_in_dim3A_858 = vector.shape_cast %reduce_min3A_857 : vector<256xi32> to vector<256x1xi32>
    %eq3A_859 = arith.constant 35 : i32
    %eq3A_860 = vector.broadcast %eq3A_859 : i32 to vector<256x64xi32>
    %eq3A_861 = arith.cmpi eq, %iota3A_79, %eq3A_860 : vector<256x64xi32>
    %broadcast_in_dim3A_862 = vector.shape_cast %broadcast_in_dim3A_858 : vector<256x1xi32> to vector<256x1xi32>
    %broadcast_in_dim3A_863 = vector.broadcast %broadcast_in_dim3A_862 : vector<256x1xi32> to vector<256x64xi32>
    %select_n3A_864 = arith.select %eq3A_861, %broadcast_in_dim3A_863, %select_n3A_842 : vector<256x64xi1>, vector<256x64xi32>
    %eq3A_865 = vector.broadcast %broadcast_in_dim3A_858 : vector<256x1xi32> to vector<256x1024xi32>
    %eq3A_866 = arith.cmpi eq, %iota3A, %eq3A_865 : vector<256x1024xi32>
    %jit3A_867 = arith.constant 0x7F800000 : f32
    %broadcast_in_dim3A_868 = vector.broadcast %jit3A_867 : f32 to vector<256x1024xf32>
    %select_n3A_869 = arith.select %eq3A_866, %broadcast_in_dim3A_868, %select_n3A_847 : vector<256x1024xi1>, vector<256x1024xf32>
    %reduce_min3A_870 = arith.constant dense<0x7F800000> : vector<256xf32>
    %reduce_min3A_871 = vector.multi_reduction <minimumf>, %select_n3A_869, %reduce_min3A_870 [1] : vector<256x1024xf32> to vector<256xf32>
    %broadcast_in_dim3A_872 = vector.shape_cast %reduce_min3A_871 : vector<256xf32> to vector<256x1xf32>
    %eq3A_873 = vector.broadcast %broadcast_in_dim3A_872 : vector<256x1xf32> to vector<256x1024xf32>
    %eq3A_874 = arith.cmpf oeq, %select_n3A_869, %eq3A_873 : vector<256x1024xf32>
    %jit3A_875 = arith.constant 1024 : i32
    %broadcast_in_dim3A_876 = vector.broadcast %jit3A_875 : i32 to vector<256x1024xi32>
    %select_n3A_877 = arith.select %eq3A_874, %iota3A, %broadcast_in_dim3A_876 : vector<256x1024xi1>, vector<256x1024xi32>
    %reduce_min3A_878 = arith.constant dense<2147483647> : vector<256xi32>
    %reduce_min3A_879 = vector.multi_reduction <minsi>, %select_n3A_877, %reduce_min3A_878 [1] : vector<256x1024xi32> to vector<256xi32>
    %broadcast_in_dim3A_880 = vector.shape_cast %reduce_min3A_879 : vector<256xi32> to vector<256x1xi32>
    %eq3A_881 = arith.constant 36 : i32
    %eq3A_882 = vector.broadcast %eq3A_881 : i32 to vector<256x64xi32>
    %eq3A_883 = arith.cmpi eq, %iota3A_79, %eq3A_882 : vector<256x64xi32>
    %broadcast_in_dim3A_884 = vector.shape_cast %broadcast_in_dim3A_880 : vector<256x1xi32> to vector<256x1xi32>
    %broadcast_in_dim3A_885 = vector.broadcast %broadcast_in_dim3A_884 : vector<256x1xi32> to vector<256x64xi32>
    %select_n3A_886 = arith.select %eq3A_883, %broadcast_in_dim3A_885, %select_n3A_864 : vector<256x64xi1>, vector<256x64xi32>
    %eq3A_887 = vector.broadcast %broadcast_in_dim3A_880 : vector<256x1xi32> to vector<256x1024xi32>
    %eq3A_888 = arith.cmpi eq, %iota3A, %eq3A_887 : vector<256x1024xi32>
    %jit3A_889 = arith.constant 0x7F800000 : f32
    %broadcast_in_dim3A_890 = vector.broadcast %jit3A_889 : f32 to vector<256x1024xf32>
    %select_n3A_891 = arith.select %eq3A_888, %broadcast_in_dim3A_890, %select_n3A_869 : vector<256x1024xi1>, vector<256x1024xf32>
    %reduce_min3A_892 = arith.constant dense<0x7F800000> : vector<256xf32>
    %reduce_min3A_893 = vector.multi_reduction <minimumf>, %select_n3A_891, %reduce_min3A_892 [1] : vector<256x1024xf32> to vector<256xf32>
    %broadcast_in_dim3A_894 = vector.shape_cast %reduce_min3A_893 : vector<256xf32> to vector<256x1xf32>
    %eq3A_895 = vector.broadcast %broadcast_in_dim3A_894 : vector<256x1xf32> to vector<256x1024xf32>
    %eq3A_896 = arith.cmpf oeq, %select_n3A_891, %eq3A_895 : vector<256x1024xf32>
    %jit3A_897 = arith.constant 1024 : i32
    %broadcast_in_dim3A_898 = vector.broadcast %jit3A_897 : i32 to vector<256x1024xi32>
    %select_n3A_899 = arith.select %eq3A_896, %iota3A, %broadcast_in_dim3A_898 : vector<256x1024xi1>, vector<256x1024xi32>
    %reduce_min3A_900 = arith.constant dense<2147483647> : vector<256xi32>
    %reduce_min3A_901 = vector.multi_reduction <minsi>, %select_n3A_899, %reduce_min3A_900 [1] : vector<256x1024xi32> to vector<256xi32>
    %broadcast_in_dim3A_902 = vector.shape_cast %reduce_min3A_901 : vector<256xi32> to vector<256x1xi32>
    %eq3A_903 = arith.constant 37 : i32
    %eq3A_904 = vector.broadcast %eq3A_903 : i32 to vector<256x64xi32>
    %eq3A_905 = arith.cmpi eq, %iota3A_79, %eq3A_904 : vector<256x64xi32>
    %broadcast_in_dim3A_906 = vector.shape_cast %broadcast_in_dim3A_902 : vector<256x1xi32> to vector<256x1xi32>
    %broadcast_in_dim3A_907 = vector.broadcast %broadcast_in_dim3A_906 : vector<256x1xi32> to vector<256x64xi32>
    %select_n3A_908 = arith.select %eq3A_905, %broadcast_in_dim3A_907, %select_n3A_886 : vector<256x64xi1>, vector<256x64xi32>
    %eq3A_909 = vector.broadcast %broadcast_in_dim3A_902 : vector<256x1xi32> to vector<256x1024xi32>
    %eq3A_910 = arith.cmpi eq, %iota3A, %eq3A_909 : vector<256x1024xi32>
    %jit3A_911 = arith.constant 0x7F800000 : f32
    %broadcast_in_dim3A_912 = vector.broadcast %jit3A_911 : f32 to vector<256x1024xf32>
    %select_n3A_913 = arith.select %eq3A_910, %broadcast_in_dim3A_912, %select_n3A_891 : vector<256x1024xi1>, vector<256x1024xf32>
    %reduce_min3A_914 = arith.constant dense<0x7F800000> : vector<256xf32>
    %reduce_min3A_915 = vector.multi_reduction <minimumf>, %select_n3A_913, %reduce_min3A_914 [1] : vector<256x1024xf32> to vector<256xf32>
    %broadcast_in_dim3A_916 = vector.shape_cast %reduce_min3A_915 : vector<256xf32> to vector<256x1xf32>
    %eq3A_917 = vector.broadcast %broadcast_in_dim3A_916 : vector<256x1xf32> to vector<256x1024xf32>
    %eq3A_918 = arith.cmpf oeq, %select_n3A_913, %eq3A_917 : vector<256x1024xf32>
    %jit3A_919 = arith.constant 1024 : i32
    %broadcast_in_dim3A_920 = vector.broadcast %jit3A_919 : i32 to vector<256x1024xi32>
    %select_n3A_921 = arith.select %eq3A_918, %iota3A, %broadcast_in_dim3A_920 : vector<256x1024xi1>, vector<256x1024xi32>
    %reduce_min3A_922 = arith.constant dense<2147483647> : vector<256xi32>
    %reduce_min3A_923 = vector.multi_reduction <minsi>, %select_n3A_921, %reduce_min3A_922 [1] : vector<256x1024xi32> to vector<256xi32>
    %broadcast_in_dim3A_924 = vector.shape_cast %reduce_min3A_923 : vector<256xi32> to vector<256x1xi32>
    %eq3A_925 = arith.constant 38 : i32
    %eq3A_926 = vector.broadcast %eq3A_925 : i32 to vector<256x64xi32>
    %eq3A_927 = arith.cmpi eq, %iota3A_79, %eq3A_926 : vector<256x64xi32>
    %broadcast_in_dim3A_928 = vector.shape_cast %broadcast_in_dim3A_924 : vector<256x1xi32> to vector<256x1xi32>
    %broadcast_in_dim3A_929 = vector.broadcast %broadcast_in_dim3A_928 : vector<256x1xi32> to vector<256x64xi32>
    %select_n3A_930 = arith.select %eq3A_927, %broadcast_in_dim3A_929, %select_n3A_908 : vector<256x64xi1>, vector<256x64xi32>
    %eq3A_931 = vector.broadcast %broadcast_in_dim3A_924 : vector<256x1xi32> to vector<256x1024xi32>
    %eq3A_932 = arith.cmpi eq, %iota3A, %eq3A_931 : vector<256x1024xi32>
    %jit3A_933 = arith.constant 0x7F800000 : f32
    %broadcast_in_dim3A_934 = vector.broadcast %jit3A_933 : f32 to vector<256x1024xf32>
    %select_n3A_935 = arith.select %eq3A_932, %broadcast_in_dim3A_934, %select_n3A_913 : vector<256x1024xi1>, vector<256x1024xf32>
    %reduce_min3A_936 = arith.constant dense<0x7F800000> : vector<256xf32>
    %reduce_min3A_937 = vector.multi_reduction <minimumf>, %select_n3A_935, %reduce_min3A_936 [1] : vector<256x1024xf32> to vector<256xf32>
    %broadcast_in_dim3A_938 = vector.shape_cast %reduce_min3A_937 : vector<256xf32> to vector<256x1xf32>
    %eq3A_939 = vector.broadcast %broadcast_in_dim3A_938 : vector<256x1xf32> to vector<256x1024xf32>
    %eq3A_940 = arith.cmpf oeq, %select_n3A_935, %eq3A_939 : vector<256x1024xf32>
    %jit3A_941 = arith.constant 1024 : i32
    %broadcast_in_dim3A_942 = vector.broadcast %jit3A_941 : i32 to vector<256x1024xi32>
    %select_n3A_943 = arith.select %eq3A_940, %iota3A, %broadcast_in_dim3A_942 : vector<256x1024xi1>, vector<256x1024xi32>
    %reduce_min3A_944 = arith.constant dense<2147483647> : vector<256xi32>
    %reduce_min3A_945 = vector.multi_reduction <minsi>, %select_n3A_943, %reduce_min3A_944 [1] : vector<256x1024xi32> to vector<256xi32>
    %broadcast_in_dim3A_946 = vector.shape_cast %reduce_min3A_945 : vector<256xi32> to vector<256x1xi32>
    %eq3A_947 = arith.constant 39 : i32
    %eq3A_948 = vector.broadcast %eq3A_947 : i32 to vector<256x64xi32>
    %eq3A_949 = arith.cmpi eq, %iota3A_79, %eq3A_948 : vector<256x64xi32>
    %broadcast_in_dim3A_950 = vector.shape_cast %broadcast_in_dim3A_946 : vector<256x1xi32> to vector<256x1xi32>
    %broadcast_in_dim3A_951 = vector.broadcast %broadcast_in_dim3A_950 : vector<256x1xi32> to vector<256x64xi32>
    %select_n3A_952 = arith.select %eq3A_949, %broadcast_in_dim3A_951, %select_n3A_930 : vector<256x64xi1>, vector<256x64xi32>
    %eq3A_953 = vector.broadcast %broadcast_in_dim3A_946 : vector<256x1xi32> to vector<256x1024xi32>
    %eq3A_954 = arith.cmpi eq, %iota3A, %eq3A_953 : vector<256x1024xi32>
    %jit3A_955 = arith.constant 0x7F800000 : f32
    %broadcast_in_dim3A_956 = vector.broadcast %jit3A_955 : f32 to vector<256x1024xf32>
    %select_n3A_957 = arith.select %eq3A_954, %broadcast_in_dim3A_956, %select_n3A_935 : vector<256x1024xi1>, vector<256x1024xf32>
    %reduce_min3A_958 = arith.constant dense<0x7F800000> : vector<256xf32>
    %reduce_min3A_959 = vector.multi_reduction <minimumf>, %select_n3A_957, %reduce_min3A_958 [1] : vector<256x1024xf32> to vector<256xf32>
    %broadcast_in_dim3A_960 = vector.shape_cast %reduce_min3A_959 : vector<256xf32> to vector<256x1xf32>
    %eq3A_961 = vector.broadcast %broadcast_in_dim3A_960 : vector<256x1xf32> to vector<256x1024xf32>
    %eq3A_962 = arith.cmpf oeq, %select_n3A_957, %eq3A_961 : vector<256x1024xf32>
    %jit3A_963 = arith.constant 1024 : i32
    %broadcast_in_dim3A_964 = vector.broadcast %jit3A_963 : i32 to vector<256x1024xi32>
    %select_n3A_965 = arith.select %eq3A_962, %iota3A, %broadcast_in_dim3A_964 : vector<256x1024xi1>, vector<256x1024xi32>
    %reduce_min3A_966 = arith.constant dense<2147483647> : vector<256xi32>
    %reduce_min3A_967 = vector.multi_reduction <minsi>, %select_n3A_965, %reduce_min3A_966 [1] : vector<256x1024xi32> to vector<256xi32>
    %broadcast_in_dim3A_968 = vector.shape_cast %reduce_min3A_967 : vector<256xi32> to vector<256x1xi32>
    %eq3A_969 = arith.constant 40 : i32
    %eq3A_970 = vector.broadcast %eq3A_969 : i32 to vector<256x64xi32>
    %eq3A_971 = arith.cmpi eq, %iota3A_79, %eq3A_970 : vector<256x64xi32>
    %broadcast_in_dim3A_972 = vector.shape_cast %broadcast_in_dim3A_968 : vector<256x1xi32> to vector<256x1xi32>
    %broadcast_in_dim3A_973 = vector.broadcast %broadcast_in_dim3A_972 : vector<256x1xi32> to vector<256x64xi32>
    %select_n3A_974 = arith.select %eq3A_971, %broadcast_in_dim3A_973, %select_n3A_952 : vector<256x64xi1>, vector<256x64xi32>
    %eq3A_975 = vector.broadcast %broadcast_in_dim3A_968 : vector<256x1xi32> to vector<256x1024xi32>
    %eq3A_976 = arith.cmpi eq, %iota3A, %eq3A_975 : vector<256x1024xi32>
    %jit3A_977 = arith.constant 0x7F800000 : f32
    %broadcast_in_dim3A_978 = vector.broadcast %jit3A_977 : f32 to vector<256x1024xf32>
    %select_n3A_979 = arith.select %eq3A_976, %broadcast_in_dim3A_978, %select_n3A_957 : vector<256x1024xi1>, vector<256x1024xf32>
    %reduce_min3A_980 = arith.constant dense<0x7F800000> : vector<256xf32>
    %reduce_min3A_981 = vector.multi_reduction <minimumf>, %select_n3A_979, %reduce_min3A_980 [1] : vector<256x1024xf32> to vector<256xf32>
    %broadcast_in_dim3A_982 = vector.shape_cast %reduce_min3A_981 : vector<256xf32> to vector<256x1xf32>
    %eq3A_983 = vector.broadcast %broadcast_in_dim3A_982 : vector<256x1xf32> to vector<256x1024xf32>
    %eq3A_984 = arith.cmpf oeq, %select_n3A_979, %eq3A_983 : vector<256x1024xf32>
    %jit3A_985 = arith.constant 1024 : i32
    %broadcast_in_dim3A_986 = vector.broadcast %jit3A_985 : i32 to vector<256x1024xi32>
    %select_n3A_987 = arith.select %eq3A_984, %iota3A, %broadcast_in_dim3A_986 : vector<256x1024xi1>, vector<256x1024xi32>
    %reduce_min3A_988 = arith.constant dense<2147483647> : vector<256xi32>
    %reduce_min3A_989 = vector.multi_reduction <minsi>, %select_n3A_987, %reduce_min3A_988 [1] : vector<256x1024xi32> to vector<256xi32>
    %broadcast_in_dim3A_990 = vector.shape_cast %reduce_min3A_989 : vector<256xi32> to vector<256x1xi32>
    %eq3A_991 = arith.constant 41 : i32
    %eq3A_992 = vector.broadcast %eq3A_991 : i32 to vector<256x64xi32>
    %eq3A_993 = arith.cmpi eq, %iota3A_79, %eq3A_992 : vector<256x64xi32>
    %broadcast_in_dim3A_994 = vector.shape_cast %broadcast_in_dim3A_990 : vector<256x1xi32> to vector<256x1xi32>
    %broadcast_in_dim3A_995 = vector.broadcast %broadcast_in_dim3A_994 : vector<256x1xi32> to vector<256x64xi32>
    %select_n3A_996 = arith.select %eq3A_993, %broadcast_in_dim3A_995, %select_n3A_974 : vector<256x64xi1>, vector<256x64xi32>
    %eq3A_997 = vector.broadcast %broadcast_in_dim3A_990 : vector<256x1xi32> to vector<256x1024xi32>
    %eq3A_998 = arith.cmpi eq, %iota3A, %eq3A_997 : vector<256x1024xi32>
    %jit3A_999 = arith.constant 0x7F800000 : f32
    %broadcast_in_dim3A_1000 = vector.broadcast %jit3A_999 : f32 to vector<256x1024xf32>
    %select_n3A_1001 = arith.select %eq3A_998, %broadcast_in_dim3A_1000, %select_n3A_979 : vector<256x1024xi1>, vector<256x1024xf32>
    %reduce_min3A_1002 = arith.constant dense<0x7F800000> : vector<256xf32>
    %reduce_min3A_1003 = vector.multi_reduction <minimumf>, %select_n3A_1001, %reduce_min3A_1002 [1] : vector<256x1024xf32> to vector<256xf32>
    %broadcast_in_dim3A_1004 = vector.shape_cast %reduce_min3A_1003 : vector<256xf32> to vector<256x1xf32>
    %eq3A_1005 = vector.broadcast %broadcast_in_dim3A_1004 : vector<256x1xf32> to vector<256x1024xf32>
    %eq3A_1006 = arith.cmpf oeq, %select_n3A_1001, %eq3A_1005 : vector<256x1024xf32>
    %jit3A_1007 = arith.constant 1024 : i32
    %broadcast_in_dim3A_1008 = vector.broadcast %jit3A_1007 : i32 to vector<256x1024xi32>
    %select_n3A_1009 = arith.select %eq3A_1006, %iota3A, %broadcast_in_dim3A_1008 : vector<256x1024xi1>, vector<256x1024xi32>
    %reduce_min3A_1010 = arith.constant dense<2147483647> : vector<256xi32>
    %reduce_min3A_1011 = vector.multi_reduction <minsi>, %select_n3A_1009, %reduce_min3A_1010 [1] : vector<256x1024xi32> to vector<256xi32>
    %broadcast_in_dim3A_1012 = vector.shape_cast %reduce_min3A_1011 : vector<256xi32> to vector<256x1xi32>
    %eq3A_1013 = arith.constant 42 : i32
    %eq3A_1014 = vector.broadcast %eq3A_1013 : i32 to vector<256x64xi32>
    %eq3A_1015 = arith.cmpi eq, %iota3A_79, %eq3A_1014 : vector<256x64xi32>
    %broadcast_in_dim3A_1016 = vector.shape_cast %broadcast_in_dim3A_1012 : vector<256x1xi32> to vector<256x1xi32>
    %broadcast_in_dim3A_1017 = vector.broadcast %broadcast_in_dim3A_1016 : vector<256x1xi32> to vector<256x64xi32>
    %select_n3A_1018 = arith.select %eq3A_1015, %broadcast_in_dim3A_1017, %select_n3A_996 : vector<256x64xi1>, vector<256x64xi32>
    %eq3A_1019 = vector.broadcast %broadcast_in_dim3A_1012 : vector<256x1xi32> to vector<256x1024xi32>
    %eq3A_1020 = arith.cmpi eq, %iota3A, %eq3A_1019 : vector<256x1024xi32>
    %jit3A_1021 = arith.constant 0x7F800000 : f32
    %broadcast_in_dim3A_1022 = vector.broadcast %jit3A_1021 : f32 to vector<256x1024xf32>
    %select_n3A_1023 = arith.select %eq3A_1020, %broadcast_in_dim3A_1022, %select_n3A_1001 : vector<256x1024xi1>, vector<256x1024xf32>
    %reduce_min3A_1024 = arith.constant dense<0x7F800000> : vector<256xf32>
    %reduce_min3A_1025 = vector.multi_reduction <minimumf>, %select_n3A_1023, %reduce_min3A_1024 [1] : vector<256x1024xf32> to vector<256xf32>
    %broadcast_in_dim3A_1026 = vector.shape_cast %reduce_min3A_1025 : vector<256xf32> to vector<256x1xf32>
    %eq3A_1027 = vector.broadcast %broadcast_in_dim3A_1026 : vector<256x1xf32> to vector<256x1024xf32>
    %eq3A_1028 = arith.cmpf oeq, %select_n3A_1023, %eq3A_1027 : vector<256x1024xf32>
    %jit3A_1029 = arith.constant 1024 : i32
    %broadcast_in_dim3A_1030 = vector.broadcast %jit3A_1029 : i32 to vector<256x1024xi32>
    %select_n3A_1031 = arith.select %eq3A_1028, %iota3A, %broadcast_in_dim3A_1030 : vector<256x1024xi1>, vector<256x1024xi32>
    %reduce_min3A_1032 = arith.constant dense<2147483647> : vector<256xi32>
    %reduce_min3A_1033 = vector.multi_reduction <minsi>, %select_n3A_1031, %reduce_min3A_1032 [1] : vector<256x1024xi32> to vector<256xi32>
    %broadcast_in_dim3A_1034 = vector.shape_cast %reduce_min3A_1033 : vector<256xi32> to vector<256x1xi32>
    %eq3A_1035 = arith.constant 43 : i32
    %eq3A_1036 = vector.broadcast %eq3A_1035 : i32 to vector<256x64xi32>
    %eq3A_1037 = arith.cmpi eq, %iota3A_79, %eq3A_1036 : vector<256x64xi32>
    %broadcast_in_dim3A_1038 = vector.shape_cast %broadcast_in_dim3A_1034 : vector<256x1xi32> to vector<256x1xi32>
    %broadcast_in_dim3A_1039 = vector.broadcast %broadcast_in_dim3A_1038 : vector<256x1xi32> to vector<256x64xi32>
    %select_n3A_1040 = arith.select %eq3A_1037, %broadcast_in_dim3A_1039, %select_n3A_1018 : vector<256x64xi1>, vector<256x64xi32>
    %eq3A_1041 = vector.broadcast %broadcast_in_dim3A_1034 : vector<256x1xi32> to vector<256x1024xi32>
    %eq3A_1042 = arith.cmpi eq, %iota3A, %eq3A_1041 : vector<256x1024xi32>
    %jit3A_1043 = arith.constant 0x7F800000 : f32
    %broadcast_in_dim3A_1044 = vector.broadcast %jit3A_1043 : f32 to vector<256x1024xf32>
    %select_n3A_1045 = arith.select %eq3A_1042, %broadcast_in_dim3A_1044, %select_n3A_1023 : vector<256x1024xi1>, vector<256x1024xf32>
    %reduce_min3A_1046 = arith.constant dense<0x7F800000> : vector<256xf32>
    %reduce_min3A_1047 = vector.multi_reduction <minimumf>, %select_n3A_1045, %reduce_min3A_1046 [1] : vector<256x1024xf32> to vector<256xf32>
    %broadcast_in_dim3A_1048 = vector.shape_cast %reduce_min3A_1047 : vector<256xf32> to vector<256x1xf32>
    %eq3A_1049 = vector.broadcast %broadcast_in_dim3A_1048 : vector<256x1xf32> to vector<256x1024xf32>
    %eq3A_1050 = arith.cmpf oeq, %select_n3A_1045, %eq3A_1049 : vector<256x1024xf32>
    %jit3A_1051 = arith.constant 1024 : i32
    %broadcast_in_dim3A_1052 = vector.broadcast %jit3A_1051 : i32 to vector<256x1024xi32>
    %select_n3A_1053 = arith.select %eq3A_1050, %iota3A, %broadcast_in_dim3A_1052 : vector<256x1024xi1>, vector<256x1024xi32>
    %reduce_min3A_1054 = arith.constant dense<2147483647> : vector<256xi32>
    %reduce_min3A_1055 = vector.multi_reduction <minsi>, %select_n3A_1053, %reduce_min3A_1054 [1] : vector<256x1024xi32> to vector<256xi32>
    %broadcast_in_dim3A_1056 = vector.shape_cast %reduce_min3A_1055 : vector<256xi32> to vector<256x1xi32>
    %eq3A_1057 = arith.constant 44 : i32
    %eq3A_1058 = vector.broadcast %eq3A_1057 : i32 to vector<256x64xi32>
    %eq3A_1059 = arith.cmpi eq, %iota3A_79, %eq3A_1058 : vector<256x64xi32>
    %broadcast_in_dim3A_1060 = vector.shape_cast %broadcast_in_dim3A_1056 : vector<256x1xi32> to vector<256x1xi32>
    %broadcast_in_dim3A_1061 = vector.broadcast %broadcast_in_dim3A_1060 : vector<256x1xi32> to vector<256x64xi32>
    %select_n3A_1062 = arith.select %eq3A_1059, %broadcast_in_dim3A_1061, %select_n3A_1040 : vector<256x64xi1>, vector<256x64xi32>
    %eq3A_1063 = vector.broadcast %broadcast_in_dim3A_1056 : vector<256x1xi32> to vector<256x1024xi32>
    %eq3A_1064 = arith.cmpi eq, %iota3A, %eq3A_1063 : vector<256x1024xi32>
    %jit3A_1065 = arith.constant 0x7F800000 : f32
    %broadcast_in_dim3A_1066 = vector.broadcast %jit3A_1065 : f32 to vector<256x1024xf32>
    %select_n3A_1067 = arith.select %eq3A_1064, %broadcast_in_dim3A_1066, %select_n3A_1045 : vector<256x1024xi1>, vector<256x1024xf32>
    %reduce_min3A_1068 = arith.constant dense<0x7F800000> : vector<256xf32>
    %reduce_min3A_1069 = vector.multi_reduction <minimumf>, %select_n3A_1067, %reduce_min3A_1068 [1] : vector<256x1024xf32> to vector<256xf32>
    %broadcast_in_dim3A_1070 = vector.shape_cast %reduce_min3A_1069 : vector<256xf32> to vector<256x1xf32>
    %eq3A_1071 = vector.broadcast %broadcast_in_dim3A_1070 : vector<256x1xf32> to vector<256x1024xf32>
    %eq3A_1072 = arith.cmpf oeq, %select_n3A_1067, %eq3A_1071 : vector<256x1024xf32>
    %jit3A_1073 = arith.constant 1024 : i32
    %broadcast_in_dim3A_1074 = vector.broadcast %jit3A_1073 : i32 to vector<256x1024xi32>
    %select_n3A_1075 = arith.select %eq3A_1072, %iota3A, %broadcast_in_dim3A_1074 : vector<256x1024xi1>, vector<256x1024xi32>
    %reduce_min3A_1076 = arith.constant dense<2147483647> : vector<256xi32>
    %reduce_min3A_1077 = vector.multi_reduction <minsi>, %select_n3A_1075, %reduce_min3A_1076 [1] : vector<256x1024xi32> to vector<256xi32>
    %broadcast_in_dim3A_1078 = vector.shape_cast %reduce_min3A_1077 : vector<256xi32> to vector<256x1xi32>
    %eq3A_1079 = arith.constant 45 : i32
    %eq3A_1080 = vector.broadcast %eq3A_1079 : i32 to vector<256x64xi32>
    %eq3A_1081 = arith.cmpi eq, %iota3A_79, %eq3A_1080 : vector<256x64xi32>
    %broadcast_in_dim3A_1082 = vector.shape_cast %broadcast_in_dim3A_1078 : vector<256x1xi32> to vector<256x1xi32>
    %broadcast_in_dim3A_1083 = vector.broadcast %broadcast_in_dim3A_1082 : vector<256x1xi32> to vector<256x64xi32>
    %select_n3A_1084 = arith.select %eq3A_1081, %broadcast_in_dim3A_1083, %select_n3A_1062 : vector<256x64xi1>, vector<256x64xi32>
    %eq3A_1085 = vector.broadcast %broadcast_in_dim3A_1078 : vector<256x1xi32> to vector<256x1024xi32>
    %eq3A_1086 = arith.cmpi eq, %iota3A, %eq3A_1085 : vector<256x1024xi32>
    %jit3A_1087 = arith.constant 0x7F800000 : f32
    %broadcast_in_dim3A_1088 = vector.broadcast %jit3A_1087 : f32 to vector<256x1024xf32>
    %select_n3A_1089 = arith.select %eq3A_1086, %broadcast_in_dim3A_1088, %select_n3A_1067 : vector<256x1024xi1>, vector<256x1024xf32>
    %reduce_min3A_1090 = arith.constant dense<0x7F800000> : vector<256xf32>
    %reduce_min3A_1091 = vector.multi_reduction <minimumf>, %select_n3A_1089, %reduce_min3A_1090 [1] : vector<256x1024xf32> to vector<256xf32>
    %broadcast_in_dim3A_1092 = vector.shape_cast %reduce_min3A_1091 : vector<256xf32> to vector<256x1xf32>
    %eq3A_1093 = vector.broadcast %broadcast_in_dim3A_1092 : vector<256x1xf32> to vector<256x1024xf32>
    %eq3A_1094 = arith.cmpf oeq, %select_n3A_1089, %eq3A_1093 : vector<256x1024xf32>
    %jit3A_1095 = arith.constant 1024 : i32
    %broadcast_in_dim3A_1096 = vector.broadcast %jit3A_1095 : i32 to vector<256x1024xi32>
    %select_n3A_1097 = arith.select %eq3A_1094, %iota3A, %broadcast_in_dim3A_1096 : vector<256x1024xi1>, vector<256x1024xi32>
    %reduce_min3A_1098 = arith.constant dense<2147483647> : vector<256xi32>
    %reduce_min3A_1099 = vector.multi_reduction <minsi>, %select_n3A_1097, %reduce_min3A_1098 [1] : vector<256x1024xi32> to vector<256xi32>
    %broadcast_in_dim3A_1100 = vector.shape_cast %reduce_min3A_1099 : vector<256xi32> to vector<256x1xi32>
    %eq3A_1101 = arith.constant 46 : i32
    %eq3A_1102 = vector.broadcast %eq3A_1101 : i32 to vector<256x64xi32>
    %eq3A_1103 = arith.cmpi eq, %iota3A_79, %eq3A_1102 : vector<256x64xi32>
    %broadcast_in_dim3A_1104 = vector.shape_cast %broadcast_in_dim3A_1100 : vector<256x1xi32> to vector<256x1xi32>
    %broadcast_in_dim3A_1105 = vector.broadcast %broadcast_in_dim3A_1104 : vector<256x1xi32> to vector<256x64xi32>
    %select_n3A_1106 = arith.select %eq3A_1103, %broadcast_in_dim3A_1105, %select_n3A_1084 : vector<256x64xi1>, vector<256x64xi32>
    %eq3A_1107 = vector.broadcast %broadcast_in_dim3A_1100 : vector<256x1xi32> to vector<256x1024xi32>
    %eq3A_1108 = arith.cmpi eq, %iota3A, %eq3A_1107 : vector<256x1024xi32>
    %jit3A_1109 = arith.constant 0x7F800000 : f32
    %broadcast_in_dim3A_1110 = vector.broadcast %jit3A_1109 : f32 to vector<256x1024xf32>
    %select_n3A_1111 = arith.select %eq3A_1108, %broadcast_in_dim3A_1110, %select_n3A_1089 : vector<256x1024xi1>, vector<256x1024xf32>
    %reduce_min3A_1112 = arith.constant dense<0x7F800000> : vector<256xf32>
    %reduce_min3A_1113 = vector.multi_reduction <minimumf>, %select_n3A_1111, %reduce_min3A_1112 [1] : vector<256x1024xf32> to vector<256xf32>
    %broadcast_in_dim3A_1114 = vector.shape_cast %reduce_min3A_1113 : vector<256xf32> to vector<256x1xf32>
    %eq3A_1115 = vector.broadcast %broadcast_in_dim3A_1114 : vector<256x1xf32> to vector<256x1024xf32>
    %eq3A_1116 = arith.cmpf oeq, %select_n3A_1111, %eq3A_1115 : vector<256x1024xf32>
    %jit3A_1117 = arith.constant 1024 : i32
    %broadcast_in_dim3A_1118 = vector.broadcast %jit3A_1117 : i32 to vector<256x1024xi32>
    %select_n3A_1119 = arith.select %eq3A_1116, %iota3A, %broadcast_in_dim3A_1118 : vector<256x1024xi1>, vector<256x1024xi32>
    %reduce_min3A_1120 = arith.constant dense<2147483647> : vector<256xi32>
    %reduce_min3A_1121 = vector.multi_reduction <minsi>, %select_n3A_1119, %reduce_min3A_1120 [1] : vector<256x1024xi32> to vector<256xi32>
    %broadcast_in_dim3A_1122 = vector.shape_cast %reduce_min3A_1121 : vector<256xi32> to vector<256x1xi32>
    %eq3A_1123 = arith.constant 47 : i32
    %eq3A_1124 = vector.broadcast %eq3A_1123 : i32 to vector<256x64xi32>
    %eq3A_1125 = arith.cmpi eq, %iota3A_79, %eq3A_1124 : vector<256x64xi32>
    %broadcast_in_dim3A_1126 = vector.shape_cast %broadcast_in_dim3A_1122 : vector<256x1xi32> to vector<256x1xi32>
    %broadcast_in_dim3A_1127 = vector.broadcast %broadcast_in_dim3A_1126 : vector<256x1xi32> to vector<256x64xi32>
    %select_n3A_1128 = arith.select %eq3A_1125, %broadcast_in_dim3A_1127, %select_n3A_1106 : vector<256x64xi1>, vector<256x64xi32>
    %eq3A_1129 = vector.broadcast %broadcast_in_dim3A_1122 : vector<256x1xi32> to vector<256x1024xi32>
    %eq3A_1130 = arith.cmpi eq, %iota3A, %eq3A_1129 : vector<256x1024xi32>
    %jit3A_1131 = arith.constant 0x7F800000 : f32
    %broadcast_in_dim3A_1132 = vector.broadcast %jit3A_1131 : f32 to vector<256x1024xf32>
    %select_n3A_1133 = arith.select %eq3A_1130, %broadcast_in_dim3A_1132, %select_n3A_1111 : vector<256x1024xi1>, vector<256x1024xf32>
    %reduce_min3A_1134 = arith.constant dense<0x7F800000> : vector<256xf32>
    %reduce_min3A_1135 = vector.multi_reduction <minimumf>, %select_n3A_1133, %reduce_min3A_1134 [1] : vector<256x1024xf32> to vector<256xf32>
    %broadcast_in_dim3A_1136 = vector.shape_cast %reduce_min3A_1135 : vector<256xf32> to vector<256x1xf32>
    %eq3A_1137 = vector.broadcast %broadcast_in_dim3A_1136 : vector<256x1xf32> to vector<256x1024xf32>
    %eq3A_1138 = arith.cmpf oeq, %select_n3A_1133, %eq3A_1137 : vector<256x1024xf32>
    %jit3A_1139 = arith.constant 1024 : i32
    %broadcast_in_dim3A_1140 = vector.broadcast %jit3A_1139 : i32 to vector<256x1024xi32>
    %select_n3A_1141 = arith.select %eq3A_1138, %iota3A, %broadcast_in_dim3A_1140 : vector<256x1024xi1>, vector<256x1024xi32>
    %reduce_min3A_1142 = arith.constant dense<2147483647> : vector<256xi32>
    %reduce_min3A_1143 = vector.multi_reduction <minsi>, %select_n3A_1141, %reduce_min3A_1142 [1] : vector<256x1024xi32> to vector<256xi32>
    %broadcast_in_dim3A_1144 = vector.shape_cast %reduce_min3A_1143 : vector<256xi32> to vector<256x1xi32>
    %eq3A_1145 = arith.constant 48 : i32
    %eq3A_1146 = vector.broadcast %eq3A_1145 : i32 to vector<256x64xi32>
    %eq3A_1147 = arith.cmpi eq, %iota3A_79, %eq3A_1146 : vector<256x64xi32>
    %broadcast_in_dim3A_1148 = vector.shape_cast %broadcast_in_dim3A_1144 : vector<256x1xi32> to vector<256x1xi32>
    %broadcast_in_dim3A_1149 = vector.broadcast %broadcast_in_dim3A_1148 : vector<256x1xi32> to vector<256x64xi32>
    %select_n3A_1150 = arith.select %eq3A_1147, %broadcast_in_dim3A_1149, %select_n3A_1128 : vector<256x64xi1>, vector<256x64xi32>
    %eq3A_1151 = vector.broadcast %broadcast_in_dim3A_1144 : vector<256x1xi32> to vector<256x1024xi32>
    %eq3A_1152 = arith.cmpi eq, %iota3A, %eq3A_1151 : vector<256x1024xi32>
    %jit3A_1153 = arith.constant 0x7F800000 : f32
    %broadcast_in_dim3A_1154 = vector.broadcast %jit3A_1153 : f32 to vector<256x1024xf32>
    %select_n3A_1155 = arith.select %eq3A_1152, %broadcast_in_dim3A_1154, %select_n3A_1133 : vector<256x1024xi1>, vector<256x1024xf32>
    %reduce_min3A_1156 = arith.constant dense<0x7F800000> : vector<256xf32>
    %reduce_min3A_1157 = vector.multi_reduction <minimumf>, %select_n3A_1155, %reduce_min3A_1156 [1] : vector<256x1024xf32> to vector<256xf32>
    %broadcast_in_dim3A_1158 = vector.shape_cast %reduce_min3A_1157 : vector<256xf32> to vector<256x1xf32>
    %eq3A_1159 = vector.broadcast %broadcast_in_dim3A_1158 : vector<256x1xf32> to vector<256x1024xf32>
    %eq3A_1160 = arith.cmpf oeq, %select_n3A_1155, %eq3A_1159 : vector<256x1024xf32>
    %jit3A_1161 = arith.constant 1024 : i32
    %broadcast_in_dim3A_1162 = vector.broadcast %jit3A_1161 : i32 to vector<256x1024xi32>
    %select_n3A_1163 = arith.select %eq3A_1160, %iota3A, %broadcast_in_dim3A_1162 : vector<256x1024xi1>, vector<256x1024xi32>
    %reduce_min3A_1164 = arith.constant dense<2147483647> : vector<256xi32>
    %reduce_min3A_1165 = vector.multi_reduction <minsi>, %select_n3A_1163, %reduce_min3A_1164 [1] : vector<256x1024xi32> to vector<256xi32>
    %broadcast_in_dim3A_1166 = vector.shape_cast %reduce_min3A_1165 : vector<256xi32> to vector<256x1xi32>
    %eq3A_1167 = arith.constant 49 : i32
    %eq3A_1168 = vector.broadcast %eq3A_1167 : i32 to vector<256x64xi32>
    %eq3A_1169 = arith.cmpi eq, %iota3A_79, %eq3A_1168 : vector<256x64xi32>
    %broadcast_in_dim3A_1170 = vector.shape_cast %broadcast_in_dim3A_1166 : vector<256x1xi32> to vector<256x1xi32>
    %broadcast_in_dim3A_1171 = vector.broadcast %broadcast_in_dim3A_1170 : vector<256x1xi32> to vector<256x64xi32>
    %select_n3A_1172 = arith.select %eq3A_1169, %broadcast_in_dim3A_1171, %select_n3A_1150 : vector<256x64xi1>, vector<256x64xi32>
    %eq3A_1173 = vector.broadcast %broadcast_in_dim3A_1166 : vector<256x1xi32> to vector<256x1024xi32>
    %eq3A_1174 = arith.cmpi eq, %iota3A, %eq3A_1173 : vector<256x1024xi32>
    %jit3A_1175 = arith.constant 0x7F800000 : f32
    %broadcast_in_dim3A_1176 = vector.broadcast %jit3A_1175 : f32 to vector<256x1024xf32>
    %select_n3A_1177 = arith.select %eq3A_1174, %broadcast_in_dim3A_1176, %select_n3A_1155 : vector<256x1024xi1>, vector<256x1024xf32>
    %reduce_min3A_1178 = arith.constant dense<0x7F800000> : vector<256xf32>
    %reduce_min3A_1179 = vector.multi_reduction <minimumf>, %select_n3A_1177, %reduce_min3A_1178 [1] : vector<256x1024xf32> to vector<256xf32>
    %broadcast_in_dim3A_1180 = vector.shape_cast %reduce_min3A_1179 : vector<256xf32> to vector<256x1xf32>
    %eq3A_1181 = vector.broadcast %broadcast_in_dim3A_1180 : vector<256x1xf32> to vector<256x1024xf32>
    %eq3A_1182 = arith.cmpf oeq, %select_n3A_1177, %eq3A_1181 : vector<256x1024xf32>
    %jit3A_1183 = arith.constant 1024 : i32
    %broadcast_in_dim3A_1184 = vector.broadcast %jit3A_1183 : i32 to vector<256x1024xi32>
    %select_n3A_1185 = arith.select %eq3A_1182, %iota3A, %broadcast_in_dim3A_1184 : vector<256x1024xi1>, vector<256x1024xi32>
    %reduce_min3A_1186 = arith.constant dense<2147483647> : vector<256xi32>
    %reduce_min3A_1187 = vector.multi_reduction <minsi>, %select_n3A_1185, %reduce_min3A_1186 [1] : vector<256x1024xi32> to vector<256xi32>
    %broadcast_in_dim3A_1188 = vector.shape_cast %reduce_min3A_1187 : vector<256xi32> to vector<256x1xi32>
    %eq3A_1189 = arith.constant 50 : i32
    %eq3A_1190 = vector.broadcast %eq3A_1189 : i32 to vector<256x64xi32>
    %eq3A_1191 = arith.cmpi eq, %iota3A_79, %eq3A_1190 : vector<256x64xi32>
    %broadcast_in_dim3A_1192 = vector.shape_cast %broadcast_in_dim3A_1188 : vector<256x1xi32> to vector<256x1xi32>
    %broadcast_in_dim3A_1193 = vector.broadcast %broadcast_in_dim3A_1192 : vector<256x1xi32> to vector<256x64xi32>
    %select_n3A_1194 = arith.select %eq3A_1191, %broadcast_in_dim3A_1193, %select_n3A_1172 : vector<256x64xi1>, vector<256x64xi32>
    %eq3A_1195 = vector.broadcast %broadcast_in_dim3A_1188 : vector<256x1xi32> to vector<256x1024xi32>
    %eq3A_1196 = arith.cmpi eq, %iota3A, %eq3A_1195 : vector<256x1024xi32>
    %jit3A_1197 = arith.constant 0x7F800000 : f32
    %broadcast_in_dim3A_1198 = vector.broadcast %jit3A_1197 : f32 to vector<256x1024xf32>
    %select_n3A_1199 = arith.select %eq3A_1196, %broadcast_in_dim3A_1198, %select_n3A_1177 : vector<256x1024xi1>, vector<256x1024xf32>
    %reduce_min3A_1200 = arith.constant dense<0x7F800000> : vector<256xf32>
    %reduce_min3A_1201 = vector.multi_reduction <minimumf>, %select_n3A_1199, %reduce_min3A_1200 [1] : vector<256x1024xf32> to vector<256xf32>
    %broadcast_in_dim3A_1202 = vector.shape_cast %reduce_min3A_1201 : vector<256xf32> to vector<256x1xf32>
    %eq3A_1203 = vector.broadcast %broadcast_in_dim3A_1202 : vector<256x1xf32> to vector<256x1024xf32>
    %eq3A_1204 = arith.cmpf oeq, %select_n3A_1199, %eq3A_1203 : vector<256x1024xf32>
    %jit3A_1205 = arith.constant 1024 : i32
    %broadcast_in_dim3A_1206 = vector.broadcast %jit3A_1205 : i32 to vector<256x1024xi32>
    %select_n3A_1207 = arith.select %eq3A_1204, %iota3A, %broadcast_in_dim3A_1206 : vector<256x1024xi1>, vector<256x1024xi32>
    %reduce_min3A_1208 = arith.constant dense<2147483647> : vector<256xi32>
    %reduce_min3A_1209 = vector.multi_reduction <minsi>, %select_n3A_1207, %reduce_min3A_1208 [1] : vector<256x1024xi32> to vector<256xi32>
    %broadcast_in_dim3A_1210 = vector.shape_cast %reduce_min3A_1209 : vector<256xi32> to vector<256x1xi32>
    %eq3A_1211 = arith.constant 51 : i32
    %eq3A_1212 = vector.broadcast %eq3A_1211 : i32 to vector<256x64xi32>
    %eq3A_1213 = arith.cmpi eq, %iota3A_79, %eq3A_1212 : vector<256x64xi32>
    %broadcast_in_dim3A_1214 = vector.shape_cast %broadcast_in_dim3A_1210 : vector<256x1xi32> to vector<256x1xi32>
    %broadcast_in_dim3A_1215 = vector.broadcast %broadcast_in_dim3A_1214 : vector<256x1xi32> to vector<256x64xi32>
    %select_n3A_1216 = arith.select %eq3A_1213, %broadcast_in_dim3A_1215, %select_n3A_1194 : vector<256x64xi1>, vector<256x64xi32>
    %eq3A_1217 = vector.broadcast %broadcast_in_dim3A_1210 : vector<256x1xi32> to vector<256x1024xi32>
    %eq3A_1218 = arith.cmpi eq, %iota3A, %eq3A_1217 : vector<256x1024xi32>
    %jit3A_1219 = arith.constant 0x7F800000 : f32
    %broadcast_in_dim3A_1220 = vector.broadcast %jit3A_1219 : f32 to vector<256x1024xf32>
    %select_n3A_1221 = arith.select %eq3A_1218, %broadcast_in_dim3A_1220, %select_n3A_1199 : vector<256x1024xi1>, vector<256x1024xf32>
    %reduce_min3A_1222 = arith.constant dense<0x7F800000> : vector<256xf32>
    %reduce_min3A_1223 = vector.multi_reduction <minimumf>, %select_n3A_1221, %reduce_min3A_1222 [1] : vector<256x1024xf32> to vector<256xf32>
    %broadcast_in_dim3A_1224 = vector.shape_cast %reduce_min3A_1223 : vector<256xf32> to vector<256x1xf32>
    %eq3A_1225 = vector.broadcast %broadcast_in_dim3A_1224 : vector<256x1xf32> to vector<256x1024xf32>
    %eq3A_1226 = arith.cmpf oeq, %select_n3A_1221, %eq3A_1225 : vector<256x1024xf32>
    %jit3A_1227 = arith.constant 1024 : i32
    %broadcast_in_dim3A_1228 = vector.broadcast %jit3A_1227 : i32 to vector<256x1024xi32>
    %select_n3A_1229 = arith.select %eq3A_1226, %iota3A, %broadcast_in_dim3A_1228 : vector<256x1024xi1>, vector<256x1024xi32>
    %reduce_min3A_1230 = arith.constant dense<2147483647> : vector<256xi32>
    %reduce_min3A_1231 = vector.multi_reduction <minsi>, %select_n3A_1229, %reduce_min3A_1230 [1] : vector<256x1024xi32> to vector<256xi32>
    %broadcast_in_dim3A_1232 = vector.shape_cast %reduce_min3A_1231 : vector<256xi32> to vector<256x1xi32>
    %eq3A_1233 = arith.constant 52 : i32
    %eq3A_1234 = vector.broadcast %eq3A_1233 : i32 to vector<256x64xi32>
    %eq3A_1235 = arith.cmpi eq, %iota3A_79, %eq3A_1234 : vector<256x64xi32>
    %broadcast_in_dim3A_1236 = vector.shape_cast %broadcast_in_dim3A_1232 : vector<256x1xi32> to vector<256x1xi32>
    %broadcast_in_dim3A_1237 = vector.broadcast %broadcast_in_dim3A_1236 : vector<256x1xi32> to vector<256x64xi32>
    %select_n3A_1238 = arith.select %eq3A_1235, %broadcast_in_dim3A_1237, %select_n3A_1216 : vector<256x64xi1>, vector<256x64xi32>
    %eq3A_1239 = vector.broadcast %broadcast_in_dim3A_1232 : vector<256x1xi32> to vector<256x1024xi32>
    %eq3A_1240 = arith.cmpi eq, %iota3A, %eq3A_1239 : vector<256x1024xi32>
    %jit3A_1241 = arith.constant 0x7F800000 : f32
    %broadcast_in_dim3A_1242 = vector.broadcast %jit3A_1241 : f32 to vector<256x1024xf32>
    %select_n3A_1243 = arith.select %eq3A_1240, %broadcast_in_dim3A_1242, %select_n3A_1221 : vector<256x1024xi1>, vector<256x1024xf32>
    %reduce_min3A_1244 = arith.constant dense<0x7F800000> : vector<256xf32>
    %reduce_min3A_1245 = vector.multi_reduction <minimumf>, %select_n3A_1243, %reduce_min3A_1244 [1] : vector<256x1024xf32> to vector<256xf32>
    %broadcast_in_dim3A_1246 = vector.shape_cast %reduce_min3A_1245 : vector<256xf32> to vector<256x1xf32>
    %eq3A_1247 = vector.broadcast %broadcast_in_dim3A_1246 : vector<256x1xf32> to vector<256x1024xf32>
    %eq3A_1248 = arith.cmpf oeq, %select_n3A_1243, %eq3A_1247 : vector<256x1024xf32>
    %jit3A_1249 = arith.constant 1024 : i32
    %broadcast_in_dim3A_1250 = vector.broadcast %jit3A_1249 : i32 to vector<256x1024xi32>
    %select_n3A_1251 = arith.select %eq3A_1248, %iota3A, %broadcast_in_dim3A_1250 : vector<256x1024xi1>, vector<256x1024xi32>
    %reduce_min3A_1252 = arith.constant dense<2147483647> : vector<256xi32>
    %reduce_min3A_1253 = vector.multi_reduction <minsi>, %select_n3A_1251, %reduce_min3A_1252 [1] : vector<256x1024xi32> to vector<256xi32>
    %broadcast_in_dim3A_1254 = vector.shape_cast %reduce_min3A_1253 : vector<256xi32> to vector<256x1xi32>
    %eq3A_1255 = arith.constant 53 : i32
    %eq3A_1256 = vector.broadcast %eq3A_1255 : i32 to vector<256x64xi32>
    %eq3A_1257 = arith.cmpi eq, %iota3A_79, %eq3A_1256 : vector<256x64xi32>
    %broadcast_in_dim3A_1258 = vector.shape_cast %broadcast_in_dim3A_1254 : vector<256x1xi32> to vector<256x1xi32>
    %broadcast_in_dim3A_1259 = vector.broadcast %broadcast_in_dim3A_1258 : vector<256x1xi32> to vector<256x64xi32>
    %select_n3A_1260 = arith.select %eq3A_1257, %broadcast_in_dim3A_1259, %select_n3A_1238 : vector<256x64xi1>, vector<256x64xi32>
    %eq3A_1261 = vector.broadcast %broadcast_in_dim3A_1254 : vector<256x1xi32> to vector<256x1024xi32>
    %eq3A_1262 = arith.cmpi eq, %iota3A, %eq3A_1261 : vector<256x1024xi32>
    %jit3A_1263 = arith.constant 0x7F800000 : f32
    %broadcast_in_dim3A_1264 = vector.broadcast %jit3A_1263 : f32 to vector<256x1024xf32>
    %select_n3A_1265 = arith.select %eq3A_1262, %broadcast_in_dim3A_1264, %select_n3A_1243 : vector<256x1024xi1>, vector<256x1024xf32>
    %reduce_min3A_1266 = arith.constant dense<0x7F800000> : vector<256xf32>
    %reduce_min3A_1267 = vector.multi_reduction <minimumf>, %select_n3A_1265, %reduce_min3A_1266 [1] : vector<256x1024xf32> to vector<256xf32>
    %broadcast_in_dim3A_1268 = vector.shape_cast %reduce_min3A_1267 : vector<256xf32> to vector<256x1xf32>
    %eq3A_1269 = vector.broadcast %broadcast_in_dim3A_1268 : vector<256x1xf32> to vector<256x1024xf32>
    %eq3A_1270 = arith.cmpf oeq, %select_n3A_1265, %eq3A_1269 : vector<256x1024xf32>
    %jit3A_1271 = arith.constant 1024 : i32
    %broadcast_in_dim3A_1272 = vector.broadcast %jit3A_1271 : i32 to vector<256x1024xi32>
    %select_n3A_1273 = arith.select %eq3A_1270, %iota3A, %broadcast_in_dim3A_1272 : vector<256x1024xi1>, vector<256x1024xi32>
    %reduce_min3A_1274 = arith.constant dense<2147483647> : vector<256xi32>
    %reduce_min3A_1275 = vector.multi_reduction <minsi>, %select_n3A_1273, %reduce_min3A_1274 [1] : vector<256x1024xi32> to vector<256xi32>
    %broadcast_in_dim3A_1276 = vector.shape_cast %reduce_min3A_1275 : vector<256xi32> to vector<256x1xi32>
    %eq3A_1277 = arith.constant 54 : i32
    %eq3A_1278 = vector.broadcast %eq3A_1277 : i32 to vector<256x64xi32>
    %eq3A_1279 = arith.cmpi eq, %iota3A_79, %eq3A_1278 : vector<256x64xi32>
    %broadcast_in_dim3A_1280 = vector.shape_cast %broadcast_in_dim3A_1276 : vector<256x1xi32> to vector<256x1xi32>
    %broadcast_in_dim3A_1281 = vector.broadcast %broadcast_in_dim3A_1280 : vector<256x1xi32> to vector<256x64xi32>
    %select_n3A_1282 = arith.select %eq3A_1279, %broadcast_in_dim3A_1281, %select_n3A_1260 : vector<256x64xi1>, vector<256x64xi32>
    %eq3A_1283 = vector.broadcast %broadcast_in_dim3A_1276 : vector<256x1xi32> to vector<256x1024xi32>
    %eq3A_1284 = arith.cmpi eq, %iota3A, %eq3A_1283 : vector<256x1024xi32>
    %jit3A_1285 = arith.constant 0x7F800000 : f32
    %broadcast_in_dim3A_1286 = vector.broadcast %jit3A_1285 : f32 to vector<256x1024xf32>
    %select_n3A_1287 = arith.select %eq3A_1284, %broadcast_in_dim3A_1286, %select_n3A_1265 : vector<256x1024xi1>, vector<256x1024xf32>
    %reduce_min3A_1288 = arith.constant dense<0x7F800000> : vector<256xf32>
    %reduce_min3A_1289 = vector.multi_reduction <minimumf>, %select_n3A_1287, %reduce_min3A_1288 [1] : vector<256x1024xf32> to vector<256xf32>
    %broadcast_in_dim3A_1290 = vector.shape_cast %reduce_min3A_1289 : vector<256xf32> to vector<256x1xf32>
    %eq3A_1291 = vector.broadcast %broadcast_in_dim3A_1290 : vector<256x1xf32> to vector<256x1024xf32>
    %eq3A_1292 = arith.cmpf oeq, %select_n3A_1287, %eq3A_1291 : vector<256x1024xf32>
    %jit3A_1293 = arith.constant 1024 : i32
    %broadcast_in_dim3A_1294 = vector.broadcast %jit3A_1293 : i32 to vector<256x1024xi32>
    %select_n3A_1295 = arith.select %eq3A_1292, %iota3A, %broadcast_in_dim3A_1294 : vector<256x1024xi1>, vector<256x1024xi32>
    %reduce_min3A_1296 = arith.constant dense<2147483647> : vector<256xi32>
    %reduce_min3A_1297 = vector.multi_reduction <minsi>, %select_n3A_1295, %reduce_min3A_1296 [1] : vector<256x1024xi32> to vector<256xi32>
    %broadcast_in_dim3A_1298 = vector.shape_cast %reduce_min3A_1297 : vector<256xi32> to vector<256x1xi32>
    %eq3A_1299 = arith.constant 55 : i32
    %eq3A_1300 = vector.broadcast %eq3A_1299 : i32 to vector<256x64xi32>
    %eq3A_1301 = arith.cmpi eq, %iota3A_79, %eq3A_1300 : vector<256x64xi32>
    %broadcast_in_dim3A_1302 = vector.shape_cast %broadcast_in_dim3A_1298 : vector<256x1xi32> to vector<256x1xi32>
    %broadcast_in_dim3A_1303 = vector.broadcast %broadcast_in_dim3A_1302 : vector<256x1xi32> to vector<256x64xi32>
    %select_n3A_1304 = arith.select %eq3A_1301, %broadcast_in_dim3A_1303, %select_n3A_1282 : vector<256x64xi1>, vector<256x64xi32>
    %eq3A_1305 = vector.broadcast %broadcast_in_dim3A_1298 : vector<256x1xi32> to vector<256x1024xi32>
    %eq3A_1306 = arith.cmpi eq, %iota3A, %eq3A_1305 : vector<256x1024xi32>
    %jit3A_1307 = arith.constant 0x7F800000 : f32
    %broadcast_in_dim3A_1308 = vector.broadcast %jit3A_1307 : f32 to vector<256x1024xf32>
    %select_n3A_1309 = arith.select %eq3A_1306, %broadcast_in_dim3A_1308, %select_n3A_1287 : vector<256x1024xi1>, vector<256x1024xf32>
    %reduce_min3A_1310 = arith.constant dense<0x7F800000> : vector<256xf32>
    %reduce_min3A_1311 = vector.multi_reduction <minimumf>, %select_n3A_1309, %reduce_min3A_1310 [1] : vector<256x1024xf32> to vector<256xf32>
    %broadcast_in_dim3A_1312 = vector.shape_cast %reduce_min3A_1311 : vector<256xf32> to vector<256x1xf32>
    %eq3A_1313 = vector.broadcast %broadcast_in_dim3A_1312 : vector<256x1xf32> to vector<256x1024xf32>
    %eq3A_1314 = arith.cmpf oeq, %select_n3A_1309, %eq3A_1313 : vector<256x1024xf32>
    %jit3A_1315 = arith.constant 1024 : i32
    %broadcast_in_dim3A_1316 = vector.broadcast %jit3A_1315 : i32 to vector<256x1024xi32>
    %select_n3A_1317 = arith.select %eq3A_1314, %iota3A, %broadcast_in_dim3A_1316 : vector<256x1024xi1>, vector<256x1024xi32>
    %reduce_min3A_1318 = arith.constant dense<2147483647> : vector<256xi32>
    %reduce_min3A_1319 = vector.multi_reduction <minsi>, %select_n3A_1317, %reduce_min3A_1318 [1] : vector<256x1024xi32> to vector<256xi32>
    %broadcast_in_dim3A_1320 = vector.shape_cast %reduce_min3A_1319 : vector<256xi32> to vector<256x1xi32>
    %eq3A_1321 = arith.constant 56 : i32
    %eq3A_1322 = vector.broadcast %eq3A_1321 : i32 to vector<256x64xi32>
    %eq3A_1323 = arith.cmpi eq, %iota3A_79, %eq3A_1322 : vector<256x64xi32>
    %broadcast_in_dim3A_1324 = vector.shape_cast %broadcast_in_dim3A_1320 : vector<256x1xi32> to vector<256x1xi32>
    %broadcast_in_dim3A_1325 = vector.broadcast %broadcast_in_dim3A_1324 : vector<256x1xi32> to vector<256x64xi32>
    %select_n3A_1326 = arith.select %eq3A_1323, %broadcast_in_dim3A_1325, %select_n3A_1304 : vector<256x64xi1>, vector<256x64xi32>
    %eq3A_1327 = vector.broadcast %broadcast_in_dim3A_1320 : vector<256x1xi32> to vector<256x1024xi32>
    %eq3A_1328 = arith.cmpi eq, %iota3A, %eq3A_1327 : vector<256x1024xi32>
    %jit3A_1329 = arith.constant 0x7F800000 : f32
    %broadcast_in_dim3A_1330 = vector.broadcast %jit3A_1329 : f32 to vector<256x1024xf32>
    %select_n3A_1331 = arith.select %eq3A_1328, %broadcast_in_dim3A_1330, %select_n3A_1309 : vector<256x1024xi1>, vector<256x1024xf32>
    %reduce_min3A_1332 = arith.constant dense<0x7F800000> : vector<256xf32>
    %reduce_min3A_1333 = vector.multi_reduction <minimumf>, %select_n3A_1331, %reduce_min3A_1332 [1] : vector<256x1024xf32> to vector<256xf32>
    %broadcast_in_dim3A_1334 = vector.shape_cast %reduce_min3A_1333 : vector<256xf32> to vector<256x1xf32>
    %eq3A_1335 = vector.broadcast %broadcast_in_dim3A_1334 : vector<256x1xf32> to vector<256x1024xf32>
    %eq3A_1336 = arith.cmpf oeq, %select_n3A_1331, %eq3A_1335 : vector<256x1024xf32>
    %jit3A_1337 = arith.constant 1024 : i32
    %broadcast_in_dim3A_1338 = vector.broadcast %jit3A_1337 : i32 to vector<256x1024xi32>
    %select_n3A_1339 = arith.select %eq3A_1336, %iota3A, %broadcast_in_dim3A_1338 : vector<256x1024xi1>, vector<256x1024xi32>
    %reduce_min3A_1340 = arith.constant dense<2147483647> : vector<256xi32>
    %reduce_min3A_1341 = vector.multi_reduction <minsi>, %select_n3A_1339, %reduce_min3A_1340 [1] : vector<256x1024xi32> to vector<256xi32>
    %broadcast_in_dim3A_1342 = vector.shape_cast %reduce_min3A_1341 : vector<256xi32> to vector<256x1xi32>
    %eq3A_1343 = arith.constant 57 : i32
    %eq3A_1344 = vector.broadcast %eq3A_1343 : i32 to vector<256x64xi32>
    %eq3A_1345 = arith.cmpi eq, %iota3A_79, %eq3A_1344 : vector<256x64xi32>
    %broadcast_in_dim3A_1346 = vector.shape_cast %broadcast_in_dim3A_1342 : vector<256x1xi32> to vector<256x1xi32>
    %broadcast_in_dim3A_1347 = vector.broadcast %broadcast_in_dim3A_1346 : vector<256x1xi32> to vector<256x64xi32>
    %select_n3A_1348 = arith.select %eq3A_1345, %broadcast_in_dim3A_1347, %select_n3A_1326 : vector<256x64xi1>, vector<256x64xi32>
    %eq3A_1349 = vector.broadcast %broadcast_in_dim3A_1342 : vector<256x1xi32> to vector<256x1024xi32>
    %eq3A_1350 = arith.cmpi eq, %iota3A, %eq3A_1349 : vector<256x1024xi32>
    %jit3A_1351 = arith.constant 0x7F800000 : f32
    %broadcast_in_dim3A_1352 = vector.broadcast %jit3A_1351 : f32 to vector<256x1024xf32>
    %select_n3A_1353 = arith.select %eq3A_1350, %broadcast_in_dim3A_1352, %select_n3A_1331 : vector<256x1024xi1>, vector<256x1024xf32>
    %reduce_min3A_1354 = arith.constant dense<0x7F800000> : vector<256xf32>
    %reduce_min3A_1355 = vector.multi_reduction <minimumf>, %select_n3A_1353, %reduce_min3A_1354 [1] : vector<256x1024xf32> to vector<256xf32>
    %broadcast_in_dim3A_1356 = vector.shape_cast %reduce_min3A_1355 : vector<256xf32> to vector<256x1xf32>
    %eq3A_1357 = vector.broadcast %broadcast_in_dim3A_1356 : vector<256x1xf32> to vector<256x1024xf32>
    %eq3A_1358 = arith.cmpf oeq, %select_n3A_1353, %eq3A_1357 : vector<256x1024xf32>
    %jit3A_1359 = arith.constant 1024 : i32
    %broadcast_in_dim3A_1360 = vector.broadcast %jit3A_1359 : i32 to vector<256x1024xi32>
    %select_n3A_1361 = arith.select %eq3A_1358, %iota3A, %broadcast_in_dim3A_1360 : vector<256x1024xi1>, vector<256x1024xi32>
    %reduce_min3A_1362 = arith.constant dense<2147483647> : vector<256xi32>
    %reduce_min3A_1363 = vector.multi_reduction <minsi>, %select_n3A_1361, %reduce_min3A_1362 [1] : vector<256x1024xi32> to vector<256xi32>
    %broadcast_in_dim3A_1364 = vector.shape_cast %reduce_min3A_1363 : vector<256xi32> to vector<256x1xi32>
    %eq3A_1365 = arith.constant 58 : i32
    %eq3A_1366 = vector.broadcast %eq3A_1365 : i32 to vector<256x64xi32>
    %eq3A_1367 = arith.cmpi eq, %iota3A_79, %eq3A_1366 : vector<256x64xi32>
    %broadcast_in_dim3A_1368 = vector.shape_cast %broadcast_in_dim3A_1364 : vector<256x1xi32> to vector<256x1xi32>
    %broadcast_in_dim3A_1369 = vector.broadcast %broadcast_in_dim3A_1368 : vector<256x1xi32> to vector<256x64xi32>
    %select_n3A_1370 = arith.select %eq3A_1367, %broadcast_in_dim3A_1369, %select_n3A_1348 : vector<256x64xi1>, vector<256x64xi32>
    %eq3A_1371 = vector.broadcast %broadcast_in_dim3A_1364 : vector<256x1xi32> to vector<256x1024xi32>
    %eq3A_1372 = arith.cmpi eq, %iota3A, %eq3A_1371 : vector<256x1024xi32>
    %jit3A_1373 = arith.constant 0x7F800000 : f32
    %broadcast_in_dim3A_1374 = vector.broadcast %jit3A_1373 : f32 to vector<256x1024xf32>
    %select_n3A_1375 = arith.select %eq3A_1372, %broadcast_in_dim3A_1374, %select_n3A_1353 : vector<256x1024xi1>, vector<256x1024xf32>
    %reduce_min3A_1376 = arith.constant dense<0x7F800000> : vector<256xf32>
    %reduce_min3A_1377 = vector.multi_reduction <minimumf>, %select_n3A_1375, %reduce_min3A_1376 [1] : vector<256x1024xf32> to vector<256xf32>
    %broadcast_in_dim3A_1378 = vector.shape_cast %reduce_min3A_1377 : vector<256xf32> to vector<256x1xf32>
    %eq3A_1379 = vector.broadcast %broadcast_in_dim3A_1378 : vector<256x1xf32> to vector<256x1024xf32>
    %eq3A_1380 = arith.cmpf oeq, %select_n3A_1375, %eq3A_1379 : vector<256x1024xf32>
    %jit3A_1381 = arith.constant 1024 : i32
    %broadcast_in_dim3A_1382 = vector.broadcast %jit3A_1381 : i32 to vector<256x1024xi32>
    %select_n3A_1383 = arith.select %eq3A_1380, %iota3A, %broadcast_in_dim3A_1382 : vector<256x1024xi1>, vector<256x1024xi32>
    %reduce_min3A_1384 = arith.constant dense<2147483647> : vector<256xi32>
    %reduce_min3A_1385 = vector.multi_reduction <minsi>, %select_n3A_1383, %reduce_min3A_1384 [1] : vector<256x1024xi32> to vector<256xi32>
    %broadcast_in_dim3A_1386 = vector.shape_cast %reduce_min3A_1385 : vector<256xi32> to vector<256x1xi32>
    %eq3A_1387 = arith.constant 59 : i32
    %eq3A_1388 = vector.broadcast %eq3A_1387 : i32 to vector<256x64xi32>
    %eq3A_1389 = arith.cmpi eq, %iota3A_79, %eq3A_1388 : vector<256x64xi32>
    %broadcast_in_dim3A_1390 = vector.shape_cast %broadcast_in_dim3A_1386 : vector<256x1xi32> to vector<256x1xi32>
    %broadcast_in_dim3A_1391 = vector.broadcast %broadcast_in_dim3A_1390 : vector<256x1xi32> to vector<256x64xi32>
    %select_n3A_1392 = arith.select %eq3A_1389, %broadcast_in_dim3A_1391, %select_n3A_1370 : vector<256x64xi1>, vector<256x64xi32>
    %eq3A_1393 = vector.broadcast %broadcast_in_dim3A_1386 : vector<256x1xi32> to vector<256x1024xi32>
    %eq3A_1394 = arith.cmpi eq, %iota3A, %eq3A_1393 : vector<256x1024xi32>
    %jit3A_1395 = arith.constant 0x7F800000 : f32
    %broadcast_in_dim3A_1396 = vector.broadcast %jit3A_1395 : f32 to vector<256x1024xf32>
    %select_n3A_1397 = arith.select %eq3A_1394, %broadcast_in_dim3A_1396, %select_n3A_1375 : vector<256x1024xi1>, vector<256x1024xf32>
    %reduce_min3A_1398 = arith.constant dense<0x7F800000> : vector<256xf32>
    %reduce_min3A_1399 = vector.multi_reduction <minimumf>, %select_n3A_1397, %reduce_min3A_1398 [1] : vector<256x1024xf32> to vector<256xf32>
    %broadcast_in_dim3A_1400 = vector.shape_cast %reduce_min3A_1399 : vector<256xf32> to vector<256x1xf32>
    %eq3A_1401 = vector.broadcast %broadcast_in_dim3A_1400 : vector<256x1xf32> to vector<256x1024xf32>
    %eq3A_1402 = arith.cmpf oeq, %select_n3A_1397, %eq3A_1401 : vector<256x1024xf32>
    %jit3A_1403 = arith.constant 1024 : i32
    %broadcast_in_dim3A_1404 = vector.broadcast %jit3A_1403 : i32 to vector<256x1024xi32>
    %select_n3A_1405 = arith.select %eq3A_1402, %iota3A, %broadcast_in_dim3A_1404 : vector<256x1024xi1>, vector<256x1024xi32>
    %reduce_min3A_1406 = arith.constant dense<2147483647> : vector<256xi32>
    %reduce_min3A_1407 = vector.multi_reduction <minsi>, %select_n3A_1405, %reduce_min3A_1406 [1] : vector<256x1024xi32> to vector<256xi32>
    %broadcast_in_dim3A_1408 = vector.shape_cast %reduce_min3A_1407 : vector<256xi32> to vector<256x1xi32>
    %eq3A_1409 = arith.constant 60 : i32
    %eq3A_1410 = vector.broadcast %eq3A_1409 : i32 to vector<256x64xi32>
    %eq3A_1411 = arith.cmpi eq, %iota3A_79, %eq3A_1410 : vector<256x64xi32>
    %broadcast_in_dim3A_1412 = vector.shape_cast %broadcast_in_dim3A_1408 : vector<256x1xi32> to vector<256x1xi32>
    %broadcast_in_dim3A_1413 = vector.broadcast %broadcast_in_dim3A_1412 : vector<256x1xi32> to vector<256x64xi32>
    %select_n3A_1414 = arith.select %eq3A_1411, %broadcast_in_dim3A_1413, %select_n3A_1392 : vector<256x64xi1>, vector<256x64xi32>
    %eq3A_1415 = vector.broadcast %broadcast_in_dim3A_1408 : vector<256x1xi32> to vector<256x1024xi32>
    %eq3A_1416 = arith.cmpi eq, %iota3A, %eq3A_1415 : vector<256x1024xi32>
    %jit3A_1417 = arith.constant 0x7F800000 : f32
    %broadcast_in_dim3A_1418 = vector.broadcast %jit3A_1417 : f32 to vector<256x1024xf32>
    %select_n3A_1419 = arith.select %eq3A_1416, %broadcast_in_dim3A_1418, %select_n3A_1397 : vector<256x1024xi1>, vector<256x1024xf32>
    %reduce_min3A_1420 = arith.constant dense<0x7F800000> : vector<256xf32>
    %reduce_min3A_1421 = vector.multi_reduction <minimumf>, %select_n3A_1419, %reduce_min3A_1420 [1] : vector<256x1024xf32> to vector<256xf32>
    %broadcast_in_dim3A_1422 = vector.shape_cast %reduce_min3A_1421 : vector<256xf32> to vector<256x1xf32>
    %eq3A_1423 = vector.broadcast %broadcast_in_dim3A_1422 : vector<256x1xf32> to vector<256x1024xf32>
    %eq3A_1424 = arith.cmpf oeq, %select_n3A_1419, %eq3A_1423 : vector<256x1024xf32>
    %jit3A_1425 = arith.constant 1024 : i32
    %broadcast_in_dim3A_1426 = vector.broadcast %jit3A_1425 : i32 to vector<256x1024xi32>
    %select_n3A_1427 = arith.select %eq3A_1424, %iota3A, %broadcast_in_dim3A_1426 : vector<256x1024xi1>, vector<256x1024xi32>
    %reduce_min3A_1428 = arith.constant dense<2147483647> : vector<256xi32>
    %reduce_min3A_1429 = vector.multi_reduction <minsi>, %select_n3A_1427, %reduce_min3A_1428 [1] : vector<256x1024xi32> to vector<256xi32>
    %broadcast_in_dim3A_1430 = vector.shape_cast %reduce_min3A_1429 : vector<256xi32> to vector<256x1xi32>
    %eq3A_1431 = arith.constant 61 : i32
    %eq3A_1432 = vector.broadcast %eq3A_1431 : i32 to vector<256x64xi32>
    %eq3A_1433 = arith.cmpi eq, %iota3A_79, %eq3A_1432 : vector<256x64xi32>
    %broadcast_in_dim3A_1434 = vector.shape_cast %broadcast_in_dim3A_1430 : vector<256x1xi32> to vector<256x1xi32>
    %broadcast_in_dim3A_1435 = vector.broadcast %broadcast_in_dim3A_1434 : vector<256x1xi32> to vector<256x64xi32>
    %select_n3A_1436 = arith.select %eq3A_1433, %broadcast_in_dim3A_1435, %select_n3A_1414 : vector<256x64xi1>, vector<256x64xi32>
    %eq3A_1437 = vector.broadcast %broadcast_in_dim3A_1430 : vector<256x1xi32> to vector<256x1024xi32>
    %eq3A_1438 = arith.cmpi eq, %iota3A, %eq3A_1437 : vector<256x1024xi32>
    %jit3A_1439 = arith.constant 0x7F800000 : f32
    %broadcast_in_dim3A_1440 = vector.broadcast %jit3A_1439 : f32 to vector<256x1024xf32>
    %select_n3A_1441 = arith.select %eq3A_1438, %broadcast_in_dim3A_1440, %select_n3A_1419 : vector<256x1024xi1>, vector<256x1024xf32>
    %reduce_min3A_1442 = arith.constant dense<0x7F800000> : vector<256xf32>
    %reduce_min3A_1443 = vector.multi_reduction <minimumf>, %select_n3A_1441, %reduce_min3A_1442 [1] : vector<256x1024xf32> to vector<256xf32>
    %broadcast_in_dim3A_1444 = vector.shape_cast %reduce_min3A_1443 : vector<256xf32> to vector<256x1xf32>
    %eq3A_1445 = vector.broadcast %broadcast_in_dim3A_1444 : vector<256x1xf32> to vector<256x1024xf32>
    %eq3A_1446 = arith.cmpf oeq, %select_n3A_1441, %eq3A_1445 : vector<256x1024xf32>
    %jit3A_1447 = arith.constant 1024 : i32
    %broadcast_in_dim3A_1448 = vector.broadcast %jit3A_1447 : i32 to vector<256x1024xi32>
    %select_n3A_1449 = arith.select %eq3A_1446, %iota3A, %broadcast_in_dim3A_1448 : vector<256x1024xi1>, vector<256x1024xi32>
    %reduce_min3A_1450 = arith.constant dense<2147483647> : vector<256xi32>
    %reduce_min3A_1451 = vector.multi_reduction <minsi>, %select_n3A_1449, %reduce_min3A_1450 [1] : vector<256x1024xi32> to vector<256xi32>
    %broadcast_in_dim3A_1452 = vector.shape_cast %reduce_min3A_1451 : vector<256xi32> to vector<256x1xi32>
    %eq3A_1453 = arith.constant 62 : i32
    %eq3A_1454 = vector.broadcast %eq3A_1453 : i32 to vector<256x64xi32>
    %eq3A_1455 = arith.cmpi eq, %iota3A_79, %eq3A_1454 : vector<256x64xi32>
    %broadcast_in_dim3A_1456 = vector.shape_cast %broadcast_in_dim3A_1452 : vector<256x1xi32> to vector<256x1xi32>
    %broadcast_in_dim3A_1457 = vector.broadcast %broadcast_in_dim3A_1456 : vector<256x1xi32> to vector<256x64xi32>
    %select_n3A_1458 = arith.select %eq3A_1455, %broadcast_in_dim3A_1457, %select_n3A_1436 : vector<256x64xi1>, vector<256x64xi32>
    %eq3A_1459 = vector.broadcast %broadcast_in_dim3A_1452 : vector<256x1xi32> to vector<256x1024xi32>
    %eq3A_1460 = arith.cmpi eq, %iota3A, %eq3A_1459 : vector<256x1024xi32>
    %jit3A_1461 = arith.constant 0x7F800000 : f32
    %broadcast_in_dim3A_1462 = vector.broadcast %jit3A_1461 : f32 to vector<256x1024xf32>
    %select_n3A_1463 = arith.select %eq3A_1460, %broadcast_in_dim3A_1462, %select_n3A_1441 : vector<256x1024xi1>, vector<256x1024xf32>
    %reduce_min3A_1464 = arith.constant dense<0x7F800000> : vector<256xf32>
    %reduce_min3A_1465 = vector.multi_reduction <minimumf>, %select_n3A_1463, %reduce_min3A_1464 [1] : vector<256x1024xf32> to vector<256xf32>
    %broadcast_in_dim3A_1466 = vector.shape_cast %reduce_min3A_1465 : vector<256xf32> to vector<256x1xf32>
    %eq3A_1467 = vector.broadcast %broadcast_in_dim3A_1466 : vector<256x1xf32> to vector<256x1024xf32>
    %eq3A_1468 = arith.cmpf oeq, %select_n3A_1463, %eq3A_1467 : vector<256x1024xf32>
    %jit3A_1469 = arith.constant 1024 : i32
    %broadcast_in_dim3A_1470 = vector.broadcast %jit3A_1469 : i32 to vector<256x1024xi32>
    %select_n3A_1471 = arith.select %eq3A_1468, %iota3A, %broadcast_in_dim3A_1470 : vector<256x1024xi1>, vector<256x1024xi32>
    %reduce_min3A_1472 = arith.constant dense<2147483647> : vector<256xi32>
    %reduce_min3A_1473 = vector.multi_reduction <minsi>, %select_n3A_1471, %reduce_min3A_1472 [1] : vector<256x1024xi32> to vector<256xi32>
    %broadcast_in_dim3A_1474 = vector.shape_cast %reduce_min3A_1473 : vector<256xi32> to vector<256x1xi32>
    %eq3A_1475 = arith.constant 63 : i32
    %eq3A_1476 = vector.broadcast %eq3A_1475 : i32 to vector<256x64xi32>
    %eq3A_1477 = arith.cmpi eq, %iota3A_79, %eq3A_1476 : vector<256x64xi32>
    %broadcast_in_dim3A_1478 = vector.shape_cast %broadcast_in_dim3A_1474 : vector<256x1xi32> to vector<256x1xi32>
    %broadcast_in_dim3A_1479 = vector.broadcast %broadcast_in_dim3A_1478 : vector<256x1xi32> to vector<256x64xi32>
    %select_n3A_1480 = arith.select %eq3A_1477, %broadcast_in_dim3A_1479, %select_n3A_1458 : vector<256x64xi1>, vector<256x64xi32>
    %swap3A = arith.constant 0 : index
    %swap3A_1481 = arith.constant 0 : index
    %swap3A_1482 = arith.constant 0 : index
    %swap3A_1483 = vector.load %arg4[%swap3A, %swap3A_1481, %swap3A_1482] : memref<1x256x64xi32, #tpu.memory_space<vmem>>, vector<1x256x64xi32>
    %swap3A_1484 = vector.shape_cast %swap3A_1483 : vector<1x256x64xi32> to vector<256x64xi32>
    %swap3A_1485 = vector.shape_cast %select_n3A_1480 : vector<256x64xi32> to vector<1x256x64xi32>
    tpu.vector_store %arg4[%swap3A, %swap3A_1481, %swap3A_1482], %swap3A_1485 {strides = array<i32>} : memref<1x256x64xi32, #tpu.memory_space<vmem>>, vector<1x256x64xi32>,
    return
  }
  func.func @transform_0(%arg0: i32, %arg1: i32) -> (i32, i32, i32) {
    %c0_i32 = arith.constant 0 : i32
    %c0_i32_0 = arith.constant 0 : i32
    %c0_i32_1 = arith.constant 0 : i32
    return %arg0, %c0_i32, %c0_i32_0 : i32, i32, i32
  }
  func.func @transform_1(%arg0: i32, %arg1: i32) -> (i32, i32, i32) {
    %c0_i32 = arith.constant 0 : i32
    %c0_i32_0 = arith.constant 0 : i32
    return %arg0, %c0_i32, %arg1 : i32, i32, i32
  }
  func.func @transform_2(%arg0: i32, %arg1: i32) -> (i32, i32, i32) {
    %c0_i32 = arith.constant 0 : i32
    %c0_i32_0 = arith.constant 0 : i32
    return %arg0, %arg1, %c0_i32 : i32, i32, i32
  }
}

</mosaic_0001>

<sc_bundles>
// kernel: gather_offload_async_start.1
scs
__scs_entry_jumppad:
0x0: {  	(pc) =	sbr.rel $0x88, $3  }
0x1: {  	(tag) =	ssettag $0x0;
	lr =	simm.s32 $0x1  }
0x2: {  	[smem:$0x3F9C] =	sst lr;
	_ =	strace $0xD0000000  }
0x3: {  	_ = 	snop  }
0x4: {  	_ = 	snop  }
0x5: {  	_ = 	snop  }
0x6: {  	_ = 	snop  }
0x7: {  	_ = 	snop  }
__scs_overlays_trampoline_lowered:
0x8: {  	[smem:$0x3FAB] =	sst s0  }
0x9: {  	[smem:$0x3FAC] =	sst s1  }
0xa: {  	[smem:$0x3FAD] =	sst s2  }
0xb: {  	[smem:$0x3FAE] =	sst s3  }
0xc: {  	[smem:$0x3FAF] =	sst s4  }
0xd: {  	[smem:$0x3FB0] =	sst s5  }
0xe: {  	[smem:$0x3FB1] =	sst s6  }
0xf: {  	[smem:$0x3FB2] =	sst s7  }
0x10: {  	[smem:$0x3FB3] =	sst s8  }
0x11: {  	[smem:$0x3FB4] =	sst s9;
	s0 =	simm.s32 @!p0 $0x0  }
0x12: {  	s1 =	sld [smem:$0x3F9A];
	s0 =	simm.s32 @p0 $0x1  }
0x13: {  	[smem:$0x3FB5] =	sst s0;
	s0 =	simm.s32 @!p1 $0x0  }
0x14: {  	s2 =	sld [smem:$0x3F99];
	s0 =	simm.s32 @p1 $0x1  }
0x15: {  	[smem:$0x3FB6] =	sst s0;
	s0 =	simm.s32 @!p2 $0x0  }
0x16: {  	s3 =	sld [smem:$0x3FDB];
	s0 =	simm.s32 @p2 $0x1  }
0x17: {  	s4 =	simm.s32 $0x1BF5;
	[smem:$0x3FB8] =	sst s0  }
0x18: {  	s0 =	sld [smem:$0x3F9B];
	_ =	swait.ge [sflag:s4], $0x0  }
0x19: {  	s7 =	sld [smem:$0x3F9C]  }
0x1a: {  	s8 =	sadd.s32 $0xFFFFE003, lr  }
0x1b: {  	s9 =	sadd.s32 $0xFFFFFEF7, lr;
	s5 =	simm.s32 $0xFFFFFFFF;
	p2 =	slt.u32 s8, $0xFFFFF086  }
0x1c: {  	p1 =	slt.u32 s9, $0xF7A;
	s5 =	simm.s32 @!p2 $0x0  }
0x1d: {  	s5 =	simm.s32 @p1 $0x1;
	p0 =	seq.s32 s7, s2  }
0x1e: {  	s7 =	smul.u32 @!p0 $0xF7A, s2;
	p2 =	seq.s32 @!p0 s5, $0x0  }
0x1f: {  	s9 =	smul.u32 $0xF7A, s1;
	s8 =	simm.s32 @!p0 $0x1BF5;
	p2 =	por !p2, p0  }
0x20: {  	[sflag:s8] =	ssyncset.s32 @!p0 $0xFFFFF086;
	s6 =	sadd.s32 @!p0 s3, s7;
	s7 =	simm.s32 @!p0 $0x108  }
0x21: {  	s3 =	sadd.s32 s3, s9;
	s6 =	sadd.s32 @!p0 $0x88, s6;
	s7 =	simm.s32 @p2 $0x1082  }
0x22: {  	[simem:s7], [sflag:s8] =	dma.local @!p0 [hbm:s6], $0xF7A  }
0x23: {  	s9 =	sor.u32 $0xD0000000, s2;
	s6 =	simm.s32 $0x108;
	_ =	swait.ge @!p0 [sflag:s8], $0x0  }
0x24: {  	s3 =	sadd.s32 $0x88, s3;
	s6 =	simm.s32 @!p1 $0x1082;
	[sflag:s4] =	ssyncset.s32 $0xFFFFF086  }
0x25: {  	[simem:s6], [sflag:s4] =	dma.local [hbm:s3], $0xF7A  }
0x26: {  	[smem:$0x3F9C] =	sst s1;
	(tag) =	ssettag s2;
	_ =	strace s9  }
0x27: {  	s1 =	sld [smem:$0x3FAC]  }
0x28: {  	s2 =	sld [smem:$0x3FAD]  }
0x29: {  	s4 =	sld [smem:$0x3FAF]  }
0x2a: {  	p0 =	seq.s32 s5, $0x0;
	s5 =	sld [smem:$0x3FB0]  }
0x2b: {  	s6 =	sld [smem:$0x3FB1]  }
0x2c: {  	s7 =	sld [smem:$0x3FB2]  }
0x2d: {  	s3 =	simm.s32 $0x108;
	s8 =	sld [smem:$0x3FB3]  }
0x2e: {  	s3 =	simm.s32 @!p0 $0x1082;
	s9 =	sld [smem:$0x3FB4]  }
0x2f: {  	lr =	sadd.s32 s0, s3;
	s0 =	sld [smem:$0x3FAB]  }
0x30: {  	s3 =	sld [smem:$0x3FAE]  }
0x31: {  	[smem:$0x3FB7] =	sst s10  }
0x32: {  	s10 =	sld [smem:$0x3FB5];
	_ =	sdelay $0x3  }
0x33: {  	p0 =	seq.s32 s10, $0x1;
	s10 =	sld [smem:$0x3FB7];
	_ =	sdelay $0x3  }
0x34: {  	[smem:$0x3FB7] =	sst s10  }
0x35: {  	s10 =	sld [smem:$0x3FB6];
	_ =	sdelay $0x3  }
0x36: {  	p1 =	seq.s32 s10, $0x1;
	s10 =	sld [smem:$0x3FB7];
	_ =	sdelay $0x3  }
0x37: {  	[smem:$0x3FB7] =	sst s10  }
0x38: {  	s10 =	sld [smem:$0x3FB8]  }
0x39: {  	_ = 	snop;
	(pc) =	sbr.ind lr, $3  }
0x3a: {  	_ = 	snop  }
0x3b: {  	_ = 	snop  }
0x3c: {  	p2 =	seq.s32 s10, $0x1;
	s10 =	sld [smem:$0x3FB7]  }
0x3d: {  	_ =	shalt  }
0x3e: {  	_ =	shalt  }
0x3f: {  	_ =	shalt  }
0x40: {  	_ =	shalt  }
0x41: {  	_ =	shalt  }
0x42: {  	_ =	shalt  }
0x43: {  	_ =	shalt  }
0x44: {  	_ =	shalt  }
0x45: {  	_ =	shalt  }
0x46: {  	_ =	shalt  }
0x47: {  	_ =	shalt  }
0x48: {  	_ =	shalt  }
0x49: {  	_ =	shalt  }
0x4a: {  	_ =	shalt  }
0x4b: {  	_ =	shalt  }
0x4c: {  	_ =	shalt  }
0x4d: {  	_ =	shalt  }
0x4e: {  	_ =	shalt  }
0x4f: {  	_ =	shalt  }
0x50: {  	_ =	shalt  }
0x51: {  	_ =	shalt  }
0x52: {  	_ =	shalt  }
0x53: {  	_ =	shalt  }
0x54: {  	_ =	shalt  }
0x55: {  	_ =	shalt  }
0x56: {  	_ =	shalt  }
0x57: {  	_ =	shalt  }
0x58: {  	_ =	shalt  }
0x59: {  	_ =	shalt  }
0x5a: {  	_ =	shalt  }
0x5b: {  	_ =	shalt  }
0x5c: {  	_ =	shalt  }
0x5d: {  	_ =	shalt  }
0x5e: {  	_ =	shalt  }
0x5f: {  	_ =	shalt  }
0x60: {  	_ =	shalt  }
0x61: {  	_ =	shalt  }
0x62: {  	_ =	shalt  }
0x63: {  	_ =	shalt  }
0x64: {  	_ =	shalt  }
0x65: {  	_ =	shalt  }
0x66: {  	_ =	shalt  }
0x67: {  	_ =	shalt  }
0x68: {  	_ =	shalt  }
0x69: {  	_ =	shalt  }
0x6a: {  	_ =	shalt  }
0x6b: {  	_ =	shalt  }
0x6c: {  	_ =	shalt  }
0x6d: {  	_ =	shalt  }
0x6e: {  	_ =	shalt  }
0x6f: {  	_ =	shalt  }
0x70: {  	_ =	shalt  }
0x71: {  	_ =	shalt  }
0x72: {  	_ =	shalt  }
0x73: {  	_ =	shalt  }
0x74: {  	_ =	shalt  }
0x75: {  	_ =	shalt  }
0x76: {  	_ =	shalt  }
0x77: {  	_ =	shalt  }
0x78: {  	_ =	shalt  }
0x79: {  	_ =	shalt  }
0x7a: {  	_ =	shalt  }
0x7b: {  	_ =	shalt  }
0x7c: {  	_ =	shalt  }
0x7d: {  	_ =	shalt  }
0x7e: {  	_ =	shalt  }
0x7f: {  	_ =	shalt  }
0x80: {  	_ =	shalt  }
0x81: {  	_ =	shalt  }
0x82: {  	_ =	shalt  }
0x83: {  	_ =	shalt  }
0x84: {  	_ =	shalt  }
0x85: {  	_ =	shalt  }
0x86: {  	_ =	shalt  }
0x87: {  	_ =	shalt  }
.Lfunc_end0:
.L_simem_size_0:
called_computation.3_lowered:
.L_overlay_start_0:
0x88: {  	s2 =	sld [smem:$0x3FD9]  }
0x89: {  	s3 =	sld [smem:$0x3FFE];
	_ =	sdelay $0x1  }
0x8a: {  	s1 =	srdreg.scid  }
0x8b: {  	s0 =	sand.u32 $0x1, s1  }
0x8c: {  	s15 =	sshll.u32 s0, $0xA;
	s2 =	sadd.s32 s3, s2  }
0x8d: {  	s2 =	sadd.s32 s2, s15  }
0x8e: {  	[smem:$0x3FC3] =	sst s2  }
0x8f: {  	_ = 	snop  }
0x90: {  	s2 =	sld [smem:$0x3FD0];
	_ =	sdelay $0x2  }
0x91: {  	s4 =	simm.s32 $0xD;
	s16 =	simm.s32 $0x10  }
0x92: {  	[smem:s16], [sflag:s4] =	dma.local [hbm:s2], $0x1  }
0x93: {  	_ =	swait.eq [sflag:s4], $0x1  }
0x94: {  	[sflag:s4] =	ssyncset.done $0x0  }
0x95: {  	s17 =	sld [smem:$0x12];
	[sflag:s4] =	ssyncadd.s32 $0xFFFFFFFF  }
0x96: {  	s18 =	sld [smem:$0x15];
	(tm) =	ssettm $0x1  }
0x97: {  	s19 =	sld [smem:$0x3FFB];
	_ =	sdelay $0x3  }
0x98: {  	_ =	strace s19  }
0x99: {  	s2 =	sld [smem:$0x3FFC];
	_ =	sdelay $0x3  }
0x9a: {  	_ =	strace s2  }
0x9b: {  	s2 =	sld [smem:$0x3FFD];
	_ =	sdelay $0x3  }
0x9c: {  	_ =	strace s2  }
0x9d: {  	_ =	strace $0x8FFFFFFF  }
0x9e: {  	s20 =	sld [smem:$0x3FDB];
	_ =	sdelay $0x1  }
0x9f: {  	s5 =	simm.s32 $_scs_section_size  }
0xa0: {  	s6 =	simm.s32 $_size__tile_overlayer_lowered;
	s7 =	simm.s32 $_tile_overlayer_lowered  }
0xa1: {  	s8 =	simm.s32 $0x1BFF;
	s21 =	sshll.u32 s7, $0x1;
	s5 =	sadd.s32 s5, s20  }
0xa2: {  	s22 =	simm.s32 $0x0;
	s6 =	sshll.u32 s6, $0x1;
	s7 =	sadd.s32 s21, s5  }
0xa3: {  	[timem:s22], [sflag:s8] =	dma.local [hbm:s7], s6  }
0xa4: {  	_ =	swait.ge [sflag:s8], s6  }
0xa5: {  	s6 =	ssub.s32 $0x0, s6;
	[sflag:s8] =	ssyncset.done $0x0  }
0xa6: {  	[sflag:s8] =	ssyncadd.s32 s6;
	_ =	sdelay $0x1  }
0xa7: {  	s23 =	simm.s32 $0x1B8B  }
0xa8: {  	_ =	swait.ge [sflag:s23], $0x1  }
0xa9: {  	[sflag:s23] =	ssyncset.done $0x0  }
0xaa: {  	[sflag:s23] =	ssyncadd.s32 $0xFFFFFFFF  }
0xab: {  	s6 =	sld [smem:$0x0]  }
0xac: {  	s7 =	sand.u32 $0xFFFFFFFE, s1  }
0xad: {  	p0 =	sne.s32 s1, s7  }
0xae: {  	s7 =	sshll.u32 @p0 s7, $0xE  }
0xaf: {  	s7 =	sadd.s32 @p0 $0x11B8D, s7;
	s8 =	sshll.u32 @p0 s6, $0x11  }
0xb0: {  	s7 =	sor.u32 @p0 s8, s7  }
0xb1: {  	[sflag:s7] =	ssyncadd.remote.s32 @p0 $0x1;
	_ =	sdelay $0x1  }
0xb2: {  	s7 =	simm.s32 @p0 $0x1B8D  }
0xb3: {  	_ =	swait.eq @p0 [sflag:s7], $0x1  }
0xb4: {  	[sflag:s7] =	ssyncadd.s32 @p0 $0xFFFFFFFF  }
0xb5: {  	s8 =	sshll.u32 @!p0 s1, $0xE  }
0xb6: {  	s8 =	sor.u32 @!p0 $0x4000, s8;
	s7 =	simm.s32 @!p0 $0x1B8D  }
0xb7: {  	s6 =	sshll.u32 @!p0 s6, $0x11;
	s8 =	sadd.s32 @!p0 $0x11B8D, s8;
	_ =	swait.eq @!p0 [sflag:s7], $0x1  }
0xb8: {  	s6 =	sor.u32 @!p0 s6, s8;
	[sflag:s7] =	ssyncadd.s32 @!p0 $0xFFFFFFFF  }
0xb9: {  	s25 =	simm.s32 $0x1B8E;
	s24 =	sld [smem:$0x3FFE];
	[sflag:s6] =	ssyncadd.remote.s32 @!p0 $0x1  }
0xba: {  	s26 =	simm.s32 $execute0_lowered;
	[smem:$0x3FD2] =	sst s25  }
0xbb: {  	s7 =	sshll.u32 s26, $0x1;
	_ =	strace $0x8000004F;
	[dreg:$0x1] =	wrdreg $0xFFFFFFFF  }
0xbc: {  	s28 =	simm.s32 $_size_execute0_lowered;
	s5 =	sadd.s32 s5, s7;
	[dreg:$0x0] =	wrdreg $0x0  }
0xbd: {  	s7 =	sshll.u32 s28, $0x1;
	[dreg:$0x2] =	wrdreg s5  }
0xbe: {  	[dreg:$0x3] =	wrdreg s7  }
0xbf: {  	[dreg:$0x4] =	wrdreg $0xC0  }
0xc0: {  	_ =	task [dreg:s22], $0x5FFFF  }
0xc1: {  	[dreg:$0x1] =	wrdreg $0xFFFFFFFF  }
0xc2: {  	[dreg:$0x0] =	wrdreg $0x60  }
0xc3: {  	[dreg:$0x2] =	wrdreg s24  }
0xc4: {  	[dreg:$0x3] =	wrdreg s17  }
0xc5: {  	[dreg:$0x4] =	wrdreg s18  }
0xc6: {  	[dreg:$0x5] =	wrdreg $0xA  }
0xc7: {  	_ =	task.clear_ibuf [dreg:s22], $0x6FFFF;
	_ =	strace $0x9000004F  }
0xc8: {  	s29 =	simm.s32 $0xA;
	_ =	strace $0x80000051  }
0xc9: {  	_ =	swait.ge [sflag:s29], $0x1  }
0xca: {  	[sflag:s29] =	ssyncadd.s32 $0xFFFFFFFF  }
0xcb: {  	_ =	strace $0x90000051  }
0xcc: {  	_ =	sfence  }
0xcd: {  	s30 =	sld [smem:$0x0];
	_ =	sdelay $0x2  }
0xce: {  	s31 =	sshll.u32 s1, $0xD;
	s1 =	sshrl.u32 s1, $0x2  }
0xcf: {  	s4 =	sand.u32 $0x4000, s31;
	s1 =	sadd.s32 s1, s30  }
0xd0: {  	s0 =	sor.u32 s4, s0;
	s1 =	sshll.u32 s1, $0x11  }
0xd1: {  	s0 =	sor.u32 s1, s0  }
0xd2: {  	s0 =	sadd.s32 $0x8F2B, s0  }
0xd3: {  	[sflag:s0] =	ssyncadd.remote.s32 $0x1  }
0xd4: {  	_ =	sfence.sel $0xFFFF  }
0xd5: {  	[dreg:$0x0] =	wrdreg $0xFFFFFFFF;
	(pc) =	sbr.abs _section_cstart, $3  }
0xd6: {  	[dreg:$0x1] =	wrdreg $0xFFFFFFFF  }
0xd7: {  	_ =	task.clear_ibuf [dreg:s22], $0x2FFFF;
	_ =	strace $0x9FFFFFFF  }
0xd8: {  	(tm) =	ssettm $0x7FFFFFFF  }
0xd9: {  	_ =	shalt  }
tec
execute0_lowered:
.L_overlay_start_1:
0x0: {  	(tag) =	ssettag $0x1  }
0x1: {  	s7 =	rddreg [dreg:$0x0]  }
0x2: {  	s2 =	rddreg [dreg:$0x1]  }
0x3: {  	s3 =	rddreg [dreg:$0x2]  }
0x4: {  	s0 =	rddreg [dreg:$0x3];
	s1 =	srdreg.scid;
	_ =	strace $0x80000050  }
0x5: {  	s4 =	simm.s32 $0x1;
	s9 =	simm.s32 $0x3;
	s5 =	sshll.u32 s1, $0x4  }
.Ltmp0:
0x6: {  	s1 =	stileid.u32;
	s5 =	sand.u32 $0x10, s5;
	(pc) =	sbr.rel .LBB2_1-.Ltmp0, $4  }
0x7: {  	s12 =	simm.s32 $0x0;
	s10 =	simm.s32 $0x0;
	s6 =	sor.u32 s1, s5  }
0x8: {  	[sflag:s4] =	ssyncpa.u1 $0x0;
	s5 =	simm.s32 $0x2;
	s6 =	sshll.u32 s6, $0x7  }
0x9: {  	s7 =	sadd.s32 $0x30E00, s7;
	[sflag:s5] =	ssyncpa.u1 $0x0;
	s8 =	sadd.s32 $0x80, s6  }
0xa: {  	vm0 =	vmmov $0xff;
	vm1 =	vcmask $0x3F20;
	[sflag:s9] =	ssyncpa.u1 $0x0;
	s9 =	simm.s32 $0x80;
	s11 =	smov.u32 s6  }
.LBB2_9:
0xb: {  	p0 =	seq.s32 s10, $0x2  }
.Ltmp1:
0xc: {  	_ = 	snop;
	(pc) =	sbr.rel @p0 .LBB2_11-.Ltmp1, $1  }
0xd: {  	_ =	sdelay $0x3  }
.LBB2_10:
0xe: {  	s12 =	sadd.s32 $0x80, s11  }
0xf: {  	s13 =	smov.u32 s6;
	p0 =	slt.s32 s12, s8  }
0x10: {  	s13 =	smov.u32 @p0 s12  }
0x11: {  	s10 =	sadd.s32 $0x1, s10;
	s12 =	smov.u32 s11;
	s11 =	smov.u32 s13  }
.LBB2_1:
0x12: {  	p0 =	sne.s32 s10, $0x0  }
.Ltmp2:
0x13: {  	_ = 	snop;
	(pc) =	sbr.rel @!p0 .LBB2_2-.Ltmp2, $1  }
0x14: {  	_ =	sdelay $0x3  }
0x15: {  	s13 =	sand.u32 $0x1, s10  }
0x16: {  	p0 =	seq.s32 s13, $0x0  }
.Ltmp3:
0x17: {  	_ = 	snop;
	(pc) =	sbr.rel @p0 .LBB2_9-.Ltmp3, $1  }
0x18: {  	_ =	sdelay $0x3  }
0x19: {  	_ =	swait.ge [sflag:s5], $0x80  }
0x1a: {  	[sflag:s5] =	ssyncset.done $0x0  }
0x1b: {  	s13 =	simm.s32 $0x0;
	[sflag:s5] =	ssyncadd.s32 $0xFFFFFF80  }
0x1c: {  	v0 =	vld.msk [tilespmem:s13+$0x80 ss:$0x1], $0xffff;
	_ =	sdelay $0x4  }
0x1d: {  	v1 =	vshll.u32 v0, $0x5  }
0x1e: {  	vm2 =	veq.s32 v0, $0x80000000;
	v0 =	vshll.u32 v0, $0x12;
	v1 =	vand.u32 $0x3FF80, v1  }
0x1f: {  	v0 =	vand.u32 $0xC0000, v0;
	v1 =	vsel vm2, $0xFFFFFF80, v1  }
0x20: {  	v0 =	vsel vm2, $0xFFFC0000, v0;
	v2 =	vand.u32 $0xFFFFFC00, v1  }
0x21: {  	v1 =	vand.u32 $0x380, v1;
	v0 =	vadd.s32 v0, v2  }
0x22: {  	v0 =	vor.u32 v1, v0  }
0x23: {  	v0 =	vshrl.u32 v0, $0x3;
	_ =	sdelay $0x3  }
0x24: {  	s13 =	simm.s32 $0x4100  }
0x25: {  	[tilespmem:s13], [sflag:$0x1] =	stream.indirect_vreg.gather [hbm:s7], $0x80, v0, vm0, $0x38;
	[tilespmem:$0x8100] =	vst v63  }
0x26: {  	s14 =	simm.s32 $0x4500;
	s31 =	simm.s32 $0x10  }
0x27: {  	[tilespmem:s14], [sflag:$0x1] =	stream.indirect_vreg.gather [hbm:s7], $0x80, v0, vm1, $0x38;
	[tilespmem:$0x8100] =	vst v63  }
0x28: {  	s14 =	simm.s32 $0x80;
	v0 =	vld.msk [tilespmem:s31+$0x80 ss:$0x1], $0xffff  }
.LBB2_5:
0x29: {  	p0 =	sne.s32 s14, $0x1C0;
	_ =	sdelay $0x4  }
0x2a: {  	v1 =	vshll.u32 v0, $0x5  }
0x2b: {  	vm2 =	veq.s32 v0, $0x80000000;
	v0 =	vshll.u32 v0, $0x12;
	v1 =	vand.u32 $0x3FF80, v1  }
0x2c: {  	v0 =	vand.u32 $0xC0000, v0;
	v1 =	vsel vm2, $0xFFFFFF80, v1  }
0x2d: {  	v0 =	vsel vm2, $0xFFFC0000, v0;
	v2 =	vand.u32 $0xFFFFFC00, v1  }
0x2e: {  	v1 =	vand.u32 $0x380, v1;
	v0 =	vadd.s32 v0, v2  }
0x2f: {  	v0 =	vor.u32 v1, v0  }
0x30: {  	v0 =	vshrl.u32 v0, $0x3;
	_ =	sdelay $0x3  }
.Ltmp4:
0x31: {  	s13 =	sadd.s32 $0x800, s13;
	(pc) =	sbr.rel @p0 .LBB2_5-.Ltmp4, $4  }
0x32: {  	[tilespmem:s13], [sflag:$0x1] =	stream.indirect_vreg.gather [hbm:s7], $0x80, v0, vm0, $0x38;
	[tilespmem:$0x8100] =	vst v63  }
0x33: {  	s15 =	sshra.s32 s14, $0x2;
	s16 =	sadd.s32 $0x400, s13  }
0x34: {  	[tilespmem:s16], [sflag:$0x1] =	stream.indirect_vreg.gather [hbm:s7], $0x80, v0, vm1, $0x38;
	[tilespmem:$0x8100] =	vst v63  }
0x35: {  	s14 =	sadd.s32 $0x40, s14;
	v0 =	vld.msk [tilespmem:s15+$0x80 ss:$0x1], $0xffff  }
0x36: {  	_ =	sdelay $0x3  }
0x37: {  	v1 =	vshll.u32 v0, $0x5  }
0x38: {  	vm2 =	veq.s32 v0, $0x80000000;
	v63 =	vshll.u32 v0, $0x12;
	v1 =	vand.u32 $0x3FF80, v1  }
0x39: {  	v0 =	vand.u32 $0xC0000, v63;
	v1 =	vsel vm2, $0xFFFFFF80, v1  }
0x3a: {  	v0 =	vsel vm2, $0xFFFC0000, v0;
	v2 =	vand.u32 $0xFFFFFC00, v1  }
0x3b: {  	v1 =	vand.u32 $0x380, v1;
	v0 =	vadd.s32 v0, v2  }
0x3c: {  	v0 =	vor.u32 v1, v0  }
0x3d: {  	v0 =	vshrl.u32 v0, $0x3;
	_ =	sdelay $0x3  }
0x3e: {  	s13 =	sadd.s32 $0x800, s13  }
0x3f: {  	[tilespmem:s13], [sflag:$0x1] =	stream.indirect_vreg.gather [hbm:s7], $0x80, v0, vm0, $0x38;
	[tilespmem:$0x8100] =	vst v63  }
0x40: {  	s13 =	sadd.s32 $0x400, s13  }
0x41: {  	[tilespmem:s13], [sflag:$0x1] =	stream.indirect_vreg.gather [hbm:s7], $0x80, v0, vm1, $0x38;
	[tilespmem:$0x8100] =	vst v63  }
0x42: {  	s12 =	sshll.u32 s12, $0x4;
	s14 =	simm.s32 $0x80;
	_ =	swait.ge [sflag:s4], $0x4000  }
0x43: {  	s15 =	simm.s32 $0x4500;
	s12 =	sadd.s32 s12, s3;
	[sflag:s4] =	ssyncset.done $0x0  }
0x44: {  	s16 =	sadd.s32 $0x0, s12;
	s13 =	simm.s32 $0x4100;
	[sflag:s4] =	ssyncadd.s32 $0xFFFFC000  }
.LBB2_7:
0x45: {  	[hbm:s16] =	stream.linear.scatter [tilespmem:s13], [sflag:$0x3], $0x400, $0x38;
	[tilespmem:$0x8100] =	vst v63  }
0x46: {  	s16 =	smov.u32 s14;
	s13 =	smov.u32 s15;
	p0 =	sne.s32 s14, $0x780  }
.Ltmp5:
0x47: {  	s14 =	sadd.s32 $0x80, s14;
	(pc) =	sbr.rel @p0 .LBB2_7-.Ltmp5, $2  }
0x48: {  	_ =	sdelay $0x2  }
0x49: {  	s15 =	sadd.s32 $0x400, s15;
	s16 =	sadd.s32 s16, s12  }
.Ltmp6:
0x4a: {  	(pc) =	sbr.rel .LBB2_9-.Ltmp6, $2  }
0x4b: {  	_ =	sdelay $0x2  }
0x4c: {  	[hbm:s16] =	stream.linear.scatter [tilespmem:s13], [sflag:$0x3], $0x400, $0x38;
	[tilespmem:$0x8100] =	vst v63  }
.LBB2_2:
.Ltmp7:
0x4d: {  	(pc) =	sbr.rel .LBB2_10-.Ltmp7, $4  }
0x4e: {  	_ = 	snop  }
0x4f: {  	s12 =	sshrl.u32 s11, $0x3  }
0x50: {  	s13 =	sand.u32 $0x7, s11;
	s12 =	sadd.s32 s2, s12  }
0x51: {  	[tilespmem:s9], [sflag:$0x2] =	stream.linear.gather [hbm4b:s12+s13], $0x80, $0x38;
	[tilespmem:$0x8100] =	vst v63  }
.LBB2_11:
0x52: {  	s2 =	simm.s32 $0x3  }
0x53: {  	_ =	swait.ge [sflag:s2], $0x4000  }
0x54: {  	[sflag:s2] =	ssyncset.done $0x0  }
0x55: {  	[sflag:s2] =	ssyncadd.s32 $0xFFFFC000  }
0x56: {  	_ =	sfence.sel $0x180000  }
0x57: {  	s3 =	simm.s32 $0x2;
	[bflag:$0x0] =	sbarrier.arrive $0xFFFF  }
0x58: {  	[sflag:s3] =	ssyncpa.u1 $0x1  }
0x59: {  	s31 =	simm.s32 $0x1;
	[sflag:s2] =	ssyncpa.u1 $0x1  }
0x5a: {  	[sflag:s31] =	ssyncpa.u1 $0x1  }
0x5b: {  	p0 =	sne.s32 s1, $0x0;
	_ =	strace $0x90000050  }
0x5c: {  	s0 =	sadd.s32 @!p0 $0x100000, s0;
	[bflag:$0x2] =	sbarrier.arrive $0xFFFF  }
0x5d: {  	[sflag:s0] =	ssyncadd.tile.s32 @!p0 $0x1;
	_ =	shalt  }
.Lfunc_end2:
_tile_overlayer_lowered:
.L_overlay_start_2:
0x5e: {  	(tag) =	ssettag $0x2  }
0x5f: {  	s0 =	rddreg [dreg:$0x0];
	s2 =	stileid.u32  }
0x60: {  	s1 =	rddreg [dreg:$0x1];
	p0 =	sne.s32 s2, $0x0  }
0x61: {  	s3 =	rddreg [dreg:$0x2];
	[bflag:$0x3] =	sbarrier.arrive $0xFFFF;
	s2 =	simm.s32 @!p0 $0x1C01  }
0x62: {  	[timem:s3], [sflag:s2] =	dma.local @!p0 [hbm:s0], s1  }
0x63: {  	s0 =	simm.s32 @!p0 $0x1  }
0x64: {  	_ =	swait.ge @!p0 [sflag:s0], s1  }
0x65: {  	s1 =	ssub.s32 @!p0 $0x0, s1;
	[sflag:s0] =	ssyncset.done @!p0 $0x0  }
0x66: {  	[sflag:s0] =	ssyncadd.s32 @!p0 s1  }
0x67: {  	[bflag:$0x3] =	sbarrier.arrive $0xFFFF  }
0x68: {  	_ =	shalt  }

// kernel: gather_offload_async_start.2
scs
__scs_entry_jumppad:
0x0: {  	(pc) =	sbr.rel $0x88, $3  }
0x1: {  	(tag) =	ssettag $0x0;
	lr =	simm.s32 $0x1  }
0x2: {  	[smem:$0x3F9C] =	sst lr;
	_ =	strace $0xD0000000  }
0x3: {  	_ = 	snop  }
0x4: {  	_ = 	snop  }
0x5: {  	_ = 	snop  }
0x6: {  	_ = 	snop  }
0x7: {  	_ = 	snop  }
__scs_overlays_trampoline_lowered:
0x8: {  	[smem:$0x3FAB] =	sst s0  }
0x9: {  	[smem:$0x3FAC] =	sst s1  }
0xa: {  	[smem:$0x3FAD] =	sst s2  }
0xb: {  	[smem:$0x3FAE] =	sst s3  }
0xc: {  	[smem:$0x3FAF] =	sst s4  }
0xd: {  	[smem:$0x3FB0] =	sst s5  }
0xe: {  	[smem:$0x3FB1] =	sst s6  }
0xf: {  	[smem:$0x3FB2] =	sst s7  }
0x10: {  	[smem:$0x3FB3] =	sst s8  }
0x11: {  	[smem:$0x3FB4] =	sst s9;
	s0 =	simm.s32 @!p0 $0x0  }
0x12: {  	s1 =	sld [smem:$0x3F9A];
	s0 =	simm.s32 @p0 $0x1  }
0x13: {  	[smem:$0x3FB5] =	sst s0;
	s0 =	simm.s32 @!p1 $0x0  }
0x14: {  	s2 =	sld [smem:$0x3F99];
	s0 =	simm.s32 @p1 $0x1  }
0x15: {  	[smem:$0x3FB6] =	sst s0;
	s0 =	simm.s32 @!p2 $0x0  }
0x16: {  	s3 =	sld [smem:$0x3FDB];
	s0 =	simm.s32 @p2 $0x1  }
0x17: {  	s4 =	simm.s32 $0x1BF5;
	[smem:$0x3FB8] =	sst s0  }
0x18: {  	s0 =	sld [smem:$0x3F9B];
	_ =	swait.ge [sflag:s4], $0x0  }
0x19: {  	s7 =	sld [smem:$0x3F9C]  }
0x1a: {  	s8 =	sadd.s32 $0xFFFFE003, lr  }
0x1b: {  	s9 =	sadd.s32 $0xFFFFFEF7, lr;
	s5 =	simm.s32 $0xFFFFFFFF;
	p2 =	slt.u32 s8, $0xFFFFF086  }
0x1c: {  	p1 =	slt.u32 s9, $0xF7A;
	s5 =	simm.s32 @!p2 $0x0  }
0x1d: {  	s5 =	simm.s32 @p1 $0x1;
	p0 =	seq.s32 s7, s2  }
0x1e: {  	s7 =	smul.u32 @!p0 $0xF7A, s2;
	p2 =	seq.s32 @!p0 s5, $0x0  }
0x1f: {  	s9 =	smul.u32 $0xF7A, s1;
	s8 =	simm.s32 @!p0 $0x1BF5;
	p2 =	por !p2, p0  }
0x20: {  	[sflag:s8] =	ssyncset.s32 @!p0 $0xFFFFF086;
	s6 =	sadd.s32 @!p0 s3, s7;
	s7 =	simm.s32 @!p0 $0x108  }
0x21: {  	s3 =	sadd.s32 s3, s9;
	s6 =	sadd.s32 @!p0 $0x88, s6;
	s7 =	simm.s32 @p2 $0x1082  }
0x22: {  	[simem:s7], [sflag:s8] =	dma.local @!p0 [hbm:s6], $0xF7A  }
0x23: {  	s9 =	sor.u32 $0xD0000000, s2;
	s6 =	simm.s32 $0x108;
	_ =	swait.ge @!p0 [sflag:s8], $0x0  }
0x24: {  	s3 =	sadd.s32 $0x88, s3;
	s6 =	simm.s32 @!p1 $0x1082;
	[sflag:s4] =	ssyncset.s32 $0xFFFFF086  }
0x25: {  	[simem:s6], [sflag:s4] =	dma.local [hbm:s3], $0xF7A  }
0x26: {  	[smem:$0x3F9C] =	sst s1;
	(tag) =	ssettag s2;
	_ =	strace s9  }
0x27: {  	s1 =	sld [smem:$0x3FAC]  }
0x28: {  	s2 =	sld [smem:$0x3FAD]  }
0x29: {  	s4 =	sld [smem:$0x3FAF]  }
0x2a: {  	p0 =	seq.s32 s5, $0x0;
	s5 =	sld [smem:$0x3FB0]  }
0x2b: {  	s6 =	sld [smem:$0x3FB1]  }
0x2c: {  	s7 =	sld [smem:$0x3FB2]  }
0x2d: {  	s3 =	simm.s32 $0x108;
	s8 =	sld [smem:$0x3FB3]  }
0x2e: {  	s3 =	simm.s32 @!p0 $0x1082;
	s9 =	sld [smem:$0x3FB4]  }
0x2f: {  	lr =	sadd.s32 s0, s3;
	s0 =	sld [smem:$0x3FAB]  }
0x30: {  	s3 =	sld [smem:$0x3FAE]  }
0x31: {  	[smem:$0x3FB7] =	sst s10  }
0x32: {  	s10 =	sld [smem:$0x3FB5];
	_ =	sdelay $0x3  }
0x33: {  	p0 =	seq.s32 s10, $0x1;
	s10 =	sld [smem:$0x3FB7];
	_ =	sdelay $0x3  }
0x34: {  	[smem:$0x3FB7] =	sst s10  }
0x35: {  	s10 =	sld [smem:$0x3FB6];
	_ =	sdelay $0x3  }
0x36: {  	p1 =	seq.s32 s10, $0x1;
	s10 =	sld [smem:$0x3FB7];
	_ =	sdelay $0x3  }
0x37: {  	[smem:$0x3FB7] =	sst s10  }
0x38: {  	s10 =	sld [smem:$0x3FB8]  }
0x39: {  	_ = 	snop;
	(pc) =	sbr.ind lr, $3  }
0x3a: {  	_ = 	snop  }
0x3b: {  	_ = 	snop  }
0x3c: {  	p2 =	seq.s32 s10, $0x1;
	s10 =	sld [smem:$0x3FB7]  }
0x3d: {  	_ =	shalt  }
0x3e: {  	_ =	shalt  }
0x3f: {  	_ =	shalt  }
0x40: {  	_ =	shalt  }
0x41: {  	_ =	shalt  }
0x42: {  	_ =	shalt  }
0x43: {  	_ =	shalt  }
0x44: {  	_ =	shalt  }
0x45: {  	_ =	shalt  }
0x46: {  	_ =	shalt  }
0x47: {  	_ =	shalt  }
0x48: {  	_ =	shalt  }
0x49: {  	_ =	shalt  }
0x4a: {  	_ =	shalt  }
0x4b: {  	_ =	shalt  }
0x4c: {  	_ =	shalt  }
0x4d: {  	_ =	shalt  }
0x4e: {  	_ =	shalt  }
0x4f: {  	_ =	shalt  }
0x50: {  	_ =	shalt  }
0x51: {  	_ =	shalt  }
0x52: {  	_ =	shalt  }
0x53: {  	_ =	shalt  }
0x54: {  	_ =	shalt  }
0x55: {  	_ =	shalt  }
0x56: {  	_ =	shalt  }
0x57: {  	_ =	shalt  }
0x58: {  	_ =	shalt  }
0x59: {  	_ =	shalt  }
0x5a: {  	_ =	shalt  }
0x5b: {  	_ =	shalt  }
0x5c: {  	_ =	shalt  }
0x5d: {  	_ =	shalt  }
0x5e: {  	_ =	shalt  }
0x5f: {  	_ =	shalt  }
0x60: {  	_ =	shalt  }
0x61: {  	_ =	shalt  }
0x62: {  	_ =	shalt  }
0x63: {  	_ =	shalt  }
0x64: {  	_ =	shalt  }
0x65: {  	_ =	shalt  }
0x66: {  	_ =	shalt  }
0x67: {  	_ =	shalt  }
0x68: {  	_ =	shalt  }
0x69: {  	_ =	shalt  }
0x6a: {  	_ =	shalt  }
0x6b: {  	_ =	shalt  }
0x6c: {  	_ =	shalt  }
0x6d: {  	_ =	shalt  }
0x6e: {  	_ =	shalt  }
0x6f: {  	_ =	shalt  }
0x70: {  	_ =	shalt  }
0x71: {  	_ =	shalt  }
0x72: {  	_ =	shalt  }
0x73: {  	_ =	shalt  }
0x74: {  	_ =	shalt  }
0x75: {  	_ =	shalt  }
0x76: {  	_ =	shalt  }
0x77: {  	_ =	shalt  }
0x78: {  	_ =	shalt  }
0x79: {  	_ =	shalt  }
0x7a: {  	_ =	shalt  }
0x7b: {  	_ =	shalt  }
0x7c: {  	_ =	shalt  }
0x7d: {  	_ =	shalt  }
0x7e: {  	_ =	shalt  }
0x7f: {  	_ =	shalt  }
0x80: {  	_ =	shalt  }
0x81: {  	_ =	shalt  }
0x82: {  	_ =	shalt  }
0x83: {  	_ =	shalt  }
0x84: {  	_ =	shalt  }
0x85: {  	_ =	shalt  }
0x86: {  	_ =	shalt  }
0x87: {  	_ =	shalt  }
.Lfunc_end0:
.L_simem_size_0:
called_computation.4_lowered:
.L_overlay_start_0:
0x88: {  	s2 =	sld [smem:$0x3FD9]  }
0x89: {  	s3 =	sld [smem:$0x3FFE];
	_ =	sdelay $0x1  }
0x8a: {  	s1 =	srdreg.scid  }
0x8b: {  	s0 =	sand.u32 $0x1, s1  }
0x8c: {  	s15 =	sshll.u32 s0, $0xA;
	s2 =	sadd.s32 s3, s2  }
0x8d: {  	s2 =	sadd.s32 s2, s15  }
0x8e: {  	[smem:$0x3FC3] =	sst s2  }
0x8f: {  	_ = 	snop  }
0x90: {  	s2 =	sld [smem:$0x3FD0];
	_ =	sdelay $0x2  }
0x91: {  	s4 =	simm.s32 $0xD;
	s16 =	simm.s32 $0x10  }
0x92: {  	[smem:s16], [sflag:s4] =	dma.local [hbm:s2], $0x1  }
0x93: {  	_ =	swait.eq [sflag:s4], $0x1  }
0x94: {  	[sflag:s4] =	ssyncset.done $0x0  }
0x95: {  	s17 =	sld [smem:$0x12];
	[sflag:s4] =	ssyncadd.s32 $0xFFFFFFFF  }
0x96: {  	s18 =	sld [smem:$0x14];
	(tm) =	ssettm $0x1  }
0x97: {  	s19 =	sld [smem:$0x3FFB];
	_ =	sdelay $0x3  }
0x98: {  	_ =	strace s19  }
0x99: {  	s2 =	sld [smem:$0x3FFC];
	_ =	sdelay $0x3  }
0x9a: {  	_ =	strace s2  }
0x9b: {  	s2 =	sld [smem:$0x3FFD];
	_ =	sdelay $0x3  }
0x9c: {  	_ =	strace s2  }
0x9d: {  	_ =	strace $0x8FFFFFFF  }
0x9e: {  	s20 =	sld [smem:$0x3FDB];
	_ =	sdelay $0x1  }
0x9f: {  	s5 =	simm.s32 $_scs_section_size  }
0xa0: {  	s6 =	simm.s32 $_size__tile_overlayer_lowered;
	s7 =	simm.s32 $_tile_overlayer_lowered  }
0xa1: {  	s8 =	simm.s32 $0x1BFF;
	s21 =	sshll.u32 s7, $0x1;
	s5 =	sadd.s32 s5, s20  }
0xa2: {  	s22 =	simm.s32 $0x0;
	s6 =	sshll.u32 s6, $0x1;
	s7 =	sadd.s32 s21, s5  }
0xa3: {  	[timem:s22], [sflag:s8] =	dma.local [hbm:s7], s6  }
0xa4: {  	_ =	swait.ge [sflag:s8], s6  }
0xa5: {  	s6 =	ssub.s32 $0x0, s6;
	[sflag:s8] =	ssyncset.done $0x0  }
0xa6: {  	[sflag:s8] =	ssyncadd.s32 s6;
	_ =	sdelay $0x1  }
0xa7: {  	s23 =	simm.s32 $0x1B8B  }
0xa8: {  	_ =	swait.ge [sflag:s23], $0x1  }
0xa9: {  	[sflag:s23] =	ssyncset.done $0x0  }
0xaa: {  	[sflag:s23] =	ssyncadd.s32 $0xFFFFFFFF  }
0xab: {  	s6 =	sld [smem:$0x0]  }
0xac: {  	s7 =	sand.u32 $0xFFFFFFFE, s1  }
0xad: {  	p0 =	sne.s32 s1, s7  }
0xae: {  	s7 =	sshll.u32 @p0 s7, $0xE  }
0xaf: {  	s7 =	sadd.s32 @p0 $0x11B8D, s7;
	s8 =	sshll.u32 @p0 s6, $0x11  }
0xb0: {  	s7 =	sor.u32 @p0 s8, s7  }
0xb1: {  	[sflag:s7] =	ssyncadd.remote.s32 @p0 $0x1;
	_ =	sdelay $0x1  }
0xb2: {  	s7 =	simm.s32 @p0 $0x1B8D  }
0xb3: {  	_ =	swait.eq @p0 [sflag:s7], $0x1  }
0xb4: {  	[sflag:s7] =	ssyncadd.s32 @p0 $0xFFFFFFFF  }
0xb5: {  	s8 =	sshll.u32 @!p0 s1, $0xE  }
0xb6: {  	s8 =	sor.u32 @!p0 $0x4000, s8;
	s7 =	simm.s32 @!p0 $0x1B8D  }
0xb7: {  	s6 =	sshll.u32 @!p0 s6, $0x11;
	s8 =	sadd.s32 @!p0 $0x11B8D, s8;
	_ =	swait.eq @!p0 [sflag:s7], $0x1  }
0xb8: {  	s6 =	sor.u32 @!p0 s6, s8;
	[sflag:s7] =	ssyncadd.s32 @!p0 $0xFFFFFFFF  }
0xb9: {  	s25 =	simm.s32 $0x1B8E;
	s24 =	sld [smem:$0x3FFE];
	[sflag:s6] =	ssyncadd.remote.s32 @!p0 $0x1  }
0xba: {  	s26 =	simm.s32 $execute0_lowered;
	[smem:$0x3FD2] =	sst s25  }
0xbb: {  	s7 =	sshll.u32 s26, $0x1;
	_ =	strace $0x8000004C;
	[dreg:$0x1] =	wrdreg $0xFFFFFFFF  }
0xbc: {  	s28 =	simm.s32 $_size_execute0_lowered;
	s5 =	sadd.s32 s5, s7;
	[dreg:$0x0] =	wrdreg $0x0  }
0xbd: {  	s7 =	sshll.u32 s28, $0x1;
	[dreg:$0x2] =	wrdreg s5  }
0xbe: {  	[dreg:$0x3] =	wrdreg s7  }
0xbf: {  	[dreg:$0x4] =	wrdreg $0xC0  }
0xc0: {  	_ =	task [dreg:s22], $0x5FFFF  }
0xc1: {  	[dreg:$0x1] =	wrdreg $0xFFFFFFFF  }
0xc2: {  	[dreg:$0x0] =	wrdreg $0x60  }
0xc3: {  	[dreg:$0x2] =	wrdreg s24  }
0xc4: {  	[dreg:$0x3] =	wrdreg s17  }
0xc5: {  	[dreg:$0x4] =	wrdreg s18  }
0xc6: {  	[dreg:$0x5] =	wrdreg $0xB  }
0xc7: {  	_ =	task.clear_ibuf [dreg:s22], $0x6FFFF;
	_ =	strace $0x9000004C  }
0xc8: {  	s29 =	simm.s32 $0xB;
	_ =	strace $0x8000004E  }
0xc9: {  	_ =	swait.ge [sflag:s29], $0x1  }
0xca: {  	[sflag:s29] =	ssyncadd.s32 $0xFFFFFFFF  }
0xcb: {  	_ =	strace $0x9000004E  }
0xcc: {  	_ =	sfence  }
0xcd: {  	s30 =	sld [smem:$0x0];
	_ =	sdelay $0x2  }
0xce: {  	s31 =	sshll.u32 s1, $0xD;
	s1 =	sshrl.u32 s1, $0x2  }
0xcf: {  	s4 =	sand.u32 $0x4000, s31;
	s1 =	sadd.s32 s1, s30  }
0xd0: {  	s0 =	sor.u32 s4, s0;
	s1 =	sshll.u32 s1, $0x11  }
0xd1: {  	s0 =	sor.u32 s1, s0  }
0xd2: {  	s0 =	sadd.s32 $0x8F2B, s0  }
0xd3: {  	[sflag:s0] =	ssyncadd.remote.s32 $0x1  }
0xd4: {  	_ =	sfence.sel $0xFFFF  }
0xd5: {  	[dreg:$0x0] =	wrdreg $0xFFFFFFFF;
	(pc) =	sbr.abs _section_cstart, $3  }
0xd6: {  	[dreg:$0x1] =	wrdreg $0xFFFFFFFF  }
0xd7: {  	_ =	task.clear_ibuf [dreg:s22], $0x2FFFF;
	_ =	strace $0x9FFFFFFF  }
0xd8: {  	(tm) =	ssettm $0x7FFFFFFF  }
0xd9: {  	_ =	shalt  }
tec
execute0_lowered:
.L_overlay_start_1:
0x0: {  	(tag) =	ssettag $0x1  }
0x1: {  	s7 =	rddreg [dreg:$0x0]  }
0x2: {  	s2 =	rddreg [dreg:$0x1]  }
0x3: {  	s3 =	rddreg [dreg:$0x2]  }
0x4: {  	s0 =	rddreg [dreg:$0x3];
	s1 =	srdreg.scid;
	_ =	strace $0x8000004D  }
0x5: {  	s4 =	simm.s32 $0x1;
	s9 =	simm.s32 $0x3;
	s5 =	sshll.u32 s1, $0x4  }
.Ltmp0:
0x6: {  	s1 =	stileid.u32;
	s5 =	sand.u32 $0x10, s5;
	(pc) =	sbr.rel .LBB2_1-.Ltmp0, $4  }
0x7: {  	s12 =	simm.s32 $0x0;
	s10 =	simm.s32 $0x0;
	s6 =	sor.u32 s1, s5  }
0x8: {  	[sflag:s4] =	ssyncpa.u1 $0x0;
	s5 =	simm.s32 $0x2;
	s6 =	sshll.u32 s6, $0x7  }
0x9: {  	s7 =	sadd.s32 $0x50E00, s7;
	[sflag:s5] =	ssyncpa.u1 $0x0;
	s8 =	sadd.s32 $0x80, s6  }
0xa: {  	vm0 =	vmmov $0xff;
	vm1 =	vcmask $0x3F20;
	[sflag:s9] =	ssyncpa.u1 $0x0;
	s9 =	simm.s32 $0x80;
	s11 =	smov.u32 s6  }
.LBB2_9:
0xb: {  	p0 =	seq.s32 s10, $0x2  }
.Ltmp1:
0xc: {  	_ = 	snop;
	(pc) =	sbr.rel @p0 .LBB2_11-.Ltmp1, $1  }
0xd: {  	_ =	sdelay $0x3  }
.LBB2_10:
0xe: {  	s12 =	sadd.s32 $0x80, s11  }
0xf: {  	s13 =	smov.u32 s6;
	p0 =	slt.s32 s12, s8  }
0x10: {  	s13 =	smov.u32 @p0 s12  }
0x11: {  	s10 =	sadd.s32 $0x1, s10;
	s12 =	smov.u32 s11;
	s11 =	smov.u32 s13  }
.LBB2_1:
0x12: {  	p0 =	sne.s32 s10, $0x0  }
.Ltmp2:
0x13: {  	_ = 	snop;
	(pc) =	sbr.rel @!p0 .LBB2_2-.Ltmp2, $1  }
0x14: {  	_ =	sdelay $0x3  }
0x15: {  	s13 =	sand.u32 $0x1, s10  }
0x16: {  	p0 =	seq.s32 s13, $0x0  }
.Ltmp3:
0x17: {  	_ = 	snop;
	(pc) =	sbr.rel @p0 .LBB2_9-.Ltmp3, $1  }
0x18: {  	_ =	sdelay $0x3  }
0x19: {  	_ =	swait.ge [sflag:s5], $0x80  }
0x1a: {  	[sflag:s5] =	ssyncset.done $0x0  }
0x1b: {  	s13 =	simm.s32 $0x0;
	[sflag:s5] =	ssyncadd.s32 $0xFFFFFF80  }
0x1c: {  	v0 =	vld.msk [tilespmem:s13+$0x80 ss:$0x1], $0xffff;
	_ =	sdelay $0x4  }
0x1d: {  	v1 =	vshll.u32 v0, $0x5  }
0x1e: {  	vm2 =	veq.s32 v0, $0x80000000;
	v0 =	vshll.u32 v0, $0x12;
	v1 =	vand.u32 $0x3FF80, v1  }
0x1f: {  	v0 =	vand.u32 $0xC0000, v0;
	v1 =	vsel vm2, $0xFFFFFF80, v1  }
0x20: {  	v0 =	vsel vm2, $0xFFFC0000, v0;
	v2 =	vand.u32 $0xFFFFFC00, v1  }
0x21: {  	v1 =	vand.u32 $0x380, v1;
	v0 =	vadd.s32 v0, v2  }
0x22: {  	v0 =	vor.u32 v1, v0  }
0x23: {  	v0 =	vshrl.u32 v0, $0x3;
	_ =	sdelay $0x3  }
0x24: {  	s13 =	simm.s32 $0x4100  }
0x25: {  	[tilespmem:s13], [sflag:$0x1] =	stream.indirect_vreg.gather [hbm:s7], $0x80, v0, vm0, $0x38;
	[tilespmem:$0x8100] =	vst v63  }
0x26: {  	s14 =	simm.s32 $0x4500;
	s31 =	simm.s32 $0x10  }
0x27: {  	[tilespmem:s14], [sflag:$0x1] =	stream.indirect_vreg.gather [hbm:s7], $0x80, v0, vm1, $0x38;
	[tilespmem:$0x8100] =	vst v63  }
0x28: {  	s14 =	simm.s32 $0x80;
	v0 =	vld.msk [tilespmem:s31+$0x80 ss:$0x1], $0xffff  }
.LBB2_5:
0x29: {  	p0 =	sne.s32 s14, $0x1C0;
	_ =	sdelay $0x4  }
0x2a: {  	v1 =	vshll.u32 v0, $0x5  }
0x2b: {  	vm2 =	veq.s32 v0, $0x80000000;
	v0 =	vshll.u32 v0, $0x12;
	v1 =	vand.u32 $0x3FF80, v1  }
0x2c: {  	v0 =	vand.u32 $0xC0000, v0;
	v1 =	vsel vm2, $0xFFFFFF80, v1  }
0x2d: {  	v0 =	vsel vm2, $0xFFFC0000, v0;
	v2 =	vand.u32 $0xFFFFFC00, v1  }
0x2e: {  	v1 =	vand.u32 $0x380, v1;
	v0 =	vadd.s32 v0, v2  }
0x2f: {  	v0 =	vor.u32 v1, v0  }
0x30: {  	v0 =	vshrl.u32 v0, $0x3;
	_ =	sdelay $0x3  }
.Ltmp4:
0x31: {  	s13 =	sadd.s32 $0x800, s13;
	(pc) =	sbr.rel @p0 .LBB2_5-.Ltmp4, $4  }
0x32: {  	[tilespmem:s13], [sflag:$0x1] =	stream.indirect_vreg.gather [hbm:s7], $0x80, v0, vm0, $0x38;
	[tilespmem:$0x8100] =	vst v63  }
0x33: {  	s15 =	sshra.s32 s14, $0x2;
	s16 =	sadd.s32 $0x400, s13  }
0x34: {  	[tilespmem:s16], [sflag:$0x1] =	stream.indirect_vreg.gather [hbm:s7], $0x80, v0, vm1, $0x38;
	[tilespmem:$0x8100] =	vst v63  }
0x35: {  	s14 =	sadd.s32 $0x40, s14;
	v0 =	vld.msk [tilespmem:s15+$0x80 ss:$0x1], $0xffff  }
0x36: {  	_ =	sdelay $0x3  }
0x37: {  	v1 =	vshll.u32 v0, $0x5  }
0x38: {  	vm2 =	veq.s32 v0, $0x80000000;
	v63 =	vshll.u32 v0, $0x12;
	v1 =	vand.u32 $0x3FF80, v1  }
0x39: {  	v0 =	vand.u32 $0xC0000, v63;
	v1 =	vsel vm2, $0xFFFFFF80, v1  }
0x3a: {  	v0 =	vsel vm2, $0xFFFC0000, v0;
	v2 =	vand.u32 $0xFFFFFC00, v1  }
0x3b: {  	v1 =	vand.u32 $0x380, v1;
	v0 =	vadd.s32 v0, v2  }
0x3c: {  	v0 =	vor.u32 v1, v0  }
0x3d: {  	v0 =	vshrl.u32 v0, $0x3;
	_ =	sdelay $0x3  }
0x3e: {  	s13 =	sadd.s32 $0x800, s13  }
0x3f: {  	[tilespmem:s13], [sflag:$0x1] =	stream.indirect_vreg.gather [hbm:s7], $0x80, v0, vm0, $0x38;
	[tilespmem:$0x8100] =	vst v63  }
0x40: {  	s13 =	sadd.s32 $0x400, s13  }
0x41: {  	[tilespmem:s13], [sflag:$0x1] =	stream.indirect_vreg.gather [hbm:s7], $0x80, v0, vm1, $0x38;
	[tilespmem:$0x8100] =	vst v63  }
0x42: {  	s12 =	sshll.u32 s12, $0x4;
	s14 =	simm.s32 $0x80;
	_ =	swait.ge [sflag:s4], $0x4000  }
0x43: {  	s15 =	simm.s32 $0x4500;
	s12 =	sadd.s32 s12, s3;
	[sflag:s4] =	ssyncset.done $0x0  }
0x44: {  	s16 =	sadd.s32 $0x0, s12;
	s13 =	simm.s32 $0x4100;
	[sflag:s4] =	ssyncadd.s32 $0xFFFFC000  }
.LBB2_7:
0x45: {  	[hbm:s16] =	stream.linear.scatter [tilespmem:s13], [sflag:$0x3], $0x400, $0x38;
	[tilespmem:$0x8100] =	vst v63  }
0x46: {  	s16 =	smov.u32 s14;
	s13 =	smov.u32 s15;
	p0 =	sne.s32 s14, $0x780  }
.Ltmp5:
0x47: {  	s14 =	sadd.s32 $0x80, s14;
	(pc) =	sbr.rel @p0 .LBB2_7-.Ltmp5, $2  }
0x48: {  	_ =	sdelay $0x2  }
0x49: {  	s15 =	sadd.s32 $0x400, s15;
	s16 =	sadd.s32 s16, s12  }
.Ltmp6:
0x4a: {  	(pc) =	sbr.rel .LBB2_9-.Ltmp6, $2  }
0x4b: {  	_ =	sdelay $0x2  }
0x4c: {  	[hbm:s16] =	stream.linear.scatter [tilespmem:s13], [sflag:$0x3], $0x400, $0x38;
	[tilespmem:$0x8100] =	vst v63  }
.LBB2_2:
.Ltmp7:
0x4d: {  	(pc) =	sbr.rel .LBB2_10-.Ltmp7, $4  }
0x4e: {  	_ = 	snop  }
0x4f: {  	s12 =	sshrl.u32 s11, $0x3  }
0x50: {  	s13 =	sand.u32 $0x7, s11;
	s12 =	sadd.s32 s2, s12  }
0x51: {  	[tilespmem:s9], [sflag:$0x2] =	stream.linear.gather [hbm4b:s12+s13], $0x80, $0x38;
	[tilespmem:$0x8100] =	vst v63  }
.LBB2_11:
0x52: {  	s2 =	simm.s32 $0x3  }
0x53: {  	_ =	swait.ge [sflag:s2], $0x4000  }
0x54: {  	[sflag:s2] =	ssyncset.done $0x0  }
0x55: {  	[sflag:s2] =	ssyncadd.s32 $0xFFFFC000  }
0x56: {  	_ =	sfence.sel $0x180000  }
0x57: {  	s3 =	simm.s32 $0x2;
	[bflag:$0x0] =	sbarrier.arrive $0xFFFF  }
0x58: {  	[sflag:s3] =	ssyncpa.u1 $0x1  }
0x59: {  	s31 =	simm.s32 $0x1;
	[sflag:s2] =	ssyncpa.u1 $0x1  }
0x5a: {  	[sflag:s31] =	ssyncpa.u1 $0x1  }
0x5b: {  	p0 =	sne.s32 s1, $0x0;
	_ =	strace $0x9000004D  }
0x5c: {  	s0 =	sadd.s32 @!p0 $0x100000, s0;
	[bflag:$0x2] =	sbarrier.arrive $0xFFFF  }
0x5d: {  	[sflag:s0] =	ssyncadd.tile.s32 @!p0 $0x1;
	_ =	shalt  }
.Lfunc_end2:
_tile_overlayer_lowered:
.L_overlay_start_2:
0x5e: {  	(tag) =	ssettag $0x2  }
0x5f: {  	s0 =	rddreg [dreg:$0x0];
	s2 =	stileid.u32  }
0x60: {  	s1 =	rddreg [dreg:$0x1];
	p0 =	sne.s32 s2, $0x0  }
0x61: {  	s3 =	rddreg [dreg:$0x2];
	[bflag:$0x3] =	sbarrier.arrive $0xFFFF;
	s2 =	simm.s32 @!p0 $0x1C01  }
0x62: {  	[timem:s3], [sflag:s2] =	dma.local @!p0 [hbm:s0], s1  }
0x63: {  	s0 =	simm.s32 @!p0 $0x1  }
0x64: {  	_ =	swait.ge @!p0 [sflag:s0], s1  }
0x65: {  	s1 =	ssub.s32 @!p0 $0x0, s1;
	[sflag:s0] =	ssyncset.done @!p0 $0x0  }
0x66: {  	[sflag:s0] =	ssyncadd.s32 @!p0 s1  }
0x67: {  	[bflag:$0x3] =	sbarrier.arrive $0xFFFF  }
0x68: {  	_ =	shalt  }

// kernel: gather_offload_async_start.3
scs
__scs_entry_jumppad:
0x0: {  	(pc) =	sbr.rel $0x88, $3  }
0x1: {  	(tag) =	ssettag $0x0;
	lr =	simm.s32 $0x1  }
0x2: {  	[smem:$0x3F9C] =	sst lr;
	_ =	strace $0xD0000000  }
0x3: {  	_ = 	snop  }
0x4: {  	_ = 	snop  }
0x5: {  	_ = 	snop  }
0x6: {  	_ = 	snop  }
0x7: {  	_ = 	snop  }
__scs_overlays_trampoline_lowered:
0x8: {  	[smem:$0x3FAB] =	sst s0  }
0x9: {  	[smem:$0x3FAC] =	sst s1  }
0xa: {  	[smem:$0x3FAD] =	sst s2  }
0xb: {  	[smem:$0x3FAE] =	sst s3  }
0xc: {  	[smem:$0x3FAF] =	sst s4  }
0xd: {  	[smem:$0x3FB0] =	sst s5  }
0xe: {  	[smem:$0x3FB1] =	sst s6  }
0xf: {  	[smem:$0x3FB2] =	sst s7  }
0x10: {  	[smem:$0x3FB3] =	sst s8  }
0x11: {  	[smem:$0x3FB4] =	sst s9;
	s0 =	simm.s32 @!p0 $0x0  }
0x12: {  	s1 =	sld [smem:$0x3F9A];
	s0 =	simm.s32 @p0 $0x1  }
0x13: {  	[smem:$0x3FB5] =	sst s0;
	s0 =	simm.s32 @!p1 $0x0  }
0x14: {  	s2 =	sld [smem:$0x3F99];
	s0 =	simm.s32 @p1 $0x1  }
0x15: {  	[smem:$0x3FB6] =	sst s0;
	s0 =	simm.s32 @!p2 $0x0  }
0x16: {  	s3 =	sld [smem:$0x3FDB];
	s0 =	simm.s32 @p2 $0x1  }
0x17: {  	s4 =	simm.s32 $0x1BF5;
	[smem:$0x3FB8] =	sst s0  }
0x18: {  	s0 =	sld [smem:$0x3F9B];
	_ =	swait.ge [sflag:s4], $0x0  }
0x19: {  	s7 =	sld [smem:$0x3F9C]  }
0x1a: {  	s8 =	sadd.s32 $0xFFFFE003, lr  }
0x1b: {  	s9 =	sadd.s32 $0xFFFFFEF7, lr;
	s5 =	simm.s32 $0xFFFFFFFF;
	p2 =	slt.u32 s8, $0xFFFFF086  }
0x1c: {  	p1 =	slt.u32 s9, $0xF7A;
	s5 =	simm.s32 @!p2 $0x0  }
0x1d: {  	s5 =	simm.s32 @p1 $0x1;
	p0 =	seq.s32 s7, s2  }
0x1e: {  	s7 =	smul.u32 @!p0 $0xF7A, s2;
	p2 =	seq.s32 @!p0 s5, $0x0  }
0x1f: {  	s9 =	smul.u32 $0xF7A, s1;
	s8 =	simm.s32 @!p0 $0x1BF5;
	p2 =	por !p2, p0  }
0x20: {  	[sflag:s8] =	ssyncset.s32 @!p0 $0xFFFFF086;
	s6 =	sadd.s32 @!p0 s3, s7;
	s7 =	simm.s32 @!p0 $0x108  }
0x21: {  	s3 =	sadd.s32 s3, s9;
	s6 =	sadd.s32 @!p0 $0x88, s6;
	s7 =	simm.s32 @p2 $0x1082  }
0x22: {  	[simem:s7], [sflag:s8] =	dma.local @!p0 [hbm:s6], $0xF7A  }
0x23: {  	s9 =	sor.u32 $0xD0000000, s2;
	s6 =	simm.s32 $0x108;
	_ =	swait.ge @!p0 [sflag:s8], $0x0  }
0x24: {  	s3 =	sadd.s32 $0x88, s3;
	s6 =	simm.s32 @!p1 $0x1082;
	[sflag:s4] =	ssyncset.s32 $0xFFFFF086  }
0x25: {  	[simem:s6], [sflag:s4] =	dma.local [hbm:s3], $0xF7A  }
0x26: {  	[smem:$0x3F9C] =	sst s1;
	(tag) =	ssettag s2;
	_ =	strace s9  }
0x27: {  	s1 =	sld [smem:$0x3FAC]  }
0x28: {  	s2 =	sld [smem:$0x3FAD]  }
0x29: {  	s4 =	sld [smem:$0x3FAF]  }
0x2a: {  	p0 =	seq.s32 s5, $0x0;
	s5 =	sld [smem:$0x3FB0]  }
0x2b: {  	s6 =	sld [smem:$0x3FB1]  }
0x2c: {  	s7 =	sld [smem:$0x3FB2]  }
0x2d: {  	s3 =	simm.s32 $0x108;
	s8 =	sld [smem:$0x3FB3]  }
0x2e: {  	s3 =	simm.s32 @!p0 $0x1082;
	s9 =	sld [smem:$0x3FB4]  }
0x2f: {  	lr =	sadd.s32 s0, s3;
	s0 =	sld [smem:$0x3FAB]  }
0x30: {  	s3 =	sld [smem:$0x3FAE]  }
0x31: {  	[smem:$0x3FB7] =	sst s10  }
0x32: {  	s10 =	sld [smem:$0x3FB5];
	_ =	sdelay $0x3  }
0x33: {  	p0 =	seq.s32 s10, $0x1;
	s10 =	sld [smem:$0x3FB7];
	_ =	sdelay $0x3  }
0x34: {  	[smem:$0x3FB7] =	sst s10  }
0x35: {  	s10 =	sld [smem:$0x3FB6];
	_ =	sdelay $0x3  }
0x36: {  	p1 =	seq.s32 s10, $0x1;
	s10 =	sld [smem:$0x3FB7];
	_ =	sdelay $0x3  }
0x37: {  	[smem:$0x3FB7] =	sst s10  }
0x38: {  	s10 =	sld [smem:$0x3FB8]  }
0x39: {  	_ = 	snop;
	(pc) =	sbr.ind lr, $3  }
0x3a: {  	_ = 	snop  }
0x3b: {  	_ = 	snop  }
0x3c: {  	p2 =	seq.s32 s10, $0x1;
	s10 =	sld [smem:$0x3FB7]  }
0x3d: {  	_ =	shalt  }
0x3e: {  	_ =	shalt  }
0x3f: {  	_ =	shalt  }
0x40: {  	_ =	shalt  }
0x41: {  	_ =	shalt  }
0x42: {  	_ =	shalt  }
0x43: {  	_ =	shalt  }
0x44: {  	_ =	shalt  }
0x45: {  	_ =	shalt  }
0x46: {  	_ =	shalt  }
0x47: {  	_ =	shalt  }
0x48: {  	_ =	shalt  }
0x49: {  	_ =	shalt  }
0x4a: {  	_ =	shalt  }
0x4b: {  	_ =	shalt  }
0x4c: {  	_ =	shalt  }
0x4d: {  	_ =	shalt  }
0x4e: {  	_ =	shalt  }
0x4f: {  	_ =	shalt  }
0x50: {  	_ =	shalt  }
0x51: {  	_ =	shalt  }
0x52: {  	_ =	shalt  }
0x53: {  	_ =	shalt  }
0x54: {  	_ =	shalt  }
0x55: {  	_ =	shalt  }
0x56: {  	_ =	shalt  }
0x57: {  	_ =	shalt  }
0x58: {  	_ =	shalt  }
0x59: {  	_ =	shalt  }
0x5a: {  	_ =	shalt  }
0x5b: {  	_ =	shalt  }
0x5c: {  	_ =	shalt  }
0x5d: {  	_ =	shalt  }
0x5e: {  	_ =	shalt  }
0x5f: {  	_ =	shalt  }
0x60: {  	_ =	shalt  }
0x61: {  	_ =	shalt  }
0x62: {  	_ =	shalt  }
0x63: {  	_ =	shalt  }
0x64: {  	_ =	shalt  }
0x65: {  	_ =	shalt  }
0x66: {  	_ =	shalt  }
0x67: {  	_ =	shalt  }
0x68: {  	_ =	shalt  }
0x69: {  	_ =	shalt  }
0x6a: {  	_ =	shalt  }
0x6b: {  	_ =	shalt  }
0x6c: {  	_ =	shalt  }
0x6d: {  	_ =	shalt  }
0x6e: {  	_ =	shalt  }
0x6f: {  	_ =	shalt  }
0x70: {  	_ =	shalt  }
0x71: {  	_ =	shalt  }
0x72: {  	_ =	shalt  }
0x73: {  	_ =	shalt  }
0x74: {  	_ =	shalt  }
0x75: {  	_ =	shalt  }
0x76: {  	_ =	shalt  }
0x77: {  	_ =	shalt  }
0x78: {  	_ =	shalt  }
0x79: {  	_ =	shalt  }
0x7a: {  	_ =	shalt  }
0x7b: {  	_ =	shalt  }
0x7c: {  	_ =	shalt  }
0x7d: {  	_ =	shalt  }
0x7e: {  	_ =	shalt  }
0x7f: {  	_ =	shalt  }
0x80: {  	_ =	shalt  }
0x81: {  	_ =	shalt  }
0x82: {  	_ =	shalt  }
0x83: {  	_ =	shalt  }
0x84: {  	_ =	shalt  }
0x85: {  	_ =	shalt  }
0x86: {  	_ =	shalt  }
0x87: {  	_ =	shalt  }
.Lfunc_end0:
.L_simem_size_0:
called_computation.5_lowered:
.L_overlay_start_0:
0x88: {  	s2 =	sld [smem:$0x3FD9]  }
0x89: {  	s3 =	sld [smem:$0x3FFE];
	_ =	sdelay $0x1  }
0x8a: {  	s1 =	srdreg.scid  }
0x8b: {  	s0 =	sand.u32 $0x1, s1  }
0x8c: {  	s16 =	sshll.u32 s0, $0xA;
	s2 =	sadd.s32 s3, s2  }
0x8d: {  	s2 =	sadd.s32 s2, s16  }
0x8e: {  	[smem:$0x3FC3] =	sst s2  }
0x8f: {  	_ = 	snop  }
0x90: {  	(tm) =	ssettm $0x1  }
0x91: {  	s17 =	sld [smem:$0x3FFB];
	_ =	sdelay $0x3  }
0x92: {  	_ =	strace s17  }
0x93: {  	s2 =	sld [smem:$0x3FFC];
	_ =	sdelay $0x3  }
0x94: {  	_ =	strace s2  }
0x95: {  	s2 =	sld [smem:$0x3FFD];
	_ =	sdelay $0x3  }
0x96: {  	_ =	strace s2  }
0x97: {  	_ =	strace $0x8FFFFFFF  }
0x98: {  	s18 =	sld [smem:$0x3FDB];
	_ =	sdelay $0x1  }
0x99: {  	s19 =	simm.s32 $_scs_section_size  }
0x9a: {  	s4 =	simm.s32 $_size__tile_overlayer_lowered;
	s5 =	simm.s32 $_tile_overlayer_lowered  }
0x9b: {  	s22 =	simm.s32 $0x1BFF;
	s21 =	sshll.u32 s5, $0x1;
	s2 =	sadd.s32 s19, s18  }
0x9c: {  	s6 =	simm.s32 $0x0;
	s20 =	sshll.u32 s4, $0x1;
	s4 =	sadd.s32 s21, s2  }
0x9d: {  	[timem:s6], [sflag:s22] =	dma.local [hbm:s4], s20  }
0x9e: {  	_ =	swait.ge [sflag:s22], s20  }
0x9f: {  	s3 =	ssub.s32 $0x0, s20;
	[sflag:s22] =	ssyncset.done $0x0  }
0xa0: {  	[sflag:s22] =	ssyncadd.s32 s3;
	_ =	sdelay $0x1  }
0xa1: {  	s23 =	simm.s32 $0x1B8B  }
0xa2: {  	_ =	swait.ge [sflag:s23], $0x1  }
0xa3: {  	[sflag:s23] =	ssyncset.done $0x0  }
0xa4: {  	s25 =	simm.s32 $0x1B8E;
	s24 =	sld [smem:$0x3FFE];
	[sflag:s23] =	ssyncadd.s32 $0xFFFFFFFF  }
0xa5: {  	s26 =	simm.s32 $execute0_lowered;
	[smem:$0x3FD2] =	sst s25  }
0xa6: {  	s4 =	sshll.u32 s26, $0x1;
	_ =	strace $0x80000049;
	[dreg:$0x1] =	wrdreg $0xFFFFFFFF  }
0xa7: {  	s28 =	simm.s32 $_size_execute0_lowered;
	s2 =	sadd.s32 s2, s4;
	[dreg:$0x0] =	wrdreg $0x0  }
0xa8: {  	s4 =	sshll.u32 s28, $0x1;
	[dreg:$0x2] =	wrdreg s2  }
0xa9: {  	[dreg:$0x3] =	wrdreg s4  }
0xaa: {  	[dreg:$0x4] =	wrdreg $0xC0  }
0xab: {  	_ =	task [dreg:s6], $0x5FFFF  }
0xac: {  	[dreg:$0x1] =	wrdreg $0xFFFFFFFF  }
0xad: {  	[dreg:$0x0] =	wrdreg $0x60  }
0xae: {  	[dreg:$0x2] =	wrdreg s24  }
0xaf: {  	[dreg:$0x3] =	wrdreg $0xC  }
0xb0: {  	_ =	task.clear_ibuf [dreg:s6], $0x4FFFF;
	_ =	strace $0x90000049  }
0xb1: {  	s29 =	simm.s32 $0xC;
	_ =	strace $0x8000004B  }
0xb2: {  	_ =	swait.ge [sflag:s29], $0x1  }
0xb3: {  	[sflag:s29] =	ssyncadd.s32 $0xFFFFFFFF  }
0xb4: {  	_ =	strace $0x9000004B  }
0xb5: {  	_ =	sfence  }
0xb6: {  	s30 =	sld [smem:$0x0];
	_ =	sdelay $0x2  }
0xb7: {  	s31 =	sshll.u32 s1, $0xD;
	s1 =	sshrl.u32 s1, $0x2  }
0xb8: {  	s3 =	sand.u32 $0x4000, s31;
	s1 =	sadd.s32 s1, s30  }
0xb9: {  	s0 =	sor.u32 s3, s0;
	s1 =	sshll.u32 s1, $0x11  }
0xba: {  	s0 =	sor.u32 s1, s0  }
0xbb: {  	s0 =	sadd.s32 $0x8F2B, s0  }
0xbc: {  	[sflag:s0] =	ssyncadd.remote.s32 $0x1  }
0xbd: {  	_ =	sfence.sel $0xFFFF  }
0xbe: {  	[dreg:$0x0] =	wrdreg $0xFFFFFFFF;
	(pc) =	sbr.abs _section_cstart, $3  }
0xbf: {  	[dreg:$0x1] =	wrdreg $0xFFFFFFFF  }
0xc0: {  	_ =	task.clear_ibuf [dreg:s6], $0x2FFFF;
	_ =	strace $0x9FFFFFFF  }
0xc1: {  	(tm) =	ssettm $0x7FFFFFFF  }
tec
execute0_lowered:
.L_overlay_start_1:
0x0: {  	(tag) =	ssettag $0x1  }
0x1: {  	s7 =	rddreg [dreg:$0x0]  }
0x2: {  	s0 =	rddreg [dreg:$0x1];
	_ =	strace $0x8000004A  }
0x3: {  	s1 =	srdreg.scid;
	s4 =	simm.s32 $0x1;
	s9 =	simm.s32 $0x3  }
0x4: {  	s12 =	simm.s32 $0x0;
	s10 =	simm.s32 $0x0;
	s5 =	sshll.u32 s1, $0x4  }
.Ltmp0:
0x5: {  	s1 =	stileid.u32;
	s5 =	sand.u32 $0x10, s5;
	(pc) =	sbr.rel .LBB2_1-.Ltmp0, $4  }
0x6: {  	s2 =	sadd.s32 $0x20E00, s7;
	s3 =	sadd.s32 $0x871000, s7;
	s6 =	sor.u32 s1, s5  }
0x7: {  	[sflag:s4] =	ssyncpa.u1 $0x0;
	s5 =	simm.s32 $0x2;
	s6 =	sshll.u32 s6, $0x6  }
0x8: {  	s7 =	sadd.s32 $0x871200, s7;
	[sflag:s5] =	ssyncpa.u1 $0x0;
	s8 =	sadd.s32 $0x40, s6  }
0x9: {  	vm0 =	vmmov $0xff;
	vm1 =	vcmask $0x3F20;
	[sflag:s9] =	ssyncpa.u1 $0x0;
	s9 =	simm.s32 $0x40;
	s11 =	smov.u32 s6  }
.LBB2_9:
0xa: {  	p0 =	seq.s32 s10, $0x2  }
.Ltmp1:
0xb: {  	_ = 	snop;
	(pc) =	sbr.rel @p0 .LBB2_11-.Ltmp1, $1  }
0xc: {  	_ =	sdelay $0x3  }
.LBB2_10:
0xd: {  	s12 =	sadd.s32 $0x40, s11  }
0xe: {  	s13 =	smov.u32 s6;
	p0 =	slt.s32 s12, s8  }
0xf: {  	s13 =	smov.u32 @p0 s12  }
0x10: {  	s10 =	sadd.s32 $0x1, s10;
	s12 =	smov.u32 s11;
	s11 =	smov.u32 s13  }
.LBB2_1:
0x11: {  	p0 =	sne.s32 s10, $0x0  }
.Ltmp2:
0x12: {  	_ = 	snop;
	(pc) =	sbr.rel @!p0 .LBB2_2-.Ltmp2, $1  }
0x13: {  	_ =	sdelay $0x3  }
0x14: {  	s13 =	sand.u32 $0x1, s10  }
0x15: {  	p0 =	seq.s32 s13, $0x0  }
.Ltmp3:
0x16: {  	_ = 	snop;
	(pc) =	sbr.rel @p0 .LBB2_9-.Ltmp3, $1  }
0x17: {  	_ =	sdelay $0x3  }
0x18: {  	_ =	swait.ge [sflag:s5], $0x40  }
0x19: {  	[sflag:s5] =	ssyncset.done $0x0  }
0x1a: {  	s13 =	simm.s32 $0x0;
	[sflag:s5] =	ssyncadd.s32 $0xFFFFFFC0  }
0x1b: {  	v0 =	vld.msk [tilespmem:s13+$0x40 ss:$0x1], $0xffff;
	_ =	sdelay $0x4  }
0x1c: {  	v1 =	vshll.u32 v0, $0x5  }
0x1d: {  	vm2 =	veq.s32 v0, $0x80000000;
	v0 =	vshll.u32 v0, $0x11;
	v1 =	vand.u32 $0x1FF80, v1  }
0x1e: {  	v0 =	vand.u32 $0x60000, v0;
	v1 =	vsel vm2, $0xFFFFFF80, v1  }
0x1f: {  	v0 =	vsel vm2, $0xFFFE0000, v0;
	v2 =	vand.u32 $0xFFFFFC00, v1  }
0x20: {  	v1 =	vand.u32 $0x380, v1;
	v0 =	vadd.s32 v0, v2  }
0x21: {  	v0 =	vor.u32 v1, v0  }
0x22: {  	v0 =	vshrl.u32 v0, $0x3;
	_ =	sdelay $0x3  }
0x23: {  	s13 =	simm.s32 $0x2080  }
0x24: {  	[tilespmem:s13], [sflag:$0x1] =	stream.indirect_vreg.gather [hbm:s2], $0x80, v0, vm0, $0x38;
	[tilespmem:$0x4080] =	vst v63  }
0x25: {  	s14 =	simm.s32 $0x2480;
	s31 =	simm.s32 $0x10  }
0x26: {  	[tilespmem:s14], [sflag:$0x1] =	stream.indirect_vreg.gather [hbm:s2], $0x80, v0, vm1, $0x38;
	[tilespmem:$0x4080] =	vst v63  }
0x27: {  	s14 =	simm.s32 $0x80;
	v0 =	vld.msk [tilespmem:s31+$0x40 ss:$0x1], $0xffff  }
.LBB2_5:
0x28: {  	p0 =	sne.s32 s14, $0xC0;
	_ =	sdelay $0x4  }
0x29: {  	v1 =	vshll.u32 v0, $0x5  }
0x2a: {  	vm2 =	veq.s32 v0, $0x80000000;
	v0 =	vshll.u32 v0, $0x11;
	v1 =	vand.u32 $0x1FF80, v1  }
0x2b: {  	v0 =	vand.u32 $0x60000, v0;
	v1 =	vsel vm2, $0xFFFFFF80, v1  }
0x2c: {  	v0 =	vsel vm2, $0xFFFE0000, v0;
	v2 =	vand.u32 $0xFFFFFC00, v1  }
0x2d: {  	v1 =	vand.u32 $0x380, v1;
	v0 =	vadd.s32 v0, v2  }
0x2e: {  	v0 =	vor.u32 v1, v0  }
0x2f: {  	v0 =	vshrl.u32 v0, $0x3;
	_ =	sdelay $0x3  }
.Ltmp4:
0x30: {  	s13 =	sadd.s32 $0x800, s13;
	(pc) =	sbr.rel @p0 .LBB2_5-.Ltmp4, $4  }
0x31: {  	[tilespmem:s13], [sflag:$0x1] =	stream.indirect_vreg.gather [hbm:s2], $0x80, v0, vm0, $0x38;
	[tilespmem:$0x4080] =	vst v63  }
0x32: {  	s15 =	sshra.s32 s14, $0x2;
	s16 =	sadd.s32 $0x400, s13  }
0x33: {  	[tilespmem:s16], [sflag:$0x1] =	stream.indirect_vreg.gather [hbm:s2], $0x80, v0, vm1, $0x38;
	[tilespmem:$0x4080] =	vst v63  }
0x34: {  	s14 =	sadd.s32 $0x40, s14;
	v0 =	vld.msk [tilespmem:s15+$0x40 ss:$0x1], $0xffff  }
0x35: {  	_ =	sdelay $0x3  }
0x36: {  	v1 =	vshll.u32 v0, $0x5  }
0x37: {  	vm2 =	veq.s32 v0, $0x80000000;
	v63 =	vshll.u32 v0, $0x11;
	v1 =	vand.u32 $0x1FF80, v1  }
0x38: {  	v0 =	vand.u32 $0x60000, v63;
	v1 =	vsel vm2, $0xFFFFFF80, v1  }
0x39: {  	v0 =	vsel vm2, $0xFFFE0000, v0;
	v2 =	vand.u32 $0xFFFFFC00, v1  }
0x3a: {  	v1 =	vand.u32 $0x380, v1;
	v0 =	vadd.s32 v0, v2  }
0x3b: {  	v0 =	vor.u32 v1, v0  }
0x3c: {  	v0 =	vshrl.u32 v0, $0x3;
	_ =	sdelay $0x3  }
0x3d: {  	s13 =	sadd.s32 $0x800, s13  }
0x3e: {  	[tilespmem:s13], [sflag:$0x1] =	stream.indirect_vreg.gather [hbm:s2], $0x80, v0, vm0, $0x38;
	[tilespmem:$0x4080] =	vst v63  }
0x3f: {  	s13 =	sadd.s32 $0x400, s13  }
0x40: {  	[tilespmem:s13], [sflag:$0x1] =	stream.indirect_vreg.gather [hbm:s2], $0x80, v0, vm1, $0x38;
	[tilespmem:$0x4080] =	vst v63  }
0x41: {  	s12 =	sshll.u32 s12, $0x4;
	s14 =	simm.s32 $0x80;
	_ =	swait.ge [sflag:s4], $0x2000  }
0x42: {  	s15 =	simm.s32 $0x2480;
	s12 =	sadd.s32 s12, s7;
	[sflag:s4] =	ssyncset.done $0x0  }
0x43: {  	s16 =	sadd.s32 $0x0, s12;
	s13 =	simm.s32 $0x2080;
	[sflag:s4] =	ssyncadd.s32 $0xFFFFE000  }
.LBB2_7:
0x44: {  	[hbm:s16] =	stream.linear.scatter [tilespmem:s13], [sflag:$0x3], $0x400, $0x38;
	[tilespmem:$0x4080] =	vst v63  }
0x45: {  	s16 =	smov.u32 s14;
	s13 =	smov.u32 s15;
	p0 =	sne.s32 s14, $0x380  }
.Ltmp5:
0x46: {  	s14 =	sadd.s32 $0x80, s14;
	(pc) =	sbr.rel @p0 .LBB2_7-.Ltmp5, $2  }
0x47: {  	_ =	sdelay $0x2  }
0x48: {  	s15 =	sadd.s32 $0x400, s15;
	s16 =	sadd.s32 s16, s12  }
.Ltmp6:
0x49: {  	(pc) =	sbr.rel .LBB2_9-.Ltmp6, $2  }
0x4a: {  	_ =	sdelay $0x2  }
0x4b: {  	[hbm:s16] =	stream.linear.scatter [tilespmem:s13], [sflag:$0x3], $0x400, $0x38;
	[tilespmem:$0x4080] =	vst v63  }
.LBB2_2:
.Ltmp7:
0x4c: {  	(pc) =	sbr.rel .LBB2_10-.Ltmp7, $4  }
0x4d: {  	_ = 	snop  }
0x4e: {  	s12 =	sshrl.u32 s11, $0x3  }
0x4f: {  	s13 =	sand.u32 $0x7, s11;
	s12 =	sadd.s32 s3, s12  }
0x50: {  	[tilespmem:s9], [sflag:$0x2] =	stream.linear.gather [hbm4b:s12+s13], $0x40, $0x38;
	[tilespmem:$0x4080] =	vst v63  }
.LBB2_11:
0x51: {  	s2 =	simm.s32 $0x3  }
0x52: {  	_ =	swait.ge [sflag:s2], $0x2000  }
0x53: {  	[sflag:s2] =	ssyncset.done $0x0  }
0x54: {  	[sflag:s2] =	ssyncadd.s32 $0xFFFFE000  }
0x55: {  	_ =	sfence.sel $0x180000  }
0x56: {  	s3 =	simm.s32 $0x2;
	[bflag:$0x0] =	sbarrier.arrive $0xFFFF  }
0x57: {  	[sflag:s3] =	ssyncpa.u1 $0x1  }
0x58: {  	s31 =	simm.s32 $0x1;
	[sflag:s2] =	ssyncpa.u1 $0x1  }
0x59: {  	[sflag:s31] =	ssyncpa.u1 $0x1  }
0x5a: {  	p0 =	sne.s32 s1, $0x0;
	_ =	strace $0x9000004A  }
0x5b: {  	s0 =	sadd.s32 @!p0 $0x100000, s0;
	[bflag:$0x2] =	sbarrier.arrive $0xFFFF  }
0x5c: {  	[sflag:s0] =	ssyncadd.tile.s32 @!p0 $0x1;
	_ =	shalt  }
.Lfunc_end2:
_tile_overlayer_lowered:
.L_overlay_start_2:
0x5d: {  	(tag) =	ssettag $0x2  }
0x5e: {  	s0 =	rddreg [dreg:$0x0];
	s2 =	stileid.u32  }
0x5f: {  	s1 =	rddreg [dreg:$0x1];
	p0 =	sne.s32 s2, $0x0  }
0x60: {  	s3 =	rddreg [dreg:$0x2];
	[bflag:$0x3] =	sbarrier.arrive $0xFFFF;
	s2 =	simm.s32 @!p0 $0x1C01  }
0x61: {  	[timem:s3], [sflag:s2] =	dma.local @!p0 [hbm:s0], s1  }
0x62: {  	s0 =	simm.s32 @!p0 $0x1  }
0x63: {  	_ =	swait.ge @!p0 [sflag:s0], s1  }
0x64: {  	s1 =	ssub.s32 @!p0 $0x0, s1;
	[sflag:s0] =	ssyncset.done @!p0 $0x0  }
0x65: {  	[sflag:s0] =	ssyncadd.s32 @!p0 s1  }
0x66: {  	[bflag:$0x3] =	sbarrier.arrive $0xFFFF  }
0x67: {  	_ =	shalt  }

// kernel: gather_offload_async_start.4
scs
__scs_entry_jumppad:
0x0: {  	(pc) =	sbr.rel $0x88, $3  }
0x1: {  	(tag) =	ssettag $0x0;
	lr =	simm.s32 $0x1  }
0x2: {  	[smem:$0x3F9C] =	sst lr;
	_ =	strace $0xD0000000  }
0x3: {  	_ = 	snop  }
0x4: {  	_ = 	snop  }
0x5: {  	_ = 	snop  }
0x6: {  	_ = 	snop  }
0x7: {  	_ = 	snop  }
__scs_overlays_trampoline_lowered:
0x8: {  	[smem:$0x3FAB] =	sst s0  }
0x9: {  	[smem:$0x3FAC] =	sst s1  }
0xa: {  	[smem:$0x3FAD] =	sst s2  }
0xb: {  	[smem:$0x3FAE] =	sst s3  }
0xc: {  	[smem:$0x3FAF] =	sst s4  }
0xd: {  	[smem:$0x3FB0] =	sst s5  }
0xe: {  	[smem:$0x3FB1] =	sst s6  }
0xf: {  	[smem:$0x3FB2] =	sst s7  }
0x10: {  	[smem:$0x3FB3] =	sst s8  }
0x11: {  	[smem:$0x3FB4] =	sst s9;
	s0 =	simm.s32 @!p0 $0x0  }
0x12: {  	s1 =	sld [smem:$0x3F9A];
	s0 =	simm.s32 @p0 $0x1  }
0x13: {  	[smem:$0x3FB5] =	sst s0;
	s0 =	simm.s32 @!p1 $0x0  }
0x14: {  	s2 =	sld [smem:$0x3F99];
	s0 =	simm.s32 @p1 $0x1  }
0x15: {  	[smem:$0x3FB6] =	sst s0;
	s0 =	simm.s32 @!p2 $0x0  }
0x16: {  	s3 =	sld [smem:$0x3FDB];
	s0 =	simm.s32 @p2 $0x1  }
0x17: {  	s4 =	simm.s32 $0x1BF5;
	[smem:$0x3FB8] =	sst s0  }
0x18: {  	s0 =	sld [smem:$0x3F9B];
	_ =	swait.ge [sflag:s4], $0x0  }
0x19: {  	s7 =	sld [smem:$0x3F9C]  }
0x1a: {  	s8 =	sadd.s32 $0xFFFFE003, lr  }
0x1b: {  	s9 =	sadd.s32 $0xFFFFFEF7, lr;
	s5 =	simm.s32 $0xFFFFFFFF;
	p2 =	slt.u32 s8, $0xFFFFF086  }
0x1c: {  	p1 =	slt.u32 s9, $0xF7A;
	s5 =	simm.s32 @!p2 $0x0  }
0x1d: {  	s5 =	simm.s32 @p1 $0x1;
	p0 =	seq.s32 s7, s2  }
0x1e: {  	s7 =	smul.u32 @!p0 $0xF7A, s2;
	p2 =	seq.s32 @!p0 s5, $0x0  }
0x1f: {  	s9 =	smul.u32 $0xF7A, s1;
	s8 =	simm.s32 @!p0 $0x1BF5;
	p2 =	por !p2, p0  }
0x20: {  	[sflag:s8] =	ssyncset.s32 @!p0 $0xFFFFF086;
	s6 =	sadd.s32 @!p0 s3, s7;
	s7 =	simm.s32 @!p0 $0x108  }
0x21: {  	s3 =	sadd.s32 s3, s9;
	s6 =	sadd.s32 @!p0 $0x88, s6;
	s7 =	simm.s32 @p2 $0x1082  }
0x22: {  	[simem:s7], [sflag:s8] =	dma.local @!p0 [hbm:s6], $0xF7A  }
0x23: {  	s9 =	sor.u32 $0xD0000000, s2;
	s6 =	simm.s32 $0x108;
	_ =	swait.ge @!p0 [sflag:s8], $0x0  }
0x24: {  	s3 =	sadd.s32 $0x88, s3;
	s6 =	simm.s32 @!p1 $0x1082;
	[sflag:s4] =	ssyncset.s32 $0xFFFFF086  }
0x25: {  	[simem:s6], [sflag:s4] =	dma.local [hbm:s3], $0xF7A  }
0x26: {  	[smem:$0x3F9C] =	sst s1;
	(tag) =	ssettag s2;
	_ =	strace s9  }
0x27: {  	s1 =	sld [smem:$0x3FAC]  }
0x28: {  	s2 =	sld [smem:$0x3FAD]  }
0x29: {  	s4 =	sld [smem:$0x3FAF]  }
0x2a: {  	p0 =	seq.s32 s5, $0x0;
	s5 =	sld [smem:$0x3FB0]  }
0x2b: {  	s6 =	sld [smem:$0x3FB1]  }
0x2c: {  	s7 =	sld [smem:$0x3FB2]  }
0x2d: {  	s3 =	simm.s32 $0x108;
	s8 =	sld [smem:$0x3FB3]  }
0x2e: {  	s3 =	simm.s32 @!p0 $0x1082;
	s9 =	sld [smem:$0x3FB4]  }
0x2f: {  	lr =	sadd.s32 s0, s3;
	s0 =	sld [smem:$0x3FAB]  }
0x30: {  	s3 =	sld [smem:$0x3FAE]  }
0x31: {  	[smem:$0x3FB7] =	sst s10  }
0x32: {  	s10 =	sld [smem:$0x3FB5];
	_ =	sdelay $0x3  }
0x33: {  	p0 =	seq.s32 s10, $0x1;
	s10 =	sld [smem:$0x3FB7];
	_ =	sdelay $0x3  }
0x34: {  	[smem:$0x3FB7] =	sst s10  }
0x35: {  	s10 =	sld [smem:$0x3FB6];
	_ =	sdelay $0x3  }
0x36: {  	p1 =	seq.s32 s10, $0x1;
	s10 =	sld [smem:$0x3FB7];
	_ =	sdelay $0x3  }
0x37: {  	[smem:$0x3FB7] =	sst s10  }
0x38: {  	s10 =	sld [smem:$0x3FB8]  }
0x39: {  	_ = 	snop;
	(pc) =	sbr.ind lr, $3  }
0x3a: {  	_ = 	snop  }
0x3b: {  	_ = 	snop  }
0x3c: {  	p2 =	seq.s32 s10, $0x1;
	s10 =	sld [smem:$0x3FB7]  }
0x3d: {  	_ =	shalt  }
0x3e: {  	_ =	shalt  }
0x3f: {  	_ =	shalt  }
0x40: {  	_ =	shalt  }
0x41: {  	_ =	shalt  }
0x42: {  	_ =	shalt  }
0x43: {  	_ =	shalt  }
0x44: {  	_ =	shalt  }
0x45: {  	_ =	shalt  }
0x46: {  	_ =	shalt  }
0x47: {  	_ =	shalt  }
0x48: {  	_ =	shalt  }
0x49: {  	_ =	shalt  }
0x4a: {  	_ =	shalt  }
0x4b: {  	_ =	shalt  }
0x4c: {  	_ =	shalt  }
0x4d: {  	_ =	shalt  }
0x4e: {  	_ =	shalt  }
0x4f: {  	_ =	shalt  }
0x50: {  	_ =	shalt  }
0x51: {  	_ =	shalt  }
0x52: {  	_ =	shalt  }
0x53: {  	_ =	shalt  }
0x54: {  	_ =	shalt  }
0x55: {  	_ =	shalt  }
0x56: {  	_ =	shalt  }
0x57: {  	_ =	shalt  }
0x58: {  	_ =	shalt  }
0x59: {  	_ =	shalt  }
0x5a: {  	_ =	shalt  }
0x5b: {  	_ =	shalt  }
0x5c: {  	_ =	shalt  }
0x5d: {  	_ =	shalt  }
0x5e: {  	_ =	shalt  }
0x5f: {  	_ =	shalt  }
0x60: {  	_ =	shalt  }
0x61: {  	_ =	shalt  }
0x62: {  	_ =	shalt  }
0x63: {  	_ =	shalt  }
0x64: {  	_ =	shalt  }
0x65: {  	_ =	shalt  }
0x66: {  	_ =	shalt  }
0x67: {  	_ =	shalt  }
0x68: {  	_ =	shalt  }
0x69: {  	_ =	shalt  }
0x6a: {  	_ =	shalt  }
0x6b: {  	_ =	shalt  }
0x6c: {  	_ =	shalt  }
0x6d: {  	_ =	shalt  }
0x6e: {  	_ =	shalt  }
0x6f: {  	_ =	shalt  }
0x70: {  	_ =	shalt  }
0x71: {  	_ =	shalt  }
0x72: {  	_ =	shalt  }
0x73: {  	_ =	shalt  }
0x74: {  	_ =	shalt  }
0x75: {  	_ =	shalt  }
0x76: {  	_ =	shalt  }
0x77: {  	_ =	shalt  }
0x78: {  	_ =	shalt  }
0x79: {  	_ =	shalt  }
0x7a: {  	_ =	shalt  }
0x7b: {  	_ =	shalt  }
0x7c: {  	_ =	shalt  }
0x7d: {  	_ =	shalt  }
0x7e: {  	_ =	shalt  }
0x7f: {  	_ =	shalt  }
0x80: {  	_ =	shalt  }
0x81: {  	_ =	shalt  }
0x82: {  	_ =	shalt  }
0x83: {  	_ =	shalt  }
0x84: {  	_ =	shalt  }
0x85: {  	_ =	shalt  }
0x86: {  	_ =	shalt  }
0x87: {  	_ =	shalt  }
.Lfunc_end0:
.L_simem_size_0:
called_computation.6_lowered:
.L_overlay_start_0:
0x88: {  	s2 =	sld [smem:$0x3FD9]  }
0x89: {  	s3 =	sld [smem:$0x3FFE];
	_ =	sdelay $0x1  }
0x8a: {  	s1 =	srdreg.scid  }
0x8b: {  	s0 =	sand.u32 $0x1, s1  }
0x8c: {  	s16 =	sshll.u32 s0, $0xA;
	s2 =	sadd.s32 s3, s2  }
0x8d: {  	s2 =	sadd.s32 s2, s16  }
0x8e: {  	[smem:$0x3FC3] =	sst s2  }
0x8f: {  	_ = 	snop  }
0x90: {  	(tm) =	ssettm $0x1  }
0x91: {  	s17 =	sld [smem:$0x3FFB];
	_ =	sdelay $0x3  }
0x92: {  	_ =	strace s17  }
0x93: {  	s2 =	sld [smem:$0x3FFC];
	_ =	sdelay $0x3  }
0x94: {  	_ =	strace s2  }
0x95: {  	s2 =	sld [smem:$0x3FFD];
	_ =	sdelay $0x3  }
0x96: {  	_ =	strace s2  }
0x97: {  	_ =	strace $0x8FFFFFFF  }
0x98: {  	s18 =	sld [smem:$0x3FDB];
	_ =	sdelay $0x1  }
0x99: {  	s19 =	simm.s32 $_scs_section_size  }
0x9a: {  	s4 =	simm.s32 $_size__tile_overlayer_lowered;
	s5 =	simm.s32 $_tile_overlayer_lowered  }
0x9b: {  	s22 =	simm.s32 $0x1BFF;
	s21 =	sshll.u32 s5, $0x1;
	s2 =	sadd.s32 s19, s18  }
0x9c: {  	s6 =	simm.s32 $0x0;
	s20 =	sshll.u32 s4, $0x1;
	s4 =	sadd.s32 s21, s2  }
0x9d: {  	[timem:s6], [sflag:s22] =	dma.local [hbm:s4], s20  }
0x9e: {  	_ =	swait.ge [sflag:s22], s20  }
0x9f: {  	s3 =	ssub.s32 $0x0, s20;
	[sflag:s22] =	ssyncset.done $0x0  }
0xa0: {  	[sflag:s22] =	ssyncadd.s32 s3;
	_ =	sdelay $0x1  }
0xa1: {  	s23 =	simm.s32 $0x1B8B  }
0xa2: {  	_ =	swait.ge [sflag:s23], $0x1  }
0xa3: {  	[sflag:s23] =	ssyncset.done $0x0  }
0xa4: {  	s25 =	simm.s32 $0x1B8E;
	s24 =	sld [smem:$0x3FFE];
	[sflag:s23] =	ssyncadd.s32 $0xFFFFFFFF  }
0xa5: {  	s26 =	simm.s32 $execute0_lowered;
	[smem:$0x3FD2] =	sst s25  }
0xa6: {  	s4 =	sshll.u32 s26, $0x1;
	_ =	strace $0x80000055;
	[dreg:$0x1] =	wrdreg $0xFFFFFFFF  }
0xa7: {  	s28 =	simm.s32 $_size_execute0_lowered;
	s2 =	sadd.s32 s2, s4;
	[dreg:$0x0] =	wrdreg $0x0  }
0xa8: {  	s4 =	sshll.u32 s28, $0x1;
	[dreg:$0x2] =	wrdreg s2  }
0xa9: {  	[dreg:$0x3] =	wrdreg s4  }
0xaa: {  	[dreg:$0x4] =	wrdreg $0xC0  }
0xab: {  	_ =	task [dreg:s6], $0x5FFFF  }
0xac: {  	[dreg:$0x1] =	wrdreg $0xFFFFFFFF  }
0xad: {  	[dreg:$0x0] =	wrdreg $0x60  }
0xae: {  	[dreg:$0x2] =	wrdreg s24  }
0xaf: {  	[dreg:$0x3] =	wrdreg $0xA  }
0xb0: {  	_ =	task.clear_ibuf [dreg:s6], $0x4FFFF;
	_ =	strace $0x90000055  }
0xb1: {  	s29 =	simm.s32 $0xA;
	_ =	strace $0x80000057  }
0xb2: {  	_ =	swait.ge [sflag:s29], $0x1  }
0xb3: {  	[sflag:s29] =	ssyncadd.s32 $0xFFFFFFFF  }
0xb4: {  	_ =	strace $0x90000057  }
0xb5: {  	_ =	sfence  }
0xb6: {  	s30 =	sld [smem:$0x0];
	_ =	sdelay $0x2  }
0xb7: {  	s31 =	sshll.u32 s1, $0xD;
	s1 =	sshrl.u32 s1, $0x2  }
0xb8: {  	s3 =	sand.u32 $0x4000, s31;
	s1 =	sadd.s32 s1, s30  }
0xb9: {  	s0 =	sor.u32 s3, s0;
	s1 =	sshll.u32 s1, $0x11  }
0xba: {  	s0 =	sor.u32 s1, s0  }
0xbb: {  	s0 =	sadd.s32 $0x8F2B, s0  }
0xbc: {  	[sflag:s0] =	ssyncadd.remote.s32 $0x1  }
0xbd: {  	_ =	sfence.sel $0xFFFF  }
0xbe: {  	[dreg:$0x0] =	wrdreg $0xFFFFFFFF;
	(pc) =	sbr.abs _section_cstart, $3  }
0xbf: {  	[dreg:$0x1] =	wrdreg $0xFFFFFFFF  }
0xc0: {  	_ =	task.clear_ibuf [dreg:s6], $0x2FFFF;
	_ =	strace $0x9FFFFFFF  }
0xc1: {  	(tm) =	ssettm $0x7FFFFFFF  }
tec
execute0_lowered:
.L_overlay_start_1:
0x0: {  	(tag) =	ssettag $0x1  }
0x1: {  	s7 =	rddreg [dreg:$0x0]  }
0x2: {  	s0 =	rddreg [dreg:$0x1];
	_ =	strace $0x80000056  }
0x3: {  	s1 =	srdreg.scid;
	s4 =	simm.s32 $0x1;
	s9 =	simm.s32 $0x3  }
0x4: {  	s12 =	simm.s32 $0x0;
	s10 =	simm.s32 $0x0;
	s5 =	sshll.u32 s1, $0x4  }
.Ltmp0:
0x5: {  	s1 =	stileid.u32;
	s5 =	sand.u32 $0x10, s5;
	(pc) =	sbr.rel .LBB2_1-.Ltmp0, $4  }
0x6: {  	s2 =	sadd.s32 $0x5200, s7;
	s3 =	sadd.s32 $0x871000, s7;
	s6 =	sor.u32 s1, s5  }
0x7: {  	[sflag:s4] =	ssyncpa.u1 $0x0;
	s5 =	simm.s32 $0x2;
	s6 =	sshll.u32 s6, $0x6  }
0x8: {  	s7 =	sadd.s32 $0x60E00, s7;
	[sflag:s5] =	ssyncpa.u1 $0x0;
	s8 =	sadd.s32 $0x40, s6  }
0x9: {  	vm0 =	vmmov $0xff;
	vm1 =	vcmask $0x3F20;
	[sflag:s9] =	ssyncpa.u1 $0x0;
	s9 =	simm.s32 $0x40;
	s11 =	smov.u32 s6  }
.LBB2_10:
0xa: {  	[hbm:s16] =	stream.linear.scatter [tilespmem:s13], [sflag:$0x3], $0x800, $0x38;
	[tilespmem:$0x8080] =	vst v63  }
.LBB2_11:
0xb: {  	p0 =	seq.s32 s10, $0x2  }
.Ltmp1:
0xc: {  	_ = 	snop;
	(pc) =	sbr.rel @p0 .LBB2_13-.Ltmp1, $1  }
0xd: {  	_ =	sdelay $0x3  }
.LBB2_12:
0xe: {  	s12 =	sadd.s32 $0x40, s11  }
0xf: {  	s13 =	smov.u32 s6;
	p0 =	slt.s32 s12, s8  }
0x10: {  	s13 =	smov.u32 @p0 s12  }
0x11: {  	s10 =	sadd.s32 $0x1, s10;
	s12 =	smov.u32 s11;
	s11 =	smov.u32 s13  }
.LBB2_1:
0x12: {  	p0 =	sne.s32 s10, $0x0  }
.Ltmp2:
0x13: {  	_ = 	snop;
	(pc) =	sbr.rel @!p0 .LBB2_2-.Ltmp2, $1  }
0x14: {  	_ =	sdelay $0x3  }
0x15: {  	s13 =	sand.u32 $0x1, s10  }
0x16: {  	p0 =	seq.s32 s13, $0x0  }
.Ltmp3:
0x17: {  	_ = 	snop;
	(pc) =	sbr.rel @p0 .LBB2_11-.Ltmp3, $1  }
0x18: {  	_ =	sdelay $0x3  }
0x19: {  	_ =	swait.ge [sflag:s5], $0x40  }
0x1a: {  	[sflag:s5] =	ssyncset.done $0x0  }
0x1b: {  	s13 =	simm.s32 $0x0;
	[sflag:s5] =	ssyncadd.s32 $0xFFFFFFC0  }
.LBB2_5:
0x1c: {  	s14 =	sshll.u32 s13, $0x4  }
0x1d: {  	s14 =	sand.u32 $0x3FFFFFF0, s14  }
0x1e: {  	v0 =	vld.msk [tilespmem:s14+$0x40 ss:$0x1], $0xffff;
	_ =	sdelay $0x4  }
0x1f: {  	v1 =	vshrl.u32 v0, $0x2  }
0x20: {  	vm2 =	veq.s32 v0, $0x80000000;
	v1 =	vand.u32 $0x3FF, v1  }
0x21: {  	v0 =	vshll.u32 v0, $0x12;
	v1 =	vsel vm2, $0xFFFFFFFF, v1  }
0x22: {  	v0 =	vand.u32 $0xC0000, v0;
	v2 =	vshll.u32 v1, $0x8  }
0x23: {  	v0 =	vsel vm2, $0xFFFC0000, v0;
	v1 =	vshll.u32 v1, $0x7;
	v2 =	vand.u32 $0xFFFFF800, v2  }
0x24: {  	s31 =	sshll.u32 s13, $0xC;
	v1 =	vand.u32 $0x380, v1;
	v0 =	vadd.s32 v0, v2  }
0x25: {  	s14 =	sand.u32 $0x3FFFF000, s31;
	v0 =	vor.u32 v1, v0  }
0x26: {  	p0 =	por $0x1, $0x1;
	s15 =	simm.s32 $0x0;
	s14 =	sadd.s32 $0x4080, s14;
	v0 =	vshrl.u32 v0, $0x3  }
.LBB2_6:
0x27: {  	_ =	sdelay $0x1  }
0x28: {  	s15 =	sshra.s32 s15, $0x2;
	p1 =	por p0, p0  }
.Ltmp4:
0x29: {  	s15 =	sadd.s32 s15, s14;
	(pc) =	sbr.rel @p1 .LBB2_6-.Ltmp4, $4  }
0x2a: {  	[tilespmem:s15], [sflag:$0x1] =	stream.indirect_vreg.gather [hbm:s2], $0x80, v0, vm0, $0x38;
	[tilespmem:$0x8080] =	vst v63  }
0x2b: {  	s15 =	sadd.s32 $0x800, s15  }
0x2c: {  	[tilespmem:s15], [sflag:$0x1] =	stream.indirect_vreg.gather [hbm:s2], $0x80, v0, vm1, $0x38;
	[tilespmem:$0x8080] =	vst v63  }
0x2d: {  	p0 =	por $0x0, $0x0;
	v0 =	vadd.s32 $0x80, v0;
	s15 =	simm.s32 $0x1000  }
0x2e: {  	s13 =	sadd.s32 $0x1, s13  }
0x2f: {  	p0 =	sne.s32 s13, $0x4  }
.Ltmp5:
0x30: {  	_ = 	snop;
	(pc) =	sbr.rel @p0 .LBB2_5-.Ltmp5, $1  }
0x31: {  	_ =	sdelay $0x3  }
0x32: {  	s13 =	sshll.u32 s12, $0x5  }
0x33: {  	_ =	swait.ge [sflag:s4], $0x4000;
	s31 =	sshll.u32 s12, $0x4;
	s13 =	sand.u32 $0xFFFFFF00, s13  }
0x34: {  	s14 =	simm.s32 $0x100;
	s12 =	sand.u32 $0x70, s31;
	s13 =	sadd.s32 s13, s7  }
0x35: {  	s15 =	simm.s32 $0x4880;
	[sflag:s4] =	ssyncset.done $0x0;
	s12 =	sadd.s32 s12, s13  }
0x36: {  	[sflag:s4] =	ssyncadd.s32 $0xFFFFC000;
	s13 =	simm.s32 $0x4080;
	s16 =	sadd.s32 $0x0, s12  }
.LBB2_9:
0x37: {  	[hbm:s16] =	stream.linear.scatter [tilespmem:s13], [sflag:$0x3], $0x800, $0x38;
	[tilespmem:$0x8080] =	vst v63  }
0x38: {  	s16 =	smov.u32 s14;
	s13 =	smov.u32 s15;
	p0 =	sne.s32 s14, $0x700  }
.Ltmp6:
0x39: {  	s14 =	sadd.s32 $0x100, s14;
	(pc) =	sbr.rel @p0 .LBB2_9-.Ltmp6, $2  }
0x3a: {  	_ =	sdelay $0x2  }
0x3b: {  	s15 =	sadd.s32 $0x800, s15;
	s16 =	sadd.s32 s16, s12  }
.Ltmp7:
0x3c: {  	_ = 	snop;
	(pc) =	sbr.rel .LBB2_10-.Ltmp7, $1  }
0x3d: {  	_ =	sdelay $0x3  }
.LBB2_2:
.Ltmp8:
0x3e: {  	(pc) =	sbr.rel .LBB2_12-.Ltmp8, $4  }
0x3f: {  	_ = 	snop  }
0x40: {  	s12 =	sshrl.u32 s11, $0x3  }
0x41: {  	s13 =	sand.u32 $0x7, s11;
	s12 =	sadd.s32 s3, s12  }
0x42: {  	[tilespmem:s9], [sflag:$0x2] =	stream.linear.gather [hbm4b:s12+s13], $0x40, $0x38;
	[tilespmem:$0x8080] =	vst v63  }
.LBB2_13:
0x43: {  	s2 =	simm.s32 $0x3  }
0x44: {  	_ =	swait.ge [sflag:s2], $0x4000  }
0x45: {  	[sflag:s2] =	ssyncset.done $0x0  }
0x46: {  	[sflag:s2] =	ssyncadd.s32 $0xFFFFC000  }
0x47: {  	_ =	sfence.sel $0x180000  }
0x48: {  	s3 =	simm.s32 $0x2;
	[bflag:$0x0] =	sbarrier.arrive $0xFFFF  }
0x49: {  	[sflag:s3] =	ssyncpa.u1 $0x1  }
0x4a: {  	s31 =	simm.s32 $0x1;
	[sflag:s2] =	ssyncpa.u1 $0x1  }
0x4b: {  	[sflag:s31] =	ssyncpa.u1 $0x1  }
0x4c: {  	p0 =	sne.s32 s1, $0x0;
	_ =	strace $0x90000056  }
0x4d: {  	s0 =	sadd.s32 @!p0 $0x100000, s0;
	[bflag:$0x2] =	sbarrier.arrive $0xFFFF  }
0x4e: {  	[sflag:s0] =	ssyncadd.tile.s32 @!p0 $0x1;
	_ =	shalt  }
.Lfunc_end2:
_tile_overlayer_lowered:
.L_overlay_start_2:
0x4f: {  	(tag) =	ssettag $0x2  }
0x50: {  	s0 =	rddreg [dreg:$0x0];
	s2 =	stileid.u32  }
0x51: {  	s1 =	rddreg [dreg:$0x1];
	p0 =	sne.s32 s2, $0x0  }
0x52: {  	s3 =	rddreg [dreg:$0x2];
	[bflag:$0x3] =	sbarrier.arrive $0xFFFF;
	s2 =	simm.s32 @!p0 $0x1C01  }
0x53: {  	[timem:s3], [sflag:s2] =	dma.local @!p0 [hbm:s0], s1  }
0x54: {  	s0 =	simm.s32 @!p0 $0x1  }
0x55: {  	_ =	swait.ge @!p0 [sflag:s0], s1  }
0x56: {  	s1 =	ssub.s32 @!p0 $0x0, s1;
	[sflag:s0] =	ssyncset.done @!p0 $0x0  }
0x57: {  	[sflag:s0] =	ssyncadd.s32 @!p0 s1  }
0x58: {  	[bflag:$0x3] =	sbarrier.arrive $0xFFFF  }
0x59: {  	_ =	shalt  }

// kernel: gather_offload_async_start
scs
__scs_entry_jumppad:
0x0: {  	(pc) =	sbr.rel $0x88, $3  }
0x1: {  	(tag) =	ssettag $0x0;
	lr =	simm.s32 $0x1  }
0x2: {  	[smem:$0x3F9C] =	sst lr;
	_ =	strace $0xD0000000  }
0x3: {  	_ = 	snop  }
0x4: {  	_ = 	snop  }
0x5: {  	_ = 	snop  }
0x6: {  	_ = 	snop  }
0x7: {  	_ = 	snop  }
__scs_overlays_trampoline_lowered:
0x8: {  	[smem:$0x3FAB] =	sst s0  }
0x9: {  	[smem:$0x3FAC] =	sst s1  }
0xa: {  	[smem:$0x3FAD] =	sst s2  }
0xb: {  	[smem:$0x3FAE] =	sst s3  }
0xc: {  	[smem:$0x3FAF] =	sst s4  }
0xd: {  	[smem:$0x3FB0] =	sst s5  }
0xe: {  	[smem:$0x3FB1] =	sst s6  }
0xf: {  	[smem:$0x3FB2] =	sst s7  }
0x10: {  	[smem:$0x3FB3] =	sst s8  }
0x11: {  	[smem:$0x3FB4] =	sst s9;
	s0 =	simm.s32 @!p0 $0x0  }
0x12: {  	s1 =	sld [smem:$0x3F9A];
	s0 =	simm.s32 @p0 $0x1  }
0x13: {  	[smem:$0x3FB5] =	sst s0;
	s0 =	simm.s32 @!p1 $0x0  }
0x14: {  	s2 =	sld [smem:$0x3F99];
	s0 =	simm.s32 @p1 $0x1  }
0x15: {  	[smem:$0x3FB6] =	sst s0;
	s0 =	simm.s32 @!p2 $0x0  }
0x16: {  	s3 =	sld [smem:$0x3FDB];
	s0 =	simm.s32 @p2 $0x1  }
0x17: {  	s4 =	simm.s32 $0x1BF5;
	[smem:$0x3FB8] =	sst s0  }
0x18: {  	s0 =	sld [smem:$0x3F9B];
	_ =	swait.ge [sflag:s4], $0x0  }
0x19: {  	s7 =	sld [smem:$0x3F9C]  }
0x1a: {  	s8 =	sadd.s32 $0xFFFFE003, lr  }
0x1b: {  	s9 =	sadd.s32 $0xFFFFFEF7, lr;
	s5 =	simm.s32 $0xFFFFFFFF;
	p2 =	slt.u32 s8, $0xFFFFF086  }
0x1c: {  	p1 =	slt.u32 s9, $0xF7A;
	s5 =	simm.s32 @!p2 $0x0  }
0x1d: {  	s5 =	simm.s32 @p1 $0x1;
	p0 =	seq.s32 s7, s2  }
0x1e: {  	s7 =	smul.u32 @!p0 $0xF7A, s2;
	p2 =	seq.s32 @!p0 s5, $0x0  }
0x1f: {  	s9 =	smul.u32 $0xF7A, s1;
	s8 =	simm.s32 @!p0 $0x1BF5;
	p2 =	por !p2, p0  }
0x20: {  	[sflag:s8] =	ssyncset.s32 @!p0 $0xFFFFF086;
	s6 =	sadd.s32 @!p0 s3, s7;
	s7 =	simm.s32 @!p0 $0x108  }
0x21: {  	s3 =	sadd.s32 s3, s9;
	s6 =	sadd.s32 @!p0 $0x88, s6;
	s7 =	simm.s32 @p2 $0x1082  }
0x22: {  	[simem:s7], [sflag:s8] =	dma.local @!p0 [hbm:s6], $0xF7A  }
0x23: {  	s9 =	sor.u32 $0xD0000000, s2;
	s6 =	simm.s32 $0x108;
	_ =	swait.ge @!p0 [sflag:s8], $0x0  }
0x24: {  	s3 =	sadd.s32 $0x88, s3;
	s6 =	simm.s32 @!p1 $0x1082;
	[sflag:s4] =	ssyncset.s32 $0xFFFFF086  }
0x25: {  	[simem:s6], [sflag:s4] =	dma.local [hbm:s3], $0xF7A  }
0x26: {  	[smem:$0x3F9C] =	sst s1;
	(tag) =	ssettag s2;
	_ =	strace s9  }
0x27: {  	s1 =	sld [smem:$0x3FAC]  }
0x28: {  	s2 =	sld [smem:$0x3FAD]  }
0x29: {  	s4 =	sld [smem:$0x3FAF]  }
0x2a: {  	p0 =	seq.s32 s5, $0x0;
	s5 =	sld [smem:$0x3FB0]  }
0x2b: {  	s6 =	sld [smem:$0x3FB1]  }
0x2c: {  	s7 =	sld [smem:$0x3FB2]  }
0x2d: {  	s3 =	simm.s32 $0x108;
	s8 =	sld [smem:$0x3FB3]  }
0x2e: {  	s3 =	simm.s32 @!p0 $0x1082;
	s9 =	sld [smem:$0x3FB4]  }
0x2f: {  	lr =	sadd.s32 s0, s3;
	s0 =	sld [smem:$0x3FAB]  }
0x30: {  	s3 =	sld [smem:$0x3FAE]  }
0x31: {  	[smem:$0x3FB7] =	sst s10  }
0x32: {  	s10 =	sld [smem:$0x3FB5];
	_ =	sdelay $0x3  }
0x33: {  	p0 =	seq.s32 s10, $0x1;
	s10 =	sld [smem:$0x3FB7];
	_ =	sdelay $0x3  }
0x34: {  	[smem:$0x3FB7] =	sst s10  }
0x35: {  	s10 =	sld [smem:$0x3FB6];
	_ =	sdelay $0x3  }
0x36: {  	p1 =	seq.s32 s10, $0x1;
	s10 =	sld [smem:$0x3FB7];
	_ =	sdelay $0x3  }
0x37: {  	[smem:$0x3FB7] =	sst s10  }
0x38: {  	s10 =	sld [smem:$0x3FB8]  }
0x39: {  	_ = 	snop;
	(pc) =	sbr.ind lr, $3  }
0x3a: {  	_ = 	snop  }
0x3b: {  	_ = 	snop  }
0x3c: {  	p2 =	seq.s32 s10, $0x1;
	s10 =	sld [smem:$0x3FB7]  }
0x3d: {  	_ =	shalt  }
0x3e: {  	_ =	shalt  }
0x3f: {  	_ =	shalt  }
0x40: {  	_ =	shalt  }
0x41: {  	_ =	shalt  }
0x42: {  	_ =	shalt  }
0x43: {  	_ =	shalt  }
0x44: {  	_ =	shalt  }
0x45: {  	_ =	shalt  }
0x46: {  	_ =	shalt  }
0x47: {  	_ =	shalt  }
0x48: {  	_ =	shalt  }
0x49: {  	_ =	shalt  }
0x4a: {  	_ =	shalt  }
0x4b: {  	_ =	shalt  }
0x4c: {  	_ =	shalt  }
0x4d: {  	_ =	shalt  }
0x4e: {  	_ =	shalt  }
0x4f: {  	_ =	shalt  }
0x50: {  	_ =	shalt  }
0x51: {  	_ =	shalt  }
0x52: {  	_ =	shalt  }
0x53: {  	_ =	shalt  }
0x54: {  	_ =	shalt  }
0x55: {  	_ =	shalt  }
0x56: {  	_ =	shalt  }
0x57: {  	_ =	shalt  }
0x58: {  	_ =	shalt  }
0x59: {  	_ =	shalt  }
0x5a: {  	_ =	shalt  }
0x5b: {  	_ =	shalt  }
0x5c: {  	_ =	shalt  }
0x5d: {  	_ =	shalt  }
0x5e: {  	_ =	shalt  }
0x5f: {  	_ =	shalt  }
0x60: {  	_ =	shalt  }
0x61: {  	_ =	shalt  }
0x62: {  	_ =	shalt  }
0x63: {  	_ =	shalt  }
0x64: {  	_ =	shalt  }
0x65: {  	_ =	shalt  }
0x66: {  	_ =	shalt  }
0x67: {  	_ =	shalt  }
0x68: {  	_ =	shalt  }
0x69: {  	_ =	shalt  }
0x6a: {  	_ =	shalt  }
0x6b: {  	_ =	shalt  }
0x6c: {  	_ =	shalt  }
0x6d: {  	_ =	shalt  }
0x6e: {  	_ =	shalt  }
0x6f: {  	_ =	shalt  }
0x70: {  	_ =	shalt  }
0x71: {  	_ =	shalt  }
0x72: {  	_ =	shalt  }
0x73: {  	_ =	shalt  }
0x74: {  	_ =	shalt  }
0x75: {  	_ =	shalt  }
0x76: {  	_ =	shalt  }
0x77: {  	_ =	shalt  }
0x78: {  	_ =	shalt  }
0x79: {  	_ =	shalt  }
0x7a: {  	_ =	shalt  }
0x7b: {  	_ =	shalt  }
0x7c: {  	_ =	shalt  }
0x7d: {  	_ =	shalt  }
0x7e: {  	_ =	shalt  }
0x7f: {  	_ =	shalt  }
0x80: {  	_ =	shalt  }
0x81: {  	_ =	shalt  }
0x82: {  	_ =	shalt  }
0x83: {  	_ =	shalt  }
0x84: {  	_ =	shalt  }
0x85: {  	_ =	shalt  }
0x86: {  	_ =	shalt  }
0x87: {  	_ =	shalt  }
.Lfunc_end0:
.L_simem_size_0:
called_computation.2_lowered:
.L_overlay_start_0:
0x88: {  	s2 =	sld [smem:$0x3FD9]  }
0x89: {  	s3 =	sld [smem:$0x3FFE];
	_ =	sdelay $0x1  }
0x8a: {  	s1 =	srdreg.scid  }
0x8b: {  	s0 =	sand.u32 $0x1, s1  }
0x8c: {  	s14 =	sshll.u32 s0, $0xA;
	s2 =	sadd.s32 s3, s2  }
0x8d: {  	s2 =	sadd.s32 s2, s14  }
0x8e: {  	[smem:$0x3FC3] =	sst s2  }
0x8f: {  	_ = 	snop  }
0x90: {  	s2 =	sld [smem:$0x3FD0];
	_ =	sdelay $0x2  }
0x91: {  	s15 =	simm.s32 $0xD;
	s4 =	simm.s32 $0x10  }
0x92: {  	[smem:s4], [sflag:s15] =	dma.local [hbm:s2], $0x1  }
0x93: {  	_ =	swait.eq [sflag:s15], $0x1  }
0x94: {  	[sflag:s15] =	ssyncset.done $0x0  }
0x95: {  	[sflag:s15] =	ssyncadd.s32 $0xFFFFFFFF  }
0x96: {  	s16 =	sld [smem:$0x12];
	(tm) =	ssettm $0x1  }
0x97: {  	s17 =	sld [smem:$0x3FFB];
	_ =	sdelay $0x3  }
0x98: {  	_ =	strace s17  }
0x99: {  	s3 =	sld [smem:$0x3FFC];
	_ =	sdelay $0x3  }
0x9a: {  	_ =	strace s3  }
0x9b: {  	s3 =	sld [smem:$0x3FFD];
	_ =	sdelay $0x3  }
0x9c: {  	_ =	strace s3  }
0x9d: {  	_ =	strace $0x8FFFFFFF  }
0x9e: {  	s18 =	sld [smem:$0x3FDB];
	_ =	sdelay $0x1  }
0x9f: {  	s19 =	simm.s32 $_scs_section_size  }
0xa0: {  	s5 =	simm.s32 $_size__tile_overlayer_lowered;
	s6 =	simm.s32 $_tile_overlayer_lowered  }
0xa1: {  	s22 =	simm.s32 $0x1BFF;
	s21 =	sshll.u32 s6, $0x1;
	s3 =	sadd.s32 s19, s18  }
0xa2: {  	s7 =	simm.s32 $0x0;
	s20 =	sshll.u32 s5, $0x1;
	s5 =	sadd.s32 s21, s3  }
0xa3: {  	[timem:s7], [sflag:s22] =	dma.local [hbm:s5], s20  }
0xa4: {  	_ =	swait.ge [sflag:s22], s20  }
0xa5: {  	s4 =	ssub.s32 $0x0, s20;
	[sflag:s22] =	ssyncset.done $0x0  }
0xa6: {  	[sflag:s22] =	ssyncadd.s32 s4;
	_ =	sdelay $0x1  }
0xa7: {  	s23 =	simm.s32 $0x1B8B  }
0xa8: {  	_ =	swait.ge [sflag:s23], $0x1  }
0xa9: {  	[sflag:s23] =	ssyncset.done $0x0  }
0xaa: {  	s25 =	simm.s32 $0x1B8E;
	s24 =	sld [smem:$0x3FFE];
	[sflag:s23] =	ssyncadd.s32 $0xFFFFFFFF  }
0xab: {  	s26 =	simm.s32 $execute0_lowered;
	[smem:$0x3FD2] =	sst s25  }
0xac: {  	s5 =	sshll.u32 s26, $0x1;
	_ =	strace $0x80000046;
	[dreg:$0x1] =	wrdreg $0xFFFFFFFF  }
0xad: {  	s28 =	simm.s32 $_size_execute0_lowered;
	s3 =	sadd.s32 s3, s5;
	[dreg:$0x0] =	wrdreg $0x0  }
0xae: {  	s5 =	sshll.u32 s28, $0x1;
	[dreg:$0x2] =	wrdreg s3  }
0xaf: {  	[dreg:$0x3] =	wrdreg s5  }
0xb0: {  	[dreg:$0x4] =	wrdreg $0xC0  }
0xb1: {  	_ =	task [dreg:s7], $0x5FFFF  }
0xb2: {  	[dreg:$0x1] =	wrdreg $0xFFFFFFFF  }
0xb3: {  	[dreg:$0x0] =	wrdreg $0x60  }
0xb4: {  	[dreg:$0x2] =	wrdreg s24  }
0xb5: {  	[dreg:$0x3] =	wrdreg s16  }
0xb6: {  	[dreg:$0x4] =	wrdreg $0x9  }
0xb7: {  	_ =	task.clear_ibuf [dreg:s7], $0x5FFFF;
	_ =	strace $0x90000046  }
0xb8: {  	s29 =	simm.s32 $0x9;
	_ =	strace $0x80000048  }
0xb9: {  	_ =	swait.ge [sflag:s29], $0x1  }
0xba: {  	[sflag:s29] =	ssyncadd.s32 $0xFFFFFFFF  }
0xbb: {  	_ =	strace $0x90000048  }
0xbc: {  	_ =	sfence  }
0xbd: {  	s30 =	sld [smem:$0x0];
	_ =	sdelay $0x2  }
0xbe: {  	s31 =	sshll.u32 s1, $0xD;
	s1 =	sshrl.u32 s1, $0x2  }
0xbf: {  	s3 =	sand.u32 $0x4000, s31;
	s1 =	sadd.s32 s1, s30  }
0xc0: {  	s0 =	sor.u32 s3, s0;
	s1 =	sshll.u32 s1, $0x11  }
0xc1: {  	s0 =	sor.u32 s1, s0  }
0xc2: {  	s0 =	sadd.s32 $0x8F2B, s0  }
0xc3: {  	[sflag:s0] =	ssyncadd.remote.s32 $0x1  }
0xc4: {  	_ =	sfence.sel $0xFFFF  }
0xc5: {  	[dreg:$0x0] =	wrdreg $0xFFFFFFFF;
	(pc) =	sbr.abs _section_cstart, $3  }
0xc6: {  	[dreg:$0x1] =	wrdreg $0xFFFFFFFF  }
0xc7: {  	_ =	task.clear_ibuf [dreg:s7], $0x2FFFF;
	_ =	strace $0x9FFFFFFF  }
0xc8: {  	(tm) =	ssettm $0x7FFFFFFF  }
0xc9: {  	_ =	shalt  }
tec
execute0_lowered:
.L_overlay_start_1:
0x0: {  	(tag) =	ssettag $0x1  }
0x1: {  	s7 =	rddreg [dreg:$0x0]  }
0x2: {  	s2 =	rddreg [dreg:$0x1]  }
0x3: {  	s0 =	rddreg [dreg:$0x2]  }
0x4: {  	s1 =	srdreg.scid;
	_ =	strace $0x80000047;
	s4 =	simm.s32 $0x1  }
0x5: {  	s9 =	simm.s32 $0x3;
	s12 =	simm.s32 $0x0;
	s5 =	sshll.u32 s1, $0x4  }
.Ltmp0:
0x6: {  	s1 =	stileid.u32;
	s5 =	sand.u32 $0x10, s5;
	(pc) =	sbr.rel .LBB2_1-.Ltmp0, $4  }
0x7: {  	s10 =	simm.s32 $0x0;
	s3 =	sadd.s32 $0xE00, s7;
	s6 =	sor.u32 s1, s5  }
0x8: {  	[sflag:s4] =	ssyncpa.u1 $0x0;
	s5 =	simm.s32 $0x2;
	s6 =	sshll.u32 s6, $0x7  }
0x9: {  	s7 =	sadd.s32 $0x20E00, s7;
	[sflag:s5] =	ssyncpa.u1 $0x0;
	s8 =	sadd.s32 $0x80, s6  }
0xa: {  	vm0 =	vmmov $0xff;
	vm1 =	vcmask $0x3F20;
	[sflag:s9] =	ssyncpa.u1 $0x0;
	s9 =	simm.s32 $0x80;
	s11 =	smov.u32 s6  }
.LBB2_9:
0xb: {  	p0 =	seq.s32 s10, $0x2  }
.Ltmp1:
0xc: {  	_ = 	snop;
	(pc) =	sbr.rel @p0 .LBB2_11-.Ltmp1, $1  }
0xd: {  	_ =	sdelay $0x3  }
.LBB2_10:
0xe: {  	s12 =	sadd.s32 $0x80, s11  }
0xf: {  	s13 =	smov.u32 s6;
	p0 =	slt.s32 s12, s8  }
0x10: {  	s13 =	smov.u32 @p0 s12  }
0x11: {  	s10 =	sadd.s32 $0x1, s10;
	s12 =	smov.u32 s11;
	s11 =	smov.u32 s13  }
.LBB2_1:
0x12: {  	p0 =	sne.s32 s10, $0x0  }
.Ltmp2:
0x13: {  	_ = 	snop;
	(pc) =	sbr.rel @!p0 .LBB2_2-.Ltmp2, $1  }
0x14: {  	_ =	sdelay $0x3  }
0x15: {  	s13 =	sand.u32 $0x1, s10  }
0x16: {  	p0 =	seq.s32 s13, $0x0  }
.Ltmp3:
0x17: {  	_ = 	snop;
	(pc) =	sbr.rel @p0 .LBB2_9-.Ltmp3, $1  }
0x18: {  	_ =	sdelay $0x3  }
0x19: {  	_ =	swait.ge [sflag:s5], $0x80  }
0x1a: {  	[sflag:s5] =	ssyncset.done $0x0  }
0x1b: {  	s13 =	simm.s32 $0x0;
	[sflag:s5] =	ssyncadd.s32 $0xFFFFFF80  }
0x1c: {  	v0 =	vld.msk [tilespmem:s13+$0x80 ss:$0x1], $0xffff;
	_ =	sdelay $0x4  }
0x1d: {  	v1 =	vshll.u32 v0, $0x5  }
0x1e: {  	vm2 =	veq.s32 v0, $0x80000000;
	v0 =	vshll.u32 v0, $0x12;
	v1 =	vand.u32 $0x3FF80, v1  }
0x1f: {  	v0 =	vand.u32 $0xC0000, v0;
	v1 =	vsel vm2, $0xFFFFFF80, v1  }
0x20: {  	v0 =	vsel vm2, $0xFFFC0000, v0;
	v2 =	vand.u32 $0xFFFFFC00, v1  }
0x21: {  	v1 =	vand.u32 $0x380, v1;
	v0 =	vadd.s32 v0, v2  }
0x22: {  	v0 =	vor.u32 v1, v0  }
0x23: {  	v0 =	vshrl.u32 v0, $0x3;
	_ =	sdelay $0x3  }
0x24: {  	s13 =	simm.s32 $0x4100  }
0x25: {  	[tilespmem:s13], [sflag:$0x1] =	stream.indirect_vreg.gather [hbm:s3], $0x80, v0, vm0, $0x38;
	[tilespmem:$0x8100] =	vst v63  }
0x26: {  	s14 =	simm.s32 $0x4500;
	s31 =	simm.s32 $0x10  }
0x27: {  	[tilespmem:s14], [sflag:$0x1] =	stream.indirect_vreg.gather [hbm:s3], $0x80, v0, vm1, $0x38;
	[tilespmem:$0x8100] =	vst v63  }
0x28: {  	s14 =	simm.s32 $0x80;
	v0 =	vld.msk [tilespmem:s31+$0x80 ss:$0x1], $0xffff  }
.LBB2_5:
0x29: {  	p0 =	sne.s32 s14, $0x1C0;
	_ =	sdelay $0x4  }
0x2a: {  	v1 =	vshll.u32 v0, $0x5  }
0x2b: {  	vm2 =	veq.s32 v0, $0x80000000;
	v0 =	vshll.u32 v0, $0x12;
	v1 =	vand.u32 $0x3FF80, v1  }
0x2c: {  	v0 =	vand.u32 $0xC0000, v0;
	v1 =	vsel vm2, $0xFFFFFF80, v1  }
0x2d: {  	v0 =	vsel vm2, $0xFFFC0000, v0;
	v2 =	vand.u32 $0xFFFFFC00, v1  }
0x2e: {  	v1 =	vand.u32 $0x380, v1;
	v0 =	vadd.s32 v0, v2  }
0x2f: {  	v0 =	vor.u32 v1, v0  }
0x30: {  	v0 =	vshrl.u32 v0, $0x3;
	_ =	sdelay $0x3  }
.Ltmp4:
0x31: {  	s13 =	sadd.s32 $0x800, s13;
	(pc) =	sbr.rel @p0 .LBB2_5-.Ltmp4, $4  }
0x32: {  	[tilespmem:s13], [sflag:$0x1] =	stream.indirect_vreg.gather [hbm:s3], $0x80, v0, vm0, $0x38;
	[tilespmem:$0x8100] =	vst v63  }
0x33: {  	s15 =	sshra.s32 s14, $0x2;
	s16 =	sadd.s32 $0x400, s13  }
0x34: {  	[tilespmem:s16], [sflag:$0x1] =	stream.indirect_vreg.gather [hbm:s3], $0x80, v0, vm1, $0x38;
	[tilespmem:$0x8100] =	vst v63  }
0x35: {  	s14 =	sadd.s32 $0x40, s14;
	v0 =	vld.msk [tilespmem:s15+$0x80 ss:$0x1], $0xffff  }
0x36: {  	_ =	sdelay $0x3  }
0x37: {  	v1 =	vshll.u32 v0, $0x5  }
0x38: {  	vm2 =	veq.s32 v0, $0x80000000;
	v63 =	vshll.u32 v0, $0x12;
	v1 =	vand.u32 $0x3FF80, v1  }
0x39: {  	v0 =	vand.u32 $0xC0000, v63;
	v1 =	vsel vm2, $0xFFFFFF80, v1  }
0x3a: {  	v0 =	vsel vm2, $0xFFFC0000, v0;
	v2 =	vand.u32 $0xFFFFFC00, v1  }
0x3b: {  	v1 =	vand.u32 $0x380, v1;
	v0 =	vadd.s32 v0, v2  }
0x3c: {  	v0 =	vor.u32 v1, v0  }
0x3d: {  	v0 =	vshrl.u32 v0, $0x3;
	_ =	sdelay $0x3  }
0x3e: {  	s13 =	sadd.s32 $0x800, s13  }
0x3f: {  	[tilespmem:s13], [sflag:$0x1] =	stream.indirect_vreg.gather [hbm:s3], $0x80, v0, vm0, $0x38;
	[tilespmem:$0x8100] =	vst v63  }
0x40: {  	s13 =	sadd.s32 $0x400, s13  }
0x41: {  	[tilespmem:s13], [sflag:$0x1] =	stream.indirect_vreg.gather [hbm:s3], $0x80, v0, vm1, $0x38;
	[tilespmem:$0x8100] =	vst v63  }
0x42: {  	s12 =	sshll.u32 s12, $0x4;
	s14 =	simm.s32 $0x80;
	_ =	swait.ge [sflag:s4], $0x4000  }
0x43: {  	s15 =	simm.s32 $0x4500;
	s12 =	sadd.s32 s12, s7;
	[sflag:s4] =	ssyncset.done $0x0  }
0x44: {  	s16 =	sadd.s32 $0x0, s12;
	s13 =	simm.s32 $0x4100;
	[sflag:s4] =	ssyncadd.s32 $0xFFFFC000  }
.LBB2_7:
0x45: {  	[hbm:s16] =	stream.linear.scatter [tilespmem:s13], [sflag:$0x3], $0x400, $0x38;
	[tilespmem:$0x8100] =	vst v63  }
0x46: {  	s16 =	smov.u32 s14;
	s13 =	smov.u32 s15;
	p0 =	sne.s32 s14, $0x780  }
.Ltmp5:
0x47: {  	s14 =	sadd.s32 $0x80, s14;
	(pc) =	sbr.rel @p0 .LBB2_7-.Ltmp5, $2  }
0x48: {  	_ =	sdelay $0x2  }
0x49: {  	s15 =	sadd.s32 $0x400, s15;
	s16 =	sadd.s32 s16, s12  }
.Ltmp6:
0x4a: {  	(pc) =	sbr.rel .LBB2_9-.Ltmp6, $2  }
0x4b: {  	_ =	sdelay $0x2  }
0x4c: {  	[hbm:s16] =	stream.linear.scatter [tilespmem:s13], [sflag:$0x3], $0x400, $0x38;
	[tilespmem:$0x8100] =	vst v63  }
.LBB2_2:
.Ltmp7:
0x4d: {  	(pc) =	sbr.rel .LBB2_10-.Ltmp7, $4  }
0x4e: {  	_ = 	snop  }
0x4f: {  	s12 =	sshrl.u32 s11, $0x3  }
0x50: {  	s13 =	sand.u32 $0x7, s11;
	s12 =	sadd.s32 s2, s12  }
0x51: {  	[tilespmem:s9], [sflag:$0x2] =	stream.linear.gather [hbm4b:s12+s13], $0x80, $0x38;
	[tilespmem:$0x8100] =	vst v63  }
.LBB2_11:
0x52: {  	s2 =	simm.s32 $0x3  }
0x53: {  	_ =	swait.ge [sflag:s2], $0x4000  }
0x54: {  	[sflag:s2] =	ssyncset.done $0x0  }
0x55: {  	[sflag:s2] =	ssyncadd.s32 $0xFFFFC000  }
0x56: {  	_ =	sfence.sel $0x180000  }
0x57: {  	s3 =	simm.s32 $0x2;
	[bflag:$0x0] =	sbarrier.arrive $0xFFFF  }
0x58: {  	[sflag:s3] =	ssyncpa.u1 $0x1  }
0x59: {  	s31 =	simm.s32 $0x1;
	[sflag:s2] =	ssyncpa.u1 $0x1  }
0x5a: {  	[sflag:s31] =	ssyncpa.u1 $0x1  }
0x5b: {  	p0 =	sne.s32 s1, $0x0;
	_ =	strace $0x90000047  }
0x5c: {  	s0 =	sadd.s32 @!p0 $0x100000, s0;
	[bflag:$0x2] =	sbarrier.arrive $0xFFFF  }
0x5d: {  	[sflag:s0] =	ssyncadd.tile.s32 @!p0 $0x1;
	_ =	shalt  }
.Lfunc_end2:
_tile_overlayer_lowered:
.L_overlay_start_2:
0x5e: {  	(tag) =	ssettag $0x2  }
0x5f: {  	s0 =	rddreg [dreg:$0x0];
	s2 =	stileid.u32  }
0x60: {  	s1 =	rddreg [dreg:$0x1];
	p0 =	sne.s32 s2, $0x0  }
0x61: {  	s3 =	rddreg [dreg:$0x2];
	[bflag:$0x3] =	sbarrier.arrive $0xFFFF;
	s2 =	simm.s32 @!p0 $0x1C01  }
0x62: {  	[timem:s3], [sflag:s2] =	dma.local @!p0 [hbm:s0], s1  }
0x63: {  	s0 =	simm.s32 @!p0 $0x1  }
0x64: {  	_ =	swait.ge @!p0 [sflag:s0], s1  }
0x65: {  	s1 =	ssub.s32 @!p0 $0x0, s1;
	[sflag:s0] =	ssyncset.done @!p0 $0x0  }
0x66: {  	[sflag:s0] =	ssyncadd.s32 @!p0 s1  }
0x67: {  	[bflag:$0x3] =	sbarrier.arrive $0xFFFF  }
0x68: {  	_ =	shalt  }

// kernel: sparse-core-data-format-call.1.cloned.1.call-start
scs
called_computation.1_lowered:
.L_overlay_start_0:
0x0: {  	s2 =	sld [smem:$0x3FD9]  }
0x1: {  	s3 =	sld [smem:$0x3FFE];
	_ =	sdelay $0x1  }
0x2: {  	s1 =	srdreg.scid  }
0x3: {  	s0 =	sand.u32 $0x1, s1  }
0x4: {  	s18 =	sshll.u32 s0, $0xA;
	s2 =	sadd.s32 s3, s2  }
0x5: {  	s2 =	sadd.s32 s2, s18  }
0x6: {  	[smem:$0x3FC3] =	sst s2  }
0x7: {  	_ = 	snop  }
0x8: {  	(tm) =	ssettm $0x1  }
0x9: {  	s19 =	sld [smem:$0x3FFB];
	_ =	sdelay $0x3  }
0xa: {  	_ =	strace s19  }
0xb: {  	s2 =	sld [smem:$0x3FFC];
	_ =	sdelay $0x3  }
0xc: {  	_ =	strace s2  }
0xd: {  	s2 =	sld [smem:$0x3FFD];
	_ =	sdelay $0x3  }
0xe: {  	_ =	strace s2  }
0xf: {  	_ =	strace $0x8FFFFFFF  }
0x10: {  	s20 =	sld [smem:$0x3FDB];
	_ =	sdelay $0x1  }
0x11: {  	s21 =	simm.s32 $_scs_section_size  }
0x12: {  	s4 =	simm.s32 $_size__tile_overlayer_lowered;
	s5 =	simm.s32 $_tile_overlayer_lowered  }
0x13: {  	s6 =	simm.s32 $0x1BFF;
	s22 =	sshll.u32 s5, $0x1;
	s3 =	sadd.s32 s21, s20  }
0x14: {  	s23 =	simm.s32 $0x0;
	s4 =	sshll.u32 s4, $0x1;
	s5 =	sadd.s32 s22, s3  }
0x15: {  	[timem:s23], [sflag:s6] =	dma.local [hbm:s5], s4  }
0x16: {  	_ =	swait.ge [sflag:s6], s4  }
0x17: {  	s4 =	ssub.s32 $0x0, s4;
	[sflag:s6] =	ssyncset.done $0x0  }
0x18: {  	[sflag:s6] =	ssyncadd.s32 s4;
	_ =	sdelay $0x1  }
0x19: {  	s24 =	simm.s32 $0x1B8B  }
0x1a: {  	_ =	swait.ge [sflag:s24], $0x1  }
0x1b: {  	[sflag:s24] =	ssyncset.done $0x0  }
0x1c: {  	[sflag:s24] =	ssyncadd.s32 $0xFFFFFFFF  }
0x1d: {  	s4 =	sld [smem:$0x0]  }
0x1e: {  	s5 =	sand.u32 $0xFFFFFFFE, s1  }
0x1f: {  	p0 =	sne.s32 s1, s5  }
0x20: {  	s5 =	sshll.u32 @p0 s5, $0xE  }
0x21: {  	s5 =	sadd.s32 @p0 $0x11B8D, s5;
	s6 =	sshll.u32 @p0 s4, $0x11  }
0x22: {  	s5 =	sor.u32 @p0 s6, s5  }
0x23: {  	[sflag:s5] =	ssyncadd.remote.s32 @p0 $0x1;
	_ =	sdelay $0x1  }
0x24: {  	s5 =	simm.s32 @p0 $0x1B8D  }
0x25: {  	_ =	swait.eq @p0 [sflag:s5], $0x1  }
0x26: {  	[sflag:s5] =	ssyncadd.s32 @p0 $0xFFFFFFFF  }
0x27: {  	s6 =	sshll.u32 @!p0 s1, $0xE  }
0x28: {  	s6 =	sor.u32 @!p0 $0x4000, s6;
	s5 =	simm.s32 @!p0 $0x1B8D  }
0x29: {  	s4 =	sshll.u32 @!p0 s4, $0x11;
	s6 =	sadd.s32 @!p0 $0x11B8D, s6;
	_ =	swait.eq @!p0 [sflag:s5], $0x1  }
0x2a: {  	s4 =	sor.u32 @!p0 s4, s6;
	[sflag:s5] =	ssyncadd.s32 @!p0 $0xFFFFFFFF  }
0x2b: {  	s26 =	simm.s32 $0x1B8E;
	s25 =	sld [smem:$0x3FFE];
	[sflag:s4] =	ssyncadd.remote.s32 @!p0 $0x1  }
0x2c: {  	s27 =	simm.s32 $execute0_lowered;
	[smem:$0x3FD2] =	sst s26  }
0x2d: {  	s5 =	sshll.u32 s27, $0x1;
	_ =	strace $0x80000052;
	[dreg:$0x1] =	wrdreg $0xFFFFFFFF  }
0x2e: {  	s28 =	simm.s32 $_size_execute0_lowered;
	s3 =	sadd.s32 s3, s5;
	[dreg:$0x0] =	wrdreg $0x0  }
0x2f: {  	s5 =	sshll.u32 s28, $0x1;
	[dreg:$0x2] =	wrdreg s3  }
0x30: {  	[dreg:$0x3] =	wrdreg s5  }
0x31: {  	[dreg:$0x4] =	wrdreg $0xC0  }
0x32: {  	_ =	task [dreg:s23], $0x5FFFF  }
0x33: {  	[dreg:$0x1] =	wrdreg $0xFFFFFFFF  }
0x34: {  	[dreg:$0x0] =	wrdreg $0x60  }
0x35: {  	[dreg:$0x2] =	wrdreg s25  }
0x36: {  	[dreg:$0x3] =	wrdreg $0x9  }
0x37: {  	_ =	task.clear_ibuf [dreg:s23], $0x4FFFF;
	_ =	strace $0x90000052  }
0x38: {  	s29 =	simm.s32 $0x9;
	_ =	strace $0x80000054  }
0x39: {  	_ =	swait.ge [sflag:s29], $0x1  }
0x3a: {  	[sflag:s29] =	ssyncadd.s32 $0xFFFFFFFF  }
0x3b: {  	_ =	strace $0x90000054  }
0x3c: {  	_ =	sfence  }
0x3d: {  	s30 =	sld [smem:$0x0];
	_ =	sdelay $0x2  }
0x3e: {  	s31 =	sshll.u32 s1, $0xD;
	s1 =	sshrl.u32 s1, $0x2  }
0x3f: {  	s4 =	sand.u32 $0x4000, s31;
	s1 =	sadd.s32 s1, s30  }
0x40: {  	s0 =	sor.u32 s4, s0;
	s1 =	sshll.u32 s1, $0x11  }
0x41: {  	s0 =	sor.u32 s1, s0  }
0x42: {  	s0 =	sadd.s32 $0x8F2B, s0  }
0x43: {  	[sflag:s0] =	ssyncadd.remote.s32 $0x1  }
0x44: {  	_ =	sfence.sel $0xFFFF  }
0x45: {  	[dreg:$0x0] =	wrdreg $0xFFFFFFFF;
	(pc) =	sbr.abs _section_cstart, $3  }
0x46: {  	[dreg:$0x1] =	wrdreg $0xFFFFFFFF  }
0x47: {  	_ =	task.clear_ibuf [dreg:s23], $0x2FFFF;
	_ =	strace $0x9FFFFFFF  }
0x48: {  	(tm) =	ssettm $0x7FFFFFFF  }
0x49: {  	_ =	shalt  }
tec
execute0_lowered:
.L_overlay_start_1:
0x0: {  	(tag) =	ssettag $0x1  }
0x1: {  	s0 =	stileid.u32;
	s1 =	srdreg.scid  }
0x2: {  	s4 =	rddreg [dreg:$0x0];
	s7 =	simm.s32 $0x1;
	s31 =	simm.s32 $0x2  }
0x3: {  	s17 =	simm.s32 $0x0;
	s9 =	simm.s32 $0x2000;
	s18 =	simm.s32 $0x0  }
0x4: {  	s19 =	simm.s32 $0x0;
	s2 =	sshll.u32 s0, $0x5;
	s1 =	sshll.u32 s1, $0x9  }
0x5: {  	s10 =	simm.s32 $0x0;
	s11 =	simm.s32 $0x0;
	s1 =	sor.u32 s2, s1  }
0x6: {  	s12 =	simm.s32 $0x0;
	s13 =	simm.s32 $0x0;
	s2 =	sand.u32 $0x380, s1  }
0x7: {  	s16 =	simm.s32 $0x0;
	s3 =	sadd.s32 $0x879200, s4;
	s5 =	ssub.s32 $0x400, s2  }
0x8: {  	s4 =	sadd.s32 $0x71000, s4;
	s1 =	rddreg [dreg:$0x1];
	s6 =	sand.u32 $0x380, s5  }
.Ltmp0:
0x9: {  	_ =	strace $0x80000053;
	p0 =	sne.s32 s6, $0x0;
	(pc) =	sbr.rel .LBB1_1-.Ltmp0, $4  }
0xa: {  	s14 =	smov.u32 s2;
	s8 =	sshrl.u32 s5, $0xA;
	s7 =	simm.s32 @!p0 $0x0  }
0xb: {  	s5 =	sand.u32 $0x3, s0;
	s6 =	simm.s32 $0x1;
	s7 =	sadd.s32 s7, s8  }
0xc: {  	s15 =	smov.u32 s5;
	[sflag:s6] =	ssyncpa.u1 $0x0;
	s7 =	sshll.u32 s7, $0x6  }
0xd: {  	p0 =	por $0x0, $0x0;
	[sflag:s31] =	ssyncpa.u1 $0x0;
	s8 =	sor.u32 $0x1, s7  }
.LBB1_4:
0xe: {  	s24 =	sshra.s32 s24, $0x2;
	s30 =	sshrl.u32 s11, $0x7  }
0xf: {  	p1 =	sgt.s32 s12, $0x3;
	s25 =	smov.u32 s12;
	s26 =	sshra.s32 s12, $0x1F  }
0x10: {  	s28 =	sshra.s32 s11, $0x1F;
	p2 =	sgt.s32 s10, $0x3F;
	s31 =	sshra.s32 s10, $0x1F  }
0x11: {  	s23 =	sadd.s32 s24, s23;
	s24 =	sand.u32 $0x3FFFFF, s30;
	s25 =	simm.s32 @!p1 $0x3  }
0x12: {  	s26 =	sand.u32 s26, s12;
	p1 =	sgt.s32 s11, $0x380;
	s28 =	sand.u32 s28, s11  }
0x13: {  	[tilespmem:s22+$0x2040 ss:$0x81] =	vst.msk $0xffff, v4;
	s27 =	smulhi.u32 $0x38E38E4, s24;
	s25 =	ssub.s32 s25, s26;
	s26 =	smov.u32 s11  }
0x14: {  	v5 =	vld [tilespmem:s21+$0xFFFFFFD0];
	[tilespmem:s22+$0x2850 ss:$0x81] =	vst.msk $0xffff, v3;
	s29 =	sadd.s32 $0xFFFFFFFD, s25;
	s26 =	simm.s32 @!p1 $0x380;
	s25 =	ssub.s32 $0x4, s25  }
0x15: {  	v58 =	vld [tilespmem:s21+$0xFFFFFFE0];
	[tilespmem:s22+$0x3060 ss:$0x81] =	vst.msk $0xffff, v2;
	p1 =	sgt.s32 s29, $0x0;
	s26 =	ssub.s32 s26, s28;
	s25 =	smul.u32 $0x48, s25  }
0x16: {  	v59 =	vld [tilespmem:s21+$0xFFFFFFF0];
	[tilespmem:s22+$0x0 ss:$0x81] =	vst.msk $0xffff, v1;
	s29 =	smov.u32 s10;
	s22 =	smul.u32 $0x48, s27;
	s28 =	sadd.s32 $0xFFFFFC80, s26  }
0x17: {  	v60 =	vld [tilespmem:s21+$0x0];
	s29 =	simm.s32 @!p2 $0x3F;
	s26 =	ssub.s32 $0x400, s26;
	p2 =	sgt.s32 s28, $0x7F  }
0x18: {  	v61 =	vld [tilespmem:s21+$0x10];
	[tilespmem:s23+$0x3870 ss:$0x81] =	vst.msk $0xffff, v0;
	s28 =	sand.u32 s31, s10;
	s25 =	simm.s32 @p1 $0x0;
	s31 =	smul.u32 $0x90000, s12  }
0x19: {  	v62 =	vld [tilespmem:s21+$0x20];
	[tilespmem:s23+$0x810 ss:$0x81] =	vst.msk $0xffff, v5;
	s22 =	ssub.s32 s24, s22;
	s27 =	ssub.s32 s29, s28;
	s26 =	simm.s32 @p2 $0x0  }
0x1a: {  	v63 =	vld [tilespmem:s21+$0xFFFFFFC0];
	[tilespmem:s23+$0x1020 ss:$0x81] =	vst.msk $0xffff, v58;
	s28 =	sshrl.u32 s11, $0x3;
	s25 =	smul.u32 s26, s25;
	s30 =	sadd.s32 $0xFFFFFFC1, s27  }
0x1b: {  	[tilespmem:s23+$0x1830 ss:$0x81] =	vst.msk $0xffff, v59;
	s21 =	ssub.s32 $0x40, s27;
	s27 =	smul.u32 $0x2400, s10;
	p1 =	sgt.s32 s30, $0x0  }
0x1c: {  	[tilespmem:s23+$0x2040 ss:$0x81] =	vst.msk $0xffff, v60;
	s29 =	sand.u32 $0x7, s11;
	s26 =	sadd.s32 s4, s31;
	s21 =	simm.s32 @p1 $0x0  }
0x1d: {  	[tilespmem:s23+$0x2850 ss:$0x81] =	vst.msk $0xffff, v61;
	s24 =	sadd.s32 s27, s26;
	s21 =	smul.u32 s21, s25;
	s25 =	sand.u32 $0xF, s28  }
0x1e: {  	[tilespmem:s23+$0x3060 ss:$0x81] =	vst.msk $0xffff, v62;
	s22 =	sshll.u32 s22, $0x7;
	s30 =	sshll.u32 s29, $0x12;
	s24 =	sadd.s32 s25, s24  }
0x1f: {  	[tilespmem:s23+$0x0 ss:$0x81] =	vst.msk $0xffff, v63;
	s31 =	sor.u32 $0x400, s30;
	s21 =	sand.u32 $0x3FFFFFF8, s21;
	s22 =	sadd.s32 s22, s24  }
0x20: {  	[hbm4b:s22+s31] =	stream.strided.scatter [tilespmem:s20], [sflag:$0x2], s21, s9, s31, $0x20;
	[tilespmem:$0x10100] =	vst v63  }
.LBB1_5:
0x21: {  	p1 =	slt.u32 s16, $0x2  }
0x22: {  	p2 =	sgt.s32 @!p1 s19, $0x3  }
0x23: {  	s20 =	smov.u32 s19;
	s21 =	sshra.s32 @!p1 s19, $0x1F;
	p2 =	por !p2, p1  }
0x24: {  	p3 =	sgt.s32 @!p1 s18, $0x380;
	s19 =	sand.u32 @!p1 s21, s19;
	s20 =	simm.s32 @p2 $0x3  }
0x25: {  	s22 =	smov.u32 s17;
	p3 =	por !p3, p1;
	s19 =	ssub.s32 @!p1 s20, s19  }
0x26: {  	s21 =	sshra.s32 @!p1 s18, $0x1F;
	s20 =	sadd.s32 @!p1 $0xFFFFFFFD, s19;
	s19 =	ssub.s32 @!p1 $0x4, s19  }
0x27: {  	p2 =	sgt.s32 @!p1 s20, $0x0;
	s20 =	smov.u32 s18;
	s18 =	sand.u32 @!p1 s21, s18  }
0x28: {  	s21 =	sshra.s32 @!p1 s17, $0x1F;
	s20 =	simm.s32 @p3 $0x380;
	p3 =	sgt.s32 @!p1 s17, $0x3F  }
0x29: {  	s19 =	smul.u32 @!p1 $0x48, s19;
	p3 =	por !p3, p1;
	s18 =	ssub.s32 @!p1 s20, s18  }
0x2a: {  	s17 =	sand.u32 @!p1 s21, s17;
	s22 =	simm.s32 @p3 $0x3F;
	s20 =	sadd.s32 @!p1 $0xFFFFFC80, s18  }
0x2b: {  	p2 =	por !p2, p1;
	s17 =	ssub.s32 @!p1 s22, s17;
	p3 =	sgt.s32 @!p1 s20, $0x7F  }
0x2c: {  	s18 =	ssub.s32 @!p1 $0x400, s18;
	s21 =	sadd.s32 @!p1 $0xFFFFFFC1, s17;
	p3 =	por !p3, p1  }
0x2d: {  	s19 =	simm.s32 @!p2 $0x0;
	s18 =	simm.s32 @!p3 $0x0;
	p3 =	sgt.s32 @!p1 s21, $0x0  }
0x2e: {  	s17 =	ssub.s32 @!p1 $0x40, s17;
	p2 =	por !p3, p1;
	s18 =	smul.u32 @!p1 s18, s19  }
0x2f: {  	s20 =	sadd.s32 $0x1, s13;
	s21 =	smov.u32 s14;
	s17 =	simm.s32 @!p2 $0x0  }
0x30: {  	p2 =	sgt.s32 s20, $0x3F;
	s17 =	smul.u32 @!p1 s17, s18;
	s18 =	sadd.s32 $0x400, s14  }
0x31: {  	s21 =	smov.u32 @p2 s18  }
0x32: {  	s23 =	smov.u32 s15;
	s18 =	sadd.s32 $0x4, s15;
	p3 =	sgt.s32 s21, $0x3FF  }
0x33: {  	p0 =	por !p0, !p0;
	s22 =	simm.s32 @!p1 $0x2;
	s23 =	smov.u32 @p3 s18  }
0x34: {  	s19 =	smov.u32 s12;
	s20 =	simm.s32 @p2 $0x0;
	p2 =	sgt.s32 s23, $0x3  }
0x35: {  	s17 =	sand.u32 @!p1 $0x3FFFFFF8, s17;
	s23 =	smov.u32 @p2 s5;
	p2 =	sne.s32 s16, s8  }
.Ltmp1:
0x36: {  	s12 =	smov.u32 s15;
	_ =	swait.ge @!p1 [sflag:s22], s17;
	(pc) =	sbr.rel @!p2 .LBB1_6-.Ltmp1, $4  }
0x37: {  	s24 =	ssub.s32 @!p1 $0x0, s17;
	s21 =	smov.u32 @p3 s2;
	s17 =	smov.u32 s10  }
0x38: {  	s18 =	smov.u32 s11;
	s10 =	smov.u32 s13;
	s11 =	smov.u32 s14  }
0x39: {  	s13 =	smov.u32 s20;
	[sflag:s22] =	ssyncset.done @!p1 $0x0;
	s14 =	smov.u32 s21  }
0x3a: {  	s16 =	sadd.s32 $0x1, s16;
	[sflag:s22] =	ssyncadd.s32 @!p1 s24;
	s15 =	smov.u32 s23  }
.LBB1_1:
0x3b: {  	p1 =	sge.u32 s16, s7;
	s31 =	sadd.s32 $0xFFFFFFFF, s16  }
0x3c: {  	s20 =	sxor.u32 @!p1 $0xFFFFFFFF, s16;
	s21 =	sshll.u32 @!p1 s15, $0x14;
	s22 =	sshll.u32 @!p1 s14, $0xA  }
0x3d: {  	s23 =	sshll.u32 @!p1 s13, $0x4;
	s20 =	sshll.u32 @!p1 s20, $0xE;
	s21 =	sadd.s32 @!p1 s3, s21  }
0x3e: {  	s23 =	sand.u32 @!p1 $0x3F0, s23;
	s20 =	sand.u32 @!p1 $0x4000, s20;
	s21 =	sadd.s32 @!p1 s22, s21  }
0x3f: {  	s22 =	simm.s32 @!p1 $0x80;
	s21 =	sadd.s32 @!p1 s23, s21;
	s23 =	simm.s32 @!p1 $0x2000  }
0x40: {  	[tilespmem:s20], [sflag:$0x1] =	stream.strided.gather @!p1 [hbm4b:s21+s22], $0x4000, s23, s22, $0x38;
	[tilespmem:$0x10100] =	vst v63  }
0x41: {  	p1 =	sge.u32 s31, s7  }
.Ltmp2:
0x42: {  	_ = 	snop;
	(pc) =	sbr.rel @p1 .LBB1_5-.Ltmp2, $1  }
0x43: {  	_ =	sdelay $0x3  }
0x44: {  	s20 =	simm.s32 $0x1  }
0x45: {  	_ =	swait.ge [sflag:s6], $0x4000;
	s20 =	simm.s32 @!p0 $0x0  }
0x46: {  	[sflag:s6] =	ssyncset.done $0x0;
	s21 =	sshll.u32 s20, $0xE  }
0x47: {  	[sflag:s6] =	ssyncadd.s32 $0xFFFFC000;
	s21 =	sor.u32 $0x40, s21  }
0x48: {  	s20 =	smul.u32 $0x10200, s20;
	v0 =	vld [tilespmem:s21+$0x30]  }
0x49: {  	v1 =	vld [tilespmem:s21+$0xFFFFFFD0]  }
0x4a: {  	s20 =	sshrl.u32 s20, $0x2;
	v5 =	vld [tilespmem:s21+$0xFFFFFFE0]  }
0x4b: {  	v6 =	vld [tilespmem:s21+$0xFFFFFFF0];
	s23 =	sor.u32 $0x8000, s20  }
0x4c: {  	s31 =	sand.u32 $0x1, s16;
	v4 =	vld [tilespmem:s21+$0x0];
	s22 =	sadd.s32 $0x0, s23  }
0x4d: {  	v3 =	vld [tilespmem:s21+$0x10];
	s20 =	smul.u32 $0x10200, s31;
	[tilespmem:s22+$0x3870 ss:$0x81] =	vst.msk $0xffff, v0  }
0x4e: {  	v2 =	vld [tilespmem:s21+$0x20];
	[tilespmem:s22+$0x810 ss:$0x81] =	vst.msk $0xffff, v1  }
0x4f: {  	s20 =	sshrl.u32 s20, $0x2;
	v1 =	vld [tilespmem:s21+$0xFFFFFFC0];
	[tilespmem:s22+$0x1020 ss:$0x81] =	vst.msk $0xffff, v5;
	s21 =	sadd.s32 $0x80, s21  }
0x50: {  	s24 =	simm.s32 $0x4;
	s25 =	simm.s32 $0x8;
	s20 =	sor.u32 $0x8000, s20;
	[tilespmem:s22+$0x1830 ss:$0x81] =	vst.msk $0xffff, v6;
	v0 =	vld [tilespmem:s21+$0x30]  }
.LBB1_3:
0x51: {  	p1 =	sne.s32 s25, $0x1FC;
	v5 =	vld [tilespmem:s21+$0xFFFFFFD0];
	[tilespmem:s22+$0x2040 ss:$0x81] =	vst.msk $0xffff, v4  }
0x52: {  	v6 =	vld [tilespmem:s21+$0xFFFFFFE0];
	[tilespmem:s22+$0x2850 ss:$0x81] =	vst.msk $0xffff, v3  }
0x53: {  	s26 =	sshra.s32 s24, $0x2;
	s24 =	smov.u32 s25;
	v7 =	vld [tilespmem:s21+$0xFFFFFFF0];
	[tilespmem:s22+$0x3060 ss:$0x81] =	vst.msk $0xffff, v2  }
.Ltmp3:
0x54: {  	v4 =	vld [tilespmem:s21+$0x0];
	[tilespmem:s22+$0x0 ss:$0x81] =	vst.msk $0xffff, v1;
	s22 =	sadd.s32 s26, s23;
	(pc) =	sbr.rel @p1 .LBB1_3-.Ltmp3, $4  }
0x55: {  	v3 =	vld [tilespmem:s21+$0x10];
	[tilespmem:s22+$0x3870 ss:$0x81] =	vst.msk $0xffff, v0  }
0x56: {  	[tilespmem:s22+$0x810 ss:$0x81] =	vst.msk $0xffff, v5;
	v2 =	vld [tilespmem:s21+$0x20]  }
0x57: {  	v1 =	vld [tilespmem:s21+$0xFFFFFFC0];
	[tilespmem:s22+$0x1020 ss:$0x81] =	vst.msk $0xffff, v6;
	s21 =	sadd.s32 $0x80, s21  }
0x58: {  	s25 =	sadd.s32 $0x4, s25;
	v0 =	vld [tilespmem:s21+$0x30];
	[tilespmem:s22+$0x1830 ss:$0x81] =	vst.msk $0xffff, v7  }
.Ltmp4:
0x59: {  	_ = 	snop;
	(pc) =	sbr.rel .LBB1_4-.Ltmp4, $1  }
0x5a: {  	_ =	sdelay $0x3  }
.LBB1_6:
0x5b: {  	_ =	sfence.sel $0x180000  }
0x5c: {  	s2 =	simm.s32 $0x1;
	[bflag:$0x0] =	sbarrier.arrive $0xFFFF  }
0x5d: {  	s31 =	simm.s32 $0x2;
	[sflag:s2] =	ssyncpa.u1 $0x1  }
0x5e: {  	[sflag:s31] =	ssyncpa.u1 $0x1  }
0x5f: {  	p0 =	sne.s32 s0, $0x0;
	_ =	strace $0x90000053  }
0x60: {  	s0 =	sadd.s32 @!p0 $0x100000, s1;
	[bflag:$0x2] =	sbarrier.arrive $0xFFFF  }
0x61: {  	[sflag:s0] =	ssyncadd.tile.s32 @!p0 $0x1;
	_ =	shalt  }
.Lfunc_end1:
_tile_overlayer_lowered:
.L_overlay_start_2:
0x62: {  	(tag) =	ssettag $0x2  }
0x63: {  	s0 =	rddreg [dreg:$0x0];
	s2 =	stileid.u32  }
0x64: {  	s1 =	rddreg [dreg:$0x1];
	p0 =	sne.s32 s2, $0x0  }
0x65: {  	s3 =	rddreg [dreg:$0x2];
	[bflag:$0x3] =	sbarrier.arrive $0xFFFF;
	s2 =	simm.s32 @!p0 $0x1C01  }
0x66: {  	[timem:s3], [sflag:s2] =	dma.local @!p0 [hbm:s0], s1  }
0x67: {  	s0 =	simm.s32 @!p0 $0x1  }
0x68: {  	_ =	swait.ge @!p0 [sflag:s0], s1  }
0x69: {  	s1 =	ssub.s32 @!p0 $0x0, s1;
	[sflag:s0] =	ssyncset.done @!p0 $0x0  }
0x6a: {  	[sflag:s0] =	ssyncadd.s32 @!p0 s1  }
0x6b: {  	[bflag:$0x3] =	sbarrier.arrive $0xFFFF  }
0x6c: {  	_ =	shalt  }

// kernel: sparse-core-data-format-call.cloned.1.call-start
scs
called_computation_lowered:
.L_overlay_start_0:
0x0: {  	s2 =	sld [smem:$0x3FD9]  }
0x1: {  	s3 =	sld [smem:$0x3FFE];
	_ =	sdelay $0x1  }
0x2: {  	s1 =	srdreg.scid  }
0x3: {  	s0 =	sand.u32 $0x1, s1  }
0x4: {  	s18 =	sshll.u32 s0, $0xA;
	s2 =	sadd.s32 s3, s2  }
0x5: {  	s2 =	sadd.s32 s2, s18  }
0x6: {  	[smem:$0x3FC3] =	sst s2  }
0x7: {  	_ = 	snop  }
0x8: {  	(tm) =	ssettm $0x1  }
0x9: {  	s19 =	sld [smem:$0x3FFB];
	_ =	sdelay $0x3  }
0xa: {  	_ =	strace s19  }
0xb: {  	s2 =	sld [smem:$0x3FFC];
	_ =	sdelay $0x3  }
0xc: {  	_ =	strace s2  }
0xd: {  	s2 =	sld [smem:$0x3FFD];
	_ =	sdelay $0x3  }
0xe: {  	_ =	strace s2  }
0xf: {  	_ =	strace $0x8FFFFFFF  }
0x10: {  	s20 =	sld [smem:$0x3FDB];
	_ =	sdelay $0x1  }
0x11: {  	s21 =	simm.s32 $_scs_section_size  }
0x12: {  	s4 =	simm.s32 $_size__tile_overlayer_lowered;
	s5 =	simm.s32 $_tile_overlayer_lowered  }
0x13: {  	s6 =	simm.s32 $0x1BFF;
	s22 =	sshll.u32 s5, $0x1;
	s3 =	sadd.s32 s21, s20  }
0x14: {  	s23 =	simm.s32 $0x0;
	s4 =	sshll.u32 s4, $0x1;
	s5 =	sadd.s32 s22, s3  }
0x15: {  	[timem:s23], [sflag:s6] =	dma.local [hbm:s5], s4  }
0x16: {  	_ =	swait.ge [sflag:s6], s4  }
0x17: {  	s4 =	ssub.s32 $0x0, s4;
	[sflag:s6] =	ssyncset.done $0x0  }
0x18: {  	[sflag:s6] =	ssyncadd.s32 s4;
	_ =	sdelay $0x1  }
0x19: {  	s24 =	simm.s32 $0x1B8B  }
0x1a: {  	_ =	swait.ge [sflag:s24], $0x1  }
0x1b: {  	[sflag:s24] =	ssyncset.done $0x0  }
0x1c: {  	[sflag:s24] =	ssyncadd.s32 $0xFFFFFFFF  }
0x1d: {  	s4 =	sld [smem:$0x0]  }
0x1e: {  	s5 =	sand.u32 $0xFFFFFFFE, s1  }
0x1f: {  	p0 =	sne.s32 s1, s5  }
0x20: {  	s5 =	sshll.u32 @p0 s5, $0xE  }
0x21: {  	s5 =	sadd.s32 @p0 $0x11B8D, s5;
	s6 =	sshll.u32 @p0 s4, $0x11  }
0x22: {  	s5 =	sor.u32 @p0 s6, s5  }
0x23: {  	[sflag:s5] =	ssyncadd.remote.s32 @p0 $0x1;
	_ =	sdelay $0x1  }
0x24: {  	s5 =	simm.s32 @p0 $0x1B8D  }
0x25: {  	_ =	swait.eq @p0 [sflag:s5], $0x1  }
0x26: {  	[sflag:s5] =	ssyncadd.s32 @p0 $0xFFFFFFFF  }
0x27: {  	s6 =	sshll.u32 @!p0 s1, $0xE  }
0x28: {  	s6 =	sor.u32 @!p0 $0x4000, s6;
	s5 =	simm.s32 @!p0 $0x1B8D  }
0x29: {  	s4 =	sshll.u32 @!p0 s4, $0x11;
	s6 =	sadd.s32 @!p0 $0x11B8D, s6;
	_ =	swait.eq @!p0 [sflag:s5], $0x1  }
0x2a: {  	s4 =	sor.u32 @!p0 s4, s6;
	[sflag:s5] =	ssyncadd.s32 @!p0 $0xFFFFFFFF  }
0x2b: {  	s26 =	simm.s32 $0x1B8E;
	s25 =	sld [smem:$0x3FFE];
	[sflag:s4] =	ssyncadd.remote.s32 @!p0 $0x1  }
0x2c: {  	s27 =	simm.s32 $execute0_lowered;
	[smem:$0x3FD2] =	sst s26  }
0x2d: {  	s5 =	sshll.u32 s27, $0x1;
	_ =	strace $0x80000058;
	[dreg:$0x1] =	wrdreg $0xFFFFFFFF  }
0x2e: {  	s28 =	simm.s32 $_size_execute0_lowered;
	s3 =	sadd.s32 s3, s5;
	[dreg:$0x0] =	wrdreg $0x0  }
0x2f: {  	s5 =	sshll.u32 s28, $0x1;
	[dreg:$0x2] =	wrdreg s3  }
0x30: {  	[dreg:$0x3] =	wrdreg s5  }
0x31: {  	[dreg:$0x4] =	wrdreg $0xC0  }
0x32: {  	_ =	task [dreg:s23], $0x5FFFF  }
0x33: {  	[dreg:$0x1] =	wrdreg $0xFFFFFFFF  }
0x34: {  	[dreg:$0x0] =	wrdreg $0x60  }
0x35: {  	[dreg:$0x2] =	wrdreg s25  }
0x36: {  	[dreg:$0x3] =	wrdreg $0x9  }
0x37: {  	_ =	task.clear_ibuf [dreg:s23], $0x4FFFF;
	_ =	strace $0x90000058  }
0x38: {  	s29 =	simm.s32 $0x9;
	_ =	strace $0x8000005A  }
0x39: {  	_ =	swait.ge [sflag:s29], $0x1  }
0x3a: {  	[sflag:s29] =	ssyncadd.s32 $0xFFFFFFFF  }
0x3b: {  	_ =	strace $0x9000005A  }
0x3c: {  	_ =	sfence  }
0x3d: {  	s30 =	sld [smem:$0x0];
	_ =	sdelay $0x2  }
0x3e: {  	s31 =	sshll.u32 s1, $0xD;
	s1 =	sshrl.u32 s1, $0x2  }
0x3f: {  	s4 =	sand.u32 $0x4000, s31;
	s1 =	sadd.s32 s1, s30  }
0x40: {  	s0 =	sor.u32 s4, s0;
	s1 =	sshll.u32 s1, $0x11  }
0x41: {  	s0 =	sor.u32 s1, s0  }
0x42: {  	s0 =	sadd.s32 $0x8F2B, s0  }
0x43: {  	[sflag:s0] =	ssyncadd.remote.s32 $0x1  }
0x44: {  	_ =	sfence.sel $0xFFFF  }
0x45: {  	[dreg:$0x0] =	wrdreg $0xFFFFFFFF;
	(pc) =	sbr.abs _section_cstart, $3  }
0x46: {  	[dreg:$0x1] =	wrdreg $0xFFFFFFFF  }
0x47: {  	_ =	task.clear_ibuf [dreg:s23], $0x2FFFF;
	_ =	strace $0x9FFFFFFF  }
0x48: {  	(tm) =	ssettm $0x7FFFFFFF  }
0x49: {  	_ =	shalt  }
tec
execute0_lowered:
.L_overlay_start_1:
0x0: {  	(tag) =	ssettag $0x1  }
0x1: {  	s0 =	stileid.u32  }
0x2: {  	s5 =	rddreg [dreg:$0x0];
	s3 =	srdreg.scid;
	_ =	strace $0x80000059  }
0x3: {  	s31 =	simm.s32 $0x2;
	s20 =	simm.s32 $0x0;
	s22 =	simm.s32 $0x0  }
0x4: {  	s21 =	simm.s32 $0x0;
	s23 =	simm.s32 $0x0;
	s11 =	simm.s32 $0x0  }
0x5: {  	s13 =	simm.s32 $0x0;
	s14 =	simm.s32 $0x0;
	s15 =	simm.s32 $0x0  }
0x6: {  	s19 =	simm.s32 $0x0;
	s1 =	sshll.u32 s0, $0x5;
	s3 =	sand.u32 $0x1, s3  }
0x7: {  	s30 =	sadd.s32 $0x879200, s5;
	s2 =	sand.u32 $0x180, s1;
	s7 =	ssub.s32 $0x40, s3  }
0x8: {  	[dreg:$0x2] =	wrdreg s30;
	s16 =	smov.u32 s3;
	s4 =	ssub.s32 $0x200, s2  }
0x9: {  	s9 =	sshrl.u32 s7, $0x1;
	s17 =	smov.u32 s2;
	s6 =	sand.u32 $0x180, s4  }
0xa: {  	s8 =	sshrl.u32 s4, $0x9;
	p0 =	sne.s32 s6, $0x0;
	s6 =	simm.s32 $0x1  }
.Ltmp0:
0xb: {  	s4 =	sadd.s32 $0x71000, s5;
	s6 =	simm.s32 @!p0 $0x0;
	(pc) =	sbr.rel .LBB1_1-.Ltmp0, $4  }
0xc: {  	s7 =	ssub.s32 s7, s9;
	s8 =	sadd.s32 s6, s8;
	s6 =	simm.s32 $0x1  }
0xd: {  	p0 =	por $0x0, $0x0;
	s9 =	smul.u32 s8, s7;
	[sflag:s6] =	ssyncpa.u1 $0x0  }
0xe: {  	s7 =	sand.u32 $0x3, s0;
	s0 =	simm.s32 $0x0;
	[sflag:s31] =	ssyncpa.u1 $0x0  }
0xf: {  	s18 =	smov.u32 s7;
	s8 =	sshll.u32 s9, $0x1;
	s9 =	sshllo.u32 s9, $0x1  }
.LBB1_4:
0x10: {  	v5 =	vld [tilespmem:s25+$0xFFFFFFD0]  }
0x11: {  	v58 =	vld [tilespmem:s25+$0xFFFFFFE0]  }
0x12: {  	[tilespmem:s26+$0x2040 ss:$0x81] =	vst.msk $0xffff, v4;
	v59 =	vld [tilespmem:s25+$0xFFFFFFF0]  }
0x13: {  	s28 =	sshra.s32 s28, $0x2;
	s10 =	sshll.u32 s11, $0x9;
	[tilespmem:s26+$0x2850 ss:$0x81] =	vst.msk $0xffff, v3;
	v60 =	vld [tilespmem:s25+$0x0]  }
0x14: {  	p1 =	sgt.s32 s14, $0x3;
	s29 =	smov.u32 s14;
	s30 =	sshra.s32 s14, $0x1F;
	[tilespmem:s26+$0x3060 ss:$0x81] =	vst.msk $0xffff, v2;
	v61 =	vld [tilespmem:s25+$0x10]  }
0x15: {  	s31 =	sshll.u32 s13, $0x3;
	s5 =	sshra.s32 s13, $0x1F;
	[tilespmem:s26+$0x0 ss:$0x81] =	vst.msk $0xffff, v1;
	s26 =	sand.u32 $0x78, s13;
	v62 =	vld [tilespmem:s25+$0x20]  }
0x16: {  	v63 =	vld [tilespmem:s25+$0xFFFFFFC0];
	s25 =	smul.u32 $0x90000, s14;
	s27 =	sadd.s32 s28, s27;
	s29 =	simm.s32 @!p1 $0x3  }
0x17: {  	s30 =	sand.u32 s30, s14;
	s28 =	sand.u32 $0xFFFFF000, s10;
	s31 =	sand.u32 $0xFFFFFC00, s31  }
0x18: {  	s10 =	sshra.s32 s0, $0x1F;
	s29 =	ssub.s32 s29, s30;
	s28 =	sadd.s32 s31, s28  }
0x19: {  	s30 =	sshll.u32 s11, $0x7;
	s31 =	sand.u32 s5, s13;
	s10 =	sand.u32 s10, s0  }
0x1a: {  	s5 =	sshra.s32 s11, $0x1F;
	s12 =	sadd.s32 $0xFFFFFFFD, s29;
	s1 =	sand.u32 $0x200, s30  }
0x1b: {  	s29 =	ssub.s32 $0x4, s29;
	p1 =	sgt.s32 s12, $0x0;
	s1 =	sor.u32 s1, s28  }
0x1c: {  	s28 =	smov.u32 s13;
	s29 =	simm.s32 @p1 $0x0;
	p1 =	sgt.s32 s13, $0x180  }
0x1d: {  	s12 =	smov.u32 s0;
	s28 =	simm.s32 @!p1 $0x180;
	p1 =	sgt.s32 s0, $0x3F  }
0x1e: {  	s5 =	sand.u32 s5, s11;
	s1 =	sshrl.u32 s1, $0x9;
	s12 =	simm.s32 @!p1 $0x3F  }
0x1f: {  	s28 =	ssub.s32 s28, s31;
	p1 =	sgt.s32 s11, $0x10;
	s10 =	ssub.s32 s12, s10  }
0x20: {  	s12 =	smov.u32 s11;
	s31 =	sadd.s32 $0xFFFFFE80, s28;
	s28 =	ssub.s32 $0x200, s28  }
0x21: {  	s12 =	simm.s32 @!p1 $0x10;
	p1 =	sgt.s32 s31, $0x7F;
	s31 =	sadd.s32 $0xFFFFFFC1, s10  }
0x22: {  	[tilespmem:s27+$0x3870 ss:$0x81] =	vst.msk $0xffff, v0;
	s28 =	simm.s32 @p1 $0x0;
	p1 =	sgt.s32 s31, $0x0;
	s31 =	smulhi.u32 $0x1C71C72, s1  }
0x23: {  	s30 =	sand.u32 $0x180, s30;
	[tilespmem:s27+$0x810 ss:$0x81] =	vst.msk $0xffff, v5;
	s5 =	ssub.s32 s12, s5;
	s12 =	smul.u32 s29, s28  }
0x24: {  	[tilespmem:s27+$0x1020 ss:$0x81] =	vst.msk $0xffff, v58;
	s10 =	ssub.s32 $0x40, s10;
	s29 =	sor.u32 s26, s30;
	s30 =	smul.u32 $0x2400, s0  }
0x25: {  	[tilespmem:s27+$0x1830 ss:$0x81] =	vst.msk $0xffff, v59;
	s10 =	simm.s32 @p1 $0x0;
	s28 =	smul.u32 $0x90, s31;
	s31 =	sadd.s32 $0xFFFFFFF0, s5  }
0x26: {  	[tilespmem:s27+$0x2040 ss:$0x81] =	vst.msk $0xffff, v60;
	s5 =	ssub.s32 $0x90, s5;
	s10 =	smul.u32 s10, s12;
	p1 =	sgt.s32 s31, $0x7F  }
0x27: {  	s31 =	rddreg [dreg:$0x2];
	s5 =	simm.s32 @p1 $0x0;
	s1 =	ssub.s32 s1, s28  }
0x28: {  	s28 =	sand.u32 $0x7, s13;
	s5 =	smul.u32 s5, s10;
	s10 =	sadd.s32 s31, s25  }
0x29: {  	[tilespmem:s27+$0x2850 ss:$0x81] =	vst.msk $0xffff, v61;
	s25 =	sshrl.u32 s29, $0x3;
	s1 =	sshll.u32 s1, $0x6;
	s10 =	sadd.s32 s30, s10  }
0x2a: {  	[tilespmem:s27+$0x3060 ss:$0x81] =	vst.msk $0xffff, v62;
	s29 =	sshll.u32 s28, $0x12;
	s31 =	simm.s32 $0x1000;
	s10 =	sadd.s32 s25, s10  }
0x2b: {  	[tilespmem:s27+$0x0 ss:$0x81] =	vst.msk $0xffff, v63;
	s30 =	sor.u32 $0x400, s29;
	s5 =	sand.u32 $0x3FFFFFFF, s5;
	s1 =	sadd.s32 s1, s10  }
0x2c: {  	[hbm4b:s1+s30] =	stream.strided.scatter [tilespmem:s24], [sflag:$0x2], s5, s31, s30, $0x20;
	[tilespmem:$0x10100] =	vst v63  }
.LBB1_5:
0x2d: {  	p1 =	slt.u32 s19, $0x2;
	s1 =	smov.u32 s23  }
0x2e: {  	s10 =	smov.u32 s22;
	s24 =	smov.u32 s16;
	s25 =	smov.u32 s17  }
0x2f: {  	p0 =	por !p0, !p0;
	p2 =	sgt.s32 @!p1 s23, $0x3;
	s5 =	sshra.s32 @!p1 s23, $0x1F  }
0x30: {  	s12 =	sshra.s32 @!p1 s22, $0x1F;
	p2 =	por !p2, p1;
	s5 =	sand.u32 @!p1 s5, s23  }
0x31: {  	s23 =	smov.u32 s14;
	s1 =	simm.s32 @p2 $0x3;
	p2 =	sgt.s32 @!p1 s22, $0x3F  }
0x32: {  	s14 =	smov.u32 s18;
	s1 =	ssub.s32 @!p1 s1, s5;
	p2 =	por !p2, p1  }
0x33: {  	s5 =	sadd.s32 @!p1 $0xFFFFFFFD, s1;
	s10 =	simm.s32 @p2 $0x3F;
	s1 =	ssub.s32 @!p1 $0x4, s1  }
0x34: {  	p3 =	sgt.s32 @!p1 s5, $0x0;
	s5 =	sand.u32 @!p1 s12, s22;
	s12 =	sshra.s32 @!p1 s21, $0x1F  }
0x35: {  	p2 =	por !p3, p1;
	s5 =	ssub.s32 @!p1 s10, s5;
	s12 =	sand.u32 @!p1 s12, s21  }
0x36: {  	s1 =	simm.s32 @!p2 $0x0;
	s10 =	sadd.s32 @!p1 $0xFFFFFFC1, s5;
	p2 =	sgt.s32 @!p1 s21, $0x180  }
0x37: {  	p3 =	sgt.s32 @!p1 s10, $0x0;
	p2 =	por !p2, p1;
	s10 =	smov.u32 s21  }
0x38: {  	s5 =	ssub.s32 @!p1 $0x40, s5;
	s10 =	simm.s32 @p2 $0x180;
	p2 =	sgt.s32 @!p1 s20, $0x10  }
0x39: {  	s21 =	sshra.s32 @!p1 s20, $0x1F;
	s10 =	ssub.s32 @!p1 s10, s12;
	p2 =	por !p2, p1  }
0x3a: {  	s12 =	smov.u32 s20;
	s20 =	sand.u32 @!p1 s21, s20;
	s21 =	sadd.s32 @!p1 $0xFFFFFE80, s10  }
0x3b: {  	p3 =	por !p3, p1;
	s12 =	simm.s32 @p2 $0x10;
	p2 =	sgt.s32 @!p1 s21, $0x7F  }
0x3c: {  	s10 =	ssub.s32 @!p1 $0x200, s10;
	s12 =	ssub.s32 @!p1 s12, s20;
	p2 =	por !p2, p1  }
0x3d: {  	s5 =	simm.s32 @!p3 $0x0;
	s20 =	sadd.s32 @!p1 $0xFFFFFFF0, s12;
	s10 =	simm.s32 @!p2 $0x0  }
0x3e: {  	s12 =	ssub.s32 @!p1 $0x90, s12;
	s1 =	smul.u32 @!p1 s1, s10;
	s10 =	sadd.s32 $0x80, s15  }
0x3f: {  	p2 =	sgt.s32 @!p1 s20, $0x7F;
	s20 =	sadd.s32 $0x2, s16;
	p3 =	sgt.s32 s10, $0x8F  }
0x40: {  	p2 =	por !p2, p1;
	s1 =	smul.u32 @!p1 s5, s1;
	s24 =	smov.u32 @p3 s20  }
0x41: {  	s12 =	simm.s32 @!p2 $0x0;
	s5 =	sadd.s32 $0x200, s17;
	p2 =	sgt.s32 s24, $0x3F  }
0x42: {  	s10 =	simm.s32 @p3 $0x0;
	s1 =	smul.u32 @!p1 s12, s1;
	s25 =	smov.u32 @p2 s5  }
0x43: {  	s5 =	sadd.s32 $0x4, s18;
	s12 =	smov.u32 s18;
	p3 =	sgt.s32 s25, $0x1FF  }
0x44: {  	s22 =	smov.u32 s0;
	s0 =	smov.u32 s16;
	s12 =	smov.u32 @p3 s5  }
0x45: {  	s21 =	smov.u32 s13;
	s24 =	smov.u32 @p2 s3;
	p2 =	sgt.s32 s12, $0x3  }
0x46: {  	s13 =	smov.u32 s17;
	s12 =	smov.u32 @p2 s7;
	p2 =	sne.s32 s19, s9  }
.Ltmp1:
0x47: {  	s20 =	smov.u32 s11;
	s11 =	smov.u32 s15;
	(pc) =	sbr.rel @!p2 .LBB1_6-.Ltmp1, $4  }
0x48: {  	s15 =	smov.u32 s10;
	s1 =	sand.u32 @!p1 $0x3FFFFFFF, s1;
	s5 =	simm.s32 @!p1 $0x2  }
0x49: {  	s16 =	smov.u32 s24;
	s25 =	smov.u32 @p3 s2;
	_ =	swait.ge @!p1 [sflag:s5], s1  }
0x4a: {  	s1 =	ssub.s32 @!p1 $0x0, s1;
	s17 =	smov.u32 s25;
	[sflag:s5] =	ssyncset.done @!p1 $0x0  }
0x4b: {  	s19 =	sadd.s32 $0x1, s19;
	[sflag:s5] =	ssyncadd.s32 @!p1 s1;
	s18 =	smov.u32 s12  }
.LBB1_1:
0x4c: {  	p1 =	sge.u32 s19, s8;
	s31 =	sadd.s32 $0xFFFFFFFF, s19  }
0x4d: {  	s24 =	sxor.u32 @!p1 $0xFFFFFFFF, s19;
	s25 =	sand.u32 @!p1 $0x78, s15;
	s26 =	sshll.u32 @!p1 s16, $0x8  }
0x4e: {  	s27 =	sshll.u32 @!p1 s15, $0x3;
	s28 =	sshll.u32 @!p1 s16, $0x7;
	s24 =	sshll.u32 @!p1 s24, $0xE  }
0x4f: {  	s26 =	sand.u32 @!p1 $0x3800, s26;
	s27 =	sand.u32 @!p1 $0x3C00, s27;
	s24 =	sand.u32 @!p1 $0x4000, s24  }
0x50: {  	s26 =	sadd.s32 @!p1 s26, s27;
	s27 =	sand.u32 @!p1 $0x300, s28;
	s28 =	sand.u32 @!p1 $0x80, s28  }
0x51: {  	s26 =	sor.u32 @!p1 s27, s26;
	s25 =	sor.u32 @!p1 s25, s28;
	s27 =	sshll.u32 @!p1 s18, $0x14  }
0x52: {  	s28 =	sshll.u32 @!p1 s17, $0xB;
	s26 =	sshrl.u32 @!p1 s26, $0x3;
	s27 =	sadd.s32 @!p1 s4, s27  }
0x53: {  	s25 =	sshrl.u32 @!p1 s25, $0x3;
	s27 =	sadd.s32 @!p1 s28, s27;
	s28 =	sand.u32 @!p1 $0x7, s15  }
0x54: {  	s26 =	sand.u32 @!p1 $0x7E0, s26;
	s25 =	sadd.s32 @!p1 s25, s27;
	s27 =	sshll.u32 @!p1 s28, $0x12  }
0x55: {  	s25 =	sadd.s32 @!p1 s26, s25;
	s26 =	sor.u32 @!p1 $0x80, s27;
	s27 =	simm.s32 @!p1 $0x4000  }
0x56: {  	[tilespmem:s24], [sflag:$0x1] =	stream.strided.gather @!p1 [hbm4b:s25+s26], $0x4000, s27, s26, $0x38;
	[tilespmem:$0x10100] =	vst v63  }
0x57: {  	p1 =	sge.u32 s31, s8  }
.Ltmp2:
0x58: {  	_ = 	snop;
	(pc) =	sbr.rel @p1 .LBB1_5-.Ltmp2, $1  }
0x59: {  	_ =	sdelay $0x3  }
0x5a: {  	s24 =	simm.s32 $0x1  }
0x5b: {  	_ =	swait.ge [sflag:s6], $0x4000;
	s24 =	simm.s32 @!p0 $0x0  }
0x5c: {  	[sflag:s6] =	ssyncset.done $0x0;
	s25 =	sshll.u32 s24, $0xE  }
0x5d: {  	[sflag:s6] =	ssyncadd.s32 $0xFFFFC000;
	s25 =	sor.u32 $0x40, s25  }
0x5e: {  	s24 =	smul.u32 $0x10200, s24;
	v0 =	vld [tilespmem:s25+$0x30]  }
0x5f: {  	v1 =	vld [tilespmem:s25+$0xFFFFFFD0]  }
0x60: {  	s24 =	sshrl.u32 s24, $0x2;
	v5 =	vld [tilespmem:s25+$0xFFFFFFE0]  }
0x61: {  	v6 =	vld [tilespmem:s25+$0xFFFFFFF0];
	s27 =	sor.u32 $0x8000, s24  }
0x62: {  	s31 =	sand.u32 $0x1, s19;
	v4 =	vld [tilespmem:s25+$0x0];
	s26 =	sadd.s32 $0x0, s27  }
0x63: {  	v3 =	vld [tilespmem:s25+$0x10];
	s24 =	smul.u32 $0x10200, s31;
	[tilespmem:s26+$0x3870 ss:$0x81] =	vst.msk $0xffff, v0  }
0x64: {  	v2 =	vld [tilespmem:s25+$0x20];
	[tilespmem:s26+$0x810 ss:$0x81] =	vst.msk $0xffff, v1  }
0x65: {  	s24 =	sshrl.u32 s24, $0x2;
	v1 =	vld [tilespmem:s25+$0xFFFFFFC0];
	[tilespmem:s26+$0x1020 ss:$0x81] =	vst.msk $0xffff, v5;
	s25 =	sadd.s32 $0x80, s25  }
0x66: {  	s28 =	simm.s32 $0x4;
	s29 =	simm.s32 $0x8;
	s24 =	sor.u32 $0x8000, s24;
	[tilespmem:s26+$0x1830 ss:$0x81] =	vst.msk $0xffff, v6;
	v0 =	vld [tilespmem:s25+$0x30]  }
.LBB1_3:
0x67: {  	p1 =	sne.s32 s29, $0x1FC;
	v5 =	vld [tilespmem:s25+$0xFFFFFFD0];
	[tilespmem:s26+$0x2040 ss:$0x81] =	vst.msk $0xffff, v4  }
0x68: {  	v6 =	vld [tilespmem:s25+$0xFFFFFFE0];
	[tilespmem:s26+$0x2850 ss:$0x81] =	vst.msk $0xffff, v3  }
0x69: {  	s30 =	sshra.s32 s28, $0x2;
	s28 =	smov.u32 s29;
	v7 =	vld [tilespmem:s25+$0xFFFFFFF0];
	[tilespmem:s26+$0x3060 ss:$0x81] =	vst.msk $0xffff, v2  }
.Ltmp3:
0x6a: {  	v4 =	vld [tilespmem:s25+$0x0];
	[tilespmem:s26+$0x0 ss:$0x81] =	vst.msk $0xffff, v1;
	s26 =	sadd.s32 s30, s27;
	(pc) =	sbr.rel @p1 .LBB1_3-.Ltmp3, $4  }
0x6b: {  	v3 =	vld [tilespmem:s25+$0x10];
	[tilespmem:s26+$0x3870 ss:$0x81] =	vst.msk $0xffff, v0  }
0x6c: {  	[tilespmem:s26+$0x810 ss:$0x81] =	vst.msk $0xffff, v5;
	v2 =	vld [tilespmem:s25+$0x20]  }
0x6d: {  	v1 =	vld [tilespmem:s25+$0xFFFFFFC0];
	[tilespmem:s26+$0x1020 ss:$0x81] =	vst.msk $0xffff, v6;
	s25 =	sadd.s32 $0x80, s25  }
0x6e: {  	s29 =	sadd.s32 $0x4, s29;
	v0 =	vld [tilespmem:s25+$0x30];
	[tilespmem:s26+$0x1830 ss:$0x81] =	vst.msk $0xffff, v7  }
.Ltmp4:
0x6f: {  	_ = 	snop;
	(pc) =	sbr.rel .LBB1_4-.Ltmp4, $1  }
0x70: {  	_ =	sdelay $0x3  }
.LBB1_6:
0x71: {  	_ =	sfence.sel $0x180000  }
0x72: {  	s0 =	simm.s32 $0x1;
	[bflag:$0x0] =	sbarrier.arrive $0xFFFF  }
0x73: {  	s30 =	simm.s32 $0x2;
	[sflag:s0] =	ssyncpa.u1 $0x1  }
0x74: {  	[sflag:s30] =	ssyncpa.u1 $0x1  }
0x75: {  	_ =	strace $0x90000059  }
0x76: {  	s31 =	stileid.u32;
	[bflag:$0x2] =	sbarrier.arrive $0xFFFF  }
0x77: {  	p0 =	sne.s32 s31, $0x0;
	s0 =	rddreg [dreg:$0x1]  }
0x78: {  	s0 =	sadd.s32 @!p0 $0x100000, s0  }
0x79: {  	[sflag:s0] =	ssyncadd.tile.s32 @!p0 $0x1;
	_ =	shalt  }
.Lfunc_end1:
_tile_overlayer_lowered:
.L_overlay_start_2:
0x7a: {  	(tag) =	ssettag $0x2  }
0x7b: {  	s0 =	rddreg [dreg:$0x0];
	s2 =	stileid.u32  }
0x7c: {  	s1 =	rddreg [dreg:$0x1];
	p0 =	sne.s32 s2, $0x0  }
0x7d: {  	s3 =	rddreg [dreg:$0x2];
	[bflag:$0x3] =	sbarrier.arrive $0xFFFF;
	s2 =	simm.s32 @!p0 $0x1C01  }
0x7e: {  	[timem:s3], [sflag:s2] =	dma.local @!p0 [hbm:s0], s1  }
0x7f: {  	s0 =	simm.s32 @!p0 $0x1  }
0x80: {  	_ =	swait.ge @!p0 [sflag:s0], s1  }
0x81: {  	s1 =	ssub.s32 @!p0 $0x0, s1;
	[sflag:s0] =	ssyncset.done @!p0 $0x0  }
0x82: {  	[sflag:s0] =	ssyncadd.s32 @!p0 s1  }
0x83: {  	[bflag:$0x3] =	sbarrier.arrive $0xFFFF  }
0x84: {  	_ =	shalt  }

</sc_bundles>
